<compile_context>
chip_gen: v7x
topology: tpu7x:2x2x1
jax: 0.10.2.dev20260603
libtpu: 0.0.44.dev20260713+nightly
codegen_flags: <defaults>
</compile_context>

<pallas_src>
import jax
import jax.numpy as jnp
from jax import lax
from jax.experimental import pallas as pl
from jax.experimental.pallas import tpu as pltpu
from jax.experimental.pallas import tpu_sc as plsc

N = 10000
E = 320000
D = 128

NC = 2
NS = 16
NW = NC * NS
NWH = NW // 2
EPW = E // NWH
CH = 80
NCH = EPW // CH
IB = 10
NB = NCH // IB
N_PAD = 10112
RPT = N_PAD // NS


def _sc_body(x_hbm, us_hbm, ud_hbm, ua_hbm, ds_hbm, dd_hbm, da_hbm, z_hbm,
             out0, out1,
             acc, ia_src, ia_dst, ib_src, ib_dst, xb0, ab0, xb1, ab1,
             sem_g, sem_a, sem_s, sem_i):
    c = lax.axis_index("c")
    s = lax.axis_index("s")
    w = s * NC + c
    t = s

    pltpu.sync_copy(z_hbm, acc.at[pl.ds(t * RPT, RPT)])
    plsc.subcore_barrier()

    def run_pipeline(src_hbm, dst_hbm, attr_hbm, wl):
        def start_x(b, j, i_src, xb):
            pltpu.async_copy(x_hbm.at[i_src.at[j]], xb, sem_g)

        def start_a(b, j, ab):
            pltpu.async_copy(
                attr_hbm.at[wl, pl.ds((b * IB + j) * CH, CH)], ab, sem_a)

        def start(b, j, i_src, xb, ab):
            start_x(b, j, i_src, xb)
            start_a(b, j, ab)

        def wait_g_x(j, i_src, xb):
            pltpu.make_async_copy(x_hbm.at[i_src.at[j]], xb, sem_g).wait()

        def wait_g_a(b, j, ab):
            pltpu.make_async_copy(
                attr_hbm.at[wl, pl.ds((b * IB + j) * CH, CH)], ab,
                sem_a).wait()

        def scatter_x(j, i_dst, xb):
            pltpu.async_copy(xb, acc.at[i_dst.at[j]], sem_s, add=True)

        def scatter_a(j, i_dst, ab):
            pltpu.async_copy(ab, acc.at[i_dst.at[j]], sem_s, add=True)

        def wait_then_scatter(b, j, i_src, i_dst, xb, ab):
            wait_g_x(j, i_src, xb)
            scatter_x(j, i_dst, xb)
            wait_g_a(b, j, ab)
            scatter_a(j, i_dst, ab)

        def drain_x(j, i_dst, xb):
            pltpu.make_async_copy(xb, acc.at[i_dst.at[j]], sem_s).wait()

        def drain_a(j, i_dst, ab):
            pltpu.make_async_copy(ab, acc.at[i_dst.at[j]], sem_s).wait()

        def drain_scatters(j, i_dst, xb, ab):
            drain_x(j, i_dst, xb)
            drain_a(j, i_dst, ab)

        def prefetch_idx(b, i_src, i_dst):
            pltpu.async_copy(src_hbm.at[wl, b], i_src, sem_i)
            pltpu.async_copy(dst_hbm.at[wl, b], i_dst, sem_i)

        def wait_idx(b, i_src, i_dst):
            pltpu.make_async_copy(src_hbm.at[wl, b], i_src, sem_i).wait()
            pltpu.make_async_copy(dst_hbm.at[wl, b], i_dst, sem_i).wait()

        def process_block(b, i_src, i_dst, primed):
            def pair_body(i, cr):
                @pl.when(i > 0)
                def _():
                    drain_x(2 * i - 1, i_dst, xb1)
                start_x(b, 2 * i + 1, i_src, xb1)

                @pl.when(i > 0)
                def _():
                    drain_a(2 * i - 1, i_dst, ab1)
                start_a(b, 2 * i + 1, ab1)
                wait_then_scatter(b, 2 * i, i_src, i_dst, xb0, ab0)

                @pl.when(i < IB // 2 - 1)
                def _():
                    drain_x(2 * i, i_dst, xb0)
                    start_x(b, 2 * i + 2, i_src, xb0)
                    drain_a(2 * i, i_dst, ab0)
                    start_a(b, 2 * i + 2, ab0)
                wait_then_scatter(b, 2 * i + 1, i_src, i_dst, xb1, ab1)
                return cr

            if not primed:
                start(b, 0, i_src, xb0, ab0)
            lax.fori_loop(0, IB // 2, pair_body, 0)

        def finish_block(b, i_dst, nxt_b, nxt_src, prime):
            drain_x(IB - 2, i_dst, xb0)
            if prime:
                start_x(nxt_b, 0, nxt_src, xb0)
            drain_a(IB - 2, i_dst, ab0)
            if prime:
                start_a(nxt_b, 0, ab0)
            drain_scatters(IB - 1, i_dst, xb1, ab1)

        pltpu.sync_copy(src_hbm.at[wl, 0], ia_src)
        pltpu.sync_copy(dst_hbm.at[wl, 0], ia_dst)
        prefetch_idx(1, ib_src, ib_dst)
        process_block(0, ia_src, ia_dst, False)
        wait_idx(1, ib_src, ib_dst)
        finish_block(0, ia_dst, 1, ib_src, True)
        prefetch_idx(2, ia_src, ia_dst)

        def block_pair(p, carry):
            b1 = 2 * p + 1
            process_block(b1, ib_src, ib_dst, True)
            wait_idx(b1 + 1, ia_src, ia_dst)
            finish_block(b1, ib_dst, b1 + 1, ia_src, True)

            @pl.when(p < NB // 2 - 1)
            def _():
                prefetch_idx(b1 + 2, ib_src, ib_dst)
            b2 = b1 + 1
            process_block(b2, ia_src, ia_dst, True)

            @pl.when(p < NB // 2 - 1)
            def _():
                wait_idx(b2 + 1, ib_src, ib_dst)
                finish_block(b2, ia_dst, b2 + 1, ib_src, True)
                prefetch_idx(b2 + 2, ia_src, ia_dst)

            @pl.when(p == NB // 2 - 1)
            def _():
                finish_block(b2, ia_dst, 0, ia_src, False)
            return carry

        lax.fori_loop(0, NB // 2, block_pair, 0)

    @pl.when(w < NWH)
    def _():
        run_pipeline(us_hbm, ud_hbm, ua_hbm, w)

    @pl.when(w >= NWH)
    def _():
        run_pipeline(ds_hbm, dd_hbm, da_hbm, w - NWH)

    plsc.subcore_barrier()

    @pl.when(c == 0)
    def _():
        pltpu.sync_copy(acc.at[pl.ds(t * RPT, RPT)],
                        out0.at[pl.ds(t * RPT, RPT)])

    @pl.when(c == 1)
    def _():
        pltpu.sync_copy(acc.at[pl.ds(t * RPT, RPT)],
                        out1.at[pl.ds(t * RPT, RPT)])


def _combine_body(x_ref, a_ref, b_ref, o_ref):
    o_ref[...] = x_ref[...] + a_ref[...] + b_ref[...]


def kernel(x, up_index, up_attr, down_index, down_attr):
    us = up_index[0].astype(jnp.int32).reshape(NWH, NB, IB, CH)
    ud = up_index[1].astype(jnp.int32).reshape(NWH, NB, IB, CH)
    ds_ = down_index[0].astype(jnp.int32).reshape(NWH, NB, IB, CH)
    dd = down_index[1].astype(jnp.int32).reshape(NWH, NB, IB, CH)
    ua = up_attr.reshape(NWH, EPW, D)
    da = down_attr.reshape(NWH, EPW, D)
    zeros = jnp.zeros((RPT, D), jnp.float32)

    mesh = plsc.VectorSubcoreMesh(core_axis_name="c", subcore_axis_name="s")
    scatter = pl.kernel(
        _sc_body,
        mesh=mesh,
        out_type=[jax.ShapeDtypeStruct((N_PAD, D), jnp.float32),
                  jax.ShapeDtypeStruct((N_PAD, D), jnp.float32)],
        scratch_types=[
            pltpu.VMEM_SHARED((N_PAD, D), jnp.float32),
            pltpu.VMEM((IB, CH), jnp.int32),
            pltpu.VMEM((IB, CH), jnp.int32),
            pltpu.VMEM((IB, CH), jnp.int32),
            pltpu.VMEM((IB, CH), jnp.int32),
            pltpu.VMEM((CH, D), jnp.float32),
            pltpu.VMEM((CH, D), jnp.float32),
            pltpu.VMEM((CH, D), jnp.float32),
            pltpu.VMEM((CH, D), jnp.float32),
            pltpu.SemaphoreType.DMA,
            pltpu.SemaphoreType.DMA,
            pltpu.SemaphoreType.DMA,
            pltpu.SemaphoreType.DMA,
        ],
    )
    a0, a1 = scatter(x, us, ud, ua, ds_, dd, da, zeros)

    out = pl.pallas_call(
        _combine_body,
        grid=(1,),
        in_specs=[pl.BlockSpec((N, D), lambda i: (0, 0))] * 3,
        out_specs=pl.BlockSpec((N, D), lambda i: (0, 0)),
        out_shape=jax.ShapeDtypeStruct((N, D), jnp.float32),
    )(x, a0, a1)
    return out

# --- scband reference (transcript-rebuilt; emitter-appended) ---
"""Pipeline reference for scband-dummy-cellular-message-passing-6743098655094 (READ-ONLY COPY).

The authoritative reference and input builder live on the scoring server;
editing this copy changes nothing except your own understanding.
"""

import jax, jax.numpy as jnp
import numpy as np

N = 10000
E = 320000
D = 128


def setup_inputs(seed: int = 0) -> dict:
    key = jax.random.key(seed)
    k_x, k_ui, k_ua, k_di, k_da = jax.random.split(key, 5)
    x = jax.random.normal(k_x, (N, D), dtype=jnp.float32)
    up_index = jax.random.randint(k_ui, (2, E), 0, N, dtype=jnp.int64)
    up_attr = jax.random.normal(k_ua, (E, D), dtype=jnp.float32)
    down_index = jax.random.randint(k_di, (2, E), 0, N, dtype=jnp.int64)
    down_attr = jax.random.normal(k_da, (E, D), dtype=jnp.float32)
    return {"x": x, "up_index": up_index, "up_attr": up_attr,
            "down_index": down_index, "down_attr": down_attr}


def reference(x, up_index, up_attr, down_index, down_attr):
    # DummyCochainMessagePassing for a single cochain dimension.
    # message_up(up_x_j, up_attr) = up_x_j + up_attr, aggregated by sum at dst.
    # message_down analogous. use_boundary_msg=False -> boundary_out = 0.
    n = x.shape[0]
    # gather source-cell features (x_j) along up adjacency
    up_msg = x[up_index[0]] + up_attr
    up_out = jax.ops.segment_sum(up_msg, up_index[1], num_segments=n)
    # gather source-cell features along down adjacency
    down_msg = x[down_index[0]] + down_attr
    down_out = jax.ops.segment_sum(down_msg, down_index[1], num_segments=n)
    # forward: x + up_out + down_out + boundary_out (boundary_out == 0)
    return x + up_out + down_out

if __name__ == "__main__":
    import jax
    _d = setup_inputs()
    print(jax.jit(kernel)(*tuple(_d.values())))

</pallas_src>

<mosaic_0001>
#map = affine_map<(d0, d1) -> (0, 0)>
#map1 = affine_map<(d0, d1) -> (0, 0, 0, 0)>
#map2 = affine_map<(d0, d1) -> (0, 0, 0)>
module attributes {stable_mosaic.version = 14 : i64} {
  func.func @_sc_body(%arg0: i32, %arg1: i32, %arg2: memref<10000x128xf32, #tpu.memory_space<hbm>>, %arg3: memref<16x25x10x80xi32, #tpu.memory_space<hbm>>, %arg4: memref<16x25x10x80xi32, #tpu.memory_space<hbm>>, %arg5: memref<16x20000x128xf32, #tpu.memory_space<hbm>>, %arg6: memref<16x25x10x80xi32, #tpu.memory_space<hbm>>, %arg7: memref<16x25x10x80xi32, #tpu.memory_space<hbm>>, %arg8: memref<16x20000x128xf32, #tpu.memory_space<hbm>>, %arg9: memref<632x128xf32, #tpu.memory_space<hbm>>, %arg10: memref<10112x128xf32, #tpu.memory_space<hbm>>, %arg11: memref<10112x128xf32, #tpu.memory_space<hbm>>, %arg12: memref<10112x128xf32, #tpu.memory_space<vmem_shared>>, %arg13: memref<10x80xi32, #tpu.memory_space<vmem>>, %arg14: memref<10x80xi32, #tpu.memory_space<vmem>>, %arg15: memref<10x80xi32, #tpu.memory_space<vmem>>, %arg16: memref<10x80xi32, #tpu.memory_space<vmem>>, %arg17: memref<80x128xf32, #tpu.memory_space<vmem>>, %arg18: memref<80x128xf32, #tpu.memory_space<vmem>>, %arg19: memref<80x128xf32, #tpu.memory_space<vmem>>, %arg20: memref<80x128xf32, #tpu.memory_space<vmem>>, %arg21: memref<!tpu.dma_semaphore, #tpu.memory_space<semaphore_mem>>, %arg22: memref<!tpu.dma_semaphore, #tpu.memory_space<semaphore_mem>>, %arg23: memref<!tpu.dma_semaphore, #tpu.memory_space<semaphore_mem>>, %arg24: memref<!tpu.dma_semaphore, #tpu.memory_space<semaphore_mem>>) attributes {dimension_semantics = [#tpu.dimension_semantics<core_parallel>, #tpu.dimension_semantics<subcore_parallel>], iteration_bounds = array<i64: 2, 16>, scalar_prefetch = 0 : i64, scratch_operands = 13 : i64, tpu.core_type = #tpu.core_type<sc_vector_subcore>, window_params = [{transform_indices = #map}, {transform_indices = #map1}, {transform_indices = #map1}, {transform_indices = #map2}, {transform_indices = #map1}, {transform_indices = #map1}, {transform_indices = #map2}, {transform_indices = #map}, {transform_indices = #map}, {transform_indices = #map}]} {
    %mul3A = arith.constant 2 : i32
    %mul3A_0 = arith.muli %arg1, %mul3A : i32
    %add3A = arith.addi %mul3A_0, %arg0 : i32
    %mul3A_1 = arith.constant 632 : i32
    %mul3A_2 = arith.muli %arg1, %mul3A_1 : i32
    "tpu.region"() ({
      %run_scoped3A = tpu.sem_alloc : memref<!tpu.dma_semaphore, #tpu.memory_space<semaphore_mem>>
      %dma_start3A = arith.constant 0 : i32
      %dma_start3A_19 = tpu.memref_slice %arg12[%mul3A_2, %dma_start3A] : memref<10112x128xf32, #tpu.memory_space<vmem_shared>> -> memref<632x128xf32, #tpu.memory_space<vmem_shared>>
      tpu.enqueue_dma source(%arg9 : memref<632x128xf32, #tpu.memory_space<hbm>>) target(%dma_start3A_19 : memref<632x128xf32, #tpu.memory_space<vmem_shared>>) target_semaphore(%run_scoped3A : memref<!tpu.dma_semaphore, #tpu.memory_space<semaphore_mem>>)
      %dma_wait3A = arith.constant 0 : i32
      %dma_wait3A_20 = tpu.memref_slice %arg12[%mul3A_2, %dma_wait3A] : memref<10112x128xf32, #tpu.memory_space<vmem_shared>> -> memref<632x128xf32, #tpu.memory_space<vmem_shared>>
      tpu.wait_dma2 semaphore(%run_scoped3A : memref<!tpu.dma_semaphore, #tpu.memory_space<semaphore_mem>>) src(%arg9 : memref<632x128xf32, #tpu.memory_space<hbm>>) dst(%dma_wait3A_20 : memref<632x128xf32, #tpu.memory_space<vmem_shared>>)
      tpu.yield
    }) : () -> ()
    %barrier3A = arith.constant 0 : index
    tpu.barrier barrier_id(%barrier3A)
    %lt3A = arith.constant 16 : i32
    %lt3A_3 = arith.cmpi slt, %add3A, %lt3A : i32
    %convert_element_type3A = arith.extui %lt3A_3 : i1 to i32
    %cond3A = arith.constant 0 : i32
    %cond3A_4 = arith.cmpi ne, %convert_element_type3A, %cond3A : i32
    scf.if %cond3A_4 {
      %run_scoped3A = arith.constant 0 : i32
      "tpu.region"() ({
        %run_scoped3A_141 = tpu.sem_alloc : memref<!tpu.dma_semaphore, #tpu.memory_space<semaphore_mem>>
        %dma_start3A_142 = arith.constant 0 : i32
        %dma_start3A_143 = arith.constant 0 : i32
        %dma_start3A_144 = tpu.memref_slice %arg3[%add3A, %run_scoped3A, %dma_start3A_142, %dma_start3A_143] : memref<16x25x10x80xi32, #tpu.memory_space<hbm>> -> memref<1x1x10x80xi32, #tpu.memory_space<hbm>>
        %dma_start3A_145 = tpu.memref_squeeze %dma_start3A_144 : memref<1x1x10x80xi32, #tpu.memory_space<hbm>> -> memref<10x80xi32, #tpu.memory_space<hbm>>
        %dma_start3A_146 = arith.constant 0 : i32
        %dma_start3A_147 = arith.constant 0 : i32
        %dma_start3A_148 = tpu.memref_slice %arg3[%add3A, %run_scoped3A, %dma_start3A_146, %dma_start3A_147] : memref<16x25x10x80xi32, #tpu.memory_space<hbm>> -> memref<1x1x10x80xi32, #tpu.memory_space<hbm>>
        %dma_start3A_149 = tpu.memref_squeeze %dma_start3A_148 : memref<1x1x10x80xi32, #tpu.memory_space<hbm>> -> memref<10x80xi32, #tpu.memory_space<hbm>>
        tpu.enqueue_dma source(%dma_start3A_149 : memref<10x80xi32, #tpu.memory_space<hbm>>) target(%arg13 : memref<10x80xi32, #tpu.memory_space<vmem>>) target_semaphore(%run_scoped3A_141 : memref<!tpu.dma_semaphore, #tpu.memory_space<semaphore_mem>>)
        %dma_wait3A_150 = arith.constant 0 : i32
        %dma_wait3A_151 = arith.constant 0 : i32
        %dma_wait3A_152 = tpu.memref_slice %arg3[%add3A, %run_scoped3A, %dma_wait3A_150, %dma_wait3A_151] : memref<16x25x10x80xi32, #tpu.memory_space<hbm>> -> memref<1x1x10x80xi32, #tpu.memory_space<hbm>>
        %dma_wait3A_153 = tpu.memref_squeeze %dma_wait3A_152 : memref<1x1x10x80xi32, #tpu.memory_space<hbm>> -> memref<10x80xi32, #tpu.memory_space<hbm>>
        %dma_wait3A_154 = arith.constant 0 : i32
        %dma_wait3A_155 = arith.constant 0 : i32
        %dma_wait3A_156 = tpu.memref_slice %arg3[%add3A, %run_scoped3A, %dma_wait3A_154, %dma_wait3A_155] : memref<16x25x10x80xi32, #tpu.memory_space<hbm>> -> memref<1x1x10x80xi32, #tpu.memory_space<hbm>>
        %dma_wait3A_157 = tpu.memref_squeeze %dma_wait3A_156 : memref<1x1x10x80xi32, #tpu.memory_space<hbm>> -> memref<10x80xi32, #tpu.memory_space<hbm>>
        tpu.wait_dma2 semaphore(%run_scoped3A_141 : memref<!tpu.dma_semaphore, #tpu.memory_space<semaphore_mem>>) src(%dma_wait3A_157 : memref<10x80xi32, #tpu.memory_space<hbm>>) dst(%arg13 : memref<10x80xi32, #tpu.memory_space<vmem>>)
        tpu.yield
      }) : () -> ()
      %run_scoped3A_19 = arith.constant 0 : i32
      "tpu.region"() ({
        %run_scoped3A_141 = tpu.sem_alloc : memref<!tpu.dma_semaphore, #tpu.memory_space<semaphore_mem>>
        %dma_start3A_142 = arith.constant 0 : i32
        %dma_start3A_143 = arith.constant 0 : i32
        %dma_start3A_144 = tpu.memref_slice %arg4[%add3A, %run_scoped3A_19, %dma_start3A_142, %dma_start3A_143] : memref<16x25x10x80xi32, #tpu.memory_space<hbm>> -> memref<1x1x10x80xi32, #tpu.memory_space<hbm>>
        %dma_start3A_145 = tpu.memref_squeeze %dma_start3A_144 : memref<1x1x10x80xi32, #tpu.memory_space<hbm>> -> memref<10x80xi32, #tpu.memory_space<hbm>>
        %dma_start3A_146 = arith.constant 0 : i32
        %dma_start3A_147 = arith.constant 0 : i32
        %dma_start3A_148 = tpu.memref_slice %arg4[%add3A, %run_scoped3A_19, %dma_start3A_146, %dma_start3A_147] : memref<16x25x10x80xi32, #tpu.memory_space<hbm>> -> memref<1x1x10x80xi32, #tpu.memory_space<hbm>>
        %dma_start3A_149 = tpu.memref_squeeze %dma_start3A_148 : memref<1x1x10x80xi32, #tpu.memory_space<hbm>> -> memref<10x80xi32, #tpu.memory_space<hbm>>
        tpu.enqueue_dma source(%dma_start3A_149 : memref<10x80xi32, #tpu.memory_space<hbm>>) target(%arg14 : memref<10x80xi32, #tpu.memory_space<vmem>>) target_semaphore(%run_scoped3A_141 : memref<!tpu.dma_semaphore, #tpu.memory_space<semaphore_mem>>)
        %dma_wait3A_150 = arith.constant 0 : i32
        %dma_wait3A_151 = arith.constant 0 : i32
        %dma_wait3A_152 = tpu.memref_slice %arg4[%add3A, %run_scoped3A_19, %dma_wait3A_150, %dma_wait3A_151] : memref<16x25x10x80xi32, #tpu.memory_space<hbm>> -> memref<1x1x10x80xi32, #tpu.memory_space<hbm>>
        %dma_wait3A_153 = tpu.memref_squeeze %dma_wait3A_152 : memref<1x1x10x80xi32, #tpu.memory_space<hbm>> -> memref<10x80xi32, #tpu.memory_space<hbm>>
        %dma_wait3A_154 = arith.constant 0 : i32
        %dma_wait3A_155 = arith.constant 0 : i32
        %dma_wait3A_156 = tpu.memref_slice %arg4[%add3A, %run_scoped3A_19, %dma_wait3A_154, %dma_wait3A_155] : memref<16x25x10x80xi32, #tpu.memory_space<hbm>> -> memref<1x1x10x80xi32, #tpu.memory_space<hbm>>
        %dma_wait3A_157 = tpu.memref_squeeze %dma_wait3A_156 : memref<1x1x10x80xi32, #tpu.memory_space<hbm>> -> memref<10x80xi32, #tpu.memory_space<hbm>>
        tpu.wait_dma2 semaphore(%run_scoped3A_141 : memref<!tpu.dma_semaphore, #tpu.memory_space<semaphore_mem>>) src(%dma_wait3A_157 : memref<10x80xi32, #tpu.memory_space<hbm>>) dst(%arg14 : memref<10x80xi32, #tpu.memory_space<vmem>>)
        tpu.yield
      }) : () -> ()
      %dma_start3A = arith.constant 1 : i32
      %dma_start3A_20 = arith.constant 0 : i32
      %dma_start3A_21 = arith.constant 0 : i32
      %dma_start3A_22 = tpu.memref_slice %arg3[%add3A, %dma_start3A, %dma_start3A_20, %dma_start3A_21] : memref<16x25x10x80xi32, #tpu.memory_space<hbm>> -> memref<1x1x10x80xi32, #tpu.memory_space<hbm>>
      %dma_start3A_23 = tpu.memref_squeeze %dma_start3A_22 : memref<1x1x10x80xi32, #tpu.memory_space<hbm>> -> memref<10x80xi32, #tpu.memory_space<hbm>>
      %dma_start3A_24 = arith.constant 0 : i32
      %dma_start3A_25 = arith.constant 0 : i32
      %dma_start3A_26 = tpu.memref_slice %arg3[%add3A, %dma_start3A, %dma_start3A_24, %dma_start3A_25] : memref<16x25x10x80xi32, #tpu.memory_space<hbm>> -> memref<1x1x10x80xi32, #tpu.memory_space<hbm>>
      %dma_start3A_27 = tpu.memref_squeeze %dma_start3A_26 : memref<1x1x10x80xi32, #tpu.memory_space<hbm>> -> memref<10x80xi32, #tpu.memory_space<hbm>>
      tpu.enqueue_dma source(%dma_start3A_27 : memref<10x80xi32, #tpu.memory_space<hbm>>) target(%arg15 : memref<10x80xi32, #tpu.memory_space<vmem>>) target_semaphore(%arg24 : memref<!tpu.dma_semaphore, #tpu.memory_space<semaphore_mem>>)
      %dma_start3A_28 = arith.constant 1 : i32
      %dma_start3A_29 = arith.constant 0 : i32
      %dma_start3A_30 = arith.constant 0 : i32
      %dma_start3A_31 = tpu.memref_slice %arg4[%add3A, %dma_start3A_28, %dma_start3A_29, %dma_start3A_30] : memref<16x25x10x80xi32, #tpu.memory_space<hbm>> -> memref<1x1x10x80xi32, #tpu.memory_space<hbm>>
      %dma_start3A_32 = tpu.memref_squeeze %dma_start3A_31 : memref<1x1x10x80xi32, #tpu.memory_space<hbm>> -> memref<10x80xi32, #tpu.memory_space<hbm>>
      %dma_start3A_33 = arith.constant 0 : i32
      %dma_start3A_34 = arith.constant 0 : i32
      %dma_start3A_35 = tpu.memref_slice %arg4[%add3A, %dma_start3A_28, %dma_start3A_33, %dma_start3A_34] : memref<16x25x10x80xi32, #tpu.memory_space<hbm>> -> memref<1x1x10x80xi32, #tpu.memory_space<hbm>>
      %dma_start3A_36 = tpu.memref_squeeze %dma_start3A_35 : memref<1x1x10x80xi32, #tpu.memory_space<hbm>> -> memref<10x80xi32, #tpu.memory_space<hbm>>
      tpu.enqueue_dma source(%dma_start3A_36 : memref<10x80xi32, #tpu.memory_space<hbm>>) target(%arg16 : memref<10x80xi32, #tpu.memory_space<vmem>>) target_semaphore(%arg24 : memref<!tpu.dma_semaphore, #tpu.memory_space<semaphore_mem>>)
      %dma_start3A_37 = arith.constant 0 : i32
      %dma_start3A_38 = arith.constant 0 : i32
      %dma_start3A_39 = tpu.memref_slice %arg13[%dma_start3A_37, %dma_start3A_38] : memref<10x80xi32, #tpu.memory_space<vmem>> -> memref<1x80xi32, #tpu.memory_space<vmem>>
      %dma_start3A_40 = tpu.memref_squeeze %dma_start3A_39 : memref<1x80xi32, #tpu.memory_space<vmem>> -> memref<80xi32, #tpu.memory_space<vmem>>
      %dma_start3A_41 = arith.constant 0 : i32
      %dma_start3A_42 = arith.constant 0 : i32
      %dma_start3A_43 = tpu.memref_slice %arg2[%dma_start3A_41, %dma_start3A_42] : memref<10000x128xf32, #tpu.memory_space<hbm>> -> memref<10000x128xf32, #tpu.memory_space<hbm>>
      tpu.enqueue_indirect_dma source(%dma_start3A_43 : memref<10000x128xf32, #tpu.memory_space<hbm>>) target(%arg17 : memref<80x128xf32, #tpu.memory_space<vmem>>) offsets(%dma_start3A_40 : memref<80xi32, #tpu.memory_space<vmem>>) semaphore(%arg21 : memref<!tpu.dma_semaphore, #tpu.memory_space<semaphore_mem>>)
      %dma_start3A_44 = arith.constant 0 : i32
      %dma_start3A_45 = arith.constant 0 : i32
      %dma_start3A_46 = tpu.memref_slice %arg5[%add3A, %dma_start3A_44, %dma_start3A_45] : memref<16x20000x128xf32, #tpu.memory_space<hbm>> -> memref<1x80x128xf32, #tpu.memory_space<hbm>>
      %dma_start3A_47 = tpu.memref_squeeze %dma_start3A_46 : memref<1x80x128xf32, #tpu.memory_space<hbm>> -> memref<80x128xf32, #tpu.memory_space<hbm>>
      %dma_start3A_48 = arith.constant 0 : i32
      %dma_start3A_49 = arith.constant 0 : i32
      %dma_start3A_50 = tpu.memref_slice %arg5[%add3A, %dma_start3A_48, %dma_start3A_49] : memref<16x20000x128xf32, #tpu.memory_space<hbm>> -> memref<1x80x128xf32, #tpu.memory_space<hbm>>
      %dma_start3A_51 = tpu.memref_squeeze %dma_start3A_50 : memref<1x80x128xf32, #tpu.memory_space<hbm>> -> memref<80x128xf32, #tpu.memory_space<hbm>>
      tpu.enqueue_dma source(%dma_start3A_51 : memref<80x128xf32, #tpu.memory_space<hbm>>) target(%arg18 : memref<80x128xf32, #tpu.memory_space<vmem>>) target_semaphore(%arg22 : memref<!tpu.dma_semaphore, #tpu.memory_space<semaphore_mem>>)
      %scan3A = arith.constant 0 : i32
      %scan3A_52 = arith.constant 0 : i32
      %scan3A_53 = arith.constant 5 : i32
      %scan3A_54 = arith.addi %scan3A_52, %scan3A_53 : i32
      %scan3A_55 = arith.constant 1 : i32
      scf.for %scan3A_141 = %scan3A_52 to %scan3A_54 step %scan3A_55  : i32 {
        %gt3A = arith.constant 0 : i32
        %gt3A_142 = arith.cmpi sgt, %scan3A_141, %gt3A : i32
        %convert_element_type3A_143 = arith.extui %gt3A_142 : i1 to i32
        %cond3A_144 = arith.constant 0 : i32
        %cond3A_145 = arith.cmpi ne, %convert_element_type3A_143, %cond3A_144 : i32
        scf.if %cond3A_145 {
          %mul3A_242 = arith.constant 2 : i32
          %mul3A_243 = arith.muli %mul3A_242, %scan3A_141 : i32
          %sub3A = arith.constant 1 : i32
          %sub3A_244 = arith.subi %mul3A_243, %sub3A : i32
          %dma_wait3A_245 = arith.constant 0 : i32
          %dma_wait3A_246 = tpu.memref_slice %arg14[%sub3A_244, %dma_wait3A_245] : memref<10x80xi32, #tpu.memory_space<vmem>> -> memref<1x80xi32, #tpu.memory_space<vmem>>
          %dma_wait3A_247 = tpu.memref_squeeze %dma_wait3A_246 : memref<1x80xi32, #tpu.memory_space<vmem>> -> memref<80xi32, #tpu.memory_space<vmem>>
          %dma_wait3A_248 = arith.constant 0 : i32
          %dma_wait3A_249 = arith.constant 0 : i32
          %dma_wait3A_250 = tpu.memref_slice %arg12[%dma_wait3A_248, %dma_wait3A_249] : memref<10112x128xf32, #tpu.memory_space<vmem_shared>> -> memref<10112x128xf32, #tpu.memory_space<vmem_shared>>
          tpu.wait_indirect_dma semaphore(%arg23 : memref<!tpu.dma_semaphore, #tpu.memory_space<semaphore_mem>>) src(%arg19 : memref<80x128xf32, #tpu.memory_space<vmem>>) dst(%dma_wait3A_250 : memref<10112x128xf32, #tpu.memory_space<vmem_shared>>)
        } else {
        }
        %mul3A_146 = arith.constant 2 : i32
        %mul3A_147 = arith.muli %mul3A_146, %scan3A_141 : i32
        %add3A_148 = arith.constant 1 : i32
        %add3A_149 = arith.addi %mul3A_147, %add3A_148 : i32
        %dma_start3A_150 = arith.constant 0 : i32
        %dma_start3A_151 = tpu.memref_slice %arg13[%add3A_149, %dma_start3A_150] : memref<10x80xi32, #tpu.memory_space<vmem>> -> memref<1x80xi32, #tpu.memory_space<vmem>>
        %dma_start3A_152 = tpu.memref_squeeze %dma_start3A_151 : memref<1x80xi32, #tpu.memory_space<vmem>> -> memref<80xi32, #tpu.memory_space<vmem>>
        %dma_start3A_153 = arith.constant 0 : i32
        %dma_start3A_154 = arith.constant 0 : i32
        %dma_start3A_155 = tpu.memref_slice %arg2[%dma_start3A_153, %dma_start3A_154] : memref<10000x128xf32, #tpu.memory_space<hbm>> -> memref<10000x128xf32, #tpu.memory_space<hbm>>
        tpu.enqueue_indirect_dma source(%dma_start3A_155 : memref<10000x128xf32, #tpu.memory_space<hbm>>) target(%arg19 : memref<80x128xf32, #tpu.memory_space<vmem>>) offsets(%dma_start3A_152 : memref<80xi32, #tpu.memory_space<vmem>>) semaphore(%arg21 : memref<!tpu.dma_semaphore, #tpu.memory_space<semaphore_mem>>)
        %gt3A_156 = arith.constant 0 : i32
        %gt3A_157 = arith.cmpi sgt, %scan3A_141, %gt3A_156 : i32
        %convert_element_type3A_158 = arith.extui %gt3A_157 : i1 to i32
        %cond3A_159 = arith.constant 0 : i32
        %cond3A_160 = arith.cmpi ne, %convert_element_type3A_158, %cond3A_159 : i32
        scf.if %cond3A_160 {
          %mul3A_242 = arith.constant 2 : i32
          %mul3A_243 = arith.muli %mul3A_242, %scan3A_141 : i32
          %sub3A = arith.constant 1 : i32
          %sub3A_244 = arith.subi %mul3A_243, %sub3A : i32
          %dma_wait3A_245 = arith.constant 0 : i32
          %dma_wait3A_246 = tpu.memref_slice %arg14[%sub3A_244, %dma_wait3A_245] : memref<10x80xi32, #tpu.memory_space<vmem>> -> memref<1x80xi32, #tpu.memory_space<vmem>>
          %dma_wait3A_247 = tpu.memref_squeeze %dma_wait3A_246 : memref<1x80xi32, #tpu.memory_space<vmem>> -> memref<80xi32, #tpu.memory_space<vmem>>
          %dma_wait3A_248 = arith.constant 0 : i32
          %dma_wait3A_249 = arith.constant 0 : i32
          %dma_wait3A_250 = tpu.memref_slice %arg12[%dma_wait3A_248, %dma_wait3A_249] : memref<10112x128xf32, #tpu.memory_space<vmem_shared>> -> memref<10112x128xf32, #tpu.memory_space<vmem_shared>>
          tpu.wait_indirect_dma semaphore(%arg23 : memref<!tpu.dma_semaphore, #tpu.memory_space<semaphore_mem>>) src(%arg20 : memref<80x128xf32, #tpu.memory_space<vmem>>) dst(%dma_wait3A_250 : memref<10112x128xf32, #tpu.memory_space<vmem_shared>>)
        } else {
        }
        %mul3A_161 = arith.constant 2 : i32
        %mul3A_162 = arith.muli %mul3A_161, %scan3A_141 : i32
        %add3A_163 = arith.constant 1 : i32
        %add3A_164 = arith.addi %mul3A_162, %add3A_163 : i32
        %add3A_165 = arith.constant 0 : i32
        %add3A_166 = arith.addi %add3A_165, %add3A_164 : i32
        %mul3A_167 = arith.constant 80 : i32
        %mul3A_168 = arith.muli %add3A_166, %mul3A_167 : i32
        %dma_start3A_169 = arith.constant 0 : i32
        %dma_start3A_170 = tpu.memref_slice %arg5[%add3A, %mul3A_168, %dma_start3A_169] : memref<16x20000x128xf32, #tpu.memory_space<hbm>> -> memref<1x80x128xf32, #tpu.memory_space<hbm>>
        %dma_start3A_171 = tpu.memref_squeeze %dma_start3A_170 : memref<1x80x128xf32, #tpu.memory_space<hbm>> -> memref<80x128xf32, #tpu.memory_space<hbm>>
        %dma_start3A_172 = arith.constant 0 : i32
        %dma_start3A_173 = tpu.memref_slice %arg5[%add3A, %mul3A_168, %dma_start3A_172] : memref<16x20000x128xf32, #tpu.memory_space<hbm>> -> memref<1x80x128xf32, #tpu.memory_space<hbm>>
        %dma_start3A_174 = tpu.memref_squeeze %dma_start3A_173 : memref<1x80x128xf32, #tpu.memory_space<hbm>> -> memref<80x128xf32, #tpu.memory_space<hbm>>
        tpu.enqueue_dma source(%dma_start3A_174 : memref<80x128xf32, #tpu.memory_space<hbm>>) target(%arg20 : memref<80x128xf32, #tpu.memory_space<vmem>>) target_semaphore(%arg22 : memref<!tpu.dma_semaphore, #tpu.memory_space<semaphore_mem>>)
        %mul3A_175 = arith.constant 2 : i32
        %mul3A_176 = arith.muli %mul3A_175, %scan3A_141 : i32
        %dma_wait3A_177 = arith.constant 0 : i32
        %dma_wait3A_178 = tpu.memref_slice %arg13[%mul3A_176, %dma_wait3A_177] : memref<10x80xi32, #tpu.memory_space<vmem>> -> memref<1x80xi32, #tpu.memory_space<vmem>>
        %dma_wait3A_179 = tpu.memref_squeeze %dma_wait3A_178 : memref<1x80xi32, #tpu.memory_space<vmem>> -> memref<80xi32, #tpu.memory_space<vmem>>
        %dma_wait3A_180 = arith.constant 0 : i32
        %dma_wait3A_181 = arith.constant 0 : i32
        %dma_wait3A_182 = tpu.memref_slice %arg2[%dma_wait3A_180, %dma_wait3A_181] : memref<10000x128xf32, #tpu.memory_space<hbm>> -> memref<10000x128xf32, #tpu.memory_space<hbm>>
        tpu.wait_indirect_dma semaphore(%arg21 : memref<!tpu.dma_semaphore, #tpu.memory_space<semaphore_mem>>) src(%dma_wait3A_182 : memref<10000x128xf32, #tpu.memory_space<hbm>>) dst(%arg17 : memref<80x128xf32, #tpu.memory_space<vmem>>)
        %dma_start3A_183 = arith.constant 0 : i32
        %dma_start3A_184 = tpu.memref_slice %arg14[%mul3A_176, %dma_start3A_183] : memref<10x80xi32, #tpu.memory_space<vmem>> -> memref<1x80xi32, #tpu.memory_space<vmem>>
        %dma_start3A_185 = tpu.memref_squeeze %dma_start3A_184 : memref<1x80xi32, #tpu.memory_space<vmem>> -> memref<80xi32, #tpu.memory_space<vmem>>
        %dma_start3A_186 = arith.constant 0 : i32
        %dma_start3A_187 = arith.constant 0 : i32
        %dma_start3A_188 = tpu.memref_slice %arg12[%dma_start3A_186, %dma_start3A_187] : memref<10112x128xf32, #tpu.memory_space<vmem_shared>> -> memref<10112x128xf32, #tpu.memory_space<vmem_shared>>
        tpu.enqueue_indirect_dma source(%arg17 : memref<80x128xf32, #tpu.memory_space<vmem>>) target(%dma_start3A_188 : memref<10112x128xf32, #tpu.memory_space<vmem_shared>>) offsets(%dma_start3A_185 : memref<80xi32, #tpu.memory_space<vmem>>) semaphore(%arg23 : memref<!tpu.dma_semaphore, #tpu.memory_space<semaphore_mem>>) {add = true}
        %add3A_189 = arith.constant 0 : i32
        %add3A_190 = arith.addi %add3A_189, %mul3A_176 : i32
        %mul3A_191 = arith.constant 80 : i32
        %mul3A_192 = arith.muli %add3A_190, %mul3A_191 : i32
        %dma_wait3A_193 = arith.constant 0 : i32
        %dma_wait3A_194 = tpu.memref_slice %arg5[%add3A, %mul3A_192, %dma_wait3A_193] : memref<16x20000x128xf32, #tpu.memory_space<hbm>> -> memref<1x80x128xf32, #tpu.memory_space<hbm>>
        %dma_wait3A_195 = tpu.memref_squeeze %dma_wait3A_194 : memref<1x80x128xf32, #tpu.memory_space<hbm>> -> memref<80x128xf32, #tpu.memory_space<hbm>>
        %dma_wait3A_196 = arith.constant 0 : i32
        %dma_wait3A_197 = tpu.memref_slice %arg5[%add3A, %mul3A_192, %dma_wait3A_196] : memref<16x20000x128xf32, #tpu.memory_space<hbm>> -> memref<1x80x128xf32, #tpu.memory_space<hbm>>
        %dma_wait3A_198 = tpu.memref_squeeze %dma_wait3A_197 : memref<1x80x128xf32, #tpu.memory_space<hbm>> -> memref<80x128xf32, #tpu.memory_space<hbm>>
        tpu.wait_dma2 semaphore(%arg22 : memref<!tpu.dma_semaphore, #tpu.memory_space<semaphore_mem>>) src(%dma_wait3A_198 : memref<80x128xf32, #tpu.memory_space<hbm>>) dst(%arg18 : memref<80x128xf32, #tpu.memory_space<vmem>>)
        %dma_start3A_199 = arith.constant 0 : i32
        %dma_start3A_200 = tpu.memref_slice %arg14[%mul3A_176, %dma_start3A_199] : memref<10x80xi32, #tpu.memory_space<vmem>> -> memref<1x80xi32, #tpu.memory_space<vmem>>
        %dma_start3A_201 = tpu.memref_squeeze %dma_start3A_200 : memref<1x80xi32, #tpu.memory_space<vmem>> -> memref<80xi32, #tpu.memory_space<vmem>>
        %dma_start3A_202 = arith.constant 0 : i32
        %dma_start3A_203 = arith.constant 0 : i32
        %dma_start3A_204 = tpu.memref_slice %arg12[%dma_start3A_202, %dma_start3A_203] : memref<10112x128xf32, #tpu.memory_space<vmem_shared>> -> memref<10112x128xf32, #tpu.memory_space<vmem_shared>>
        tpu.enqueue_indirect_dma source(%arg18 : memref<80x128xf32, #tpu.memory_space<vmem>>) target(%dma_start3A_204 : memref<10112x128xf32, #tpu.memory_space<vmem_shared>>) offsets(%dma_start3A_201 : memref<80xi32, #tpu.memory_space<vmem>>) semaphore(%arg23 : memref<!tpu.dma_semaphore, #tpu.memory_space<semaphore_mem>>) {add = true}
        %lt3A_205 = arith.constant 4 : i32
        %lt3A_206 = arith.cmpi slt, %scan3A_141, %lt3A_205 : i32
        %convert_element_type3A_207 = arith.extui %lt3A_206 : i1 to i32
        %cond3A_208 = arith.constant 0 : i32
        %cond3A_209 = arith.cmpi ne, %convert_element_type3A_207, %cond3A_208 : i32
        scf.if %cond3A_209 {
          %mul3A_242 = arith.constant 2 : i32
          %mul3A_243 = arith.muli %mul3A_242, %scan3A_141 : i32
          %dma_wait3A_244 = arith.constant 0 : i32
          %dma_wait3A_245 = tpu.memref_slice %arg14[%mul3A_243, %dma_wait3A_244] : memref<10x80xi32, #tpu.memory_space<vmem>> -> memref<1x80xi32, #tpu.memory_space<vmem>>
          %dma_wait3A_246 = tpu.memref_squeeze %dma_wait3A_245 : memref<1x80xi32, #tpu.memory_space<vmem>> -> memref<80xi32, #tpu.memory_space<vmem>>
          %dma_wait3A_247 = arith.constant 0 : i32
          %dma_wait3A_248 = arith.constant 0 : i32
          %dma_wait3A_249 = tpu.memref_slice %arg12[%dma_wait3A_247, %dma_wait3A_248] : memref<10112x128xf32, #tpu.memory_space<vmem_shared>> -> memref<10112x128xf32, #tpu.memory_space<vmem_shared>>
          tpu.wait_indirect_dma semaphore(%arg23 : memref<!tpu.dma_semaphore, #tpu.memory_space<semaphore_mem>>) src(%arg17 : memref<80x128xf32, #tpu.memory_space<vmem>>) dst(%dma_wait3A_249 : memref<10112x128xf32, #tpu.memory_space<vmem_shared>>)
          %mul3A_250 = arith.constant 2 : i32
          %mul3A_251 = arith.muli %mul3A_250, %scan3A_141 : i32
          %add3A_252 = arith.constant 2 : i32
          %add3A_253 = arith.addi %mul3A_251, %add3A_252 : i32
          %dma_start3A_254 = arith.constant 0 : i32
          %dma_start3A_255 = tpu.memref_slice %arg13[%add3A_253, %dma_start3A_254] : memref<10x80xi32, #tpu.memory_space<vmem>> -> memref<1x80xi32, #tpu.memory_space<vmem>>
          %dma_start3A_256 = tpu.memref_squeeze %dma_start3A_255 : memref<1x80xi32, #tpu.memory_space<vmem>> -> memref<80xi32, #tpu.memory_space<vmem>>
          %dma_start3A_257 = arith.constant 0 : i32
          %dma_start3A_258 = arith.constant 0 : i32
          %dma_start3A_259 = tpu.memref_slice %arg2[%dma_start3A_257, %dma_start3A_258] : memref<10000x128xf32, #tpu.memory_space<hbm>> -> memref<10000x128xf32, #tpu.memory_space<hbm>>
          tpu.enqueue_indirect_dma source(%dma_start3A_259 : memref<10000x128xf32, #tpu.memory_space<hbm>>) target(%arg17 : memref<80x128xf32, #tpu.memory_space<vmem>>) offsets(%dma_start3A_256 : memref<80xi32, #tpu.memory_space<vmem>>) semaphore(%arg21 : memref<!tpu.dma_semaphore, #tpu.memory_space<semaphore_mem>>)
          %mul3A_260 = arith.constant 2 : i32
          %mul3A_261 = arith.muli %mul3A_260, %scan3A_141 : i32
          %dma_wait3A_262 = arith.constant 0 : i32
          %dma_wait3A_263 = tpu.memref_slice %arg14[%mul3A_261, %dma_wait3A_262] : memref<10x80xi32, #tpu.memory_space<vmem>> -> memref<1x80xi32, #tpu.memory_space<vmem>>
          %dma_wait3A_264 = tpu.memref_squeeze %dma_wait3A_263 : memref<1x80xi32, #tpu.memory_space<vmem>> -> memref<80xi32, #tpu.memory_space<vmem>>
          %dma_wait3A_265 = arith.constant 0 : i32
          %dma_wait3A_266 = arith.constant 0 : i32
          %dma_wait3A_267 = tpu.memref_slice %arg12[%dma_wait3A_265, %dma_wait3A_266] : memref<10112x128xf32, #tpu.memory_space<vmem_shared>> -> memref<10112x128xf32, #tpu.memory_space<vmem_shared>>
          tpu.wait_indirect_dma semaphore(%arg23 : memref<!tpu.dma_semaphore, #tpu.memory_space<semaphore_mem>>) src(%arg18 : memref<80x128xf32, #tpu.memory_space<vmem>>) dst(%dma_wait3A_267 : memref<10112x128xf32, #tpu.memory_space<vmem_shared>>)
          %mul3A_268 = arith.constant 2 : i32
          %mul3A_269 = arith.muli %mul3A_268, %scan3A_141 : i32
          %add3A_270 = arith.constant 2 : i32
          %add3A_271 = arith.addi %mul3A_269, %add3A_270 : i32
          %add3A_272 = arith.constant 0 : i32
          %add3A_273 = arith.addi %add3A_272, %add3A_271 : i32
          %mul3A_274 = arith.constant 80 : i32
          %mul3A_275 = arith.muli %add3A_273, %mul3A_274 : i32
          %dma_start3A_276 = arith.constant 0 : i32
          %dma_start3A_277 = tpu.memref_slice %arg5[%add3A, %mul3A_275, %dma_start3A_276] : memref<16x20000x128xf32, #tpu.memory_space<hbm>> -> memref<1x80x128xf32, #tpu.memory_space<hbm>>
          %dma_start3A_278 = tpu.memref_squeeze %dma_start3A_277 : memref<1x80x128xf32, #tpu.memory_space<hbm>> -> memref<80x128xf32, #tpu.memory_space<hbm>>
          %dma_start3A_279 = arith.constant 0 : i32
          %dma_start3A_280 = tpu.memref_slice %arg5[%add3A, %mul3A_275, %dma_start3A_279] : memref<16x20000x128xf32, #tpu.memory_space<hbm>> -> memref<1x80x128xf32, #tpu.memory_space<hbm>>
          %dma_start3A_281 = tpu.memref_squeeze %dma_start3A_280 : memref<1x80x128xf32, #tpu.memory_space<hbm>> -> memref<80x128xf32, #tpu.memory_space<hbm>>
          tpu.enqueue_dma source(%dma_start3A_281 : memref<80x128xf32, #tpu.memory_space<hbm>>) target(%arg18 : memref<80x128xf32, #tpu.memory_space<vmem>>) target_semaphore(%arg22 : memref<!tpu.dma_semaphore, #tpu.memory_space<semaphore_mem>>)
        } else {
        }
        %mul3A_210 = arith.constant 2 : i32
        %mul3A_211 = arith.muli %mul3A_210, %scan3A_141 : i32
        %add3A_212 = arith.constant 1 : i32
        %add3A_213 = arith.addi %mul3A_211, %add3A_212 : i32
        %dma_wait3A_214 = arith.constant 0 : i32
        %dma_wait3A_215 = tpu.memref_slice %arg13[%add3A_213, %dma_wait3A_214] : memref<10x80xi32, #tpu.memory_space<vmem>> -> memref<1x80xi32, #tpu.memory_space<vmem>>
        %dma_wait3A_216 = tpu.memref_squeeze %dma_wait3A_215 : memref<1x80xi32, #tpu.memory_space<vmem>> -> memref<80xi32, #tpu.memory_space<vmem>>
        %dma_wait3A_217 = arith.constant 0 : i32
        %dma_wait3A_218 = arith.constant 0 : i32
        %dma_wait3A_219 = tpu.memref_slice %arg2[%dma_wait3A_217, %dma_wait3A_218] : memref<10000x128xf32, #tpu.memory_space<hbm>> -> memref<10000x128xf32, #tpu.memory_space<hbm>>
        tpu.wait_indirect_dma semaphore(%arg21 : memref<!tpu.dma_semaphore, #tpu.memory_space<semaphore_mem>>) src(%dma_wait3A_219 : memref<10000x128xf32, #tpu.memory_space<hbm>>) dst(%arg19 : memref<80x128xf32, #tpu.memory_space<vmem>>)
        %dma_start3A_220 = arith.constant 0 : i32
        %dma_start3A_221 = tpu.memref_slice %arg14[%add3A_213, %dma_start3A_220] : memref<10x80xi32, #tpu.memory_space<vmem>> -> memref<1x80xi32, #tpu.memory_space<vmem>>
        %dma_start3A_222 = tpu.memref_squeeze %dma_start3A_221 : memref<1x80xi32, #tpu.memory_space<vmem>> -> memref<80xi32, #tpu.memory_space<vmem>>
        %dma_start3A_223 = arith.constant 0 : i32
        %dma_start3A_224 = arith.constant 0 : i32
        %dma_start3A_225 = tpu.memref_slice %arg12[%dma_start3A_223, %dma_start3A_224] : memref<10112x128xf32, #tpu.memory_space<vmem_shared>> -> memref<10112x128xf32, #tpu.memory_space<vmem_shared>>
        tpu.enqueue_indirect_dma source(%arg19 : memref<80x128xf32, #tpu.memory_space<vmem>>) target(%dma_start3A_225 : memref<10112x128xf32, #tpu.memory_space<vmem_shared>>) offsets(%dma_start3A_222 : memref<80xi32, #tpu.memory_space<vmem>>) semaphore(%arg23 : memref<!tpu.dma_semaphore, #tpu.memory_space<semaphore_mem>>) {add = true}
        %add3A_226 = arith.constant 0 : i32
        %add3A_227 = arith.addi %add3A_226, %add3A_213 : i32
        %mul3A_228 = arith.constant 80 : i32
        %mul3A_229 = arith.muli %add3A_227, %mul3A_228 : i32
        %dma_wait3A_230 = arith.constant 0 : i32
        %dma_wait3A_231 = tpu.memref_slice %arg5[%add3A, %mul3A_229, %dma_wait3A_230] : memref<16x20000x128xf32, #tpu.memory_space<hbm>> -> memref<1x80x128xf32, #tpu.memory_space<hbm>>
        %dma_wait3A_232 = tpu.memref_squeeze %dma_wait3A_231 : memref<1x80x128xf32, #tpu.memory_space<hbm>> -> memref<80x128xf32, #tpu.memory_space<hbm>>
        %dma_wait3A_233 = arith.constant 0 : i32
        %dma_wait3A_234 = tpu.memref_slice %arg5[%add3A, %mul3A_229, %dma_wait3A_233] : memref<16x20000x128xf32, #tpu.memory_space<hbm>> -> memref<1x80x128xf32, #tpu.memory_space<hbm>>
        %dma_wait3A_235 = tpu.memref_squeeze %dma_wait3A_234 : memref<1x80x128xf32, #tpu.memory_space<hbm>> -> memref<80x128xf32, #tpu.memory_space<hbm>>
        tpu.wait_dma2 semaphore(%arg22 : memref<!tpu.dma_semaphore, #tpu.memory_space<semaphore_mem>>) src(%dma_wait3A_235 : memref<80x128xf32, #tpu.memory_space<hbm>>) dst(%arg20 : memref<80x128xf32, #tpu.memory_space<vmem>>)
        %dma_start3A_236 = arith.constant 0 : i32
        %dma_start3A_237 = tpu.memref_slice %arg14[%add3A_213, %dma_start3A_236] : memref<10x80xi32, #tpu.memory_space<vmem>> -> memref<1x80xi32, #tpu.memory_space<vmem>>
        %dma_start3A_238 = tpu.memref_squeeze %dma_start3A_237 : memref<1x80xi32, #tpu.memory_space<vmem>> -> memref<80xi32, #tpu.memory_space<vmem>>
        %dma_start3A_239 = arith.constant 0 : i32
        %dma_start3A_240 = arith.constant 0 : i32
        %dma_start3A_241 = tpu.memref_slice %arg12[%dma_start3A_239, %dma_start3A_240] : memref<10112x128xf32, #tpu.memory_space<vmem_shared>> -> memref<10112x128xf32, #tpu.memory_space<vmem_shared>>
        tpu.enqueue_indirect_dma source(%arg20 : memref<80x128xf32, #tpu.memory_space<vmem>>) target(%dma_start3A_241 : memref<10112x128xf32, #tpu.memory_space<vmem_shared>>) offsets(%dma_start3A_238 : memref<80xi32, #tpu.memory_space<vmem>>) semaphore(%arg23 : memref<!tpu.dma_semaphore, #tpu.memory_space<semaphore_mem>>) {add = true}
      }
      %scan3A_56 = arith.constant 5 : i32
      %dma_wait3A = arith.constant 1 : i32
      %dma_wait3A_57 = arith.constant 0 : i32
      %dma_wait3A_58 = arith.constant 0 : i32
      %dma_wait3A_59 = tpu.memref_slice %arg3[%add3A, %dma_wait3A, %dma_wait3A_57, %dma_wait3A_58] : memref<16x25x10x80xi32, #tpu.memory_space<hbm>> -> memref<1x1x10x80xi32, #tpu.memory_space<hbm>>
      %dma_wait3A_60 = tpu.memref_squeeze %dma_wait3A_59 : memref<1x1x10x80xi32, #tpu.memory_space<hbm>> -> memref<10x80xi32, #tpu.memory_space<hbm>>
      %dma_wait3A_61 = arith.constant 0 : i32
      %dma_wait3A_62 = arith.constant 0 : i32
      %dma_wait3A_63 = tpu.memref_slice %arg3[%add3A, %dma_wait3A, %dma_wait3A_61, %dma_wait3A_62] : memref<16x25x10x80xi32, #tpu.memory_space<hbm>> -> memref<1x1x10x80xi32, #tpu.memory_space<hbm>>
      %dma_wait3A_64 = tpu.memref_squeeze %dma_wait3A_63 : memref<1x1x10x80xi32, #tpu.memory_space<hbm>> -> memref<10x80xi32, #tpu.memory_space<hbm>>
      tpu.wait_dma2 semaphore(%arg24 : memref<!tpu.dma_semaphore, #tpu.memory_space<semaphore_mem>>) src(%dma_wait3A_64 : memref<10x80xi32, #tpu.memory_space<hbm>>) dst(%arg15 : memref<10x80xi32, #tpu.memory_space<vmem>>)
      %dma_wait3A_65 = arith.constant 1 : i32
      %dma_wait3A_66 = arith.constant 0 : i32
      %dma_wait3A_67 = arith.constant 0 : i32
      %dma_wait3A_68 = tpu.memref_slice %arg4[%add3A, %dma_wait3A_65, %dma_wait3A_66, %dma_wait3A_67] : memref<16x25x10x80xi32, #tpu.memory_space<hbm>> -> memref<1x1x10x80xi32, #tpu.memory_space<hbm>>
      %dma_wait3A_69 = tpu.memref_squeeze %dma_wait3A_68 : memref<1x1x10x80xi32, #tpu.memory_space<hbm>> -> memref<10x80xi32, #tpu.memory_space<hbm>>
      %dma_wait3A_70 = arith.constant 0 : i32
      %dma_wait3A_71 = arith.constant 0 : i32
      %dma_wait3A_72 = tpu.memref_slice %arg4[%add3A, %dma_wait3A_65, %dma_wait3A_70, %dma_wait3A_71] : memref<16x25x10x80xi32, #tpu.memory_space<hbm>> -> memref<1x1x10x80xi32, #tpu.memory_space<hbm>>
      %dma_wait3A_73 = tpu.memref_squeeze %dma_wait3A_72 : memref<1x1x10x80xi32, #tpu.memory_space<hbm>> -> memref<10x80xi32, #tpu.memory_space<hbm>>
      tpu.wait_dma2 semaphore(%arg24 : memref<!tpu.dma_semaphore, #tpu.memory_space<semaphore_mem>>) src(%dma_wait3A_73 : memref<10x80xi32, #tpu.memory_space<hbm>>) dst(%arg16 : memref<10x80xi32, #tpu.memory_space<vmem>>)
      %dma_wait3A_74 = arith.constant 8 : i32
      %dma_wait3A_75 = arith.constant 0 : i32
      %dma_wait3A_76 = tpu.memref_slice %arg14[%dma_wait3A_74, %dma_wait3A_75] : memref<10x80xi32, #tpu.memory_space<vmem>> -> memref<1x80xi32, #tpu.memory_space<vmem>>
      %dma_wait3A_77 = tpu.memref_squeeze %dma_wait3A_76 : memref<1x80xi32, #tpu.memory_space<vmem>> -> memref<80xi32, #tpu.memory_space<vmem>>
      %dma_wait3A_78 = arith.constant 0 : i32
      %dma_wait3A_79 = arith.constant 0 : i32
      %dma_wait3A_80 = tpu.memref_slice %arg12[%dma_wait3A_78, %dma_wait3A_79] : memref<10112x128xf32, #tpu.memory_space<vmem_shared>> -> memref<10112x128xf32, #tpu.memory_space<vmem_shared>>
      tpu.wait_indirect_dma semaphore(%arg23 : memref<!tpu.dma_semaphore, #tpu.memory_space<semaphore_mem>>) src(%arg17 : memref<80x128xf32, #tpu.memory_space<vmem>>) dst(%dma_wait3A_80 : memref<10112x128xf32, #tpu.memory_space<vmem_shared>>)
      %dma_start3A_81 = arith.constant 0 : i32
      %dma_start3A_82 = arith.constant 0 : i32
      %dma_start3A_83 = tpu.memref_slice %arg15[%dma_start3A_81, %dma_start3A_82] : memref<10x80xi32, #tpu.memory_space<vmem>> -> memref<1x80xi32, #tpu.memory_space<vmem>>
      %dma_start3A_84 = tpu.memref_squeeze %dma_start3A_83 : memref<1x80xi32, #tpu.memory_space<vmem>> -> memref<80xi32, #tpu.memory_space<vmem>>
      %dma_start3A_85 = arith.constant 0 : i32
      %dma_start3A_86 = arith.constant 0 : i32
      %dma_start3A_87 = tpu.memref_slice %arg2[%dma_start3A_85, %dma_start3A_86] : memref<10000x128xf32, #tpu.memory_space<hbm>> -> memref<10000x128xf32, #tpu.memory_space<hbm>>
      tpu.enqueue_indirect_dma source(%dma_start3A_87 : memref<10000x128xf32, #tpu.memory_space<hbm>>) target(%arg17 : memref<80x128xf32, #tpu.memory_space<vmem>>) offsets(%dma_start3A_84 : memref<80xi32, #tpu.memory_space<vmem>>) semaphore(%arg21 : memref<!tpu.dma_semaphore, #tpu.memory_space<semaphore_mem>>)
      %dma_wait3A_88 = arith.constant 8 : i32
      %dma_wait3A_89 = arith.constant 0 : i32
      %dma_wait3A_90 = tpu.memref_slice %arg14[%dma_wait3A_88, %dma_wait3A_89] : memref<10x80xi32, #tpu.memory_space<vmem>> -> memref<1x80xi32, #tpu.memory_space<vmem>>
      %dma_wait3A_91 = tpu.memref_squeeze %dma_wait3A_90 : memref<1x80xi32, #tpu.memory_space<vmem>> -> memref<80xi32, #tpu.memory_space<vmem>>
      %dma_wait3A_92 = arith.constant 0 : i32
      %dma_wait3A_93 = arith.constant 0 : i32
      %dma_wait3A_94 = tpu.memref_slice %arg12[%dma_wait3A_92, %dma_wait3A_93] : memref<10112x128xf32, #tpu.memory_space<vmem_shared>> -> memref<10112x128xf32, #tpu.memory_space<vmem_shared>>
      tpu.wait_indirect_dma semaphore(%arg23 : memref<!tpu.dma_semaphore, #tpu.memory_space<semaphore_mem>>) src(%arg18 : memref<80x128xf32, #tpu.memory_space<vmem>>) dst(%dma_wait3A_94 : memref<10112x128xf32, #tpu.memory_space<vmem_shared>>)
      %dma_start3A_95 = arith.constant 800 : i32
      %dma_start3A_96 = arith.constant 0 : i32
      %dma_start3A_97 = tpu.memref_slice %arg5[%add3A, %dma_start3A_95, %dma_start3A_96] : memref<16x20000x128xf32, #tpu.memory_space<hbm>> -> memref<1x80x128xf32, #tpu.memory_space<hbm>>
      %dma_start3A_98 = tpu.memref_squeeze %dma_start3A_97 : memref<1x80x128xf32, #tpu.memory_space<hbm>> -> memref<80x128xf32, #tpu.memory_space<hbm>>
      %dma_start3A_99 = arith.constant 800 : i32
      %dma_start3A_100 = arith.constant 0 : i32
      %dma_start3A_101 = tpu.memref_slice %arg5[%add3A, %dma_start3A_99, %dma_start3A_100] : memref<16x20000x128xf32, #tpu.memory_space<hbm>> -> memref<1x80x128xf32, #tpu.memory_space<hbm>>
      %dma_start3A_102 = tpu.memref_squeeze %dma_start3A_101 : memref<1x80x128xf32, #tpu.memory_space<hbm>> -> memref<80x128xf32, #tpu.memory_space<hbm>>
      tpu.enqueue_dma source(%dma_start3A_102 : memref<80x128xf32, #tpu.memory_space<hbm>>) target(%arg18 : memref<80x128xf32, #tpu.memory_space<vmem>>) target_semaphore(%arg22 : memref<!tpu.dma_semaphore, #tpu.memory_space<semaphore_mem>>)
      %dma_wait3A_103 = arith.constant 9 : i32
      %dma_wait3A_104 = arith.constant 0 : i32
      %dma_wait3A_105 = tpu.memref_slice %arg14[%dma_wait3A_103, %dma_wait3A_104] : memref<10x80xi32, #tpu.memory_space<vmem>> -> memref<1x80xi32, #tpu.memory_space<vmem>>
      %dma_wait3A_106 = tpu.memref_squeeze %dma_wait3A_105 : memref<1x80xi32, #tpu.memory_space<vmem>> -> memref<80xi32, #tpu.memory_space<vmem>>
      %dma_wait3A_107 = arith.constant 0 : i32
      %dma_wait3A_108 = arith.constant 0 : i32
      %dma_wait3A_109 = tpu.memref_slice %arg12[%dma_wait3A_107, %dma_wait3A_108] : memref<10112x128xf32, #tpu.memory_space<vmem_shared>> -> memref<10112x128xf32, #tpu.memory_space<vmem_shared>>
      tpu.wait_indirect_dma semaphore(%arg23 : memref<!tpu.dma_semaphore, #tpu.memory_space<semaphore_mem>>) src(%arg19 : memref<80x128xf32, #tpu.memory_space<vmem>>) dst(%dma_wait3A_109 : memref<10112x128xf32, #tpu.memory_space<vmem_shared>>)
      %dma_wait3A_110 = arith.constant 9 : i32
      %dma_wait3A_111 = arith.constant 0 : i32
      %dma_wait3A_112 = tpu.memref_slice %arg14[%dma_wait3A_110, %dma_wait3A_111] : memref<10x80xi32, #tpu.memory_space<vmem>> -> memref<1x80xi32, #tpu.memory_space<vmem>>
      %dma_wait3A_113 = tpu.memref_squeeze %dma_wait3A_112 : memref<1x80xi32, #tpu.memory_space<vmem>> -> memref<80xi32, #tpu.memory_space<vmem>>
      %dma_wait3A_114 = arith.constant 0 : i32
      %dma_wait3A_115 = arith.constant 0 : i32
      %dma_wait3A_116 = tpu.memref_slice %arg12[%dma_wait3A_114, %dma_wait3A_115] : memref<10112x128xf32, #tpu.memory_space<vmem_shared>> -> memref<10112x128xf32, #tpu.memory_space<vmem_shared>>
      tpu.wait_indirect_dma semaphore(%arg23 : memref<!tpu.dma_semaphore, #tpu.memory_space<semaphore_mem>>) src(%arg20 : memref<80x128xf32, #tpu.memory_space<vmem>>) dst(%dma_wait3A_116 : memref<10112x128xf32, #tpu.memory_space<vmem_shared>>)
      %dma_start3A_117 = arith.constant 2 : i32
      %dma_start3A_118 = arith.constant 0 : i32
      %dma_start3A_119 = arith.constant 0 : i32
      %dma_start3A_120 = tpu.memref_slice %arg3[%add3A, %dma_start3A_117, %dma_start3A_118, %dma_start3A_119] : memref<16x25x10x80xi32, #tpu.memory_space<hbm>> -> memref<1x1x10x80xi32, #tpu.memory_space<hbm>>
      %dma_start3A_121 = tpu.memref_squeeze %dma_start3A_120 : memref<1x1x10x80xi32, #tpu.memory_space<hbm>> -> memref<10x80xi32, #tpu.memory_space<hbm>>
      %dma_start3A_122 = arith.constant 0 : i32
      %dma_start3A_123 = arith.constant 0 : i32
      %dma_start3A_124 = tpu.memref_slice %arg3[%add3A, %dma_start3A_117, %dma_start3A_122, %dma_start3A_123] : memref<16x25x10x80xi32, #tpu.memory_space<hbm>> -> memref<1x1x10x80xi32, #tpu.memory_space<hbm>>
      %dma_start3A_125 = tpu.memref_squeeze %dma_start3A_124 : memref<1x1x10x80xi32, #tpu.memory_space<hbm>> -> memref<10x80xi32, #tpu.memory_space<hbm>>
      tpu.enqueue_dma source(%dma_start3A_125 : memref<10x80xi32, #tpu.memory_space<hbm>>) target(%arg13 : memref<10x80xi32, #tpu.memory_space<vmem>>) target_semaphore(%arg24 : memref<!tpu.dma_semaphore, #tpu.memory_space<semaphore_mem>>)
      %dma_start3A_126 = arith.constant 2 : i32
      %dma_start3A_127 = arith.constant 0 : i32
      %dma_start3A_128 = arith.constant 0 : i32
      %dma_start3A_129 = tpu.memref_slice %arg4[%add3A, %dma_start3A_126, %dma_start3A_127, %dma_start3A_128] : memref<16x25x10x80xi32, #tpu.memory_space<hbm>> -> memref<1x1x10x80xi32, #tpu.memory_space<hbm>>
      %dma_start3A_130 = tpu.memref_squeeze %dma_start3A_129 : memref<1x1x10x80xi32, #tpu.memory_space<hbm>> -> memref<10x80xi32, #tpu.memory_space<hbm>>
      %dma_start3A_131 = arith.constant 0 : i32
      %dma_start3A_132 = arith.constant 0 : i32
      %dma_start3A_133 = tpu.memref_slice %arg4[%add3A, %dma_start3A_126, %dma_start3A_131, %dma_start3A_132] : memref<16x25x10x80xi32, #tpu.memory_space<hbm>> -> memref<1x1x10x80xi32, #tpu.memory_space<hbm>>
      %dma_start3A_134 = tpu.memref_squeeze %dma_start3A_133 : memref<1x1x10x80xi32, #tpu.memory_space<hbm>> -> memref<10x80xi32, #tpu.memory_space<hbm>>
      tpu.enqueue_dma source(%dma_start3A_134 : memref<10x80xi32, #tpu.memory_space<hbm>>) target(%arg14 : memref<10x80xi32, #tpu.memory_space<vmem>>) target_semaphore(%arg24 : memref<!tpu.dma_semaphore, #tpu.memory_space<semaphore_mem>>)
      %scan3A_135 = arith.constant 0 : i32
      %scan3A_136 = arith.constant 0 : i32
      %scan3A_137 = arith.constant 12 : i32
      %scan3A_138 = arith.addi %scan3A_136, %scan3A_137 : i32
      %scan3A_139 = arith.constant 1 : i32
      scf.for %scan3A_141 = %scan3A_136 to %scan3A_138 step %scan3A_139  : i32 {
        %mul3A_142 = arith.constant 2 : i32
        %mul3A_143 = arith.muli %mul3A_142, %scan3A_141 : i32
        %add3A_144 = arith.constant 1 : i32
        %add3A_145 = arith.addi %mul3A_143, %add3A_144 : i32
        %scan3A_146 = arith.constant 0 : i32
        %scan3A_147 = arith.constant 0 : i32
        %scan3A_148 = arith.constant 5 : i32
        %scan3A_149 = arith.addi %scan3A_147, %scan3A_148 : i32
        %scan3A_150 = arith.constant 1 : i32
        scf.for %scan3A_242 = %scan3A_147 to %scan3A_149 step %scan3A_150  : i32 {
          %gt3A = arith.constant 0 : i32
          %gt3A_243 = arith.cmpi sgt, %scan3A_242, %gt3A : i32
          %convert_element_type3A_244 = arith.extui %gt3A_243 : i1 to i32
          %cond3A_245 = arith.constant 0 : i32
          %cond3A_246 = arith.cmpi ne, %convert_element_type3A_244, %cond3A_245 : i32
          scf.if %cond3A_246 {
            %mul3A_346 = arith.constant 2 : i32
            %mul3A_347 = arith.muli %mul3A_346, %scan3A_242 : i32
            %sub3A = arith.constant 1 : i32
            %sub3A_348 = arith.subi %mul3A_347, %sub3A : i32
            %dma_wait3A_349 = arith.constant 0 : i32
            %dma_wait3A_350 = tpu.memref_slice %arg16[%sub3A_348, %dma_wait3A_349] : memref<10x80xi32, #tpu.memory_space<vmem>> -> memref<1x80xi32, #tpu.memory_space<vmem>>
            %dma_wait3A_351 = tpu.memref_squeeze %dma_wait3A_350 : memref<1x80xi32, #tpu.memory_space<vmem>> -> memref<80xi32, #tpu.memory_space<vmem>>
            %dma_wait3A_352 = arith.constant 0 : i32
            %dma_wait3A_353 = arith.constant 0 : i32
            %dma_wait3A_354 = tpu.memref_slice %arg12[%dma_wait3A_352, %dma_wait3A_353] : memref<10112x128xf32, #tpu.memory_space<vmem_shared>> -> memref<10112x128xf32, #tpu.memory_space<vmem_shared>>
            tpu.wait_indirect_dma semaphore(%arg23 : memref<!tpu.dma_semaphore, #tpu.memory_space<semaphore_mem>>) src(%arg19 : memref<80x128xf32, #tpu.memory_space<vmem>>) dst(%dma_wait3A_354 : memref<10112x128xf32, #tpu.memory_space<vmem_shared>>)
          } else {
          }
          %mul3A_247 = arith.constant 2 : i32
          %mul3A_248 = arith.muli %mul3A_247, %scan3A_242 : i32
          %add3A_249 = arith.constant 1 : i32
          %add3A_250 = arith.addi %mul3A_248, %add3A_249 : i32
          %dma_start3A_251 = arith.constant 0 : i32
          %dma_start3A_252 = tpu.memref_slice %arg15[%add3A_250, %dma_start3A_251] : memref<10x80xi32, #tpu.memory_space<vmem>> -> memref<1x80xi32, #tpu.memory_space<vmem>>
          %dma_start3A_253 = tpu.memref_squeeze %dma_start3A_252 : memref<1x80xi32, #tpu.memory_space<vmem>> -> memref<80xi32, #tpu.memory_space<vmem>>
          %dma_start3A_254 = arith.constant 0 : i32
          %dma_start3A_255 = arith.constant 0 : i32
          %dma_start3A_256 = tpu.memref_slice %arg2[%dma_start3A_254, %dma_start3A_255] : memref<10000x128xf32, #tpu.memory_space<hbm>> -> memref<10000x128xf32, #tpu.memory_space<hbm>>
          tpu.enqueue_indirect_dma source(%dma_start3A_256 : memref<10000x128xf32, #tpu.memory_space<hbm>>) target(%arg19 : memref<80x128xf32, #tpu.memory_space<vmem>>) offsets(%dma_start3A_253 : memref<80xi32, #tpu.memory_space<vmem>>) semaphore(%arg21 : memref<!tpu.dma_semaphore, #tpu.memory_space<semaphore_mem>>)
          %gt3A_257 = arith.constant 0 : i32
          %gt3A_258 = arith.cmpi sgt, %scan3A_242, %gt3A_257 : i32
          %convert_element_type3A_259 = arith.extui %gt3A_258 : i1 to i32
          %cond3A_260 = arith.constant 0 : i32
          %cond3A_261 = arith.cmpi ne, %convert_element_type3A_259, %cond3A_260 : i32
          scf.if %cond3A_261 {
            %mul3A_346 = arith.constant 2 : i32
            %mul3A_347 = arith.muli %mul3A_346, %scan3A_242 : i32
            %sub3A = arith.constant 1 : i32
            %sub3A_348 = arith.subi %mul3A_347, %sub3A : i32
            %dma_wait3A_349 = arith.constant 0 : i32
            %dma_wait3A_350 = tpu.memref_slice %arg16[%sub3A_348, %dma_wait3A_349] : memref<10x80xi32, #tpu.memory_space<vmem>> -> memref<1x80xi32, #tpu.memory_space<vmem>>
            %dma_wait3A_351 = tpu.memref_squeeze %dma_wait3A_350 : memref<1x80xi32, #tpu.memory_space<vmem>> -> memref<80xi32, #tpu.memory_space<vmem>>
            %dma_wait3A_352 = arith.constant 0 : i32
            %dma_wait3A_353 = arith.constant 0 : i32
            %dma_wait3A_354 = tpu.memref_slice %arg12[%dma_wait3A_352, %dma_wait3A_353] : memref<10112x128xf32, #tpu.memory_space<vmem_shared>> -> memref<10112x128xf32, #tpu.memory_space<vmem_shared>>
            tpu.wait_indirect_dma semaphore(%arg23 : memref<!tpu.dma_semaphore, #tpu.memory_space<semaphore_mem>>) src(%arg20 : memref<80x128xf32, #tpu.memory_space<vmem>>) dst(%dma_wait3A_354 : memref<10112x128xf32, #tpu.memory_space<vmem_shared>>)
          } else {
          }
          %mul3A_262 = arith.constant 2 : i32
          %mul3A_263 = arith.muli %mul3A_262, %scan3A_242 : i32
          %add3A_264 = arith.constant 1 : i32
          %add3A_265 = arith.addi %mul3A_263, %add3A_264 : i32
          %mul3A_266 = arith.constant 10 : i32
          %mul3A_267 = arith.muli %add3A_145, %mul3A_266 : i32
          %add3A_268 = arith.addi %mul3A_267, %add3A_265 : i32
          %mul3A_269 = arith.constant 80 : i32
          %mul3A_270 = arith.muli %add3A_268, %mul3A_269 : i32
          %dma_start3A_271 = arith.constant 0 : i32
          %dma_start3A_272 = tpu.memref_slice %arg5[%add3A, %mul3A_270, %dma_start3A_271] : memref<16x20000x128xf32, #tpu.memory_space<hbm>> -> memref<1x80x128xf32, #tpu.memory_space<hbm>>
          %dma_start3A_273 = tpu.memref_squeeze %dma_start3A_272 : memref<1x80x128xf32, #tpu.memory_space<hbm>> -> memref<80x128xf32, #tpu.memory_space<hbm>>
          %dma_start3A_274 = arith.constant 0 : i32
          %dma_start3A_275 = tpu.memref_slice %arg5[%add3A, %mul3A_270, %dma_start3A_274] : memref<16x20000x128xf32, #tpu.memory_space<hbm>> -> memref<1x80x128xf32, #tpu.memory_space<hbm>>
          %dma_start3A_276 = tpu.memref_squeeze %dma_start3A_275 : memref<1x80x128xf32, #tpu.memory_space<hbm>> -> memref<80x128xf32, #tpu.memory_space<hbm>>
          tpu.enqueue_dma source(%dma_start3A_276 : memref<80x128xf32, #tpu.memory_space<hbm>>) target(%arg20 : memref<80x128xf32, #tpu.memory_space<vmem>>) target_semaphore(%arg22 : memref<!tpu.dma_semaphore, #tpu.memory_space<semaphore_mem>>)
          %mul3A_277 = arith.constant 2 : i32
          %mul3A_278 = arith.muli %mul3A_277, %scan3A_242 : i32
          %dma_wait3A_279 = arith.constant 0 : i32
          %dma_wait3A_280 = tpu.memref_slice %arg15[%mul3A_278, %dma_wait3A_279] : memref<10x80xi32, #tpu.memory_space<vmem>> -> memref<1x80xi32, #tpu.memory_space<vmem>>
          %dma_wait3A_281 = tpu.memref_squeeze %dma_wait3A_280 : memref<1x80xi32, #tpu.memory_space<vmem>> -> memref<80xi32, #tpu.memory_space<vmem>>
          %dma_wait3A_282 = arith.constant 0 : i32
          %dma_wait3A_283 = arith.constant 0 : i32
          %dma_wait3A_284 = tpu.memref_slice %arg2[%dma_wait3A_282, %dma_wait3A_283] : memref<10000x128xf32, #tpu.memory_space<hbm>> -> memref<10000x128xf32, #tpu.memory_space<hbm>>
          tpu.wait_indirect_dma semaphore(%arg21 : memref<!tpu.dma_semaphore, #tpu.memory_space<semaphore_mem>>) src(%dma_wait3A_284 : memref<10000x128xf32, #tpu.memory_space<hbm>>) dst(%arg17 : memref<80x128xf32, #tpu.memory_space<vmem>>)
          %dma_start3A_285 = arith.constant 0 : i32
          %dma_start3A_286 = tpu.memref_slice %arg16[%mul3A_278, %dma_start3A_285] : memref<10x80xi32, #tpu.memory_space<vmem>> -> memref<1x80xi32, #tpu.memory_space<vmem>>
          %dma_start3A_287 = tpu.memref_squeeze %dma_start3A_286 : memref<1x80xi32, #tpu.memory_space<vmem>> -> memref<80xi32, #tpu.memory_space<vmem>>
          %dma_start3A_288 = arith.constant 0 : i32
          %dma_start3A_289 = arith.constant 0 : i32
          %dma_start3A_290 = tpu.memref_slice %arg12[%dma_start3A_288, %dma_start3A_289] : memref<10112x128xf32, #tpu.memory_space<vmem_shared>> -> memref<10112x128xf32, #tpu.memory_space<vmem_shared>>
          tpu.enqueue_indirect_dma source(%arg17 : memref<80x128xf32, #tpu.memory_space<vmem>>) target(%dma_start3A_290 : memref<10112x128xf32, #tpu.memory_space<vmem_shared>>) offsets(%dma_start3A_287 : memref<80xi32, #tpu.memory_space<vmem>>) semaphore(%arg23 : memref<!tpu.dma_semaphore, #tpu.memory_space<semaphore_mem>>) {add = true}
          %mul3A_291 = arith.constant 10 : i32
          %mul3A_292 = arith.muli %add3A_145, %mul3A_291 : i32
          %add3A_293 = arith.addi %mul3A_292, %mul3A_278 : i32
          %mul3A_294 = arith.constant 80 : i32
          %mul3A_295 = arith.muli %add3A_293, %mul3A_294 : i32
          %dma_wait3A_296 = arith.constant 0 : i32
          %dma_wait3A_297 = tpu.memref_slice %arg5[%add3A, %mul3A_295, %dma_wait3A_296] : memref<16x20000x128xf32, #tpu.memory_space<hbm>> -> memref<1x80x128xf32, #tpu.memory_space<hbm>>
          %dma_wait3A_298 = tpu.memref_squeeze %dma_wait3A_297 : memref<1x80x128xf32, #tpu.memory_space<hbm>> -> memref<80x128xf32, #tpu.memory_space<hbm>>
          %dma_wait3A_299 = arith.constant 0 : i32
          %dma_wait3A_300 = tpu.memref_slice %arg5[%add3A, %mul3A_295, %dma_wait3A_299] : memref<16x20000x128xf32, #tpu.memory_space<hbm>> -> memref<1x80x128xf32, #tpu.memory_space<hbm>>
          %dma_wait3A_301 = tpu.memref_squeeze %dma_wait3A_300 : memref<1x80x128xf32, #tpu.memory_space<hbm>> -> memref<80x128xf32, #tpu.memory_space<hbm>>
          tpu.wait_dma2 semaphore(%arg22 : memref<!tpu.dma_semaphore, #tpu.memory_space<semaphore_mem>>) src(%dma_wait3A_301 : memref<80x128xf32, #tpu.memory_space<hbm>>) dst(%arg18 : memref<80x128xf32, #tpu.memory_space<vmem>>)
          %dma_start3A_302 = arith.constant 0 : i32
          %dma_start3A_303 = tpu.memref_slice %arg16[%mul3A_278, %dma_start3A_302] : memref<10x80xi32, #tpu.memory_space<vmem>> -> memref<1x80xi32, #tpu.memory_space<vmem>>
          %dma_start3A_304 = tpu.memref_squeeze %dma_start3A_303 : memref<1x80xi32, #tpu.memory_space<vmem>> -> memref<80xi32, #tpu.memory_space<vmem>>
          %dma_start3A_305 = arith.constant 0 : i32
          %dma_start3A_306 = arith.constant 0 : i32
          %dma_start3A_307 = tpu.memref_slice %arg12[%dma_start3A_305, %dma_start3A_306] : memref<10112x128xf32, #tpu.memory_space<vmem_shared>> -> memref<10112x128xf32, #tpu.memory_space<vmem_shared>>
          tpu.enqueue_indirect_dma source(%arg18 : memref<80x128xf32, #tpu.memory_space<vmem>>) target(%dma_start3A_307 : memref<10112x128xf32, #tpu.memory_space<vmem_shared>>) offsets(%dma_start3A_304 : memref<80xi32, #tpu.memory_space<vmem>>) semaphore(%arg23 : memref<!tpu.dma_semaphore, #tpu.memory_space<semaphore_mem>>) {add = true}
          %lt3A_308 = arith.constant 4 : i32
          %lt3A_309 = arith.cmpi slt, %scan3A_242, %lt3A_308 : i32
          %convert_element_type3A_310 = arith.extui %lt3A_309 : i1 to i32
          %cond3A_311 = arith.constant 0 : i32
          %cond3A_312 = arith.cmpi ne, %convert_element_type3A_310, %cond3A_311 : i32
          scf.if %cond3A_312 {
            %mul3A_346 = arith.constant 2 : i32
            %mul3A_347 = arith.muli %mul3A_346, %scan3A_242 : i32
            %dma_wait3A_348 = arith.constant 0 : i32
            %dma_wait3A_349 = tpu.memref_slice %arg16[%mul3A_347, %dma_wait3A_348] : memref<10x80xi32, #tpu.memory_space<vmem>> -> memref<1x80xi32, #tpu.memory_space<vmem>>
            %dma_wait3A_350 = tpu.memref_squeeze %dma_wait3A_349 : memref<1x80xi32, #tpu.memory_space<vmem>> -> memref<80xi32, #tpu.memory_space<vmem>>
            %dma_wait3A_351 = arith.constant 0 : i32
            %dma_wait3A_352 = arith.constant 0 : i32
            %dma_wait3A_353 = tpu.memref_slice %arg12[%dma_wait3A_351, %dma_wait3A_352] : memref<10112x128xf32, #tpu.memory_space<vmem_shared>> -> memref<10112x128xf32, #tpu.memory_space<vmem_shared>>
            tpu.wait_indirect_dma semaphore(%arg23 : memref<!tpu.dma_semaphore, #tpu.memory_space<semaphore_mem>>) src(%arg17 : memref<80x128xf32, #tpu.memory_space<vmem>>) dst(%dma_wait3A_353 : memref<10112x128xf32, #tpu.memory_space<vmem_shared>>)
            %mul3A_354 = arith.constant 2 : i32
            %mul3A_355 = arith.muli %mul3A_354, %scan3A_242 : i32
            %add3A_356 = arith.constant 2 : i32
            %add3A_357 = arith.addi %mul3A_355, %add3A_356 : i32
            %dma_start3A_358 = arith.constant 0 : i32
            %dma_start3A_359 = tpu.memref_slice %arg15[%add3A_357, %dma_start3A_358] : memref<10x80xi32, #tpu.memory_space<vmem>> -> memref<1x80xi32, #tpu.memory_space<vmem>>
            %dma_start3A_360 = tpu.memref_squeeze %dma_start3A_359 : memref<1x80xi32, #tpu.memory_space<vmem>> -> memref<80xi32, #tpu.memory_space<vmem>>
            %dma_start3A_361 = arith.constant 0 : i32
            %dma_start3A_362 = arith.constant 0 : i32
            %dma_start3A_363 = tpu.memref_slice %arg2[%dma_start3A_361, %dma_start3A_362] : memref<10000x128xf32, #tpu.memory_space<hbm>> -> memref<10000x128xf32, #tpu.memory_space<hbm>>
            tpu.enqueue_indirect_dma source(%dma_start3A_363 : memref<10000x128xf32, #tpu.memory_space<hbm>>) target(%arg17 : memref<80x128xf32, #tpu.memory_space<vmem>>) offsets(%dma_start3A_360 : memref<80xi32, #tpu.memory_space<vmem>>) semaphore(%arg21 : memref<!tpu.dma_semaphore, #tpu.memory_space<semaphore_mem>>)
            %mul3A_364 = arith.constant 2 : i32
            %mul3A_365 = arith.muli %mul3A_364, %scan3A_242 : i32
            %dma_wait3A_366 = arith.constant 0 : i32
            %dma_wait3A_367 = tpu.memref_slice %arg16[%mul3A_365, %dma_wait3A_366] : memref<10x80xi32, #tpu.memory_space<vmem>> -> memref<1x80xi32, #tpu.memory_space<vmem>>
            %dma_wait3A_368 = tpu.memref_squeeze %dma_wait3A_367 : memref<1x80xi32, #tpu.memory_space<vmem>> -> memref<80xi32, #tpu.memory_space<vmem>>
            %dma_wait3A_369 = arith.constant 0 : i32
            %dma_wait3A_370 = arith.constant 0 : i32
            %dma_wait3A_371 = tpu.memref_slice %arg12[%dma_wait3A_369, %dma_wait3A_370] : memref<10112x128xf32, #tpu.memory_space<vmem_shared>> -> memref<10112x128xf32, #tpu.memory_space<vmem_shared>>
            tpu.wait_indirect_dma semaphore(%arg23 : memref<!tpu.dma_semaphore, #tpu.memory_space<semaphore_mem>>) src(%arg18 : memref<80x128xf32, #tpu.memory_space<vmem>>) dst(%dma_wait3A_371 : memref<10112x128xf32, #tpu.memory_space<vmem_shared>>)
            %mul3A_372 = arith.constant 2 : i32
            %mul3A_373 = arith.muli %mul3A_372, %scan3A_242 : i32
            %add3A_374 = arith.constant 2 : i32
            %add3A_375 = arith.addi %mul3A_373, %add3A_374 : i32
            %mul3A_376 = arith.constant 10 : i32
            %mul3A_377 = arith.muli %add3A_145, %mul3A_376 : i32
            %add3A_378 = arith.addi %mul3A_377, %add3A_375 : i32
            %mul3A_379 = arith.constant 80 : i32
            %mul3A_380 = arith.muli %add3A_378, %mul3A_379 : i32
            %dma_start3A_381 = arith.constant 0 : i32
            %dma_start3A_382 = tpu.memref_slice %arg5[%add3A, %mul3A_380, %dma_start3A_381] : memref<16x20000x128xf32, #tpu.memory_space<hbm>> -> memref<1x80x128xf32, #tpu.memory_space<hbm>>
            %dma_start3A_383 = tpu.memref_squeeze %dma_start3A_382 : memref<1x80x128xf32, #tpu.memory_space<hbm>> -> memref<80x128xf32, #tpu.memory_space<hbm>>
            %dma_start3A_384 = arith.constant 0 : i32
            %dma_start3A_385 = tpu.memref_slice %arg5[%add3A, %mul3A_380, %dma_start3A_384] : memref<16x20000x128xf32, #tpu.memory_space<hbm>> -> memref<1x80x128xf32, #tpu.memory_space<hbm>>
            %dma_start3A_386 = tpu.memref_squeeze %dma_start3A_385 : memref<1x80x128xf32, #tpu.memory_space<hbm>> -> memref<80x128xf32, #tpu.memory_space<hbm>>
            tpu.enqueue_dma source(%dma_start3A_386 : memref<80x128xf32, #tpu.memory_space<hbm>>) target(%arg18 : memref<80x128xf32, #tpu.memory_space<vmem>>) target_semaphore(%arg22 : memref<!tpu.dma_semaphore, #tpu.memory_space<semaphore_mem>>)
          } else {
          }
          %mul3A_313 = arith.constant 2 : i32
          %mul3A_314 = arith.muli %mul3A_313, %scan3A_242 : i32
          %add3A_315 = arith.constant 1 : i32
          %add3A_316 = arith.addi %mul3A_314, %add3A_315 : i32
          %dma_wait3A_317 = arith.constant 0 : i32
          %dma_wait3A_318 = tpu.memref_slice %arg15[%add3A_316, %dma_wait3A_317] : memref<10x80xi32, #tpu.memory_space<vmem>> -> memref<1x80xi32, #tpu.memory_space<vmem>>
          %dma_wait3A_319 = tpu.memref_squeeze %dma_wait3A_318 : memref<1x80xi32, #tpu.memory_space<vmem>> -> memref<80xi32, #tpu.memory_space<vmem>>
          %dma_wait3A_320 = arith.constant 0 : i32
          %dma_wait3A_321 = arith.constant 0 : i32
          %dma_wait3A_322 = tpu.memref_slice %arg2[%dma_wait3A_320, %dma_wait3A_321] : memref<10000x128xf32, #tpu.memory_space<hbm>> -> memref<10000x128xf32, #tpu.memory_space<hbm>>
          tpu.wait_indirect_dma semaphore(%arg21 : memref<!tpu.dma_semaphore, #tpu.memory_space<semaphore_mem>>) src(%dma_wait3A_322 : memref<10000x128xf32, #tpu.memory_space<hbm>>) dst(%arg19 : memref<80x128xf32, #tpu.memory_space<vmem>>)
          %dma_start3A_323 = arith.constant 0 : i32
          %dma_start3A_324 = tpu.memref_slice %arg16[%add3A_316, %dma_start3A_323] : memref<10x80xi32, #tpu.memory_space<vmem>> -> memref<1x80xi32, #tpu.memory_space<vmem>>
          %dma_start3A_325 = tpu.memref_squeeze %dma_start3A_324 : memref<1x80xi32, #tpu.memory_space<vmem>> -> memref<80xi32, #tpu.memory_space<vmem>>
          %dma_start3A_326 = arith.constant 0 : i32
          %dma_start3A_327 = arith.constant 0 : i32
          %dma_start3A_328 = tpu.memref_slice %arg12[%dma_start3A_326, %dma_start3A_327] : memref<10112x128xf32, #tpu.memory_space<vmem_shared>> -> memref<10112x128xf32, #tpu.memory_space<vmem_shared>>
          tpu.enqueue_indirect_dma source(%arg19 : memref<80x128xf32, #tpu.memory_space<vmem>>) target(%dma_start3A_328 : memref<10112x128xf32, #tpu.memory_space<vmem_shared>>) offsets(%dma_start3A_325 : memref<80xi32, #tpu.memory_space<vmem>>) semaphore(%arg23 : memref<!tpu.dma_semaphore, #tpu.memory_space<semaphore_mem>>) {add = true}
          %mul3A_329 = arith.constant 10 : i32
          %mul3A_330 = arith.muli %add3A_145, %mul3A_329 : i32
          %add3A_331 = arith.addi %mul3A_330, %add3A_316 : i32
          %mul3A_332 = arith.constant 80 : i32
          %mul3A_333 = arith.muli %add3A_331, %mul3A_332 : i32
          %dma_wait3A_334 = arith.constant 0 : i32
          %dma_wait3A_335 = tpu.memref_slice %arg5[%add3A, %mul3A_333, %dma_wait3A_334] : memref<16x20000x128xf32, #tpu.memory_space<hbm>> -> memref<1x80x128xf32, #tpu.memory_space<hbm>>
          %dma_wait3A_336 = tpu.memref_squeeze %dma_wait3A_335 : memref<1x80x128xf32, #tpu.memory_space<hbm>> -> memref<80x128xf32, #tpu.memory_space<hbm>>
          %dma_wait3A_337 = arith.constant 0 : i32
          %dma_wait3A_338 = tpu.memref_slice %arg5[%add3A, %mul3A_333, %dma_wait3A_337] : memref<16x20000x128xf32, #tpu.memory_space<hbm>> -> memref<1x80x128xf32, #tpu.memory_space<hbm>>
          %dma_wait3A_339 = tpu.memref_squeeze %dma_wait3A_338 : memref<1x80x128xf32, #tpu.memory_space<hbm>> -> memref<80x128xf32, #tpu.memory_space<hbm>>
          tpu.wait_dma2 semaphore(%arg22 : memref<!tpu.dma_semaphore, #tpu.memory_space<semaphore_mem>>) src(%dma_wait3A_339 : memref<80x128xf32, #tpu.memory_space<hbm>>) dst(%arg20 : memref<80x128xf32, #tpu.memory_space<vmem>>)
          %dma_start3A_340 = arith.constant 0 : i32
          %dma_start3A_341 = tpu.memref_slice %arg16[%add3A_316, %dma_start3A_340] : memref<10x80xi32, #tpu.memory_space<vmem>> -> memref<1x80xi32, #tpu.memory_space<vmem>>
          %dma_start3A_342 = tpu.memref_squeeze %dma_start3A_341 : memref<1x80xi32, #tpu.memory_space<vmem>> -> memref<80xi32, #tpu.memory_space<vmem>>
          %dma_start3A_343 = arith.constant 0 : i32
          %dma_start3A_344 = arith.constant 0 : i32
          %dma_start3A_345 = tpu.memref_slice %arg12[%dma_start3A_343, %dma_start3A_344] : memref<10112x128xf32, #tpu.memory_space<vmem_shared>> -> memref<10112x128xf32, #tpu.memory_space<vmem_shared>>
          tpu.enqueue_indirect_dma source(%arg20 : memref<80x128xf32, #tpu.memory_space<vmem>>) target(%dma_start3A_345 : memref<10112x128xf32, #tpu.memory_space<vmem_shared>>) offsets(%dma_start3A_342 : memref<80xi32, #tpu.memory_space<vmem>>) semaphore(%arg23 : memref<!tpu.dma_semaphore, #tpu.memory_space<semaphore_mem>>) {add = true}
        }
        %scan3A_151 = arith.constant 5 : i32
        %add3A_152 = arith.constant 1 : i32
        %add3A_153 = arith.addi %add3A_145, %add3A_152 : i32
        %dma_wait3A_154 = arith.constant 0 : i32
        %dma_wait3A_155 = arith.constant 0 : i32
        %dma_wait3A_156 = tpu.memref_slice %arg3[%add3A, %add3A_153, %dma_wait3A_154, %dma_wait3A_155] : memref<16x25x10x80xi32, #tpu.memory_space<hbm>> -> memref<1x1x10x80xi32, #tpu.memory_space<hbm>>
        %dma_wait3A_157 = tpu.memref_squeeze %dma_wait3A_156 : memref<1x1x10x80xi32, #tpu.memory_space<hbm>> -> memref<10x80xi32, #tpu.memory_space<hbm>>
        %dma_wait3A_158 = arith.constant 0 : i32
        %dma_wait3A_159 = arith.constant 0 : i32
        %dma_wait3A_160 = tpu.memref_slice %arg3[%add3A, %add3A_153, %dma_wait3A_158, %dma_wait3A_159] : memref<16x25x10x80xi32, #tpu.memory_space<hbm>> -> memref<1x1x10x80xi32, #tpu.memory_space<hbm>>
        %dma_wait3A_161 = tpu.memref_squeeze %dma_wait3A_160 : memref<1x1x10x80xi32, #tpu.memory_space<hbm>> -> memref<10x80xi32, #tpu.memory_space<hbm>>
        tpu.wait_dma2 semaphore(%arg24 : memref<!tpu.dma_semaphore, #tpu.memory_space<semaphore_mem>>) src(%dma_wait3A_161 : memref<10x80xi32, #tpu.memory_space<hbm>>) dst(%arg13 : memref<10x80xi32, #tpu.memory_space<vmem>>)
        %dma_wait3A_162 = arith.constant 0 : i32
        %dma_wait3A_163 = arith.constant 0 : i32
        %dma_wait3A_164 = tpu.memref_slice %arg4[%add3A, %add3A_153, %dma_wait3A_162, %dma_wait3A_163] : memref<16x25x10x80xi32, #tpu.memory_space<hbm>> -> memref<1x1x10x80xi32, #tpu.memory_space<hbm>>
        %dma_wait3A_165 = tpu.memref_squeeze %dma_wait3A_164 : memref<1x1x10x80xi32, #tpu.memory_space<hbm>> -> memref<10x80xi32, #tpu.memory_space<hbm>>
        %dma_wait3A_166 = arith.constant 0 : i32
        %dma_wait3A_167 = arith.constant 0 : i32
        %dma_wait3A_168 = tpu.memref_slice %arg4[%add3A, %add3A_153, %dma_wait3A_166, %dma_wait3A_167] : memref<16x25x10x80xi32, #tpu.memory_space<hbm>> -> memref<1x1x10x80xi32, #tpu.memory_space<hbm>>
        %dma_wait3A_169 = tpu.memref_squeeze %dma_wait3A_168 : memref<1x1x10x80xi32, #tpu.memory_space<hbm>> -> memref<10x80xi32, #tpu.memory_space<hbm>>
        tpu.wait_dma2 semaphore(%arg24 : memref<!tpu.dma_semaphore, #tpu.memory_space<semaphore_mem>>) src(%dma_wait3A_169 : memref<10x80xi32, #tpu.memory_space<hbm>>) dst(%arg14 : memref<10x80xi32, #tpu.memory_space<vmem>>)
        %add3A_170 = arith.constant 1 : i32
        %add3A_171 = arith.addi %add3A_145, %add3A_170 : i32
        %dma_wait3A_172 = arith.constant 8 : i32
        %dma_wait3A_173 = arith.constant 0 : i32
        %dma_wait3A_174 = tpu.memref_slice %arg16[%dma_wait3A_172, %dma_wait3A_173] : memref<10x80xi32, #tpu.memory_space<vmem>> -> memref<1x80xi32, #tpu.memory_space<vmem>>
        %dma_wait3A_175 = tpu.memref_squeeze %dma_wait3A_174 : memref<1x80xi32, #tpu.memory_space<vmem>> -> memref<80xi32, #tpu.memory_space<vmem>>
        %dma_wait3A_176 = arith.constant 0 : i32
        %dma_wait3A_177 = arith.constant 0 : i32
        %dma_wait3A_178 = tpu.memref_slice %arg12[%dma_wait3A_176, %dma_wait3A_177] : memref<10112x128xf32, #tpu.memory_space<vmem_shared>> -> memref<10112x128xf32, #tpu.memory_space<vmem_shared>>
        tpu.wait_indirect_dma semaphore(%arg23 : memref<!tpu.dma_semaphore, #tpu.memory_space<semaphore_mem>>) src(%arg17 : memref<80x128xf32, #tpu.memory_space<vmem>>) dst(%dma_wait3A_178 : memref<10112x128xf32, #tpu.memory_space<vmem_shared>>)
        %dma_start3A_179 = arith.constant 0 : i32
        %dma_start3A_180 = arith.constant 0 : i32
        %dma_start3A_181 = tpu.memref_slice %arg13[%dma_start3A_179, %dma_start3A_180] : memref<10x80xi32, #tpu.memory_space<vmem>> -> memref<1x80xi32, #tpu.memory_space<vmem>>
        %dma_start3A_182 = tpu.memref_squeeze %dma_start3A_181 : memref<1x80xi32, #tpu.memory_space<vmem>> -> memref<80xi32, #tpu.memory_space<vmem>>
        %dma_start3A_183 = arith.constant 0 : i32
        %dma_start3A_184 = arith.constant 0 : i32
        %dma_start3A_185 = tpu.memref_slice %arg2[%dma_start3A_183, %dma_start3A_184] : memref<10000x128xf32, #tpu.memory_space<hbm>> -> memref<10000x128xf32, #tpu.memory_space<hbm>>
        tpu.enqueue_indirect_dma source(%dma_start3A_185 : memref<10000x128xf32, #tpu.memory_space<hbm>>) target(%arg17 : memref<80x128xf32, #tpu.memory_space<vmem>>) offsets(%dma_start3A_182 : memref<80xi32, #tpu.memory_space<vmem>>) semaphore(%arg21 : memref<!tpu.dma_semaphore, #tpu.memory_space<semaphore_mem>>)
        %dma_wait3A_186 = arith.constant 8 : i32
        %dma_wait3A_187 = arith.constant 0 : i32
        %dma_wait3A_188 = tpu.memref_slice %arg16[%dma_wait3A_186, %dma_wait3A_187] : memref<10x80xi32, #tpu.memory_space<vmem>> -> memref<1x80xi32, #tpu.memory_space<vmem>>
        %dma_wait3A_189 = tpu.memref_squeeze %dma_wait3A_188 : memref<1x80xi32, #tpu.memory_space<vmem>> -> memref<80xi32, #tpu.memory_space<vmem>>
        %dma_wait3A_190 = arith.constant 0 : i32
        %dma_wait3A_191 = arith.constant 0 : i32
        %dma_wait3A_192 = tpu.memref_slice %arg12[%dma_wait3A_190, %dma_wait3A_191] : memref<10112x128xf32, #tpu.memory_space<vmem_shared>> -> memref<10112x128xf32, #tpu.memory_space<vmem_shared>>
        tpu.wait_indirect_dma semaphore(%arg23 : memref<!tpu.dma_semaphore, #tpu.memory_space<semaphore_mem>>) src(%arg18 : memref<80x128xf32, #tpu.memory_space<vmem>>) dst(%dma_wait3A_192 : memref<10112x128xf32, #tpu.memory_space<vmem_shared>>)
        %mul3A_193 = arith.constant 10 : i32
        %mul3A_194 = arith.muli %add3A_171, %mul3A_193 : i32
        %add3A_195 = arith.constant 0 : i32
        %add3A_196 = arith.addi %mul3A_194, %add3A_195 : i32
        %mul3A_197 = arith.constant 80 : i32
        %mul3A_198 = arith.muli %add3A_196, %mul3A_197 : i32
        %dma_start3A_199 = arith.constant 0 : i32
        %dma_start3A_200 = tpu.memref_slice %arg5[%add3A, %mul3A_198, %dma_start3A_199] : memref<16x20000x128xf32, #tpu.memory_space<hbm>> -> memref<1x80x128xf32, #tpu.memory_space<hbm>>
        %dma_start3A_201 = tpu.memref_squeeze %dma_start3A_200 : memref<1x80x128xf32, #tpu.memory_space<hbm>> -> memref<80x128xf32, #tpu.memory_space<hbm>>
        %dma_start3A_202 = arith.constant 0 : i32
        %dma_start3A_203 = tpu.memref_slice %arg5[%add3A, %mul3A_198, %dma_start3A_202] : memref<16x20000x128xf32, #tpu.memory_space<hbm>> -> memref<1x80x128xf32, #tpu.memory_space<hbm>>
        %dma_start3A_204 = tpu.memref_squeeze %dma_start3A_203 : memref<1x80x128xf32, #tpu.memory_space<hbm>> -> memref<80x128xf32, #tpu.memory_space<hbm>>
        tpu.enqueue_dma source(%dma_start3A_204 : memref<80x128xf32, #tpu.memory_space<hbm>>) target(%arg18 : memref<80x128xf32, #tpu.memory_space<vmem>>) target_semaphore(%arg22 : memref<!tpu.dma_semaphore, #tpu.memory_space<semaphore_mem>>)
        %dma_wait3A_205 = arith.constant 9 : i32
        %dma_wait3A_206 = arith.constant 0 : i32
        %dma_wait3A_207 = tpu.memref_slice %arg16[%dma_wait3A_205, %dma_wait3A_206] : memref<10x80xi32, #tpu.memory_space<vmem>> -> memref<1x80xi32, #tpu.memory_space<vmem>>
        %dma_wait3A_208 = tpu.memref_squeeze %dma_wait3A_207 : memref<1x80xi32, #tpu.memory_space<vmem>> -> memref<80xi32, #tpu.memory_space<vmem>>
        %dma_wait3A_209 = arith.constant 0 : i32
        %dma_wait3A_210 = arith.constant 0 : i32
        %dma_wait3A_211 = tpu.memref_slice %arg12[%dma_wait3A_209, %dma_wait3A_210] : memref<10112x128xf32, #tpu.memory_space<vmem_shared>> -> memref<10112x128xf32, #tpu.memory_space<vmem_shared>>
        tpu.wait_indirect_dma semaphore(%arg23 : memref<!tpu.dma_semaphore, #tpu.memory_space<semaphore_mem>>) src(%arg19 : memref<80x128xf32, #tpu.memory_space<vmem>>) dst(%dma_wait3A_211 : memref<10112x128xf32, #tpu.memory_space<vmem_shared>>)
        %dma_wait3A_212 = arith.constant 9 : i32
        %dma_wait3A_213 = arith.constant 0 : i32
        %dma_wait3A_214 = tpu.memref_slice %arg16[%dma_wait3A_212, %dma_wait3A_213] : memref<10x80xi32, #tpu.memory_space<vmem>> -> memref<1x80xi32, #tpu.memory_space<vmem>>
        %dma_wait3A_215 = tpu.memref_squeeze %dma_wait3A_214 : memref<1x80xi32, #tpu.memory_space<vmem>> -> memref<80xi32, #tpu.memory_space<vmem>>
        %dma_wait3A_216 = arith.constant 0 : i32
        %dma_wait3A_217 = arith.constant 0 : i32
        %dma_wait3A_218 = tpu.memref_slice %arg12[%dma_wait3A_216, %dma_wait3A_217] : memref<10112x128xf32, #tpu.memory_space<vmem_shared>> -> memref<10112x128xf32, #tpu.memory_space<vmem_shared>>
        tpu.wait_indirect_dma semaphore(%arg23 : memref<!tpu.dma_semaphore, #tpu.memory_space<semaphore_mem>>) src(%arg20 : memref<80x128xf32, #tpu.memory_space<vmem>>) dst(%dma_wait3A_218 : memref<10112x128xf32, #tpu.memory_space<vmem_shared>>)
        %lt3A_219 = arith.constant 11 : i32
        %lt3A_220 = arith.cmpi slt, %scan3A_141, %lt3A_219 : i32
        %convert_element_type3A_221 = arith.extui %lt3A_220 : i1 to i32
        %cond3A_222 = arith.constant 0 : i32
        %cond3A_223 = arith.cmpi ne, %convert_element_type3A_221, %cond3A_222 : i32
        scf.if %cond3A_223 {
          %add3A_242 = arith.constant 2 : i32
          %add3A_243 = arith.addi %add3A_145, %add3A_242 : i32
          %dma_start3A_244 = arith.constant 0 : i32
          %dma_start3A_245 = arith.constant 0 : i32
          %dma_start3A_246 = tpu.memref_slice %arg3[%add3A, %add3A_243, %dma_start3A_244, %dma_start3A_245] : memref<16x25x10x80xi32, #tpu.memory_space<hbm>> -> memref<1x1x10x80xi32, #tpu.memory_space<hbm>>
          %dma_start3A_247 = tpu.memref_squeeze %dma_start3A_246 : memref<1x1x10x80xi32, #tpu.memory_space<hbm>> -> memref<10x80xi32, #tpu.memory_space<hbm>>
          %dma_start3A_248 = arith.constant 0 : i32
          %dma_start3A_249 = arith.constant 0 : i32
          %dma_start3A_250 = tpu.memref_slice %arg3[%add3A, %add3A_243, %dma_start3A_248, %dma_start3A_249] : memref<16x25x10x80xi32, #tpu.memory_space<hbm>> -> memref<1x1x10x80xi32, #tpu.memory_space<hbm>>
          %dma_start3A_251 = tpu.memref_squeeze %dma_start3A_250 : memref<1x1x10x80xi32, #tpu.memory_space<hbm>> -> memref<10x80xi32, #tpu.memory_space<hbm>>
          tpu.enqueue_dma source(%dma_start3A_251 : memref<10x80xi32, #tpu.memory_space<hbm>>) target(%arg15 : memref<10x80xi32, #tpu.memory_space<vmem>>) target_semaphore(%arg24 : memref<!tpu.dma_semaphore, #tpu.memory_space<semaphore_mem>>)
          %dma_start3A_252 = arith.constant 0 : i32
          %dma_start3A_253 = arith.constant 0 : i32
          %dma_start3A_254 = tpu.memref_slice %arg4[%add3A, %add3A_243, %dma_start3A_252, %dma_start3A_253] : memref<16x25x10x80xi32, #tpu.memory_space<hbm>> -> memref<1x1x10x80xi32, #tpu.memory_space<hbm>>
          %dma_start3A_255 = tpu.memref_squeeze %dma_start3A_254 : memref<1x1x10x80xi32, #tpu.memory_space<hbm>> -> memref<10x80xi32, #tpu.memory_space<hbm>>
          %dma_start3A_256 = arith.constant 0 : i32
          %dma_start3A_257 = arith.constant 0 : i32
          %dma_start3A_258 = tpu.memref_slice %arg4[%add3A, %add3A_243, %dma_start3A_256, %dma_start3A_257] : memref<16x25x10x80xi32, #tpu.memory_space<hbm>> -> memref<1x1x10x80xi32, #tpu.memory_space<hbm>>
          %dma_start3A_259 = tpu.memref_squeeze %dma_start3A_258 : memref<1x1x10x80xi32, #tpu.memory_space<hbm>> -> memref<10x80xi32, #tpu.memory_space<hbm>>
          tpu.enqueue_dma source(%dma_start3A_259 : memref<10x80xi32, #tpu.memory_space<hbm>>) target(%arg16 : memref<10x80xi32, #tpu.memory_space<vmem>>) target_semaphore(%arg24 : memref<!tpu.dma_semaphore, #tpu.memory_space<semaphore_mem>>)
        } else {
        }
        %add3A_224 = arith.constant 1 : i32
        %add3A_225 = arith.addi %add3A_145, %add3A_224 : i32
        %scan3A_226 = arith.constant 0 : i32
        %scan3A_227 = arith.constant 0 : i32
        %scan3A_228 = arith.constant 5 : i32
        %scan3A_229 = arith.addi %scan3A_227, %scan3A_228 : i32
        %scan3A_230 = arith.constant 1 : i32
        scf.for %scan3A_242 = %scan3A_227 to %scan3A_229 step %scan3A_230  : i32 {
          %gt3A = arith.constant 0 : i32
          %gt3A_243 = arith.cmpi sgt, %scan3A_242, %gt3A : i32
          %convert_element_type3A_244 = arith.extui %gt3A_243 : i1 to i32
          %cond3A_245 = arith.constant 0 : i32
          %cond3A_246 = arith.cmpi ne, %convert_element_type3A_244, %cond3A_245 : i32
          scf.if %cond3A_246 {
            %mul3A_346 = arith.constant 2 : i32
            %mul3A_347 = arith.muli %mul3A_346, %scan3A_242 : i32
            %sub3A = arith.constant 1 : i32
            %sub3A_348 = arith.subi %mul3A_347, %sub3A : i32
            %dma_wait3A_349 = arith.constant 0 : i32
            %dma_wait3A_350 = tpu.memref_slice %arg14[%sub3A_348, %dma_wait3A_349] : memref<10x80xi32, #tpu.memory_space<vmem>> -> memref<1x80xi32, #tpu.memory_space<vmem>>
            %dma_wait3A_351 = tpu.memref_squeeze %dma_wait3A_350 : memref<1x80xi32, #tpu.memory_space<vmem>> -> memref<80xi32, #tpu.memory_space<vmem>>
            %dma_wait3A_352 = arith.constant 0 : i32
            %dma_wait3A_353 = arith.constant 0 : i32
            %dma_wait3A_354 = tpu.memref_slice %arg12[%dma_wait3A_352, %dma_wait3A_353] : memref<10112x128xf32, #tpu.memory_space<vmem_shared>> -> memref<10112x128xf32, #tpu.memory_space<vmem_shared>>
            tpu.wait_indirect_dma semaphore(%arg23 : memref<!tpu.dma_semaphore, #tpu.memory_space<semaphore_mem>>) src(%arg19 : memref<80x128xf32, #tpu.memory_space<vmem>>) dst(%dma_wait3A_354 : memref<10112x128xf32, #tpu.memory_space<vmem_shared>>)
          } else {
          }
          %mul3A_247 = arith.constant 2 : i32
          %mul3A_248 = arith.muli %mul3A_247, %scan3A_242 : i32
          %add3A_249 = arith.constant 1 : i32
          %add3A_250 = arith.addi %mul3A_248, %add3A_249 : i32
          %dma_start3A_251 = arith.constant 0 : i32
          %dma_start3A_252 = tpu.memref_slice %arg13[%add3A_250, %dma_start3A_251] : memref<10x80xi32, #tpu.memory_space<vmem>> -> memref<1x80xi32, #tpu.memory_space<vmem>>
          %dma_start3A_253 = tpu.memref_squeeze %dma_start3A_252 : memref<1x80xi32, #tpu.memory_space<vmem>> -> memref<80xi32, #tpu.memory_space<vmem>>
          %dma_start3A_254 = arith.constant 0 : i32
          %dma_start3A_255 = arith.constant 0 : i32
          %dma_start3A_256 = tpu.memref_slice %arg2[%dma_start3A_254, %dma_start3A_255] : memref<10000x128xf32, #tpu.memory_space<hbm>> -> memref<10000x128xf32, #tpu.memory_space<hbm>>
          tpu.enqueue_indirect_dma source(%dma_start3A_256 : memref<10000x128xf32, #tpu.memory_space<hbm>>) target(%arg19 : memref<80x128xf32, #tpu.memory_space<vmem>>) offsets(%dma_start3A_253 : memref<80xi32, #tpu.memory_space<vmem>>) semaphore(%arg21 : memref<!tpu.dma_semaphore, #tpu.memory_space<semaphore_mem>>)
          %gt3A_257 = arith.constant 0 : i32
          %gt3A_258 = arith.cmpi sgt, %scan3A_242, %gt3A_257 : i32
          %convert_element_type3A_259 = arith.extui %gt3A_258 : i1 to i32
          %cond3A_260 = arith.constant 0 : i32
          %cond3A_261 = arith.cmpi ne, %convert_element_type3A_259, %cond3A_260 : i32
          scf.if %cond3A_261 {
            %mul3A_346 = arith.constant 2 : i32
            %mul3A_347 = arith.muli %mul3A_346, %scan3A_242 : i32
            %sub3A = arith.constant 1 : i32
            %sub3A_348 = arith.subi %mul3A_347, %sub3A : i32
            %dma_wait3A_349 = arith.constant 0 : i32
            %dma_wait3A_350 = tpu.memref_slice %arg14[%sub3A_348, %dma_wait3A_349] : memref<10x80xi32, #tpu.memory_space<vmem>> -> memref<1x80xi32, #tpu.memory_space<vmem>>
            %dma_wait3A_351 = tpu.memref_squeeze %dma_wait3A_350 : memref<1x80xi32, #tpu.memory_space<vmem>> -> memref<80xi32, #tpu.memory_space<vmem>>
            %dma_wait3A_352 = arith.constant 0 : i32
            %dma_wait3A_353 = arith.constant 0 : i32
            %dma_wait3A_354 = tpu.memref_slice %arg12[%dma_wait3A_352, %dma_wait3A_353] : memref<10112x128xf32, #tpu.memory_space<vmem_shared>> -> memref<10112x128xf32, #tpu.memory_space<vmem_shared>>
            tpu.wait_indirect_dma semaphore(%arg23 : memref<!tpu.dma_semaphore, #tpu.memory_space<semaphore_mem>>) src(%arg20 : memref<80x128xf32, #tpu.memory_space<vmem>>) dst(%dma_wait3A_354 : memref<10112x128xf32, #tpu.memory_space<vmem_shared>>)
          } else {
          }
          %mul3A_262 = arith.constant 2 : i32
          %mul3A_263 = arith.muli %mul3A_262, %scan3A_242 : i32
          %add3A_264 = arith.constant 1 : i32
          %add3A_265 = arith.addi %mul3A_263, %add3A_264 : i32
          %mul3A_266 = arith.constant 10 : i32
          %mul3A_267 = arith.muli %add3A_225, %mul3A_266 : i32
          %add3A_268 = arith.addi %mul3A_267, %add3A_265 : i32
          %mul3A_269 = arith.constant 80 : i32
          %mul3A_270 = arith.muli %add3A_268, %mul3A_269 : i32
          %dma_start3A_271 = arith.constant 0 : i32
          %dma_start3A_272 = tpu.memref_slice %arg5[%add3A, %mul3A_270, %dma_start3A_271] : memref<16x20000x128xf32, #tpu.memory_space<hbm>> -> memref<1x80x128xf32, #tpu.memory_space<hbm>>
          %dma_start3A_273 = tpu.memref_squeeze %dma_start3A_272 : memref<1x80x128xf32, #tpu.memory_space<hbm>> -> memref<80x128xf32, #tpu.memory_space<hbm>>
          %dma_start3A_274 = arith.constant 0 : i32
          %dma_start3A_275 = tpu.memref_slice %arg5[%add3A, %mul3A_270, %dma_start3A_274] : memref<16x20000x128xf32, #tpu.memory_space<hbm>> -> memref<1x80x128xf32, #tpu.memory_space<hbm>>
          %dma_start3A_276 = tpu.memref_squeeze %dma_start3A_275 : memref<1x80x128xf32, #tpu.memory_space<hbm>> -> memref<80x128xf32, #tpu.memory_space<hbm>>
          tpu.enqueue_dma source(%dma_start3A_276 : memref<80x128xf32, #tpu.memory_space<hbm>>) target(%arg20 : memref<80x128xf32, #tpu.memory_space<vmem>>) target_semaphore(%arg22 : memref<!tpu.dma_semaphore, #tpu.memory_space<semaphore_mem>>)
          %mul3A_277 = arith.constant 2 : i32
          %mul3A_278 = arith.muli %mul3A_277, %scan3A_242 : i32
          %dma_wait3A_279 = arith.constant 0 : i32
          %dma_wait3A_280 = tpu.memref_slice %arg13[%mul3A_278, %dma_wait3A_279] : memref<10x80xi32, #tpu.memory_space<vmem>> -> memref<1x80xi32, #tpu.memory_space<vmem>>
          %dma_wait3A_281 = tpu.memref_squeeze %dma_wait3A_280 : memref<1x80xi32, #tpu.memory_space<vmem>> -> memref<80xi32, #tpu.memory_space<vmem>>
          %dma_wait3A_282 = arith.constant 0 : i32
          %dma_wait3A_283 = arith.constant 0 : i32
          %dma_wait3A_284 = tpu.memref_slice %arg2[%dma_wait3A_282, %dma_wait3A_283] : memref<10000x128xf32, #tpu.memory_space<hbm>> -> memref<10000x128xf32, #tpu.memory_space<hbm>>
          tpu.wait_indirect_dma semaphore(%arg21 : memref<!tpu.dma_semaphore, #tpu.memory_space<semaphore_mem>>) src(%dma_wait3A_284 : memref<10000x128xf32, #tpu.memory_space<hbm>>) dst(%arg17 : memref<80x128xf32, #tpu.memory_space<vmem>>)
          %dma_start3A_285 = arith.constant 0 : i32
          %dma_start3A_286 = tpu.memref_slice %arg14[%mul3A_278, %dma_start3A_285] : memref<10x80xi32, #tpu.memory_space<vmem>> -> memref<1x80xi32, #tpu.memory_space<vmem>>
          %dma_start3A_287 = tpu.memref_squeeze %dma_start3A_286 : memref<1x80xi32, #tpu.memory_space<vmem>> -> memref<80xi32, #tpu.memory_space<vmem>>
          %dma_start3A_288 = arith.constant 0 : i32
          %dma_start3A_289 = arith.constant 0 : i32
          %dma_start3A_290 = tpu.memref_slice %arg12[%dma_start3A_288, %dma_start3A_289] : memref<10112x128xf32, #tpu.memory_space<vmem_shared>> -> memref<10112x128xf32, #tpu.memory_space<vmem_shared>>
          tpu.enqueue_indirect_dma source(%arg17 : memref<80x128xf32, #tpu.memory_space<vmem>>) target(%dma_start3A_290 : memref<10112x128xf32, #tpu.memory_space<vmem_shared>>) offsets(%dma_start3A_287 : memref<80xi32, #tpu.memory_space<vmem>>) semaphore(%arg23 : memref<!tpu.dma_semaphore, #tpu.memory_space<semaphore_mem>>) {add = true}
          %mul3A_291 = arith.constant 10 : i32
          %mul3A_292 = arith.muli %add3A_225, %mul3A_291 : i32
          %add3A_293 = arith.addi %mul3A_292, %mul3A_278 : i32
          %mul3A_294 = arith.constant 80 : i32
          %mul3A_295 = arith.muli %add3A_293, %mul3A_294 : i32
          %dma_wait3A_296 = arith.constant 0 : i32
          %dma_wait3A_297 = tpu.memref_slice %arg5[%add3A, %mul3A_295, %dma_wait3A_296] : memref<16x20000x128xf32, #tpu.memory_space<hbm>> -> memref<1x80x128xf32, #tpu.memory_space<hbm>>
          %dma_wait3A_298 = tpu.memref_squeeze %dma_wait3A_297 : memref<1x80x128xf32, #tpu.memory_space<hbm>> -> memref<80x128xf32, #tpu.memory_space<hbm>>
          %dma_wait3A_299 = arith.constant 0 : i32
          %dma_wait3A_300 = tpu.memref_slice %arg5[%add3A, %mul3A_295, %dma_wait3A_299] : memref<16x20000x128xf32, #tpu.memory_space<hbm>> -> memref<1x80x128xf32, #tpu.memory_space<hbm>>
          %dma_wait3A_301 = tpu.memref_squeeze %dma_wait3A_300 : memref<1x80x128xf32, #tpu.memory_space<hbm>> -> memref<80x128xf32, #tpu.memory_space<hbm>>
          tpu.wait_dma2 semaphore(%arg22 : memref<!tpu.dma_semaphore, #tpu.memory_space<semaphore_mem>>) src(%dma_wait3A_301 : memref<80x128xf32, #tpu.memory_space<hbm>>) dst(%arg18 : memref<80x128xf32, #tpu.memory_space<vmem>>)
          %dma_start3A_302 = arith.constant 0 : i32
          %dma_start3A_303 = tpu.memref_slice %arg14[%mul3A_278, %dma_start3A_302] : memref<10x80xi32, #tpu.memory_space<vmem>> -> memref<1x80xi32, #tpu.memory_space<vmem>>
          %dma_start3A_304 = tpu.memref_squeeze %dma_start3A_303 : memref<1x80xi32, #tpu.memory_space<vmem>> -> memref<80xi32, #tpu.memory_space<vmem>>
          %dma_start3A_305 = arith.constant 0 : i32
          %dma_start3A_306 = arith.constant 0 : i32
          %dma_start3A_307 = tpu.memref_slice %arg12[%dma_start3A_305, %dma_start3A_306] : memref<10112x128xf32, #tpu.memory_space<vmem_shared>> -> memref<10112x128xf32, #tpu.memory_space<vmem_shared>>
          tpu.enqueue_indirect_dma source(%arg18 : memref<80x128xf32, #tpu.memory_space<vmem>>) target(%dma_start3A_307 : memref<10112x128xf32, #tpu.memory_space<vmem_shared>>) offsets(%dma_start3A_304 : memref<80xi32, #tpu.memory_space<vmem>>) semaphore(%arg23 : memref<!tpu.dma_semaphore, #tpu.memory_space<semaphore_mem>>) {add = true}
          %lt3A_308 = arith.constant 4 : i32
          %lt3A_309 = arith.cmpi slt, %scan3A_242, %lt3A_308 : i32
          %convert_element_type3A_310 = arith.extui %lt3A_309 : i1 to i32
          %cond3A_311 = arith.constant 0 : i32
          %cond3A_312 = arith.cmpi ne, %convert_element_type3A_310, %cond3A_311 : i32
          scf.if %cond3A_312 {
            %mul3A_346 = arith.constant 2 : i32
            %mul3A_347 = arith.muli %mul3A_346, %scan3A_242 : i32
            %dma_wait3A_348 = arith.constant 0 : i32
            %dma_wait3A_349 = tpu.memref_slice %arg14[%mul3A_347, %dma_wait3A_348] : memref<10x80xi32, #tpu.memory_space<vmem>> -> memref<1x80xi32, #tpu.memory_space<vmem>>
            %dma_wait3A_350 = tpu.memref_squeeze %dma_wait3A_349 : memref<1x80xi32, #tpu.memory_space<vmem>> -> memref<80xi32, #tpu.memory_space<vmem>>
            %dma_wait3A_351 = arith.constant 0 : i32
            %dma_wait3A_352 = arith.constant 0 : i32
            %dma_wait3A_353 = tpu.memref_slice %arg12[%dma_wait3A_351, %dma_wait3A_352] : memref<10112x128xf32, #tpu.memory_space<vmem_shared>> -> memref<10112x128xf32, #tpu.memory_space<vmem_shared>>
            tpu.wait_indirect_dma semaphore(%arg23 : memref<!tpu.dma_semaphore, #tpu.memory_space<semaphore_mem>>) src(%arg17 : memref<80x128xf32, #tpu.memory_space<vmem>>) dst(%dma_wait3A_353 : memref<10112x128xf32, #tpu.memory_space<vmem_shared>>)
            %mul3A_354 = arith.constant 2 : i32
            %mul3A_355 = arith.muli %mul3A_354, %scan3A_242 : i32
            %add3A_356 = arith.constant 2 : i32
            %add3A_357 = arith.addi %mul3A_355, %add3A_356 : i32
            %dma_start3A_358 = arith.constant 0 : i32
            %dma_start3A_359 = tpu.memref_slice %arg13[%add3A_357, %dma_start3A_358] : memref<10x80xi32, #tpu.memory_space<vmem>> -> memref<1x80xi32, #tpu.memory_space<vmem>>
            %dma_start3A_360 = tpu.memref_squeeze %dma_start3A_359 : memref<1x80xi32, #tpu.memory_space<vmem>> -> memref<80xi32, #tpu.memory_space<vmem>>
            %dma_start3A_361 = arith.constant 0 : i32
            %dma_start3A_362 = arith.constant 0 : i32
            %dma_start3A_363 = tpu.memref_slice %arg2[%dma_start3A_361, %dma_start3A_362] : memref<10000x128xf32, #tpu.memory_space<hbm>> -> memref<10000x128xf32, #tpu.memory_space<hbm>>
            tpu.enqueue_indirect_dma source(%dma_start3A_363 : memref<10000x128xf32, #tpu.memory_space<hbm>>) target(%arg17 : memref<80x128xf32, #tpu.memory_space<vmem>>) offsets(%dma_start3A_360 : memref<80xi32, #tpu.memory_space<vmem>>) semaphore(%arg21 : memref<!tpu.dma_semaphore, #tpu.memory_space<semaphore_mem>>)
            %mul3A_364 = arith.constant 2 : i32
            %mul3A_365 = arith.muli %mul3A_364, %scan3A_242 : i32
            %dma_wait3A_366 = arith.constant 0 : i32
            %dma_wait3A_367 = tpu.memref_slice %arg14[%mul3A_365, %dma_wait3A_366] : memref<10x80xi32, #tpu.memory_space<vmem>> -> memref<1x80xi32, #tpu.memory_space<vmem>>
            %dma_wait3A_368 = tpu.memref_squeeze %dma_wait3A_367 : memref<1x80xi32, #tpu.memory_space<vmem>> -> memref<80xi32, #tpu.memory_space<vmem>>
            %dma_wait3A_369 = arith.constant 0 : i32
            %dma_wait3A_370 = arith.constant 0 : i32
            %dma_wait3A_371 = tpu.memref_slice %arg12[%dma_wait3A_369, %dma_wait3A_370] : memref<10112x128xf32, #tpu.memory_space<vmem_shared>> -> memref<10112x128xf32, #tpu.memory_space<vmem_shared>>
            tpu.wait_indirect_dma semaphore(%arg23 : memref<!tpu.dma_semaphore, #tpu.memory_space<semaphore_mem>>) src(%arg18 : memref<80x128xf32, #tpu.memory_space<vmem>>) dst(%dma_wait3A_371 : memref<10112x128xf32, #tpu.memory_space<vmem_shared>>)
            %mul3A_372 = arith.constant 2 : i32
            %mul3A_373 = arith.muli %mul3A_372, %scan3A_242 : i32
            %add3A_374 = arith.constant 2 : i32
            %add3A_375 = arith.addi %mul3A_373, %add3A_374 : i32
            %mul3A_376 = arith.constant 10 : i32
            %mul3A_377 = arith.muli %add3A_225, %mul3A_376 : i32
            %add3A_378 = arith.addi %mul3A_377, %add3A_375 : i32
            %mul3A_379 = arith.constant 80 : i32
            %mul3A_380 = arith.muli %add3A_378, %mul3A_379 : i32
            %dma_start3A_381 = arith.constant 0 : i32
            %dma_start3A_382 = tpu.memref_slice %arg5[%add3A, %mul3A_380, %dma_start3A_381] : memref<16x20000x128xf32, #tpu.memory_space<hbm>> -> memref<1x80x128xf32, #tpu.memory_space<hbm>>
            %dma_start3A_383 = tpu.memref_squeeze %dma_start3A_382 : memref<1x80x128xf32, #tpu.memory_space<hbm>> -> memref<80x128xf32, #tpu.memory_space<hbm>>
            %dma_start3A_384 = arith.constant 0 : i32
            %dma_start3A_385 = tpu.memref_slice %arg5[%add3A, %mul3A_380, %dma_start3A_384] : memref<16x20000x128xf32, #tpu.memory_space<hbm>> -> memref<1x80x128xf32, #tpu.memory_space<hbm>>
            %dma_start3A_386 = tpu.memref_squeeze %dma_start3A_385 : memref<1x80x128xf32, #tpu.memory_space<hbm>> -> memref<80x128xf32, #tpu.memory_space<hbm>>
            tpu.enqueue_dma source(%dma_start3A_386 : memref<80x128xf32, #tpu.memory_space<hbm>>) target(%arg18 : memref<80x128xf32, #tpu.memory_space<vmem>>) target_semaphore(%arg22 : memref<!tpu.dma_semaphore, #tpu.memory_space<semaphore_mem>>)
          } else {
          }
          %mul3A_313 = arith.constant 2 : i32
          %mul3A_314 = arith.muli %mul3A_313, %scan3A_242 : i32
          %add3A_315 = arith.constant 1 : i32
          %add3A_316 = arith.addi %mul3A_314, %add3A_315 : i32
          %dma_wait3A_317 = arith.constant 0 : i32
          %dma_wait3A_318 = tpu.memref_slice %arg13[%add3A_316, %dma_wait3A_317] : memref<10x80xi32, #tpu.memory_space<vmem>> -> memref<1x80xi32, #tpu.memory_space<vmem>>
          %dma_wait3A_319 = tpu.memref_squeeze %dma_wait3A_318 : memref<1x80xi32, #tpu.memory_space<vmem>> -> memref<80xi32, #tpu.memory_space<vmem>>
          %dma_wait3A_320 = arith.constant 0 : i32
          %dma_wait3A_321 = arith.constant 0 : i32
          %dma_wait3A_322 = tpu.memref_slice %arg2[%dma_wait3A_320, %dma_wait3A_321] : memref<10000x128xf32, #tpu.memory_space<hbm>> -> memref<10000x128xf32, #tpu.memory_space<hbm>>
          tpu.wait_indirect_dma semaphore(%arg21 : memref<!tpu.dma_semaphore, #tpu.memory_space<semaphore_mem>>) src(%dma_wait3A_322 : memref<10000x128xf32, #tpu.memory_space<hbm>>) dst(%arg19 : memref<80x128xf32, #tpu.memory_space<vmem>>)
          %dma_start3A_323 = arith.constant 0 : i32
          %dma_start3A_324 = tpu.memref_slice %arg14[%add3A_316, %dma_start3A_323] : memref<10x80xi32, #tpu.memory_space<vmem>> -> memref<1x80xi32, #tpu.memory_space<vmem>>
          %dma_start3A_325 = tpu.memref_squeeze %dma_start3A_324 : memref<1x80xi32, #tpu.memory_space<vmem>> -> memref<80xi32, #tpu.memory_space<vmem>>
          %dma_start3A_326 = arith.constant 0 : i32
          %dma_start3A_327 = arith.constant 0 : i32
          %dma_start3A_328 = tpu.memref_slice %arg12[%dma_start3A_326, %dma_start3A_327] : memref<10112x128xf32, #tpu.memory_space<vmem_shared>> -> memref<10112x128xf32, #tpu.memory_space<vmem_shared>>
          tpu.enqueue_indirect_dma source(%arg19 : memref<80x128xf32, #tpu.memory_space<vmem>>) target(%dma_start3A_328 : memref<10112x128xf32, #tpu.memory_space<vmem_shared>>) offsets(%dma_start3A_325 : memref<80xi32, #tpu.memory_space<vmem>>) semaphore(%arg23 : memref<!tpu.dma_semaphore, #tpu.memory_space<semaphore_mem>>) {add = true}
          %mul3A_329 = arith.constant 10 : i32
          %mul3A_330 = arith.muli %add3A_225, %mul3A_329 : i32
          %add3A_331 = arith.addi %mul3A_330, %add3A_316 : i32
          %mul3A_332 = arith.constant 80 : i32
          %mul3A_333 = arith.muli %add3A_331, %mul3A_332 : i32
          %dma_wait3A_334 = arith.constant 0 : i32
          %dma_wait3A_335 = tpu.memref_slice %arg5[%add3A, %mul3A_333, %dma_wait3A_334] : memref<16x20000x128xf32, #tpu.memory_space<hbm>> -> memref<1x80x128xf32, #tpu.memory_space<hbm>>
          %dma_wait3A_336 = tpu.memref_squeeze %dma_wait3A_335 : memref<1x80x128xf32, #tpu.memory_space<hbm>> -> memref<80x128xf32, #tpu.memory_space<hbm>>
          %dma_wait3A_337 = arith.constant 0 : i32
          %dma_wait3A_338 = tpu.memref_slice %arg5[%add3A, %mul3A_333, %dma_wait3A_337] : memref<16x20000x128xf32, #tpu.memory_space<hbm>> -> memref<1x80x128xf32, #tpu.memory_space<hbm>>
          %dma_wait3A_339 = tpu.memref_squeeze %dma_wait3A_338 : memref<1x80x128xf32, #tpu.memory_space<hbm>> -> memref<80x128xf32, #tpu.memory_space<hbm>>
          tpu.wait_dma2 semaphore(%arg22 : memref<!tpu.dma_semaphore, #tpu.memory_space<semaphore_mem>>) src(%dma_wait3A_339 : memref<80x128xf32, #tpu.memory_space<hbm>>) dst(%arg20 : memref<80x128xf32, #tpu.memory_space<vmem>>)
          %dma_start3A_340 = arith.constant 0 : i32
          %dma_start3A_341 = tpu.memref_slice %arg14[%add3A_316, %dma_start3A_340] : memref<10x80xi32, #tpu.memory_space<vmem>> -> memref<1x80xi32, #tpu.memory_space<vmem>>
          %dma_start3A_342 = tpu.memref_squeeze %dma_start3A_341 : memref<1x80xi32, #tpu.memory_space<vmem>> -> memref<80xi32, #tpu.memory_space<vmem>>
          %dma_start3A_343 = arith.constant 0 : i32
          %dma_start3A_344 = arith.constant 0 : i32
          %dma_start3A_345 = tpu.memref_slice %arg12[%dma_start3A_343, %dma_start3A_344] : memref<10112x128xf32, #tpu.memory_space<vmem_shared>> -> memref<10112x128xf32, #tpu.memory_space<vmem_shared>>
          tpu.enqueue_indirect_dma source(%arg20 : memref<80x128xf32, #tpu.memory_space<vmem>>) target(%dma_start3A_345 : memref<10112x128xf32, #tpu.memory_space<vmem_shared>>) offsets(%dma_start3A_342 : memref<80xi32, #tpu.memory_space<vmem>>) semaphore(%arg23 : memref<!tpu.dma_semaphore, #tpu.memory_space<semaphore_mem>>) {add = true}
        }
        %scan3A_231 = arith.constant 5 : i32
        %lt3A_232 = arith.constant 11 : i32
        %lt3A_233 = arith.cmpi slt, %scan3A_141, %lt3A_232 : i32
        %convert_element_type3A_234 = arith.extui %lt3A_233 : i1 to i32
        %cond3A_235 = arith.constant 0 : i32
        %cond3A_236 = arith.cmpi ne, %convert_element_type3A_234, %cond3A_235 : i32
        scf.if %cond3A_236 {
          %add3A_242 = arith.constant 1 : i32
          %add3A_243 = arith.addi %add3A_225, %add3A_242 : i32
          %dma_wait3A_244 = arith.constant 0 : i32
          %dma_wait3A_245 = arith.constant 0 : i32
          %dma_wait3A_246 = tpu.memref_slice %arg3[%add3A, %add3A_243, %dma_wait3A_244, %dma_wait3A_245] : memref<16x25x10x80xi32, #tpu.memory_space<hbm>> -> memref<1x1x10x80xi32, #tpu.memory_space<hbm>>
          %dma_wait3A_247 = tpu.memref_squeeze %dma_wait3A_246 : memref<1x1x10x80xi32, #tpu.memory_space<hbm>> -> memref<10x80xi32, #tpu.memory_space<hbm>>
          %dma_wait3A_248 = arith.constant 0 : i32
          %dma_wait3A_249 = arith.constant 0 : i32
          %dma_wait3A_250 = tpu.memref_slice %arg3[%add3A, %add3A_243, %dma_wait3A_248, %dma_wait3A_249] : memref<16x25x10x80xi32, #tpu.memory_space<hbm>> -> memref<1x1x10x80xi32, #tpu.memory_space<hbm>>
          %dma_wait3A_251 = tpu.memref_squeeze %dma_wait3A_250 : memref<1x1x10x80xi32, #tpu.memory_space<hbm>> -> memref<10x80xi32, #tpu.memory_space<hbm>>
          tpu.wait_dma2 semaphore(%arg24 : memref<!tpu.dma_semaphore, #tpu.memory_space<semaphore_mem>>) src(%dma_wait3A_251 : memref<10x80xi32, #tpu.memory_space<hbm>>) dst(%arg15 : memref<10x80xi32, #tpu.memory_space<vmem>>)
          %dma_wait3A_252 = arith.constant 0 : i32
          %dma_wait3A_253 = arith.constant 0 : i32
          %dma_wait3A_254 = tpu.memref_slice %arg4[%add3A, %add3A_243, %dma_wait3A_252, %dma_wait3A_253] : memref<16x25x10x80xi32, #tpu.memory_space<hbm>> -> memref<1x1x10x80xi32, #tpu.memory_space<hbm>>
          %dma_wait3A_255 = tpu.memref_squeeze %dma_wait3A_254 : memref<1x1x10x80xi32, #tpu.memory_space<hbm>> -> memref<10x80xi32, #tpu.memory_space<hbm>>
          %dma_wait3A_256 = arith.constant 0 : i32
          %dma_wait3A_257 = arith.constant 0 : i32
          %dma_wait3A_258 = tpu.memref_slice %arg4[%add3A, %add3A_243, %dma_wait3A_256, %dma_wait3A_257] : memref<16x25x10x80xi32, #tpu.memory_space<hbm>> -> memref<1x1x10x80xi32, #tpu.memory_space<hbm>>
          %dma_wait3A_259 = tpu.memref_squeeze %dma_wait3A_258 : memref<1x1x10x80xi32, #tpu.memory_space<hbm>> -> memref<10x80xi32, #tpu.memory_space<hbm>>
          tpu.wait_dma2 semaphore(%arg24 : memref<!tpu.dma_semaphore, #tpu.memory_space<semaphore_mem>>) src(%dma_wait3A_259 : memref<10x80xi32, #tpu.memory_space<hbm>>) dst(%arg16 : memref<10x80xi32, #tpu.memory_space<vmem>>)
          %add3A_260 = arith.constant 1 : i32
          %add3A_261 = arith.addi %add3A_225, %add3A_260 : i32
          %dma_wait3A_262 = arith.constant 8 : i32
          %dma_wait3A_263 = arith.constant 0 : i32
          %dma_wait3A_264 = tpu.memref_slice %arg14[%dma_wait3A_262, %dma_wait3A_263] : memref<10x80xi32, #tpu.memory_space<vmem>> -> memref<1x80xi32, #tpu.memory_space<vmem>>
          %dma_wait3A_265 = tpu.memref_squeeze %dma_wait3A_264 : memref<1x80xi32, #tpu.memory_space<vmem>> -> memref<80xi32, #tpu.memory_space<vmem>>
          %dma_wait3A_266 = arith.constant 0 : i32
          %dma_wait3A_267 = arith.constant 0 : i32
          %dma_wait3A_268 = tpu.memref_slice %arg12[%dma_wait3A_266, %dma_wait3A_267] : memref<10112x128xf32, #tpu.memory_space<vmem_shared>> -> memref<10112x128xf32, #tpu.memory_space<vmem_shared>>
          tpu.wait_indirect_dma semaphore(%arg23 : memref<!tpu.dma_semaphore, #tpu.memory_space<semaphore_mem>>) src(%arg17 : memref<80x128xf32, #tpu.memory_space<vmem>>) dst(%dma_wait3A_268 : memref<10112x128xf32, #tpu.memory_space<vmem_shared>>)
          %dma_start3A_269 = arith.constant 0 : i32
          %dma_start3A_270 = arith.constant 0 : i32
          %dma_start3A_271 = tpu.memref_slice %arg15[%dma_start3A_269, %dma_start3A_270] : memref<10x80xi32, #tpu.memory_space<vmem>> -> memref<1x80xi32, #tpu.memory_space<vmem>>
          %dma_start3A_272 = tpu.memref_squeeze %dma_start3A_271 : memref<1x80xi32, #tpu.memory_space<vmem>> -> memref<80xi32, #tpu.memory_space<vmem>>
          %dma_start3A_273 = arith.constant 0 : i32
          %dma_start3A_274 = arith.constant 0 : i32
          %dma_start3A_275 = tpu.memref_slice %arg2[%dma_start3A_273, %dma_start3A_274] : memref<10000x128xf32, #tpu.memory_space<hbm>> -> memref<10000x128xf32, #tpu.memory_space<hbm>>
          tpu.enqueue_indirect_dma source(%dma_start3A_275 : memref<10000x128xf32, #tpu.memory_space<hbm>>) target(%arg17 : memref<80x128xf32, #tpu.memory_space<vmem>>) offsets(%dma_start3A_272 : memref<80xi32, #tpu.memory_space<vmem>>) semaphore(%arg21 : memref<!tpu.dma_semaphore, #tpu.memory_space<semaphore_mem>>)
          %dma_wait3A_276 = arith.constant 8 : i32
          %dma_wait3A_277 = arith.constant 0 : i32
          %dma_wait3A_278 = tpu.memref_slice %arg14[%dma_wait3A_276, %dma_wait3A_277] : memref<10x80xi32, #tpu.memory_space<vmem>> -> memref<1x80xi32, #tpu.memory_space<vmem>>
          %dma_wait3A_279 = tpu.memref_squeeze %dma_wait3A_278 : memref<1x80xi32, #tpu.memory_space<vmem>> -> memref<80xi32, #tpu.memory_space<vmem>>
          %dma_wait3A_280 = arith.constant 0 : i32
          %dma_wait3A_281 = arith.constant 0 : i32
          %dma_wait3A_282 = tpu.memref_slice %arg12[%dma_wait3A_280, %dma_wait3A_281] : memref<10112x128xf32, #tpu.memory_space<vmem_shared>> -> memref<10112x128xf32, #tpu.memory_space<vmem_shared>>
          tpu.wait_indirect_dma semaphore(%arg23 : memref<!tpu.dma_semaphore, #tpu.memory_space<semaphore_mem>>) src(%arg18 : memref<80x128xf32, #tpu.memory_space<vmem>>) dst(%dma_wait3A_282 : memref<10112x128xf32, #tpu.memory_space<vmem_shared>>)
          %mul3A_283 = arith.constant 10 : i32
          %mul3A_284 = arith.muli %add3A_261, %mul3A_283 : i32
          %add3A_285 = arith.constant 0 : i32
          %add3A_286 = arith.addi %mul3A_284, %add3A_285 : i32
          %mul3A_287 = arith.constant 80 : i32
          %mul3A_288 = arith.muli %add3A_286, %mul3A_287 : i32
          %dma_start3A_289 = arith.constant 0 : i32
          %dma_start3A_290 = tpu.memref_slice %arg5[%add3A, %mul3A_288, %dma_start3A_289] : memref<16x20000x128xf32, #tpu.memory_space<hbm>> -> memref<1x80x128xf32, #tpu.memory_space<hbm>>
          %dma_start3A_291 = tpu.memref_squeeze %dma_start3A_290 : memref<1x80x128xf32, #tpu.memory_space<hbm>> -> memref<80x128xf32, #tpu.memory_space<hbm>>
          %dma_start3A_292 = arith.constant 0 : i32
          %dma_start3A_293 = tpu.memref_slice %arg5[%add3A, %mul3A_288, %dma_start3A_292] : memref<16x20000x128xf32, #tpu.memory_space<hbm>> -> memref<1x80x128xf32, #tpu.memory_space<hbm>>
          %dma_start3A_294 = tpu.memref_squeeze %dma_start3A_293 : memref<1x80x128xf32, #tpu.memory_space<hbm>> -> memref<80x128xf32, #tpu.memory_space<hbm>>
          tpu.enqueue_dma source(%dma_start3A_294 : memref<80x128xf32, #tpu.memory_space<hbm>>) target(%arg18 : memref<80x128xf32, #tpu.memory_space<vmem>>) target_semaphore(%arg22 : memref<!tpu.dma_semaphore, #tpu.memory_space<semaphore_mem>>)
          %dma_wait3A_295 = arith.constant 9 : i32
          %dma_wait3A_296 = arith.constant 0 : i32
          %dma_wait3A_297 = tpu.memref_slice %arg14[%dma_wait3A_295, %dma_wait3A_296] : memref<10x80xi32, #tpu.memory_space<vmem>> -> memref<1x80xi32, #tpu.memory_space<vmem>>
          %dma_wait3A_298 = tpu.memref_squeeze %dma_wait3A_297 : memref<1x80xi32, #tpu.memory_space<vmem>> -> memref<80xi32, #tpu.memory_space<vmem>>
          %dma_wait3A_299 = arith.constant 0 : i32
          %dma_wait3A_300 = arith.constant 0 : i32
          %dma_wait3A_301 = tpu.memref_slice %arg12[%dma_wait3A_299, %dma_wait3A_300] : memref<10112x128xf32, #tpu.memory_space<vmem_shared>> -> memref<10112x128xf32, #tpu.memory_space<vmem_shared>>
          tpu.wait_indirect_dma semaphore(%arg23 : memref<!tpu.dma_semaphore, #tpu.memory_space<semaphore_mem>>) src(%arg19 : memref<80x128xf32, #tpu.memory_space<vmem>>) dst(%dma_wait3A_301 : memref<10112x128xf32, #tpu.memory_space<vmem_shared>>)
          %dma_wait3A_302 = arith.constant 9 : i32
          %dma_wait3A_303 = arith.constant 0 : i32
          %dma_wait3A_304 = tpu.memref_slice %arg14[%dma_wait3A_302, %dma_wait3A_303] : memref<10x80xi32, #tpu.memory_space<vmem>> -> memref<1x80xi32, #tpu.memory_space<vmem>>
          %dma_wait3A_305 = tpu.memref_squeeze %dma_wait3A_304 : memref<1x80xi32, #tpu.memory_space<vmem>> -> memref<80xi32, #tpu.memory_space<vmem>>
          %dma_wait3A_306 = arith.constant 0 : i32
          %dma_wait3A_307 = arith.constant 0 : i32
          %dma_wait3A_308 = tpu.memref_slice %arg12[%dma_wait3A_306, %dma_wait3A_307] : memref<10112x128xf32, #tpu.memory_space<vmem_shared>> -> memref<10112x128xf32, #tpu.memory_space<vmem_shared>>
          tpu.wait_indirect_dma semaphore(%arg23 : memref<!tpu.dma_semaphore, #tpu.memory_space<semaphore_mem>>) src(%arg20 : memref<80x128xf32, #tpu.memory_space<vmem>>) dst(%dma_wait3A_308 : memref<10112x128xf32, #tpu.memory_space<vmem_shared>>)
          %add3A_309 = arith.constant 2 : i32
          %add3A_310 = arith.addi %add3A_225, %add3A_309 : i32
          %dma_start3A_311 = arith.constant 0 : i32
          %dma_start3A_312 = arith.constant 0 : i32
          %dma_start3A_313 = tpu.memref_slice %arg3[%add3A, %add3A_310, %dma_start3A_311, %dma_start3A_312] : memref<16x25x10x80xi32, #tpu.memory_space<hbm>> -> memref<1x1x10x80xi32, #tpu.memory_space<hbm>>
          %dma_start3A_314 = tpu.memref_squeeze %dma_start3A_313 : memref<1x1x10x80xi32, #tpu.memory_space<hbm>> -> memref<10x80xi32, #tpu.memory_space<hbm>>
          %dma_start3A_315 = arith.constant 0 : i32
          %dma_start3A_316 = arith.constant 0 : i32
          %dma_start3A_317 = tpu.memref_slice %arg3[%add3A, %add3A_310, %dma_start3A_315, %dma_start3A_316] : memref<16x25x10x80xi32, #tpu.memory_space<hbm>> -> memref<1x1x10x80xi32, #tpu.memory_space<hbm>>
          %dma_start3A_318 = tpu.memref_squeeze %dma_start3A_317 : memref<1x1x10x80xi32, #tpu.memory_space<hbm>> -> memref<10x80xi32, #tpu.memory_space<hbm>>
          tpu.enqueue_dma source(%dma_start3A_318 : memref<10x80xi32, #tpu.memory_space<hbm>>) target(%arg13 : memref<10x80xi32, #tpu.memory_space<vmem>>) target_semaphore(%arg24 : memref<!tpu.dma_semaphore, #tpu.memory_space<semaphore_mem>>)
          %dma_start3A_319 = arith.constant 0 : i32
          %dma_start3A_320 = arith.constant 0 : i32
          %dma_start3A_321 = tpu.memref_slice %arg4[%add3A, %add3A_310, %dma_start3A_319, %dma_start3A_320] : memref<16x25x10x80xi32, #tpu.memory_space<hbm>> -> memref<1x1x10x80xi32, #tpu.memory_space<hbm>>
          %dma_start3A_322 = tpu.memref_squeeze %dma_start3A_321 : memref<1x1x10x80xi32, #tpu.memory_space<hbm>> -> memref<10x80xi32, #tpu.memory_space<hbm>>
          %dma_start3A_323 = arith.constant 0 : i32
          %dma_start3A_324 = arith.constant 0 : i32
          %dma_start3A_325 = tpu.memref_slice %arg4[%add3A, %add3A_310, %dma_start3A_323, %dma_start3A_324] : memref<16x25x10x80xi32, #tpu.memory_space<hbm>> -> memref<1x1x10x80xi32, #tpu.memory_space<hbm>>
          %dma_start3A_326 = tpu.memref_squeeze %dma_start3A_325 : memref<1x1x10x80xi32, #tpu.memory_space<hbm>> -> memref<10x80xi32, #tpu.memory_space<hbm>>
          tpu.enqueue_dma source(%dma_start3A_326 : memref<10x80xi32, #tpu.memory_space<hbm>>) target(%arg14 : memref<10x80xi32, #tpu.memory_space<vmem>>) target_semaphore(%arg24 : memref<!tpu.dma_semaphore, #tpu.memory_space<semaphore_mem>>)
        } else {
        }
        %eq3A_237 = arith.constant 11 : i32
        %eq3A_238 = arith.cmpi eq, %scan3A_141, %eq3A_237 : i32
        %convert_element_type3A_239 = arith.extui %eq3A_238 : i1 to i32
        %cond3A_240 = arith.constant 0 : i32
        %cond3A_241 = arith.cmpi ne, %convert_element_type3A_239, %cond3A_240 : i32
        scf.if %cond3A_241 {
          %dma_wait3A_242 = arith.constant 8 : i32
          %dma_wait3A_243 = arith.constant 0 : i32
          %dma_wait3A_244 = tpu.memref_slice %arg14[%dma_wait3A_242, %dma_wait3A_243] : memref<10x80xi32, #tpu.memory_space<vmem>> -> memref<1x80xi32, #tpu.memory_space<vmem>>
          %dma_wait3A_245 = tpu.memref_squeeze %dma_wait3A_244 : memref<1x80xi32, #tpu.memory_space<vmem>> -> memref<80xi32, #tpu.memory_space<vmem>>
          %dma_wait3A_246 = arith.constant 0 : i32
          %dma_wait3A_247 = arith.constant 0 : i32
          %dma_wait3A_248 = tpu.memref_slice %arg12[%dma_wait3A_246, %dma_wait3A_247] : memref<10112x128xf32, #tpu.memory_space<vmem_shared>> -> memref<10112x128xf32, #tpu.memory_space<vmem_shared>>
          tpu.wait_indirect_dma semaphore(%arg23 : memref<!tpu.dma_semaphore, #tpu.memory_space<semaphore_mem>>) src(%arg17 : memref<80x128xf32, #tpu.memory_space<vmem>>) dst(%dma_wait3A_248 : memref<10112x128xf32, #tpu.memory_space<vmem_shared>>)
          %dma_wait3A_249 = arith.constant 8 : i32
          %dma_wait3A_250 = arith.constant 0 : i32
          %dma_wait3A_251 = tpu.memref_slice %arg14[%dma_wait3A_249, %dma_wait3A_250] : memref<10x80xi32, #tpu.memory_space<vmem>> -> memref<1x80xi32, #tpu.memory_space<vmem>>
          %dma_wait3A_252 = tpu.memref_squeeze %dma_wait3A_251 : memref<1x80xi32, #tpu.memory_space<vmem>> -> memref<80xi32, #tpu.memory_space<vmem>>
          %dma_wait3A_253 = arith.constant 0 : i32
          %dma_wait3A_254 = arith.constant 0 : i32
          %dma_wait3A_255 = tpu.memref_slice %arg12[%dma_wait3A_253, %dma_wait3A_254] : memref<10112x128xf32, #tpu.memory_space<vmem_shared>> -> memref<10112x128xf32, #tpu.memory_space<vmem_shared>>
          tpu.wait_indirect_dma semaphore(%arg23 : memref<!tpu.dma_semaphore, #tpu.memory_space<semaphore_mem>>) src(%arg18 : memref<80x128xf32, #tpu.memory_space<vmem>>) dst(%dma_wait3A_255 : memref<10112x128xf32, #tpu.memory_space<vmem_shared>>)
          %dma_wait3A_256 = arith.constant 9 : i32
          %dma_wait3A_257 = arith.constant 0 : i32
          %dma_wait3A_258 = tpu.memref_slice %arg14[%dma_wait3A_256, %dma_wait3A_257] : memref<10x80xi32, #tpu.memory_space<vmem>> -> memref<1x80xi32, #tpu.memory_space<vmem>>
          %dma_wait3A_259 = tpu.memref_squeeze %dma_wait3A_258 : memref<1x80xi32, #tpu.memory_space<vmem>> -> memref<80xi32, #tpu.memory_space<vmem>>
          %dma_wait3A_260 = arith.constant 0 : i32
          %dma_wait3A_261 = arith.constant 0 : i32
          %dma_wait3A_262 = tpu.memref_slice %arg12[%dma_wait3A_260, %dma_wait3A_261] : memref<10112x128xf32, #tpu.memory_space<vmem_shared>> -> memref<10112x128xf32, #tpu.memory_space<vmem_shared>>
          tpu.wait_indirect_dma semaphore(%arg23 : memref<!tpu.dma_semaphore, #tpu.memory_space<semaphore_mem>>) src(%arg19 : memref<80x128xf32, #tpu.memory_space<vmem>>) dst(%dma_wait3A_262 : memref<10112x128xf32, #tpu.memory_space<vmem_shared>>)
          %dma_wait3A_263 = arith.constant 9 : i32
          %dma_wait3A_264 = arith.constant 0 : i32
          %dma_wait3A_265 = tpu.memref_slice %arg14[%dma_wait3A_263, %dma_wait3A_264] : memref<10x80xi32, #tpu.memory_space<vmem>> -> memref<1x80xi32, #tpu.memory_space<vmem>>
          %dma_wait3A_266 = tpu.memref_squeeze %dma_wait3A_265 : memref<1x80xi32, #tpu.memory_space<vmem>> -> memref<80xi32, #tpu.memory_space<vmem>>
          %dma_wait3A_267 = arith.constant 0 : i32
          %dma_wait3A_268 = arith.constant 0 : i32
          %dma_wait3A_269 = tpu.memref_slice %arg12[%dma_wait3A_267, %dma_wait3A_268] : memref<10112x128xf32, #tpu.memory_space<vmem_shared>> -> memref<10112x128xf32, #tpu.memory_space<vmem_shared>>
          tpu.wait_indirect_dma semaphore(%arg23 : memref<!tpu.dma_semaphore, #tpu.memory_space<semaphore_mem>>) src(%arg20 : memref<80x128xf32, #tpu.memory_space<vmem>>) dst(%dma_wait3A_269 : memref<10112x128xf32, #tpu.memory_space<vmem_shared>>)
        } else {
        }
      }
      %scan3A_140 = arith.constant 12 : i32
    } else {
    }
    %ge3A = arith.constant 16 : i32
    %ge3A_5 = arith.cmpi sge, %add3A, %ge3A : i32
    %convert_element_type3A_6 = arith.extui %ge3A_5 : i1 to i32
    %cond3A_7 = arith.constant 0 : i32
    %cond3A_8 = arith.cmpi ne, %convert_element_type3A_6, %cond3A_7 : i32
    scf.if %cond3A_8 {
      %sub3A = arith.constant 16 : i32
      %sub3A_19 = arith.subi %add3A, %sub3A : i32
      %run_scoped3A = arith.constant 0 : i32
      "tpu.region"() ({
        %run_scoped3A_142 = tpu.sem_alloc : memref<!tpu.dma_semaphore, #tpu.memory_space<semaphore_mem>>
        %dma_start3A_143 = arith.constant 0 : i32
        %dma_start3A_144 = arith.constant 0 : i32
        %dma_start3A_145 = tpu.memref_slice %arg6[%sub3A_19, %run_scoped3A, %dma_start3A_143, %dma_start3A_144] : memref<16x25x10x80xi32, #tpu.memory_space<hbm>> -> memref<1x1x10x80xi32, #tpu.memory_space<hbm>>
        %dma_start3A_146 = tpu.memref_squeeze %dma_start3A_145 : memref<1x1x10x80xi32, #tpu.memory_space<hbm>> -> memref<10x80xi32, #tpu.memory_space<hbm>>
        %dma_start3A_147 = arith.constant 0 : i32
        %dma_start3A_148 = arith.constant 0 : i32
        %dma_start3A_149 = tpu.memref_slice %arg6[%sub3A_19, %run_scoped3A, %dma_start3A_147, %dma_start3A_148] : memref<16x25x10x80xi32, #tpu.memory_space<hbm>> -> memref<1x1x10x80xi32, #tpu.memory_space<hbm>>
        %dma_start3A_150 = tpu.memref_squeeze %dma_start3A_149 : memref<1x1x10x80xi32, #tpu.memory_space<hbm>> -> memref<10x80xi32, #tpu.memory_space<hbm>>
        tpu.enqueue_dma source(%dma_start3A_150 : memref<10x80xi32, #tpu.memory_space<hbm>>) target(%arg13 : memref<10x80xi32, #tpu.memory_space<vmem>>) target_semaphore(%run_scoped3A_142 : memref<!tpu.dma_semaphore, #tpu.memory_space<semaphore_mem>>)
        %dma_wait3A_151 = arith.constant 0 : i32
        %dma_wait3A_152 = arith.constant 0 : i32
        %dma_wait3A_153 = tpu.memref_slice %arg6[%sub3A_19, %run_scoped3A, %dma_wait3A_151, %dma_wait3A_152] : memref<16x25x10x80xi32, #tpu.memory_space<hbm>> -> memref<1x1x10x80xi32, #tpu.memory_space<hbm>>
        %dma_wait3A_154 = tpu.memref_squeeze %dma_wait3A_153 : memref<1x1x10x80xi32, #tpu.memory_space<hbm>> -> memref<10x80xi32, #tpu.memory_space<hbm>>
        %dma_wait3A_155 = arith.constant 0 : i32
        %dma_wait3A_156 = arith.constant 0 : i32
        %dma_wait3A_157 = tpu.memref_slice %arg6[%sub3A_19, %run_scoped3A, %dma_wait3A_155, %dma_wait3A_156] : memref<16x25x10x80xi32, #tpu.memory_space<hbm>> -> memref<1x1x10x80xi32, #tpu.memory_space<hbm>>
        %dma_wait3A_158 = tpu.memref_squeeze %dma_wait3A_157 : memref<1x1x10x80xi32, #tpu.memory_space<hbm>> -> memref<10x80xi32, #tpu.memory_space<hbm>>
        tpu.wait_dma2 semaphore(%run_scoped3A_142 : memref<!tpu.dma_semaphore, #tpu.memory_space<semaphore_mem>>) src(%dma_wait3A_158 : memref<10x80xi32, #tpu.memory_space<hbm>>) dst(%arg13 : memref<10x80xi32, #tpu.memory_space<vmem>>)
        tpu.yield
      }) : () -> ()
      %run_scoped3A_20 = arith.constant 0 : i32
      "tpu.region"() ({
        %run_scoped3A_142 = tpu.sem_alloc : memref<!tpu.dma_semaphore, #tpu.memory_space<semaphore_mem>>
        %dma_start3A_143 = arith.constant 0 : i32
        %dma_start3A_144 = arith.constant 0 : i32
        %dma_start3A_145 = tpu.memref_slice %arg7[%sub3A_19, %run_scoped3A_20, %dma_start3A_143, %dma_start3A_144] : memref<16x25x10x80xi32, #tpu.memory_space<hbm>> -> memref<1x1x10x80xi32, #tpu.memory_space<hbm>>
        %dma_start3A_146 = tpu.memref_squeeze %dma_start3A_145 : memref<1x1x10x80xi32, #tpu.memory_space<hbm>> -> memref<10x80xi32, #tpu.memory_space<hbm>>
        %dma_start3A_147 = arith.constant 0 : i32
        %dma_start3A_148 = arith.constant 0 : i32
        %dma_start3A_149 = tpu.memref_slice %arg7[%sub3A_19, %run_scoped3A_20, %dma_start3A_147, %dma_start3A_148] : memref<16x25x10x80xi32, #tpu.memory_space<hbm>> -> memref<1x1x10x80xi32, #tpu.memory_space<hbm>>
        %dma_start3A_150 = tpu.memref_squeeze %dma_start3A_149 : memref<1x1x10x80xi32, #tpu.memory_space<hbm>> -> memref<10x80xi32, #tpu.memory_space<hbm>>
        tpu.enqueue_dma source(%dma_start3A_150 : memref<10x80xi32, #tpu.memory_space<hbm>>) target(%arg14 : memref<10x80xi32, #tpu.memory_space<vmem>>) target_semaphore(%run_scoped3A_142 : memref<!tpu.dma_semaphore, #tpu.memory_space<semaphore_mem>>)
        %dma_wait3A_151 = arith.constant 0 : i32
        %dma_wait3A_152 = arith.constant 0 : i32
        %dma_wait3A_153 = tpu.memref_slice %arg7[%sub3A_19, %run_scoped3A_20, %dma_wait3A_151, %dma_wait3A_152] : memref<16x25x10x80xi32, #tpu.memory_space<hbm>> -> memref<1x1x10x80xi32, #tpu.memory_space<hbm>>
        %dma_wait3A_154 = tpu.memref_squeeze %dma_wait3A_153 : memref<1x1x10x80xi32, #tpu.memory_space<hbm>> -> memref<10x80xi32, #tpu.memory_space<hbm>>
        %dma_wait3A_155 = arith.constant 0 : i32
        %dma_wait3A_156 = arith.constant 0 : i32
        %dma_wait3A_157 = tpu.memref_slice %arg7[%sub3A_19, %run_scoped3A_20, %dma_wait3A_155, %dma_wait3A_156] : memref<16x25x10x80xi32, #tpu.memory_space<hbm>> -> memref<1x1x10x80xi32, #tpu.memory_space<hbm>>
        %dma_wait3A_158 = tpu.memref_squeeze %dma_wait3A_157 : memref<1x1x10x80xi32, #tpu.memory_space<hbm>> -> memref<10x80xi32, #tpu.memory_space<hbm>>
        tpu.wait_dma2 semaphore(%run_scoped3A_142 : memref<!tpu.dma_semaphore, #tpu.memory_space<semaphore_mem>>) src(%dma_wait3A_158 : memref<10x80xi32, #tpu.memory_space<hbm>>) dst(%arg14 : memref<10x80xi32, #tpu.memory_space<vmem>>)
        tpu.yield
      }) : () -> ()
      %dma_start3A = arith.constant 1 : i32
      %dma_start3A_21 = arith.constant 0 : i32
      %dma_start3A_22 = arith.constant 0 : i32
      %dma_start3A_23 = tpu.memref_slice %arg6[%sub3A_19, %dma_start3A, %dma_start3A_21, %dma_start3A_22] : memref<16x25x10x80xi32, #tpu.memory_space<hbm>> -> memref<1x1x10x80xi32, #tpu.memory_space<hbm>>
      %dma_start3A_24 = tpu.memref_squeeze %dma_start3A_23 : memref<1x1x10x80xi32, #tpu.memory_space<hbm>> -> memref<10x80xi32, #tpu.memory_space<hbm>>
      %dma_start3A_25 = arith.constant 0 : i32
      %dma_start3A_26 = arith.constant 0 : i32
      %dma_start3A_27 = tpu.memref_slice %arg6[%sub3A_19, %dma_start3A, %dma_start3A_25, %dma_start3A_26] : memref<16x25x10x80xi32, #tpu.memory_space<hbm>> -> memref<1x1x10x80xi32, #tpu.memory_space<hbm>>
      %dma_start3A_28 = tpu.memref_squeeze %dma_start3A_27 : memref<1x1x10x80xi32, #tpu.memory_space<hbm>> -> memref<10x80xi32, #tpu.memory_space<hbm>>
      tpu.enqueue_dma source(%dma_start3A_28 : memref<10x80xi32, #tpu.memory_space<hbm>>) target(%arg15 : memref<10x80xi32, #tpu.memory_space<vmem>>) target_semaphore(%arg24 : memref<!tpu.dma_semaphore, #tpu.memory_space<semaphore_mem>>)
      %dma_start3A_29 = arith.constant 1 : i32
      %dma_start3A_30 = arith.constant 0 : i32
      %dma_start3A_31 = arith.constant 0 : i32
      %dma_start3A_32 = tpu.memref_slice %arg7[%sub3A_19, %dma_start3A_29, %dma_start3A_30, %dma_start3A_31] : memref<16x25x10x80xi32, #tpu.memory_space<hbm>> -> memref<1x1x10x80xi32, #tpu.memory_space<hbm>>
      %dma_start3A_33 = tpu.memref_squeeze %dma_start3A_32 : memref<1x1x10x80xi32, #tpu.memory_space<hbm>> -> memref<10x80xi32, #tpu.memory_space<hbm>>
      %dma_start3A_34 = arith.constant 0 : i32
      %dma_start3A_35 = arith.constant 0 : i32
      %dma_start3A_36 = tpu.memref_slice %arg7[%sub3A_19, %dma_start3A_29, %dma_start3A_34, %dma_start3A_35] : memref<16x25x10x80xi32, #tpu.memory_space<hbm>> -> memref<1x1x10x80xi32, #tpu.memory_space<hbm>>
      %dma_start3A_37 = tpu.memref_squeeze %dma_start3A_36 : memref<1x1x10x80xi32, #tpu.memory_space<hbm>> -> memref<10x80xi32, #tpu.memory_space<hbm>>
      tpu.enqueue_dma source(%dma_start3A_37 : memref<10x80xi32, #tpu.memory_space<hbm>>) target(%arg16 : memref<10x80xi32, #tpu.memory_space<vmem>>) target_semaphore(%arg24 : memref<!tpu.dma_semaphore, #tpu.memory_space<semaphore_mem>>)
      %dma_start3A_38 = arith.constant 0 : i32
      %dma_start3A_39 = arith.constant 0 : i32
      %dma_start3A_40 = tpu.memref_slice %arg13[%dma_start3A_38, %dma_start3A_39] : memref<10x80xi32, #tpu.memory_space<vmem>> -> memref<1x80xi32, #tpu.memory_space<vmem>>
      %dma_start3A_41 = tpu.memref_squeeze %dma_start3A_40 : memref<1x80xi32, #tpu.memory_space<vmem>> -> memref<80xi32, #tpu.memory_space<vmem>>
      %dma_start3A_42 = arith.constant 0 : i32
      %dma_start3A_43 = arith.constant 0 : i32
      %dma_start3A_44 = tpu.memref_slice %arg2[%dma_start3A_42, %dma_start3A_43] : memref<10000x128xf32, #tpu.memory_space<hbm>> -> memref<10000x128xf32, #tpu.memory_space<hbm>>
      tpu.enqueue_indirect_dma source(%dma_start3A_44 : memref<10000x128xf32, #tpu.memory_space<hbm>>) target(%arg17 : memref<80x128xf32, #tpu.memory_space<vmem>>) offsets(%dma_start3A_41 : memref<80xi32, #tpu.memory_space<vmem>>) semaphore(%arg21 : memref<!tpu.dma_semaphore, #tpu.memory_space<semaphore_mem>>)
      %dma_start3A_45 = arith.constant 0 : i32
      %dma_start3A_46 = arith.constant 0 : i32
      %dma_start3A_47 = tpu.memref_slice %arg8[%sub3A_19, %dma_start3A_45, %dma_start3A_46] : memref<16x20000x128xf32, #tpu.memory_space<hbm>> -> memref<1x80x128xf32, #tpu.memory_space<hbm>>
      %dma_start3A_48 = tpu.memref_squeeze %dma_start3A_47 : memref<1x80x128xf32, #tpu.memory_space<hbm>> -> memref<80x128xf32, #tpu.memory_space<hbm>>
      %dma_start3A_49 = arith.constant 0 : i32
      %dma_start3A_50 = arith.constant 0 : i32
      %dma_start3A_51 = tpu.memref_slice %arg8[%sub3A_19, %dma_start3A_49, %dma_start3A_50] : memref<16x20000x128xf32, #tpu.memory_space<hbm>> -> memref<1x80x128xf32, #tpu.memory_space<hbm>>
      %dma_start3A_52 = tpu.memref_squeeze %dma_start3A_51 : memref<1x80x128xf32, #tpu.memory_space<hbm>> -> memref<80x128xf32, #tpu.memory_space<hbm>>
      tpu.enqueue_dma source(%dma_start3A_52 : memref<80x128xf32, #tpu.memory_space<hbm>>) target(%arg18 : memref<80x128xf32, #tpu.memory_space<vmem>>) target_semaphore(%arg22 : memref<!tpu.dma_semaphore, #tpu.memory_space<semaphore_mem>>)
      %scan3A = arith.constant 0 : i32
      %scan3A_53 = arith.constant 0 : i32
      %scan3A_54 = arith.constant 5 : i32
      %scan3A_55 = arith.addi %scan3A_53, %scan3A_54 : i32
      %scan3A_56 = arith.constant 1 : i32
      scf.for %scan3A_142 = %scan3A_53 to %scan3A_55 step %scan3A_56  : i32 {
        %gt3A = arith.constant 0 : i32
        %gt3A_143 = arith.cmpi sgt, %scan3A_142, %gt3A : i32
        %convert_element_type3A_144 = arith.extui %gt3A_143 : i1 to i32
        %cond3A_145 = arith.constant 0 : i32
        %cond3A_146 = arith.cmpi ne, %convert_element_type3A_144, %cond3A_145 : i32
        scf.if %cond3A_146 {
          %mul3A_243 = arith.constant 2 : i32
          %mul3A_244 = arith.muli %mul3A_243, %scan3A_142 : i32
          %sub3A_245 = arith.constant 1 : i32
          %sub3A_246 = arith.subi %mul3A_244, %sub3A_245 : i32
          %dma_wait3A_247 = arith.constant 0 : i32
          %dma_wait3A_248 = tpu.memref_slice %arg14[%sub3A_246, %dma_wait3A_247] : memref<10x80xi32, #tpu.memory_space<vmem>> -> memref<1x80xi32, #tpu.memory_space<vmem>>
          %dma_wait3A_249 = tpu.memref_squeeze %dma_wait3A_248 : memref<1x80xi32, #tpu.memory_space<vmem>> -> memref<80xi32, #tpu.memory_space<vmem>>
          %dma_wait3A_250 = arith.constant 0 : i32
          %dma_wait3A_251 = arith.constant 0 : i32
          %dma_wait3A_252 = tpu.memref_slice %arg12[%dma_wait3A_250, %dma_wait3A_251] : memref<10112x128xf32, #tpu.memory_space<vmem_shared>> -> memref<10112x128xf32, #tpu.memory_space<vmem_shared>>
          tpu.wait_indirect_dma semaphore(%arg23 : memref<!tpu.dma_semaphore, #tpu.memory_space<semaphore_mem>>) src(%arg19 : memref<80x128xf32, #tpu.memory_space<vmem>>) dst(%dma_wait3A_252 : memref<10112x128xf32, #tpu.memory_space<vmem_shared>>)
        } else {
        }
        %mul3A_147 = arith.constant 2 : i32
        %mul3A_148 = arith.muli %mul3A_147, %scan3A_142 : i32
        %add3A_149 = arith.constant 1 : i32
        %add3A_150 = arith.addi %mul3A_148, %add3A_149 : i32
        %dma_start3A_151 = arith.constant 0 : i32
        %dma_start3A_152 = tpu.memref_slice %arg13[%add3A_150, %dma_start3A_151] : memref<10x80xi32, #tpu.memory_space<vmem>> -> memref<1x80xi32, #tpu.memory_space<vmem>>
        %dma_start3A_153 = tpu.memref_squeeze %dma_start3A_152 : memref<1x80xi32, #tpu.memory_space<vmem>> -> memref<80xi32, #tpu.memory_space<vmem>>
        %dma_start3A_154 = arith.constant 0 : i32
        %dma_start3A_155 = arith.constant 0 : i32
        %dma_start3A_156 = tpu.memref_slice %arg2[%dma_start3A_154, %dma_start3A_155] : memref<10000x128xf32, #tpu.memory_space<hbm>> -> memref<10000x128xf32, #tpu.memory_space<hbm>>
        tpu.enqueue_indirect_dma source(%dma_start3A_156 : memref<10000x128xf32, #tpu.memory_space<hbm>>) target(%arg19 : memref<80x128xf32, #tpu.memory_space<vmem>>) offsets(%dma_start3A_153 : memref<80xi32, #tpu.memory_space<vmem>>) semaphore(%arg21 : memref<!tpu.dma_semaphore, #tpu.memory_space<semaphore_mem>>)
        %gt3A_157 = arith.constant 0 : i32
        %gt3A_158 = arith.cmpi sgt, %scan3A_142, %gt3A_157 : i32
        %convert_element_type3A_159 = arith.extui %gt3A_158 : i1 to i32
        %cond3A_160 = arith.constant 0 : i32
        %cond3A_161 = arith.cmpi ne, %convert_element_type3A_159, %cond3A_160 : i32
        scf.if %cond3A_161 {
          %mul3A_243 = arith.constant 2 : i32
          %mul3A_244 = arith.muli %mul3A_243, %scan3A_142 : i32
          %sub3A_245 = arith.constant 1 : i32
          %sub3A_246 = arith.subi %mul3A_244, %sub3A_245 : i32
          %dma_wait3A_247 = arith.constant 0 : i32
          %dma_wait3A_248 = tpu.memref_slice %arg14[%sub3A_246, %dma_wait3A_247] : memref<10x80xi32, #tpu.memory_space<vmem>> -> memref<1x80xi32, #tpu.memory_space<vmem>>
          %dma_wait3A_249 = tpu.memref_squeeze %dma_wait3A_248 : memref<1x80xi32, #tpu.memory_space<vmem>> -> memref<80xi32, #tpu.memory_space<vmem>>
          %dma_wait3A_250 = arith.constant 0 : i32
          %dma_wait3A_251 = arith.constant 0 : i32
          %dma_wait3A_252 = tpu.memref_slice %arg12[%dma_wait3A_250, %dma_wait3A_251] : memref<10112x128xf32, #tpu.memory_space<vmem_shared>> -> memref<10112x128xf32, #tpu.memory_space<vmem_shared>>
          tpu.wait_indirect_dma semaphore(%arg23 : memref<!tpu.dma_semaphore, #tpu.memory_space<semaphore_mem>>) src(%arg20 : memref<80x128xf32, #tpu.memory_space<vmem>>) dst(%dma_wait3A_252 : memref<10112x128xf32, #tpu.memory_space<vmem_shared>>)
        } else {
        }
        %mul3A_162 = arith.constant 2 : i32
        %mul3A_163 = arith.muli %mul3A_162, %scan3A_142 : i32
        %add3A_164 = arith.constant 1 : i32
        %add3A_165 = arith.addi %mul3A_163, %add3A_164 : i32
        %add3A_166 = arith.constant 0 : i32
        %add3A_167 = arith.addi %add3A_166, %add3A_165 : i32
        %mul3A_168 = arith.constant 80 : i32
        %mul3A_169 = arith.muli %add3A_167, %mul3A_168 : i32
        %dma_start3A_170 = arith.constant 0 : i32
        %dma_start3A_171 = tpu.memref_slice %arg8[%sub3A_19, %mul3A_169, %dma_start3A_170] : memref<16x20000x128xf32, #tpu.memory_space<hbm>> -> memref<1x80x128xf32, #tpu.memory_space<hbm>>
        %dma_start3A_172 = tpu.memref_squeeze %dma_start3A_171 : memref<1x80x128xf32, #tpu.memory_space<hbm>> -> memref<80x128xf32, #tpu.memory_space<hbm>>
        %dma_start3A_173 = arith.constant 0 : i32
        %dma_start3A_174 = tpu.memref_slice %arg8[%sub3A_19, %mul3A_169, %dma_start3A_173] : memref<16x20000x128xf32, #tpu.memory_space<hbm>> -> memref<1x80x128xf32, #tpu.memory_space<hbm>>
        %dma_start3A_175 = tpu.memref_squeeze %dma_start3A_174 : memref<1x80x128xf32, #tpu.memory_space<hbm>> -> memref<80x128xf32, #tpu.memory_space<hbm>>
        tpu.enqueue_dma source(%dma_start3A_175 : memref<80x128xf32, #tpu.memory_space<hbm>>) target(%arg20 : memref<80x128xf32, #tpu.memory_space<vmem>>) target_semaphore(%arg22 : memref<!tpu.dma_semaphore, #tpu.memory_space<semaphore_mem>>)
        %mul3A_176 = arith.constant 2 : i32
        %mul3A_177 = arith.muli %mul3A_176, %scan3A_142 : i32
        %dma_wait3A_178 = arith.constant 0 : i32
        %dma_wait3A_179 = tpu.memref_slice %arg13[%mul3A_177, %dma_wait3A_178] : memref<10x80xi32, #tpu.memory_space<vmem>> -> memref<1x80xi32, #tpu.memory_space<vmem>>
        %dma_wait3A_180 = tpu.memref_squeeze %dma_wait3A_179 : memref<1x80xi32, #tpu.memory_space<vmem>> -> memref<80xi32, #tpu.memory_space<vmem>>
        %dma_wait3A_181 = arith.constant 0 : i32
        %dma_wait3A_182 = arith.constant 0 : i32
        %dma_wait3A_183 = tpu.memref_slice %arg2[%dma_wait3A_181, %dma_wait3A_182] : memref<10000x128xf32, #tpu.memory_space<hbm>> -> memref<10000x128xf32, #tpu.memory_space<hbm>>
        tpu.wait_indirect_dma semaphore(%arg21 : memref<!tpu.dma_semaphore, #tpu.memory_space<semaphore_mem>>) src(%dma_wait3A_183 : memref<10000x128xf32, #tpu.memory_space<hbm>>) dst(%arg17 : memref<80x128xf32, #tpu.memory_space<vmem>>)
        %dma_start3A_184 = arith.constant 0 : i32
        %dma_start3A_185 = tpu.memref_slice %arg14[%mul3A_177, %dma_start3A_184] : memref<10x80xi32, #tpu.memory_space<vmem>> -> memref<1x80xi32, #tpu.memory_space<vmem>>
        %dma_start3A_186 = tpu.memref_squeeze %dma_start3A_185 : memref<1x80xi32, #tpu.memory_space<vmem>> -> memref<80xi32, #tpu.memory_space<vmem>>
        %dma_start3A_187 = arith.constant 0 : i32
        %dma_start3A_188 = arith.constant 0 : i32
        %dma_start3A_189 = tpu.memref_slice %arg12[%dma_start3A_187, %dma_start3A_188] : memref<10112x128xf32, #tpu.memory_space<vmem_shared>> -> memref<10112x128xf32, #tpu.memory_space<vmem_shared>>
        tpu.enqueue_indirect_dma source(%arg17 : memref<80x128xf32, #tpu.memory_space<vmem>>) target(%dma_start3A_189 : memref<10112x128xf32, #tpu.memory_space<vmem_shared>>) offsets(%dma_start3A_186 : memref<80xi32, #tpu.memory_space<vmem>>) semaphore(%arg23 : memref<!tpu.dma_semaphore, #tpu.memory_space<semaphore_mem>>) {add = true}
        %add3A_190 = arith.constant 0 : i32
        %add3A_191 = arith.addi %add3A_190, %mul3A_177 : i32
        %mul3A_192 = arith.constant 80 : i32
        %mul3A_193 = arith.muli %add3A_191, %mul3A_192 : i32
        %dma_wait3A_194 = arith.constant 0 : i32
        %dma_wait3A_195 = tpu.memref_slice %arg8[%sub3A_19, %mul3A_193, %dma_wait3A_194] : memref<16x20000x128xf32, #tpu.memory_space<hbm>> -> memref<1x80x128xf32, #tpu.memory_space<hbm>>
        %dma_wait3A_196 = tpu.memref_squeeze %dma_wait3A_195 : memref<1x80x128xf32, #tpu.memory_space<hbm>> -> memref<80x128xf32, #tpu.memory_space<hbm>>
        %dma_wait3A_197 = arith.constant 0 : i32
        %dma_wait3A_198 = tpu.memref_slice %arg8[%sub3A_19, %mul3A_193, %dma_wait3A_197] : memref<16x20000x128xf32, #tpu.memory_space<hbm>> -> memref<1x80x128xf32, #tpu.memory_space<hbm>>
        %dma_wait3A_199 = tpu.memref_squeeze %dma_wait3A_198 : memref<1x80x128xf32, #tpu.memory_space<hbm>> -> memref<80x128xf32, #tpu.memory_space<hbm>>
        tpu.wait_dma2 semaphore(%arg22 : memref<!tpu.dma_semaphore, #tpu.memory_space<semaphore_mem>>) src(%dma_wait3A_199 : memref<80x128xf32, #tpu.memory_space<hbm>>) dst(%arg18 : memref<80x128xf32, #tpu.memory_space<vmem>>)
        %dma_start3A_200 = arith.constant 0 : i32
        %dma_start3A_201 = tpu.memref_slice %arg14[%mul3A_177, %dma_start3A_200] : memref<10x80xi32, #tpu.memory_space<vmem>> -> memref<1x80xi32, #tpu.memory_space<vmem>>
        %dma_start3A_202 = tpu.memref_squeeze %dma_start3A_201 : memref<1x80xi32, #tpu.memory_space<vmem>> -> memref<80xi32, #tpu.memory_space<vmem>>
        %dma_start3A_203 = arith.constant 0 : i32
        %dma_start3A_204 = arith.constant 0 : i32
        %dma_start3A_205 = tpu.memref_slice %arg12[%dma_start3A_203, %dma_start3A_204] : memref<10112x128xf32, #tpu.memory_space<vmem_shared>> -> memref<10112x128xf32, #tpu.memory_space<vmem_shared>>
        tpu.enqueue_indirect_dma source(%arg18 : memref<80x128xf32, #tpu.memory_space<vmem>>) target(%dma_start3A_205 : memref<10112x128xf32, #tpu.memory_space<vmem_shared>>) offsets(%dma_start3A_202 : memref<80xi32, #tpu.memory_space<vmem>>) semaphore(%arg23 : memref<!tpu.dma_semaphore, #tpu.memory_space<semaphore_mem>>) {add = true}
        %lt3A_206 = arith.constant 4 : i32
        %lt3A_207 = arith.cmpi slt, %scan3A_142, %lt3A_206 : i32
        %convert_element_type3A_208 = arith.extui %lt3A_207 : i1 to i32
        %cond3A_209 = arith.constant 0 : i32
        %cond3A_210 = arith.cmpi ne, %convert_element_type3A_208, %cond3A_209 : i32
        scf.if %cond3A_210 {
          %mul3A_243 = arith.constant 2 : i32
          %mul3A_244 = arith.muli %mul3A_243, %scan3A_142 : i32
          %dma_wait3A_245 = arith.constant 0 : i32
          %dma_wait3A_246 = tpu.memref_slice %arg14[%mul3A_244, %dma_wait3A_245] : memref<10x80xi32, #tpu.memory_space<vmem>> -> memref<1x80xi32, #tpu.memory_space<vmem>>
          %dma_wait3A_247 = tpu.memref_squeeze %dma_wait3A_246 : memref<1x80xi32, #tpu.memory_space<vmem>> -> memref<80xi32, #tpu.memory_space<vmem>>
          %dma_wait3A_248 = arith.constant 0 : i32
          %dma_wait3A_249 = arith.constant 0 : i32
          %dma_wait3A_250 = tpu.memref_slice %arg12[%dma_wait3A_248, %dma_wait3A_249] : memref<10112x128xf32, #tpu.memory_space<vmem_shared>> -> memref<10112x128xf32, #tpu.memory_space<vmem_shared>>
          tpu.wait_indirect_dma semaphore(%arg23 : memref<!tpu.dma_semaphore, #tpu.memory_space<semaphore_mem>>) src(%arg17 : memref<80x128xf32, #tpu.memory_space<vmem>>) dst(%dma_wait3A_250 : memref<10112x128xf32, #tpu.memory_space<vmem_shared>>)
          %mul3A_251 = arith.constant 2 : i32
          %mul3A_252 = arith.muli %mul3A_251, %scan3A_142 : i32
          %add3A_253 = arith.constant 2 : i32
          %add3A_254 = arith.addi %mul3A_252, %add3A_253 : i32
          %dma_start3A_255 = arith.constant 0 : i32
          %dma_start3A_256 = tpu.memref_slice %arg13[%add3A_254, %dma_start3A_255] : memref<10x80xi32, #tpu.memory_space<vmem>> -> memref<1x80xi32, #tpu.memory_space<vmem>>
          %dma_start3A_257 = tpu.memref_squeeze %dma_start3A_256 : memref<1x80xi32, #tpu.memory_space<vmem>> -> memref<80xi32, #tpu.memory_space<vmem>>
          %dma_start3A_258 = arith.constant 0 : i32
          %dma_start3A_259 = arith.constant 0 : i32
          %dma_start3A_260 = tpu.memref_slice %arg2[%dma_start3A_258, %dma_start3A_259] : memref<10000x128xf32, #tpu.memory_space<hbm>> -> memref<10000x128xf32, #tpu.memory_space<hbm>>
          tpu.enqueue_indirect_dma source(%dma_start3A_260 : memref<10000x128xf32, #tpu.memory_space<hbm>>) target(%arg17 : memref<80x128xf32, #tpu.memory_space<vmem>>) offsets(%dma_start3A_257 : memref<80xi32, #tpu.memory_space<vmem>>) semaphore(%arg21 : memref<!tpu.dma_semaphore, #tpu.memory_space<semaphore_mem>>)
          %mul3A_261 = arith.constant 2 : i32
          %mul3A_262 = arith.muli %mul3A_261, %scan3A_142 : i32
          %dma_wait3A_263 = arith.constant 0 : i32
          %dma_wait3A_264 = tpu.memref_slice %arg14[%mul3A_262, %dma_wait3A_263] : memref<10x80xi32, #tpu.memory_space<vmem>> -> memref<1x80xi32, #tpu.memory_space<vmem>>
          %dma_wait3A_265 = tpu.memref_squeeze %dma_wait3A_264 : memref<1x80xi32, #tpu.memory_space<vmem>> -> memref<80xi32, #tpu.memory_space<vmem>>
          %dma_wait3A_266 = arith.constant 0 : i32
          %dma_wait3A_267 = arith.constant 0 : i32
          %dma_wait3A_268 = tpu.memref_slice %arg12[%dma_wait3A_266, %dma_wait3A_267] : memref<10112x128xf32, #tpu.memory_space<vmem_shared>> -> memref<10112x128xf32, #tpu.memory_space<vmem_shared>>
          tpu.wait_indirect_dma semaphore(%arg23 : memref<!tpu.dma_semaphore, #tpu.memory_space<semaphore_mem>>) src(%arg18 : memref<80x128xf32, #tpu.memory_space<vmem>>) dst(%dma_wait3A_268 : memref<10112x128xf32, #tpu.memory_space<vmem_shared>>)
          %mul3A_269 = arith.constant 2 : i32
          %mul3A_270 = arith.muli %mul3A_269, %scan3A_142 : i32
          %add3A_271 = arith.constant 2 : i32
          %add3A_272 = arith.addi %mul3A_270, %add3A_271 : i32
          %add3A_273 = arith.constant 0 : i32
          %add3A_274 = arith.addi %add3A_273, %add3A_272 : i32
          %mul3A_275 = arith.constant 80 : i32
          %mul3A_276 = arith.muli %add3A_274, %mul3A_275 : i32
          %dma_start3A_277 = arith.constant 0 : i32
          %dma_start3A_278 = tpu.memref_slice %arg8[%sub3A_19, %mul3A_276, %dma_start3A_277] : memref<16x20000x128xf32, #tpu.memory_space<hbm>> -> memref<1x80x128xf32, #tpu.memory_space<hbm>>
          %dma_start3A_279 = tpu.memref_squeeze %dma_start3A_278 : memref<1x80x128xf32, #tpu.memory_space<hbm>> -> memref<80x128xf32, #tpu.memory_space<hbm>>
          %dma_start3A_280 = arith.constant 0 : i32
          %dma_start3A_281 = tpu.memref_slice %arg8[%sub3A_19, %mul3A_276, %dma_start3A_280] : memref<16x20000x128xf32, #tpu.memory_space<hbm>> -> memref<1x80x128xf32, #tpu.memory_space<hbm>>
          %dma_start3A_282 = tpu.memref_squeeze %dma_start3A_281 : memref<1x80x128xf32, #tpu.memory_space<hbm>> -> memref<80x128xf32, #tpu.memory_space<hbm>>
          tpu.enqueue_dma source(%dma_start3A_282 : memref<80x128xf32, #tpu.memory_space<hbm>>) target(%arg18 : memref<80x128xf32, #tpu.memory_space<vmem>>) target_semaphore(%arg22 : memref<!tpu.dma_semaphore, #tpu.memory_space<semaphore_mem>>)
        } else {
        }
        %mul3A_211 = arith.constant 2 : i32
        %mul3A_212 = arith.muli %mul3A_211, %scan3A_142 : i32
        %add3A_213 = arith.constant 1 : i32
        %add3A_214 = arith.addi %mul3A_212, %add3A_213 : i32
        %dma_wait3A_215 = arith.constant 0 : i32
        %dma_wait3A_216 = tpu.memref_slice %arg13[%add3A_214, %dma_wait3A_215] : memref<10x80xi32, #tpu.memory_space<vmem>> -> memref<1x80xi32, #tpu.memory_space<vmem>>
        %dma_wait3A_217 = tpu.memref_squeeze %dma_wait3A_216 : memref<1x80xi32, #tpu.memory_space<vmem>> -> memref<80xi32, #tpu.memory_space<vmem>>
        %dma_wait3A_218 = arith.constant 0 : i32
        %dma_wait3A_219 = arith.constant 0 : i32
        %dma_wait3A_220 = tpu.memref_slice %arg2[%dma_wait3A_218, %dma_wait3A_219] : memref<10000x128xf32, #tpu.memory_space<hbm>> -> memref<10000x128xf32, #tpu.memory_space<hbm>>
        tpu.wait_indirect_dma semaphore(%arg21 : memref<!tpu.dma_semaphore, #tpu.memory_space<semaphore_mem>>) src(%dma_wait3A_220 : memref<10000x128xf32, #tpu.memory_space<hbm>>) dst(%arg19 : memref<80x128xf32, #tpu.memory_space<vmem>>)
        %dma_start3A_221 = arith.constant 0 : i32
        %dma_start3A_222 = tpu.memref_slice %arg14[%add3A_214, %dma_start3A_221] : memref<10x80xi32, #tpu.memory_space<vmem>> -> memref<1x80xi32, #tpu.memory_space<vmem>>
        %dma_start3A_223 = tpu.memref_squeeze %dma_start3A_222 : memref<1x80xi32, #tpu.memory_space<vmem>> -> memref<80xi32, #tpu.memory_space<vmem>>
        %dma_start3A_224 = arith.constant 0 : i32
        %dma_start3A_225 = arith.constant 0 : i32
        %dma_start3A_226 = tpu.memref_slice %arg12[%dma_start3A_224, %dma_start3A_225] : memref<10112x128xf32, #tpu.memory_space<vmem_shared>> -> memref<10112x128xf32, #tpu.memory_space<vmem_shared>>
        tpu.enqueue_indirect_dma source(%arg19 : memref<80x128xf32, #tpu.memory_space<vmem>>) target(%dma_start3A_226 : memref<10112x128xf32, #tpu.memory_space<vmem_shared>>) offsets(%dma_start3A_223 : memref<80xi32, #tpu.memory_space<vmem>>) semaphore(%arg23 : memref<!tpu.dma_semaphore, #tpu.memory_space<semaphore_mem>>) {add = true}
        %add3A_227 = arith.constant 0 : i32
        %add3A_228 = arith.addi %add3A_227, %add3A_214 : i32
        %mul3A_229 = arith.constant 80 : i32
        %mul3A_230 = arith.muli %add3A_228, %mul3A_229 : i32
        %dma_wait3A_231 = arith.constant 0 : i32
        %dma_wait3A_232 = tpu.memref_slice %arg8[%sub3A_19, %mul3A_230, %dma_wait3A_231] : memref<16x20000x128xf32, #tpu.memory_space<hbm>> -> memref<1x80x128xf32, #tpu.memory_space<hbm>>
        %dma_wait3A_233 = tpu.memref_squeeze %dma_wait3A_232 : memref<1x80x128xf32, #tpu.memory_space<hbm>> -> memref<80x128xf32, #tpu.memory_space<hbm>>
        %dma_wait3A_234 = arith.constant 0 : i32
        %dma_wait3A_235 = tpu.memref_slice %arg8[%sub3A_19, %mul3A_230, %dma_wait3A_234] : memref<16x20000x128xf32, #tpu.memory_space<hbm>> -> memref<1x80x128xf32, #tpu.memory_space<hbm>>
        %dma_wait3A_236 = tpu.memref_squeeze %dma_wait3A_235 : memref<1x80x128xf32, #tpu.memory_space<hbm>> -> memref<80x128xf32, #tpu.memory_space<hbm>>
        tpu.wait_dma2 semaphore(%arg22 : memref<!tpu.dma_semaphore, #tpu.memory_space<semaphore_mem>>) src(%dma_wait3A_236 : memref<80x128xf32, #tpu.memory_space<hbm>>) dst(%arg20 : memref<80x128xf32, #tpu.memory_space<vmem>>)
        %dma_start3A_237 = arith.constant 0 : i32
        %dma_start3A_238 = tpu.memref_slice %arg14[%add3A_214, %dma_start3A_237] : memref<10x80xi32, #tpu.memory_space<vmem>> -> memref<1x80xi32, #tpu.memory_space<vmem>>
        %dma_start3A_239 = tpu.memref_squeeze %dma_start3A_238 : memref<1x80xi32, #tpu.memory_space<vmem>> -> memref<80xi32, #tpu.memory_space<vmem>>
        %dma_start3A_240 = arith.constant 0 : i32
        %dma_start3A_241 = arith.constant 0 : i32
        %dma_start3A_242 = tpu.memref_slice %arg12[%dma_start3A_240, %dma_start3A_241] : memref<10112x128xf32, #tpu.memory_space<vmem_shared>> -> memref<10112x128xf32, #tpu.memory_space<vmem_shared>>
        tpu.enqueue_indirect_dma source(%arg20 : memref<80x128xf32, #tpu.memory_space<vmem>>) target(%dma_start3A_242 : memref<10112x128xf32, #tpu.memory_space<vmem_shared>>) offsets(%dma_start3A_239 : memref<80xi32, #tpu.memory_space<vmem>>) semaphore(%arg23 : memref<!tpu.dma_semaphore, #tpu.memory_space<semaphore_mem>>) {add = true}
      }
      %scan3A_57 = arith.constant 5 : i32
      %dma_wait3A = arith.constant 1 : i32
      %dma_wait3A_58 = arith.constant 0 : i32
      %dma_wait3A_59 = arith.constant 0 : i32
      %dma_wait3A_60 = tpu.memref_slice %arg6[%sub3A_19, %dma_wait3A, %dma_wait3A_58, %dma_wait3A_59] : memref<16x25x10x80xi32, #tpu.memory_space<hbm>> -> memref<1x1x10x80xi32, #tpu.memory_space<hbm>>
      %dma_wait3A_61 = tpu.memref_squeeze %dma_wait3A_60 : memref<1x1x10x80xi32, #tpu.memory_space<hbm>> -> memref<10x80xi32, #tpu.memory_space<hbm>>
      %dma_wait3A_62 = arith.constant 0 : i32
      %dma_wait3A_63 = arith.constant 0 : i32
      %dma_wait3A_64 = tpu.memref_slice %arg6[%sub3A_19, %dma_wait3A, %dma_wait3A_62, %dma_wait3A_63] : memref<16x25x10x80xi32, #tpu.memory_space<hbm>> -> memref<1x1x10x80xi32, #tpu.memory_space<hbm>>
      %dma_wait3A_65 = tpu.memref_squeeze %dma_wait3A_64 : memref<1x1x10x80xi32, #tpu.memory_space<hbm>> -> memref<10x80xi32, #tpu.memory_space<hbm>>
      tpu.wait_dma2 semaphore(%arg24 : memref<!tpu.dma_semaphore, #tpu.memory_space<semaphore_mem>>) src(%dma_wait3A_65 : memref<10x80xi32, #tpu.memory_space<hbm>>) dst(%arg15 : memref<10x80xi32, #tpu.memory_space<vmem>>)
      %dma_wait3A_66 = arith.constant 1 : i32
      %dma_wait3A_67 = arith.constant 0 : i32
      %dma_wait3A_68 = arith.constant 0 : i32
      %dma_wait3A_69 = tpu.memref_slice %arg7[%sub3A_19, %dma_wait3A_66, %dma_wait3A_67, %dma_wait3A_68] : memref<16x25x10x80xi32, #tpu.memory_space<hbm>> -> memref<1x1x10x80xi32, #tpu.memory_space<hbm>>
      %dma_wait3A_70 = tpu.memref_squeeze %dma_wait3A_69 : memref<1x1x10x80xi32, #tpu.memory_space<hbm>> -> memref<10x80xi32, #tpu.memory_space<hbm>>
      %dma_wait3A_71 = arith.constant 0 : i32
      %dma_wait3A_72 = arith.constant 0 : i32
      %dma_wait3A_73 = tpu.memref_slice %arg7[%sub3A_19, %dma_wait3A_66, %dma_wait3A_71, %dma_wait3A_72] : memref<16x25x10x80xi32, #tpu.memory_space<hbm>> -> memref<1x1x10x80xi32, #tpu.memory_space<hbm>>
      %dma_wait3A_74 = tpu.memref_squeeze %dma_wait3A_73 : memref<1x1x10x80xi32, #tpu.memory_space<hbm>> -> memref<10x80xi32, #tpu.memory_space<hbm>>
      tpu.wait_dma2 semaphore(%arg24 : memref<!tpu.dma_semaphore, #tpu.memory_space<semaphore_mem>>) src(%dma_wait3A_74 : memref<10x80xi32, #tpu.memory_space<hbm>>) dst(%arg16 : memref<10x80xi32, #tpu.memory_space<vmem>>)
      %dma_wait3A_75 = arith.constant 8 : i32
      %dma_wait3A_76 = arith.constant 0 : i32
      %dma_wait3A_77 = tpu.memref_slice %arg14[%dma_wait3A_75, %dma_wait3A_76] : memref<10x80xi32, #tpu.memory_space<vmem>> -> memref<1x80xi32, #tpu.memory_space<vmem>>
      %dma_wait3A_78 = tpu.memref_squeeze %dma_wait3A_77 : memref<1x80xi32, #tpu.memory_space<vmem>> -> memref<80xi32, #tpu.memory_space<vmem>>
      %dma_wait3A_79 = arith.constant 0 : i32
      %dma_wait3A_80 = arith.constant 0 : i32
      %dma_wait3A_81 = tpu.memref_slice %arg12[%dma_wait3A_79, %dma_wait3A_80] : memref<10112x128xf32, #tpu.memory_space<vmem_shared>> -> memref<10112x128xf32, #tpu.memory_space<vmem_shared>>
      tpu.wait_indirect_dma semaphore(%arg23 : memref<!tpu.dma_semaphore, #tpu.memory_space<semaphore_mem>>) src(%arg17 : memref<80x128xf32, #tpu.memory_space<vmem>>) dst(%dma_wait3A_81 : memref<10112x128xf32, #tpu.memory_space<vmem_shared>>)
      %dma_start3A_82 = arith.constant 0 : i32
      %dma_start3A_83 = arith.constant 0 : i32
      %dma_start3A_84 = tpu.memref_slice %arg15[%dma_start3A_82, %dma_start3A_83] : memref<10x80xi32, #tpu.memory_space<vmem>> -> memref<1x80xi32, #tpu.memory_space<vmem>>
      %dma_start3A_85 = tpu.memref_squeeze %dma_start3A_84 : memref<1x80xi32, #tpu.memory_space<vmem>> -> memref<80xi32, #tpu.memory_space<vmem>>
      %dma_start3A_86 = arith.constant 0 : i32
      %dma_start3A_87 = arith.constant 0 : i32
      %dma_start3A_88 = tpu.memref_slice %arg2[%dma_start3A_86, %dma_start3A_87] : memref<10000x128xf32, #tpu.memory_space<hbm>> -> memref<10000x128xf32, #tpu.memory_space<hbm>>
      tpu.enqueue_indirect_dma source(%dma_start3A_88 : memref<10000x128xf32, #tpu.memory_space<hbm>>) target(%arg17 : memref<80x128xf32, #tpu.memory_space<vmem>>) offsets(%dma_start3A_85 : memref<80xi32, #tpu.memory_space<vmem>>) semaphore(%arg21 : memref<!tpu.dma_semaphore, #tpu.memory_space<semaphore_mem>>)
      %dma_wait3A_89 = arith.constant 8 : i32
      %dma_wait3A_90 = arith.constant 0 : i32
      %dma_wait3A_91 = tpu.memref_slice %arg14[%dma_wait3A_89, %dma_wait3A_90] : memref<10x80xi32, #tpu.memory_space<vmem>> -> memref<1x80xi32, #tpu.memory_space<vmem>>
      %dma_wait3A_92 = tpu.memref_squeeze %dma_wait3A_91 : memref<1x80xi32, #tpu.memory_space<vmem>> -> memref<80xi32, #tpu.memory_space<vmem>>
      %dma_wait3A_93 = arith.constant 0 : i32
      %dma_wait3A_94 = arith.constant 0 : i32
      %dma_wait3A_95 = tpu.memref_slice %arg12[%dma_wait3A_93, %dma_wait3A_94] : memref<10112x128xf32, #tpu.memory_space<vmem_shared>> -> memref<10112x128xf32, #tpu.memory_space<vmem_shared>>
      tpu.wait_indirect_dma semaphore(%arg23 : memref<!tpu.dma_semaphore, #tpu.memory_space<semaphore_mem>>) src(%arg18 : memref<80x128xf32, #tpu.memory_space<vmem>>) dst(%dma_wait3A_95 : memref<10112x128xf32, #tpu.memory_space<vmem_shared>>)
      %dma_start3A_96 = arith.constant 800 : i32
      %dma_start3A_97 = arith.constant 0 : i32
      %dma_start3A_98 = tpu.memref_slice %arg8[%sub3A_19, %dma_start3A_96, %dma_start3A_97] : memref<16x20000x128xf32, #tpu.memory_space<hbm>> -> memref<1x80x128xf32, #tpu.memory_space<hbm>>
      %dma_start3A_99 = tpu.memref_squeeze %dma_start3A_98 : memref<1x80x128xf32, #tpu.memory_space<hbm>> -> memref<80x128xf32, #tpu.memory_space<hbm>>
      %dma_start3A_100 = arith.constant 800 : i32
      %dma_start3A_101 = arith.constant 0 : i32
      %dma_start3A_102 = tpu.memref_slice %arg8[%sub3A_19, %dma_start3A_100, %dma_start3A_101] : memref<16x20000x128xf32, #tpu.memory_space<hbm>> -> memref<1x80x128xf32, #tpu.memory_space<hbm>>
      %dma_start3A_103 = tpu.memref_squeeze %dma_start3A_102 : memref<1x80x128xf32, #tpu.memory_space<hbm>> -> memref<80x128xf32, #tpu.memory_space<hbm>>
      tpu.enqueue_dma source(%dma_start3A_103 : memref<80x128xf32, #tpu.memory_space<hbm>>) target(%arg18 : memref<80x128xf32, #tpu.memory_space<vmem>>) target_semaphore(%arg22 : memref<!tpu.dma_semaphore, #tpu.memory_space<semaphore_mem>>)
      %dma_wait3A_104 = arith.constant 9 : i32
      %dma_wait3A_105 = arith.constant 0 : i32
      %dma_wait3A_106 = tpu.memref_slice %arg14[%dma_wait3A_104, %dma_wait3A_105] : memref<10x80xi32, #tpu.memory_space<vmem>> -> memref<1x80xi32, #tpu.memory_space<vmem>>
      %dma_wait3A_107 = tpu.memref_squeeze %dma_wait3A_106 : memref<1x80xi32, #tpu.memory_space<vmem>> -> memref<80xi32, #tpu.memory_space<vmem>>
      %dma_wait3A_108 = arith.constant 0 : i32
      %dma_wait3A_109 = arith.constant 0 : i32
      %dma_wait3A_110 = tpu.memref_slice %arg12[%dma_wait3A_108, %dma_wait3A_109] : memref<10112x128xf32, #tpu.memory_space<vmem_shared>> -> memref<10112x128xf32, #tpu.memory_space<vmem_shared>>
      tpu.wait_indirect_dma semaphore(%arg23 : memref<!tpu.dma_semaphore, #tpu.memory_space<semaphore_mem>>) src(%arg19 : memref<80x128xf32, #tpu.memory_space<vmem>>) dst(%dma_wait3A_110 : memref<10112x128xf32, #tpu.memory_space<vmem_shared>>)
      %dma_wait3A_111 = arith.constant 9 : i32
      %dma_wait3A_112 = arith.constant 0 : i32
      %dma_wait3A_113 = tpu.memref_slice %arg14[%dma_wait3A_111, %dma_wait3A_112] : memref<10x80xi32, #tpu.memory_space<vmem>> -> memref<1x80xi32, #tpu.memory_space<vmem>>
      %dma_wait3A_114 = tpu.memref_squeeze %dma_wait3A_113 : memref<1x80xi32, #tpu.memory_space<vmem>> -> memref<80xi32, #tpu.memory_space<vmem>>
      %dma_wait3A_115 = arith.constant 0 : i32
      %dma_wait3A_116 = arith.constant 0 : i32
      %dma_wait3A_117 = tpu.memref_slice %arg12[%dma_wait3A_115, %dma_wait3A_116] : memref<10112x128xf32, #tpu.memory_space<vmem_shared>> -> memref<10112x128xf32, #tpu.memory_space<vmem_shared>>
      tpu.wait_indirect_dma semaphore(%arg23 : memref<!tpu.dma_semaphore, #tpu.memory_space<semaphore_mem>>) src(%arg20 : memref<80x128xf32, #tpu.memory_space<vmem>>) dst(%dma_wait3A_117 : memref<10112x128xf32, #tpu.memory_space<vmem_shared>>)
      %dma_start3A_118 = arith.constant 2 : i32
      %dma_start3A_119 = arith.constant 0 : i32
      %dma_start3A_120 = arith.constant 0 : i32
      %dma_start3A_121 = tpu.memref_slice %arg6[%sub3A_19, %dma_start3A_118, %dma_start3A_119, %dma_start3A_120] : memref<16x25x10x80xi32, #tpu.memory_space<hbm>> -> memref<1x1x10x80xi32, #tpu.memory_space<hbm>>
      %dma_start3A_122 = tpu.memref_squeeze %dma_start3A_121 : memref<1x1x10x80xi32, #tpu.memory_space<hbm>> -> memref<10x80xi32, #tpu.memory_space<hbm>>
      %dma_start3A_123 = arith.constant 0 : i32
      %dma_start3A_124 = arith.constant 0 : i32
      %dma_start3A_125 = tpu.memref_slice %arg6[%sub3A_19, %dma_start3A_118, %dma_start3A_123, %dma_start3A_124] : memref<16x25x10x80xi32, #tpu.memory_space<hbm>> -> memref<1x1x10x80xi32, #tpu.memory_space<hbm>>
      %dma_start3A_126 = tpu.memref_squeeze %dma_start3A_125 : memref<1x1x10x80xi32, #tpu.memory_space<hbm>> -> memref<10x80xi32, #tpu.memory_space<hbm>>
      tpu.enqueue_dma source(%dma_start3A_126 : memref<10x80xi32, #tpu.memory_space<hbm>>) target(%arg13 : memref<10x80xi32, #tpu.memory_space<vmem>>) target_semaphore(%arg24 : memref<!tpu.dma_semaphore, #tpu.memory_space<semaphore_mem>>)
      %dma_start3A_127 = arith.constant 2 : i32
      %dma_start3A_128 = arith.constant 0 : i32
      %dma_start3A_129 = arith.constant 0 : i32
      %dma_start3A_130 = tpu.memref_slice %arg7[%sub3A_19, %dma_start3A_127, %dma_start3A_128, %dma_start3A_129] : memref<16x25x10x80xi32, #tpu.memory_space<hbm>> -> memref<1x1x10x80xi32, #tpu.memory_space<hbm>>
      %dma_start3A_131 = tpu.memref_squeeze %dma_start3A_130 : memref<1x1x10x80xi32, #tpu.memory_space<hbm>> -> memref<10x80xi32, #tpu.memory_space<hbm>>
      %dma_start3A_132 = arith.constant 0 : i32
      %dma_start3A_133 = arith.constant 0 : i32
      %dma_start3A_134 = tpu.memref_slice %arg7[%sub3A_19, %dma_start3A_127, %dma_start3A_132, %dma_start3A_133] : memref<16x25x10x80xi32, #tpu.memory_space<hbm>> -> memref<1x1x10x80xi32, #tpu.memory_space<hbm>>
      %dma_start3A_135 = tpu.memref_squeeze %dma_start3A_134 : memref<1x1x10x80xi32, #tpu.memory_space<hbm>> -> memref<10x80xi32, #tpu.memory_space<hbm>>
      tpu.enqueue_dma source(%dma_start3A_135 : memref<10x80xi32, #tpu.memory_space<hbm>>) target(%arg14 : memref<10x80xi32, #tpu.memory_space<vmem>>) target_semaphore(%arg24 : memref<!tpu.dma_semaphore, #tpu.memory_space<semaphore_mem>>)
      %scan3A_136 = arith.constant 0 : i32
      %scan3A_137 = arith.constant 0 : i32
      %scan3A_138 = arith.constant 12 : i32
      %scan3A_139 = arith.addi %scan3A_137, %scan3A_138 : i32
      %scan3A_140 = arith.constant 1 : i32
      scf.for %scan3A_142 = %scan3A_137 to %scan3A_139 step %scan3A_140  : i32 {
        %mul3A_143 = arith.constant 2 : i32
        %mul3A_144 = arith.muli %mul3A_143, %scan3A_142 : i32
        %add3A_145 = arith.constant 1 : i32
        %add3A_146 = arith.addi %mul3A_144, %add3A_145 : i32
        %scan3A_147 = arith.constant 0 : i32
        %scan3A_148 = arith.constant 0 : i32
        %scan3A_149 = arith.constant 5 : i32
        %scan3A_150 = arith.addi %scan3A_148, %scan3A_149 : i32
        %scan3A_151 = arith.constant 1 : i32
        scf.for %scan3A_243 = %scan3A_148 to %scan3A_150 step %scan3A_151  : i32 {
          %gt3A = arith.constant 0 : i32
          %gt3A_244 = arith.cmpi sgt, %scan3A_243, %gt3A : i32
          %convert_element_type3A_245 = arith.extui %gt3A_244 : i1 to i32
          %cond3A_246 = arith.constant 0 : i32
          %cond3A_247 = arith.cmpi ne, %convert_element_type3A_245, %cond3A_246 : i32
          scf.if %cond3A_247 {
            %mul3A_347 = arith.constant 2 : i32
            %mul3A_348 = arith.muli %mul3A_347, %scan3A_243 : i32
            %sub3A_349 = arith.constant 1 : i32
            %sub3A_350 = arith.subi %mul3A_348, %sub3A_349 : i32
            %dma_wait3A_351 = arith.constant 0 : i32
            %dma_wait3A_352 = tpu.memref_slice %arg16[%sub3A_350, %dma_wait3A_351] : memref<10x80xi32, #tpu.memory_space<vmem>> -> memref<1x80xi32, #tpu.memory_space<vmem>>
            %dma_wait3A_353 = tpu.memref_squeeze %dma_wait3A_352 : memref<1x80xi32, #tpu.memory_space<vmem>> -> memref<80xi32, #tpu.memory_space<vmem>>
            %dma_wait3A_354 = arith.constant 0 : i32
            %dma_wait3A_355 = arith.constant 0 : i32
            %dma_wait3A_356 = tpu.memref_slice %arg12[%dma_wait3A_354, %dma_wait3A_355] : memref<10112x128xf32, #tpu.memory_space<vmem_shared>> -> memref<10112x128xf32, #tpu.memory_space<vmem_shared>>
            tpu.wait_indirect_dma semaphore(%arg23 : memref<!tpu.dma_semaphore, #tpu.memory_space<semaphore_mem>>) src(%arg19 : memref<80x128xf32, #tpu.memory_space<vmem>>) dst(%dma_wait3A_356 : memref<10112x128xf32, #tpu.memory_space<vmem_shared>>)
          } else {
          }
          %mul3A_248 = arith.constant 2 : i32
          %mul3A_249 = arith.muli %mul3A_248, %scan3A_243 : i32
          %add3A_250 = arith.constant 1 : i32
          %add3A_251 = arith.addi %mul3A_249, %add3A_250 : i32
          %dma_start3A_252 = arith.constant 0 : i32
          %dma_start3A_253 = tpu.memref_slice %arg15[%add3A_251, %dma_start3A_252] : memref<10x80xi32, #tpu.memory_space<vmem>> -> memref<1x80xi32, #tpu.memory_space<vmem>>
          %dma_start3A_254 = tpu.memref_squeeze %dma_start3A_253 : memref<1x80xi32, #tpu.memory_space<vmem>> -> memref<80xi32, #tpu.memory_space<vmem>>
          %dma_start3A_255 = arith.constant 0 : i32
          %dma_start3A_256 = arith.constant 0 : i32
          %dma_start3A_257 = tpu.memref_slice %arg2[%dma_start3A_255, %dma_start3A_256] : memref<10000x128xf32, #tpu.memory_space<hbm>> -> memref<10000x128xf32, #tpu.memory_space<hbm>>
          tpu.enqueue_indirect_dma source(%dma_start3A_257 : memref<10000x128xf32, #tpu.memory_space<hbm>>) target(%arg19 : memref<80x128xf32, #tpu.memory_space<vmem>>) offsets(%dma_start3A_254 : memref<80xi32, #tpu.memory_space<vmem>>) semaphore(%arg21 : memref<!tpu.dma_semaphore, #tpu.memory_space<semaphore_mem>>)
          %gt3A_258 = arith.constant 0 : i32
          %gt3A_259 = arith.cmpi sgt, %scan3A_243, %gt3A_258 : i32
          %convert_element_type3A_260 = arith.extui %gt3A_259 : i1 to i32
          %cond3A_261 = arith.constant 0 : i32
          %cond3A_262 = arith.cmpi ne, %convert_element_type3A_260, %cond3A_261 : i32
          scf.if %cond3A_262 {
            %mul3A_347 = arith.constant 2 : i32
            %mul3A_348 = arith.muli %mul3A_347, %scan3A_243 : i32
            %sub3A_349 = arith.constant 1 : i32
            %sub3A_350 = arith.subi %mul3A_348, %sub3A_349 : i32
            %dma_wait3A_351 = arith.constant 0 : i32
            %dma_wait3A_352 = tpu.memref_slice %arg16[%sub3A_350, %dma_wait3A_351] : memref<10x80xi32, #tpu.memory_space<vmem>> -> memref<1x80xi32, #tpu.memory_space<vmem>>
            %dma_wait3A_353 = tpu.memref_squeeze %dma_wait3A_352 : memref<1x80xi32, #tpu.memory_space<vmem>> -> memref<80xi32, #tpu.memory_space<vmem>>
            %dma_wait3A_354 = arith.constant 0 : i32
            %dma_wait3A_355 = arith.constant 0 : i32
            %dma_wait3A_356 = tpu.memref_slice %arg12[%dma_wait3A_354, %dma_wait3A_355] : memref<10112x128xf32, #tpu.memory_space<vmem_shared>> -> memref<10112x128xf32, #tpu.memory_space<vmem_shared>>
            tpu.wait_indirect_dma semaphore(%arg23 : memref<!tpu.dma_semaphore, #tpu.memory_space<semaphore_mem>>) src(%arg20 : memref<80x128xf32, #tpu.memory_space<vmem>>) dst(%dma_wait3A_356 : memref<10112x128xf32, #tpu.memory_space<vmem_shared>>)
          } else {
          }
          %mul3A_263 = arith.constant 2 : i32
          %mul3A_264 = arith.muli %mul3A_263, %scan3A_243 : i32
          %add3A_265 = arith.constant 1 : i32
          %add3A_266 = arith.addi %mul3A_264, %add3A_265 : i32
          %mul3A_267 = arith.constant 10 : i32
          %mul3A_268 = arith.muli %add3A_146, %mul3A_267 : i32
          %add3A_269 = arith.addi %mul3A_268, %add3A_266 : i32
          %mul3A_270 = arith.constant 80 : i32
          %mul3A_271 = arith.muli %add3A_269, %mul3A_270 : i32
          %dma_start3A_272 = arith.constant 0 : i32
          %dma_start3A_273 = tpu.memref_slice %arg8[%sub3A_19, %mul3A_271, %dma_start3A_272] : memref<16x20000x128xf32, #tpu.memory_space<hbm>> -> memref<1x80x128xf32, #tpu.memory_space<hbm>>
          %dma_start3A_274 = tpu.memref_squeeze %dma_start3A_273 : memref<1x80x128xf32, #tpu.memory_space<hbm>> -> memref<80x128xf32, #tpu.memory_space<hbm>>
          %dma_start3A_275 = arith.constant 0 : i32
          %dma_start3A_276 = tpu.memref_slice %arg8[%sub3A_19, %mul3A_271, %dma_start3A_275] : memref<16x20000x128xf32, #tpu.memory_space<hbm>> -> memref<1x80x128xf32, #tpu.memory_space<hbm>>
          %dma_start3A_277 = tpu.memref_squeeze %dma_start3A_276 : memref<1x80x128xf32, #tpu.memory_space<hbm>> -> memref<80x128xf32, #tpu.memory_space<hbm>>
          tpu.enqueue_dma source(%dma_start3A_277 : memref<80x128xf32, #tpu.memory_space<hbm>>) target(%arg20 : memref<80x128xf32, #tpu.memory_space<vmem>>) target_semaphore(%arg22 : memref<!tpu.dma_semaphore, #tpu.memory_space<semaphore_mem>>)
          %mul3A_278 = arith.constant 2 : i32
          %mul3A_279 = arith.muli %mul3A_278, %scan3A_243 : i32
          %dma_wait3A_280 = arith.constant 0 : i32
          %dma_wait3A_281 = tpu.memref_slice %arg15[%mul3A_279, %dma_wait3A_280] : memref<10x80xi32, #tpu.memory_space<vmem>> -> memref<1x80xi32, #tpu.memory_space<vmem>>
          %dma_wait3A_282 = tpu.memref_squeeze %dma_wait3A_281 : memref<1x80xi32, #tpu.memory_space<vmem>> -> memref<80xi32, #tpu.memory_space<vmem>>
          %dma_wait3A_283 = arith.constant 0 : i32
          %dma_wait3A_284 = arith.constant 0 : i32
          %dma_wait3A_285 = tpu.memref_slice %arg2[%dma_wait3A_283, %dma_wait3A_284] : memref<10000x128xf32, #tpu.memory_space<hbm>> -> memref<10000x128xf32, #tpu.memory_space<hbm>>
          tpu.wait_indirect_dma semaphore(%arg21 : memref<!tpu.dma_semaphore, #tpu.memory_space<semaphore_mem>>) src(%dma_wait3A_285 : memref<10000x128xf32, #tpu.memory_space<hbm>>) dst(%arg17 : memref<80x128xf32, #tpu.memory_space<vmem>>)
          %dma_start3A_286 = arith.constant 0 : i32
          %dma_start3A_287 = tpu.memref_slice %arg16[%mul3A_279, %dma_start3A_286] : memref<10x80xi32, #tpu.memory_space<vmem>> -> memref<1x80xi32, #tpu.memory_space<vmem>>
          %dma_start3A_288 = tpu.memref_squeeze %dma_start3A_287 : memref<1x80xi32, #tpu.memory_space<vmem>> -> memref<80xi32, #tpu.memory_space<vmem>>
          %dma_start3A_289 = arith.constant 0 : i32
          %dma_start3A_290 = arith.constant 0 : i32
          %dma_start3A_291 = tpu.memref_slice %arg12[%dma_start3A_289, %dma_start3A_290] : memref<10112x128xf32, #tpu.memory_space<vmem_shared>> -> memref<10112x128xf32, #tpu.memory_space<vmem_shared>>
          tpu.enqueue_indirect_dma source(%arg17 : memref<80x128xf32, #tpu.memory_space<vmem>>) target(%dma_start3A_291 : memref<10112x128xf32, #tpu.memory_space<vmem_shared>>) offsets(%dma_start3A_288 : memref<80xi32, #tpu.memory_space<vmem>>) semaphore(%arg23 : memref<!tpu.dma_semaphore, #tpu.memory_space<semaphore_mem>>) {add = true}
          %mul3A_292 = arith.constant 10 : i32
          %mul3A_293 = arith.muli %add3A_146, %mul3A_292 : i32
          %add3A_294 = arith.addi %mul3A_293, %mul3A_279 : i32
          %mul3A_295 = arith.constant 80 : i32
          %mul3A_296 = arith.muli %add3A_294, %mul3A_295 : i32
          %dma_wait3A_297 = arith.constant 0 : i32
          %dma_wait3A_298 = tpu.memref_slice %arg8[%sub3A_19, %mul3A_296, %dma_wait3A_297] : memref<16x20000x128xf32, #tpu.memory_space<hbm>> -> memref<1x80x128xf32, #tpu.memory_space<hbm>>
          %dma_wait3A_299 = tpu.memref_squeeze %dma_wait3A_298 : memref<1x80x128xf32, #tpu.memory_space<hbm>> -> memref<80x128xf32, #tpu.memory_space<hbm>>
          %dma_wait3A_300 = arith.constant 0 : i32
          %dma_wait3A_301 = tpu.memref_slice %arg8[%sub3A_19, %mul3A_296, %dma_wait3A_300] : memref<16x20000x128xf32, #tpu.memory_space<hbm>> -> memref<1x80x128xf32, #tpu.memory_space<hbm>>
          %dma_wait3A_302 = tpu.memref_squeeze %dma_wait3A_301 : memref<1x80x128xf32, #tpu.memory_space<hbm>> -> memref<80x128xf32, #tpu.memory_space<hbm>>
          tpu.wait_dma2 semaphore(%arg22 : memref<!tpu.dma_semaphore, #tpu.memory_space<semaphore_mem>>) src(%dma_wait3A_302 : memref<80x128xf32, #tpu.memory_space<hbm>>) dst(%arg18 : memref<80x128xf32, #tpu.memory_space<vmem>>)
          %dma_start3A_303 = arith.constant 0 : i32
          %dma_start3A_304 = tpu.memref_slice %arg16[%mul3A_279, %dma_start3A_303] : memref<10x80xi32, #tpu.memory_space<vmem>> -> memref<1x80xi32, #tpu.memory_space<vmem>>
          %dma_start3A_305 = tpu.memref_squeeze %dma_start3A_304 : memref<1x80xi32, #tpu.memory_space<vmem>> -> memref<80xi32, #tpu.memory_space<vmem>>
          %dma_start3A_306 = arith.constant 0 : i32
          %dma_start3A_307 = arith.constant 0 : i32
          %dma_start3A_308 = tpu.memref_slice %arg12[%dma_start3A_306, %dma_start3A_307] : memref<10112x128xf32, #tpu.memory_space<vmem_shared>> -> memref<10112x128xf32, #tpu.memory_space<vmem_shared>>
          tpu.enqueue_indirect_dma source(%arg18 : memref<80x128xf32, #tpu.memory_space<vmem>>) target(%dma_start3A_308 : memref<10112x128xf32, #tpu.memory_space<vmem_shared>>) offsets(%dma_start3A_305 : memref<80xi32, #tpu.memory_space<vmem>>) semaphore(%arg23 : memref<!tpu.dma_semaphore, #tpu.memory_space<semaphore_mem>>) {add = true}
          %lt3A_309 = arith.constant 4 : i32
          %lt3A_310 = arith.cmpi slt, %scan3A_243, %lt3A_309 : i32
          %convert_element_type3A_311 = arith.extui %lt3A_310 : i1 to i32
          %cond3A_312 = arith.constant 0 : i32
          %cond3A_313 = arith.cmpi ne, %convert_element_type3A_311, %cond3A_312 : i32
          scf.if %cond3A_313 {
            %mul3A_347 = arith.constant 2 : i32
            %mul3A_348 = arith.muli %mul3A_347, %scan3A_243 : i32
            %dma_wait3A_349 = arith.constant 0 : i32
            %dma_wait3A_350 = tpu.memref_slice %arg16[%mul3A_348, %dma_wait3A_349] : memref<10x80xi32, #tpu.memory_space<vmem>> -> memref<1x80xi32, #tpu.memory_space<vmem>>
            %dma_wait3A_351 = tpu.memref_squeeze %dma_wait3A_350 : memref<1x80xi32, #tpu.memory_space<vmem>> -> memref<80xi32, #tpu.memory_space<vmem>>
            %dma_wait3A_352 = arith.constant 0 : i32
            %dma_wait3A_353 = arith.constant 0 : i32
            %dma_wait3A_354 = tpu.memref_slice %arg12[%dma_wait3A_352, %dma_wait3A_353] : memref<10112x128xf32, #tpu.memory_space<vmem_shared>> -> memref<10112x128xf32, #tpu.memory_space<vmem_shared>>
            tpu.wait_indirect_dma semaphore(%arg23 : memref<!tpu.dma_semaphore, #tpu.memory_space<semaphore_mem>>) src(%arg17 : memref<80x128xf32, #tpu.memory_space<vmem>>) dst(%dma_wait3A_354 : memref<10112x128xf32, #tpu.memory_space<vmem_shared>>)
            %mul3A_355 = arith.constant 2 : i32
            %mul3A_356 = arith.muli %mul3A_355, %scan3A_243 : i32
            %add3A_357 = arith.constant 2 : i32
            %add3A_358 = arith.addi %mul3A_356, %add3A_357 : i32
            %dma_start3A_359 = arith.constant 0 : i32
            %dma_start3A_360 = tpu.memref_slice %arg15[%add3A_358, %dma_start3A_359] : memref<10x80xi32, #tpu.memory_space<vmem>> -> memref<1x80xi32, #tpu.memory_space<vmem>>
            %dma_start3A_361 = tpu.memref_squeeze %dma_start3A_360 : memref<1x80xi32, #tpu.memory_space<vmem>> -> memref<80xi32, #tpu.memory_space<vmem>>
            %dma_start3A_362 = arith.constant 0 : i32
            %dma_start3A_363 = arith.constant 0 : i32
            %dma_start3A_364 = tpu.memref_slice %arg2[%dma_start3A_362, %dma_start3A_363] : memref<10000x128xf32, #tpu.memory_space<hbm>> -> memref<10000x128xf32, #tpu.memory_space<hbm>>
            tpu.enqueue_indirect_dma source(%dma_start3A_364 : memref<10000x128xf32, #tpu.memory_space<hbm>>) target(%arg17 : memref<80x128xf32, #tpu.memory_space<vmem>>) offsets(%dma_start3A_361 : memref<80xi32, #tpu.memory_space<vmem>>) semaphore(%arg21 : memref<!tpu.dma_semaphore, #tpu.memory_space<semaphore_mem>>)
            %mul3A_365 = arith.constant 2 : i32
            %mul3A_366 = arith.muli %mul3A_365, %scan3A_243 : i32
            %dma_wait3A_367 = arith.constant 0 : i32
            %dma_wait3A_368 = tpu.memref_slice %arg16[%mul3A_366, %dma_wait3A_367] : memref<10x80xi32, #tpu.memory_space<vmem>> -> memref<1x80xi32, #tpu.memory_space<vmem>>
            %dma_wait3A_369 = tpu.memref_squeeze %dma_wait3A_368 : memref<1x80xi32, #tpu.memory_space<vmem>> -> memref<80xi32, #tpu.memory_space<vmem>>
            %dma_wait3A_370 = arith.constant 0 : i32
            %dma_wait3A_371 = arith.constant 0 : i32
            %dma_wait3A_372 = tpu.memref_slice %arg12[%dma_wait3A_370, %dma_wait3A_371] : memref<10112x128xf32, #tpu.memory_space<vmem_shared>> -> memref<10112x128xf32, #tpu.memory_space<vmem_shared>>
            tpu.wait_indirect_dma semaphore(%arg23 : memref<!tpu.dma_semaphore, #tpu.memory_space<semaphore_mem>>) src(%arg18 : memref<80x128xf32, #tpu.memory_space<vmem>>) dst(%dma_wait3A_372 : memref<10112x128xf32, #tpu.memory_space<vmem_shared>>)
            %mul3A_373 = arith.constant 2 : i32
            %mul3A_374 = arith.muli %mul3A_373, %scan3A_243 : i32
            %add3A_375 = arith.constant 2 : i32
            %add3A_376 = arith.addi %mul3A_374, %add3A_375 : i32
            %mul3A_377 = arith.constant 10 : i32
            %mul3A_378 = arith.muli %add3A_146, %mul3A_377 : i32
            %add3A_379 = arith.addi %mul3A_378, %add3A_376 : i32
            %mul3A_380 = arith.constant 80 : i32
            %mul3A_381 = arith.muli %add3A_379, %mul3A_380 : i32
            %dma_start3A_382 = arith.constant 0 : i32
            %dma_start3A_383 = tpu.memref_slice %arg8[%sub3A_19, %mul3A_381, %dma_start3A_382] : memref<16x20000x128xf32, #tpu.memory_space<hbm>> -> memref<1x80x128xf32, #tpu.memory_space<hbm>>
            %dma_start3A_384 = tpu.memref_squeeze %dma_start3A_383 : memref<1x80x128xf32, #tpu.memory_space<hbm>> -> memref<80x128xf32, #tpu.memory_space<hbm>>
            %dma_start3A_385 = arith.constant 0 : i32
            %dma_start3A_386 = tpu.memref_slice %arg8[%sub3A_19, %mul3A_381, %dma_start3A_385] : memref<16x20000x128xf32, #tpu.memory_space<hbm>> -> memref<1x80x128xf32, #tpu.memory_space<hbm>>
            %dma_start3A_387 = tpu.memref_squeeze %dma_start3A_386 : memref<1x80x128xf32, #tpu.memory_space<hbm>> -> memref<80x128xf32, #tpu.memory_space<hbm>>
            tpu.enqueue_dma source(%dma_start3A_387 : memref<80x128xf32, #tpu.memory_space<hbm>>) target(%arg18 : memref<80x128xf32, #tpu.memory_space<vmem>>) target_semaphore(%arg22 : memref<!tpu.dma_semaphore, #tpu.memory_space<semaphore_mem>>)
          } else {
          }
          %mul3A_314 = arith.constant 2 : i32
          %mul3A_315 = arith.muli %mul3A_314, %scan3A_243 : i32
          %add3A_316 = arith.constant 1 : i32
          %add3A_317 = arith.addi %mul3A_315, %add3A_316 : i32
          %dma_wait3A_318 = arith.constant 0 : i32
          %dma_wait3A_319 = tpu.memref_slice %arg15[%add3A_317, %dma_wait3A_318] : memref<10x80xi32, #tpu.memory_space<vmem>> -> memref<1x80xi32, #tpu.memory_space<vmem>>
          %dma_wait3A_320 = tpu.memref_squeeze %dma_wait3A_319 : memref<1x80xi32, #tpu.memory_space<vmem>> -> memref<80xi32, #tpu.memory_space<vmem>>
          %dma_wait3A_321 = arith.constant 0 : i32
          %dma_wait3A_322 = arith.constant 0 : i32
          %dma_wait3A_323 = tpu.memref_slice %arg2[%dma_wait3A_321, %dma_wait3A_322] : memref<10000x128xf32, #tpu.memory_space<hbm>> -> memref<10000x128xf32, #tpu.memory_space<hbm>>
          tpu.wait_indirect_dma semaphore(%arg21 : memref<!tpu.dma_semaphore, #tpu.memory_space<semaphore_mem>>) src(%dma_wait3A_323 : memref<10000x128xf32, #tpu.memory_space<hbm>>) dst(%arg19 : memref<80x128xf32, #tpu.memory_space<vmem>>)
          %dma_start3A_324 = arith.constant 0 : i32
          %dma_start3A_325 = tpu.memref_slice %arg16[%add3A_317, %dma_start3A_324] : memref<10x80xi32, #tpu.memory_space<vmem>> -> memref<1x80xi32, #tpu.memory_space<vmem>>
          %dma_start3A_326 = tpu.memref_squeeze %dma_start3A_325 : memref<1x80xi32, #tpu.memory_space<vmem>> -> memref<80xi32, #tpu.memory_space<vmem>>
          %dma_start3A_327 = arith.constant 0 : i32
          %dma_start3A_328 = arith.constant 0 : i32
          %dma_start3A_329 = tpu.memref_slice %arg12[%dma_start3A_327, %dma_start3A_328] : memref<10112x128xf32, #tpu.memory_space<vmem_shared>> -> memref<10112x128xf32, #tpu.memory_space<vmem_shared>>
          tpu.enqueue_indirect_dma source(%arg19 : memref<80x128xf32, #tpu.memory_space<vmem>>) target(%dma_start3A_329 : memref<10112x128xf32, #tpu.memory_space<vmem_shared>>) offsets(%dma_start3A_326 : memref<80xi32, #tpu.memory_space<vmem>>) semaphore(%arg23 : memref<!tpu.dma_semaphore, #tpu.memory_space<semaphore_mem>>) {add = true}
          %mul3A_330 = arith.constant 10 : i32
          %mul3A_331 = arith.muli %add3A_146, %mul3A_330 : i32
          %add3A_332 = arith.addi %mul3A_331, %add3A_317 : i32
          %mul3A_333 = arith.constant 80 : i32
          %mul3A_334 = arith.muli %add3A_332, %mul3A_333 : i32
          %dma_wait3A_335 = arith.constant 0 : i32
          %dma_wait3A_336 = tpu.memref_slice %arg8[%sub3A_19, %mul3A_334, %dma_wait3A_335] : memref<16x20000x128xf32, #tpu.memory_space<hbm>> -> memref<1x80x128xf32, #tpu.memory_space<hbm>>
          %dma_wait3A_337 = tpu.memref_squeeze %dma_wait3A_336 : memref<1x80x128xf32, #tpu.memory_space<hbm>> -> memref<80x128xf32, #tpu.memory_space<hbm>>
          %dma_wait3A_338 = arith.constant 0 : i32
          %dma_wait3A_339 = tpu.memref_slice %arg8[%sub3A_19, %mul3A_334, %dma_wait3A_338] : memref<16x20000x128xf32, #tpu.memory_space<hbm>> -> memref<1x80x128xf32, #tpu.memory_space<hbm>>
          %dma_wait3A_340 = tpu.memref_squeeze %dma_wait3A_339 : memref<1x80x128xf32, #tpu.memory_space<hbm>> -> memref<80x128xf32, #tpu.memory_space<hbm>>
          tpu.wait_dma2 semaphore(%arg22 : memref<!tpu.dma_semaphore, #tpu.memory_space<semaphore_mem>>) src(%dma_wait3A_340 : memref<80x128xf32, #tpu.memory_space<hbm>>) dst(%arg20 : memref<80x128xf32, #tpu.memory_space<vmem>>)
          %dma_start3A_341 = arith.constant 0 : i32
          %dma_start3A_342 = tpu.memref_slice %arg16[%add3A_317, %dma_start3A_341] : memref<10x80xi32, #tpu.memory_space<vmem>> -> memref<1x80xi32, #tpu.memory_space<vmem>>
          %dma_start3A_343 = tpu.memref_squeeze %dma_start3A_342 : memref<1x80xi32, #tpu.memory_space<vmem>> -> memref<80xi32, #tpu.memory_space<vmem>>
          %dma_start3A_344 = arith.constant 0 : i32
          %dma_start3A_345 = arith.constant 0 : i32
          %dma_start3A_346 = tpu.memref_slice %arg12[%dma_start3A_344, %dma_start3A_345] : memref<10112x128xf32, #tpu.memory_space<vmem_shared>> -> memref<10112x128xf32, #tpu.memory_space<vmem_shared>>
          tpu.enqueue_indirect_dma source(%arg20 : memref<80x128xf32, #tpu.memory_space<vmem>>) target(%dma_start3A_346 : memref<10112x128xf32, #tpu.memory_space<vmem_shared>>) offsets(%dma_start3A_343 : memref<80xi32, #tpu.memory_space<vmem>>) semaphore(%arg23 : memref<!tpu.dma_semaphore, #tpu.memory_space<semaphore_mem>>) {add = true}
        }
        %scan3A_152 = arith.constant 5 : i32
        %add3A_153 = arith.constant 1 : i32
        %add3A_154 = arith.addi %add3A_146, %add3A_153 : i32
        %dma_wait3A_155 = arith.constant 0 : i32
        %dma_wait3A_156 = arith.constant 0 : i32
        %dma_wait3A_157 = tpu.memref_slice %arg6[%sub3A_19, %add3A_154, %dma_wait3A_155, %dma_wait3A_156] : memref<16x25x10x80xi32, #tpu.memory_space<hbm>> -> memref<1x1x10x80xi32, #tpu.memory_space<hbm>>
        %dma_wait3A_158 = tpu.memref_squeeze %dma_wait3A_157 : memref<1x1x10x80xi32, #tpu.memory_space<hbm>> -> memref<10x80xi32, #tpu.memory_space<hbm>>
        %dma_wait3A_159 = arith.constant 0 : i32
        %dma_wait3A_160 = arith.constant 0 : i32
        %dma_wait3A_161 = tpu.memref_slice %arg6[%sub3A_19, %add3A_154, %dma_wait3A_159, %dma_wait3A_160] : memref<16x25x10x80xi32, #tpu.memory_space<hbm>> -> memref<1x1x10x80xi32, #tpu.memory_space<hbm>>
        %dma_wait3A_162 = tpu.memref_squeeze %dma_wait3A_161 : memref<1x1x10x80xi32, #tpu.memory_space<hbm>> -> memref<10x80xi32, #tpu.memory_space<hbm>>
        tpu.wait_dma2 semaphore(%arg24 : memref<!tpu.dma_semaphore, #tpu.memory_space<semaphore_mem>>) src(%dma_wait3A_162 : memref<10x80xi32, #tpu.memory_space<hbm>>) dst(%arg13 : memref<10x80xi32, #tpu.memory_space<vmem>>)
        %dma_wait3A_163 = arith.constant 0 : i32
        %dma_wait3A_164 = arith.constant 0 : i32
        %dma_wait3A_165 = tpu.memref_slice %arg7[%sub3A_19, %add3A_154, %dma_wait3A_163, %dma_wait3A_164] : memref<16x25x10x80xi32, #tpu.memory_space<hbm>> -> memref<1x1x10x80xi32, #tpu.memory_space<hbm>>
        %dma_wait3A_166 = tpu.memref_squeeze %dma_wait3A_165 : memref<1x1x10x80xi32, #tpu.memory_space<hbm>> -> memref<10x80xi32, #tpu.memory_space<hbm>>
        %dma_wait3A_167 = arith.constant 0 : i32
        %dma_wait3A_168 = arith.constant 0 : i32
        %dma_wait3A_169 = tpu.memref_slice %arg7[%sub3A_19, %add3A_154, %dma_wait3A_167, %dma_wait3A_168] : memref<16x25x10x80xi32, #tpu.memory_space<hbm>> -> memref<1x1x10x80xi32, #tpu.memory_space<hbm>>
        %dma_wait3A_170 = tpu.memref_squeeze %dma_wait3A_169 : memref<1x1x10x80xi32, #tpu.memory_space<hbm>> -> memref<10x80xi32, #tpu.memory_space<hbm>>
        tpu.wait_dma2 semaphore(%arg24 : memref<!tpu.dma_semaphore, #tpu.memory_space<semaphore_mem>>) src(%dma_wait3A_170 : memref<10x80xi32, #tpu.memory_space<hbm>>) dst(%arg14 : memref<10x80xi32, #tpu.memory_space<vmem>>)
        %add3A_171 = arith.constant 1 : i32
        %add3A_172 = arith.addi %add3A_146, %add3A_171 : i32
        %dma_wait3A_173 = arith.constant 8 : i32
        %dma_wait3A_174 = arith.constant 0 : i32
        %dma_wait3A_175 = tpu.memref_slice %arg16[%dma_wait3A_173, %dma_wait3A_174] : memref<10x80xi32, #tpu.memory_space<vmem>> -> memref<1x80xi32, #tpu.memory_space<vmem>>
        %dma_wait3A_176 = tpu.memref_squeeze %dma_wait3A_175 : memref<1x80xi32, #tpu.memory_space<vmem>> -> memref<80xi32, #tpu.memory_space<vmem>>
        %dma_wait3A_177 = arith.constant 0 : i32
        %dma_wait3A_178 = arith.constant 0 : i32
        %dma_wait3A_179 = tpu.memref_slice %arg12[%dma_wait3A_177, %dma_wait3A_178] : memref<10112x128xf32, #tpu.memory_space<vmem_shared>> -> memref<10112x128xf32, #tpu.memory_space<vmem_shared>>
        tpu.wait_indirect_dma semaphore(%arg23 : memref<!tpu.dma_semaphore, #tpu.memory_space<semaphore_mem>>) src(%arg17 : memref<80x128xf32, #tpu.memory_space<vmem>>) dst(%dma_wait3A_179 : memref<10112x128xf32, #tpu.memory_space<vmem_shared>>)
        %dma_start3A_180 = arith.constant 0 : i32
        %dma_start3A_181 = arith.constant 0 : i32
        %dma_start3A_182 = tpu.memref_slice %arg13[%dma_start3A_180, %dma_start3A_181] : memref<10x80xi32, #tpu.memory_space<vmem>> -> memref<1x80xi32, #tpu.memory_space<vmem>>
        %dma_start3A_183 = tpu.memref_squeeze %dma_start3A_182 : memref<1x80xi32, #tpu.memory_space<vmem>> -> memref<80xi32, #tpu.memory_space<vmem>>
        %dma_start3A_184 = arith.constant 0 : i32
        %dma_start3A_185 = arith.constant 0 : i32
        %dma_start3A_186 = tpu.memref_slice %arg2[%dma_start3A_184, %dma_start3A_185] : memref<10000x128xf32, #tpu.memory_space<hbm>> -> memref<10000x128xf32, #tpu.memory_space<hbm>>
        tpu.enqueue_indirect_dma source(%dma_start3A_186 : memref<10000x128xf32, #tpu.memory_space<hbm>>) target(%arg17 : memref<80x128xf32, #tpu.memory_space<vmem>>) offsets(%dma_start3A_183 : memref<80xi32, #tpu.memory_space<vmem>>) semaphore(%arg21 : memref<!tpu.dma_semaphore, #tpu.memory_space<semaphore_mem>>)
        %dma_wait3A_187 = arith.constant 8 : i32
        %dma_wait3A_188 = arith.constant 0 : i32
        %dma_wait3A_189 = tpu.memref_slice %arg16[%dma_wait3A_187, %dma_wait3A_188] : memref<10x80xi32, #tpu.memory_space<vmem>> -> memref<1x80xi32, #tpu.memory_space<vmem>>
        %dma_wait3A_190 = tpu.memref_squeeze %dma_wait3A_189 : memref<1x80xi32, #tpu.memory_space<vmem>> -> memref<80xi32, #tpu.memory_space<vmem>>
        %dma_wait3A_191 = arith.constant 0 : i32
        %dma_wait3A_192 = arith.constant 0 : i32
        %dma_wait3A_193 = tpu.memref_slice %arg12[%dma_wait3A_191, %dma_wait3A_192] : memref<10112x128xf32, #tpu.memory_space<vmem_shared>> -> memref<10112x128xf32, #tpu.memory_space<vmem_shared>>
        tpu.wait_indirect_dma semaphore(%arg23 : memref<!tpu.dma_semaphore, #tpu.memory_space<semaphore_mem>>) src(%arg18 : memref<80x128xf32, #tpu.memory_space<vmem>>) dst(%dma_wait3A_193 : memref<10112x128xf32, #tpu.memory_space<vmem_shared>>)
        %mul3A_194 = arith.constant 10 : i32
        %mul3A_195 = arith.muli %add3A_172, %mul3A_194 : i32
        %add3A_196 = arith.constant 0 : i32
        %add3A_197 = arith.addi %mul3A_195, %add3A_196 : i32
        %mul3A_198 = arith.constant 80 : i32
        %mul3A_199 = arith.muli %add3A_197, %mul3A_198 : i32
        %dma_start3A_200 = arith.constant 0 : i32
        %dma_start3A_201 = tpu.memref_slice %arg8[%sub3A_19, %mul3A_199, %dma_start3A_200] : memref<16x20000x128xf32, #tpu.memory_space<hbm>> -> memref<1x80x128xf32, #tpu.memory_space<hbm>>
        %dma_start3A_202 = tpu.memref_squeeze %dma_start3A_201 : memref<1x80x128xf32, #tpu.memory_space<hbm>> -> memref<80x128xf32, #tpu.memory_space<hbm>>
        %dma_start3A_203 = arith.constant 0 : i32
        %dma_start3A_204 = tpu.memref_slice %arg8[%sub3A_19, %mul3A_199, %dma_start3A_203] : memref<16x20000x128xf32, #tpu.memory_space<hbm>> -> memref<1x80x128xf32, #tpu.memory_space<hbm>>
        %dma_start3A_205 = tpu.memref_squeeze %dma_start3A_204 : memref<1x80x128xf32, #tpu.memory_space<hbm>> -> memref<80x128xf32, #tpu.memory_space<hbm>>
        tpu.enqueue_dma source(%dma_start3A_205 : memref<80x128xf32, #tpu.memory_space<hbm>>) target(%arg18 : memref<80x128xf32, #tpu.memory_space<vmem>>) target_semaphore(%arg22 : memref<!tpu.dma_semaphore, #tpu.memory_space<semaphore_mem>>)
        %dma_wait3A_206 = arith.constant 9 : i32
        %dma_wait3A_207 = arith.constant 0 : i32
        %dma_wait3A_208 = tpu.memref_slice %arg16[%dma_wait3A_206, %dma_wait3A_207] : memref<10x80xi32, #tpu.memory_space<vmem>> -> memref<1x80xi32, #tpu.memory_space<vmem>>
        %dma_wait3A_209 = tpu.memref_squeeze %dma_wait3A_208 : memref<1x80xi32, #tpu.memory_space<vmem>> -> memref<80xi32, #tpu.memory_space<vmem>>
        %dma_wait3A_210 = arith.constant 0 : i32
        %dma_wait3A_211 = arith.constant 0 : i32
        %dma_wait3A_212 = tpu.memref_slice %arg12[%dma_wait3A_210, %dma_wait3A_211] : memref<10112x128xf32, #tpu.memory_space<vmem_shared>> -> memref<10112x128xf32, #tpu.memory_space<vmem_shared>>
        tpu.wait_indirect_dma semaphore(%arg23 : memref<!tpu.dma_semaphore, #tpu.memory_space<semaphore_mem>>) src(%arg19 : memref<80x128xf32, #tpu.memory_space<vmem>>) dst(%dma_wait3A_212 : memref<10112x128xf32, #tpu.memory_space<vmem_shared>>)
        %dma_wait3A_213 = arith.constant 9 : i32
        %dma_wait3A_214 = arith.constant 0 : i32
        %dma_wait3A_215 = tpu.memref_slice %arg16[%dma_wait3A_213, %dma_wait3A_214] : memref<10x80xi32, #tpu.memory_space<vmem>> -> memref<1x80xi32, #tpu.memory_space<vmem>>
        %dma_wait3A_216 = tpu.memref_squeeze %dma_wait3A_215 : memref<1x80xi32, #tpu.memory_space<vmem>> -> memref<80xi32, #tpu.memory_space<vmem>>
        %dma_wait3A_217 = arith.constant 0 : i32
        %dma_wait3A_218 = arith.constant 0 : i32
        %dma_wait3A_219 = tpu.memref_slice %arg12[%dma_wait3A_217, %dma_wait3A_218] : memref<10112x128xf32, #tpu.memory_space<vmem_shared>> -> memref<10112x128xf32, #tpu.memory_space<vmem_shared>>
        tpu.wait_indirect_dma semaphore(%arg23 : memref<!tpu.dma_semaphore, #tpu.memory_space<semaphore_mem>>) src(%arg20 : memref<80x128xf32, #tpu.memory_space<vmem>>) dst(%dma_wait3A_219 : memref<10112x128xf32, #tpu.memory_space<vmem_shared>>)
        %lt3A_220 = arith.constant 11 : i32
        %lt3A_221 = arith.cmpi slt, %scan3A_142, %lt3A_220 : i32
        %convert_element_type3A_222 = arith.extui %lt3A_221 : i1 to i32
        %cond3A_223 = arith.constant 0 : i32
        %cond3A_224 = arith.cmpi ne, %convert_element_type3A_222, %cond3A_223 : i32
        scf.if %cond3A_224 {
          %add3A_243 = arith.constant 2 : i32
          %add3A_244 = arith.addi %add3A_146, %add3A_243 : i32
          %dma_start3A_245 = arith.constant 0 : i32
          %dma_start3A_246 = arith.constant 0 : i32
          %dma_start3A_247 = tpu.memref_slice %arg6[%sub3A_19, %add3A_244, %dma_start3A_245, %dma_start3A_246] : memref<16x25x10x80xi32, #tpu.memory_space<hbm>> -> memref<1x1x10x80xi32, #tpu.memory_space<hbm>>
          %dma_start3A_248 = tpu.memref_squeeze %dma_start3A_247 : memref<1x1x10x80xi32, #tpu.memory_space<hbm>> -> memref<10x80xi32, #tpu.memory_space<hbm>>
          %dma_start3A_249 = arith.constant 0 : i32
          %dma_start3A_250 = arith.constant 0 : i32
          %dma_start3A_251 = tpu.memref_slice %arg6[%sub3A_19, %add3A_244, %dma_start3A_249, %dma_start3A_250] : memref<16x25x10x80xi32, #tpu.memory_space<hbm>> -> memref<1x1x10x80xi32, #tpu.memory_space<hbm>>
          %dma_start3A_252 = tpu.memref_squeeze %dma_start3A_251 : memref<1x1x10x80xi32, #tpu.memory_space<hbm>> -> memref<10x80xi32, #tpu.memory_space<hbm>>
          tpu.enqueue_dma source(%dma_start3A_252 : memref<10x80xi32, #tpu.memory_space<hbm>>) target(%arg15 : memref<10x80xi32, #tpu.memory_space<vmem>>) target_semaphore(%arg24 : memref<!tpu.dma_semaphore, #tpu.memory_space<semaphore_mem>>)
          %dma_start3A_253 = arith.constant 0 : i32
          %dma_start3A_254 = arith.constant 0 : i32
          %dma_start3A_255 = tpu.memref_slice %arg7[%sub3A_19, %add3A_244, %dma_start3A_253, %dma_start3A_254] : memref<16x25x10x80xi32, #tpu.memory_space<hbm>> -> memref<1x1x10x80xi32, #tpu.memory_space<hbm>>
          %dma_start3A_256 = tpu.memref_squeeze %dma_start3A_255 : memref<1x1x10x80xi32, #tpu.memory_space<hbm>> -> memref<10x80xi32, #tpu.memory_space<hbm>>
          %dma_start3A_257 = arith.constant 0 : i32
          %dma_start3A_258 = arith.constant 0 : i32
          %dma_start3A_259 = tpu.memref_slice %arg7[%sub3A_19, %add3A_244, %dma_start3A_257, %dma_start3A_258] : memref<16x25x10x80xi32, #tpu.memory_space<hbm>> -> memref<1x1x10x80xi32, #tpu.memory_space<hbm>>
          %dma_start3A_260 = tpu.memref_squeeze %dma_start3A_259 : memref<1x1x10x80xi32, #tpu.memory_space<hbm>> -> memref<10x80xi32, #tpu.memory_space<hbm>>
          tpu.enqueue_dma source(%dma_start3A_260 : memref<10x80xi32, #tpu.memory_space<hbm>>) target(%arg16 : memref<10x80xi32, #tpu.memory_space<vmem>>) target_semaphore(%arg24 : memref<!tpu.dma_semaphore, #tpu.memory_space<semaphore_mem>>)
        } else {
        }
        %add3A_225 = arith.constant 1 : i32
        %add3A_226 = arith.addi %add3A_146, %add3A_225 : i32
        %scan3A_227 = arith.constant 0 : i32
        %scan3A_228 = arith.constant 0 : i32
        %scan3A_229 = arith.constant 5 : i32
        %scan3A_230 = arith.addi %scan3A_228, %scan3A_229 : i32
        %scan3A_231 = arith.constant 1 : i32
        scf.for %scan3A_243 = %scan3A_228 to %scan3A_230 step %scan3A_231  : i32 {
          %gt3A = arith.constant 0 : i32
          %gt3A_244 = arith.cmpi sgt, %scan3A_243, %gt3A : i32
          %convert_element_type3A_245 = arith.extui %gt3A_244 : i1 to i32
          %cond3A_246 = arith.constant 0 : i32
          %cond3A_247 = arith.cmpi ne, %convert_element_type3A_245, %cond3A_246 : i32
          scf.if %cond3A_247 {
            %mul3A_347 = arith.constant 2 : i32
            %mul3A_348 = arith.muli %mul3A_347, %scan3A_243 : i32
            %sub3A_349 = arith.constant 1 : i32
            %sub3A_350 = arith.subi %mul3A_348, %sub3A_349 : i32
            %dma_wait3A_351 = arith.constant 0 : i32
            %dma_wait3A_352 = tpu.memref_slice %arg14[%sub3A_350, %dma_wait3A_351] : memref<10x80xi32, #tpu.memory_space<vmem>> -> memref<1x80xi32, #tpu.memory_space<vmem>>
            %dma_wait3A_353 = tpu.memref_squeeze %dma_wait3A_352 : memref<1x80xi32, #tpu.memory_space<vmem>> -> memref<80xi32, #tpu.memory_space<vmem>>
            %dma_wait3A_354 = arith.constant 0 : i32
            %dma_wait3A_355 = arith.constant 0 : i32
            %dma_wait3A_356 = tpu.memref_slice %arg12[%dma_wait3A_354, %dma_wait3A_355] : memref<10112x128xf32, #tpu.memory_space<vmem_shared>> -> memref<10112x128xf32, #tpu.memory_space<vmem_shared>>
            tpu.wait_indirect_dma semaphore(%arg23 : memref<!tpu.dma_semaphore, #tpu.memory_space<semaphore_mem>>) src(%arg19 : memref<80x128xf32, #tpu.memory_space<vmem>>) dst(%dma_wait3A_356 : memref<10112x128xf32, #tpu.memory_space<vmem_shared>>)
          } else {
          }
          %mul3A_248 = arith.constant 2 : i32
          %mul3A_249 = arith.muli %mul3A_248, %scan3A_243 : i32
          %add3A_250 = arith.constant 1 : i32
          %add3A_251 = arith.addi %mul3A_249, %add3A_250 : i32
          %dma_start3A_252 = arith.constant 0 : i32
          %dma_start3A_253 = tpu.memref_slice %arg13[%add3A_251, %dma_start3A_252] : memref<10x80xi32, #tpu.memory_space<vmem>> -> memref<1x80xi32, #tpu.memory_space<vmem>>
          %dma_start3A_254 = tpu.memref_squeeze %dma_start3A_253 : memref<1x80xi32, #tpu.memory_space<vmem>> -> memref<80xi32, #tpu.memory_space<vmem>>
          %dma_start3A_255 = arith.constant 0 : i32
          %dma_start3A_256 = arith.constant 0 : i32
          %dma_start3A_257 = tpu.memref_slice %arg2[%dma_start3A_255, %dma_start3A_256] : memref<10000x128xf32, #tpu.memory_space<hbm>> -> memref<10000x128xf32, #tpu.memory_space<hbm>>
          tpu.enqueue_indirect_dma source(%dma_start3A_257 : memref<10000x128xf32, #tpu.memory_space<hbm>>) target(%arg19 : memref<80x128xf32, #tpu.memory_space<vmem>>) offsets(%dma_start3A_254 : memref<80xi32, #tpu.memory_space<vmem>>) semaphore(%arg21 : memref<!tpu.dma_semaphore, #tpu.memory_space<semaphore_mem>>)
          %gt3A_258 = arith.constant 0 : i32
          %gt3A_259 = arith.cmpi sgt, %scan3A_243, %gt3A_258 : i32
          %convert_element_type3A_260 = arith.extui %gt3A_259 : i1 to i32
          %cond3A_261 = arith.constant 0 : i32
          %cond3A_262 = arith.cmpi ne, %convert_element_type3A_260, %cond3A_261 : i32
          scf.if %cond3A_262 {
            %mul3A_347 = arith.constant 2 : i32
            %mul3A_348 = arith.muli %mul3A_347, %scan3A_243 : i32
            %sub3A_349 = arith.constant 1 : i32
            %sub3A_350 = arith.subi %mul3A_348, %sub3A_349 : i32
            %dma_wait3A_351 = arith.constant 0 : i32
            %dma_wait3A_352 = tpu.memref_slice %arg14[%sub3A_350, %dma_wait3A_351] : memref<10x80xi32, #tpu.memory_space<vmem>> -> memref<1x80xi32, #tpu.memory_space<vmem>>
            %dma_wait3A_353 = tpu.memref_squeeze %dma_wait3A_352 : memref<1x80xi32, #tpu.memory_space<vmem>> -> memref<80xi32, #tpu.memory_space<vmem>>
            %dma_wait3A_354 = arith.constant 0 : i32
            %dma_wait3A_355 = arith.constant 0 : i32
            %dma_wait3A_356 = tpu.memref_slice %arg12[%dma_wait3A_354, %dma_wait3A_355] : memref<10112x128xf32, #tpu.memory_space<vmem_shared>> -> memref<10112x128xf32, #tpu.memory_space<vmem_shared>>
            tpu.wait_indirect_dma semaphore(%arg23 : memref<!tpu.dma_semaphore, #tpu.memory_space<semaphore_mem>>) src(%arg20 : memref<80x128xf32, #tpu.memory_space<vmem>>) dst(%dma_wait3A_356 : memref<10112x128xf32, #tpu.memory_space<vmem_shared>>)
          } else {
          }
          %mul3A_263 = arith.constant 2 : i32
          %mul3A_264 = arith.muli %mul3A_263, %scan3A_243 : i32
          %add3A_265 = arith.constant 1 : i32
          %add3A_266 = arith.addi %mul3A_264, %add3A_265 : i32
          %mul3A_267 = arith.constant 10 : i32
          %mul3A_268 = arith.muli %add3A_226, %mul3A_267 : i32
          %add3A_269 = arith.addi %mul3A_268, %add3A_266 : i32
          %mul3A_270 = arith.constant 80 : i32
          %mul3A_271 = arith.muli %add3A_269, %mul3A_270 : i32
          %dma_start3A_272 = arith.constant 0 : i32
          %dma_start3A_273 = tpu.memref_slice %arg8[%sub3A_19, %mul3A_271, %dma_start3A_272] : memref<16x20000x128xf32, #tpu.memory_space<hbm>> -> memref<1x80x128xf32, #tpu.memory_space<hbm>>
          %dma_start3A_274 = tpu.memref_squeeze %dma_start3A_273 : memref<1x80x128xf32, #tpu.memory_space<hbm>> -> memref<80x128xf32, #tpu.memory_space<hbm>>
          %dma_start3A_275 = arith.constant 0 : i32
          %dma_start3A_276 = tpu.memref_slice %arg8[%sub3A_19, %mul3A_271, %dma_start3A_275] : memref<16x20000x128xf32, #tpu.memory_space<hbm>> -> memref<1x80x128xf32, #tpu.memory_space<hbm>>
          %dma_start3A_277 = tpu.memref_squeeze %dma_start3A_276 : memref<1x80x128xf32, #tpu.memory_space<hbm>> -> memref<80x128xf32, #tpu.memory_space<hbm>>
          tpu.enqueue_dma source(%dma_start3A_277 : memref<80x128xf32, #tpu.memory_space<hbm>>) target(%arg20 : memref<80x128xf32, #tpu.memory_space<vmem>>) target_semaphore(%arg22 : memref<!tpu.dma_semaphore, #tpu.memory_space<semaphore_mem>>)
          %mul3A_278 = arith.constant 2 : i32
          %mul3A_279 = arith.muli %mul3A_278, %scan3A_243 : i32
          %dma_wait3A_280 = arith.constant 0 : i32
          %dma_wait3A_281 = tpu.memref_slice %arg13[%mul3A_279, %dma_wait3A_280] : memref<10x80xi32, #tpu.memory_space<vmem>> -> memref<1x80xi32, #tpu.memory_space<vmem>>
          %dma_wait3A_282 = tpu.memref_squeeze %dma_wait3A_281 : memref<1x80xi32, #tpu.memory_space<vmem>> -> memref<80xi32, #tpu.memory_space<vmem>>
          %dma_wait3A_283 = arith.constant 0 : i32
          %dma_wait3A_284 = arith.constant 0 : i32
          %dma_wait3A_285 = tpu.memref_slice %arg2[%dma_wait3A_283, %dma_wait3A_284] : memref<10000x128xf32, #tpu.memory_space<hbm>> -> memref<10000x128xf32, #tpu.memory_space<hbm>>
          tpu.wait_indirect_dma semaphore(%arg21 : memref<!tpu.dma_semaphore, #tpu.memory_space<semaphore_mem>>) src(%dma_wait3A_285 : memref<10000x128xf32, #tpu.memory_space<hbm>>) dst(%arg17 : memref<80x128xf32, #tpu.memory_space<vmem>>)
          %dma_start3A_286 = arith.constant 0 : i32
          %dma_start3A_287 = tpu.memref_slice %arg14[%mul3A_279, %dma_start3A_286] : memref<10x80xi32, #tpu.memory_space<vmem>> -> memref<1x80xi32, #tpu.memory_space<vmem>>
          %dma_start3A_288 = tpu.memref_squeeze %dma_start3A_287 : memref<1x80xi32, #tpu.memory_space<vmem>> -> memref<80xi32, #tpu.memory_space<vmem>>
          %dma_start3A_289 = arith.constant 0 : i32
          %dma_start3A_290 = arith.constant 0 : i32
          %dma_start3A_291 = tpu.memref_slice %arg12[%dma_start3A_289, %dma_start3A_290] : memref<10112x128xf32, #tpu.memory_space<vmem_shared>> -> memref<10112x128xf32, #tpu.memory_space<vmem_shared>>
          tpu.enqueue_indirect_dma source(%arg17 : memref<80x128xf32, #tpu.memory_space<vmem>>) target(%dma_start3A_291 : memref<10112x128xf32, #tpu.memory_space<vmem_shared>>) offsets(%dma_start3A_288 : memref<80xi32, #tpu.memory_space<vmem>>) semaphore(%arg23 : memref<!tpu.dma_semaphore, #tpu.memory_space<semaphore_mem>>) {add = true}
          %mul3A_292 = arith.constant 10 : i32
          %mul3A_293 = arith.muli %add3A_226, %mul3A_292 : i32
          %add3A_294 = arith.addi %mul3A_293, %mul3A_279 : i32
          %mul3A_295 = arith.constant 80 : i32
          %mul3A_296 = arith.muli %add3A_294, %mul3A_295 : i32
          %dma_wait3A_297 = arith.constant 0 : i32
          %dma_wait3A_298 = tpu.memref_slice %arg8[%sub3A_19, %mul3A_296, %dma_wait3A_297] : memref<16x20000x128xf32, #tpu.memory_space<hbm>> -> memref<1x80x128xf32, #tpu.memory_space<hbm>>
          %dma_wait3A_299 = tpu.memref_squeeze %dma_wait3A_298 : memref<1x80x128xf32, #tpu.memory_space<hbm>> -> memref<80x128xf32, #tpu.memory_space<hbm>>
          %dma_wait3A_300 = arith.constant 0 : i32
          %dma_wait3A_301 = tpu.memref_slice %arg8[%sub3A_19, %mul3A_296, %dma_wait3A_300] : memref<16x20000x128xf32, #tpu.memory_space<hbm>> -> memref<1x80x128xf32, #tpu.memory_space<hbm>>
          %dma_wait3A_302 = tpu.memref_squeeze %dma_wait3A_301 : memref<1x80x128xf32, #tpu.memory_space<hbm>> -> memref<80x128xf32, #tpu.memory_space<hbm>>
          tpu.wait_dma2 semaphore(%arg22 : memref<!tpu.dma_semaphore, #tpu.memory_space<semaphore_mem>>) src(%dma_wait3A_302 : memref<80x128xf32, #tpu.memory_space<hbm>>) dst(%arg18 : memref<80x128xf32, #tpu.memory_space<vmem>>)
          %dma_start3A_303 = arith.constant 0 : i32
          %dma_start3A_304 = tpu.memref_slice %arg14[%mul3A_279, %dma_start3A_303] : memref<10x80xi32, #tpu.memory_space<vmem>> -> memref<1x80xi32, #tpu.memory_space<vmem>>
          %dma_start3A_305 = tpu.memref_squeeze %dma_start3A_304 : memref<1x80xi32, #tpu.memory_space<vmem>> -> memref<80xi32, #tpu.memory_space<vmem>>
          %dma_start3A_306 = arith.constant 0 : i32
          %dma_start3A_307 = arith.constant 0 : i32
          %dma_start3A_308 = tpu.memref_slice %arg12[%dma_start3A_306, %dma_start3A_307] : memref<10112x128xf32, #tpu.memory_space<vmem_shared>> -> memref<10112x128xf32, #tpu.memory_space<vmem_shared>>
          tpu.enqueue_indirect_dma source(%arg18 : memref<80x128xf32, #tpu.memory_space<vmem>>) target(%dma_start3A_308 : memref<10112x128xf32, #tpu.memory_space<vmem_shared>>) offsets(%dma_start3A_305 : memref<80xi32, #tpu.memory_space<vmem>>) semaphore(%arg23 : memref<!tpu.dma_semaphore, #tpu.memory_space<semaphore_mem>>) {add = true}
          %lt3A_309 = arith.constant 4 : i32
          %lt3A_310 = arith.cmpi slt, %scan3A_243, %lt3A_309 : i32
          %convert_element_type3A_311 = arith.extui %lt3A_310 : i1 to i32
          %cond3A_312 = arith.constant 0 : i32
          %cond3A_313 = arith.cmpi ne, %convert_element_type3A_311, %cond3A_312 : i32
          scf.if %cond3A_313 {
            %mul3A_347 = arith.constant 2 : i32
            %mul3A_348 = arith.muli %mul3A_347, %scan3A_243 : i32
            %dma_wait3A_349 = arith.constant 0 : i32
            %dma_wait3A_350 = tpu.memref_slice %arg14[%mul3A_348, %dma_wait3A_349] : memref<10x80xi32, #tpu.memory_space<vmem>> -> memref<1x80xi32, #tpu.memory_space<vmem>>
            %dma_wait3A_351 = tpu.memref_squeeze %dma_wait3A_350 : memref<1x80xi32, #tpu.memory_space<vmem>> -> memref<80xi32, #tpu.memory_space<vmem>>
            %dma_wait3A_352 = arith.constant 0 : i32
            %dma_wait3A_353 = arith.constant 0 : i32
            %dma_wait3A_354 = tpu.memref_slice %arg12[%dma_wait3A_352, %dma_wait3A_353] : memref<10112x128xf32, #tpu.memory_space<vmem_shared>> -> memref<10112x128xf32, #tpu.memory_space<vmem_shared>>
            tpu.wait_indirect_dma semaphore(%arg23 : memref<!tpu.dma_semaphore, #tpu.memory_space<semaphore_mem>>) src(%arg17 : memref<80x128xf32, #tpu.memory_space<vmem>>) dst(%dma_wait3A_354 : memref<10112x128xf32, #tpu.memory_space<vmem_shared>>)
            %mul3A_355 = arith.constant 2 : i32
            %mul3A_356 = arith.muli %mul3A_355, %scan3A_243 : i32
            %add3A_357 = arith.constant 2 : i32
            %add3A_358 = arith.addi %mul3A_356, %add3A_357 : i32
            %dma_start3A_359 = arith.constant 0 : i32
            %dma_start3A_360 = tpu.memref_slice %arg13[%add3A_358, %dma_start3A_359] : memref<10x80xi32, #tpu.memory_space<vmem>> -> memref<1x80xi32, #tpu.memory_space<vmem>>
            %dma_start3A_361 = tpu.memref_squeeze %dma_start3A_360 : memref<1x80xi32, #tpu.memory_space<vmem>> -> memref<80xi32, #tpu.memory_space<vmem>>
            %dma_start3A_362 = arith.constant 0 : i32
            %dma_start3A_363 = arith.constant 0 : i32
            %dma_start3A_364 = tpu.memref_slice %arg2[%dma_start3A_362, %dma_start3A_363] : memref<10000x128xf32, #tpu.memory_space<hbm>> -> memref<10000x128xf32, #tpu.memory_space<hbm>>
            tpu.enqueue_indirect_dma source(%dma_start3A_364 : memref<10000x128xf32, #tpu.memory_space<hbm>>) target(%arg17 : memref<80x128xf32, #tpu.memory_space<vmem>>) offsets(%dma_start3A_361 : memref<80xi32, #tpu.memory_space<vmem>>) semaphore(%arg21 : memref<!tpu.dma_semaphore, #tpu.memory_space<semaphore_mem>>)
            %mul3A_365 = arith.constant 2 : i32
            %mul3A_366 = arith.muli %mul3A_365, %scan3A_243 : i32
            %dma_wait3A_367 = arith.constant 0 : i32
            %dma_wait3A_368 = tpu.memref_slice %arg14[%mul3A_366, %dma_wait3A_367] : memref<10x80xi32, #tpu.memory_space<vmem>> -> memref<1x80xi32, #tpu.memory_space<vmem>>
            %dma_wait3A_369 = tpu.memref_squeeze %dma_wait3A_368 : memref<1x80xi32, #tpu.memory_space<vmem>> -> memref<80xi32, #tpu.memory_space<vmem>>
            %dma_wait3A_370 = arith.constant 0 : i32
            %dma_wait3A_371 = arith.constant 0 : i32
            %dma_wait3A_372 = tpu.memref_slice %arg12[%dma_wait3A_370, %dma_wait3A_371] : memref<10112x128xf32, #tpu.memory_space<vmem_shared>> -> memref<10112x128xf32, #tpu.memory_space<vmem_shared>>
            tpu.wait_indirect_dma semaphore(%arg23 : memref<!tpu.dma_semaphore, #tpu.memory_space<semaphore_mem>>) src(%arg18 : memref<80x128xf32, #tpu.memory_space<vmem>>) dst(%dma_wait3A_372 : memref<10112x128xf32, #tpu.memory_space<vmem_shared>>)
            %mul3A_373 = arith.constant 2 : i32
            %mul3A_374 = arith.muli %mul3A_373, %scan3A_243 : i32
            %add3A_375 = arith.constant 2 : i32
            %add3A_376 = arith.addi %mul3A_374, %add3A_375 : i32
            %mul3A_377 = arith.constant 10 : i32
            %mul3A_378 = arith.muli %add3A_226, %mul3A_377 : i32
            %add3A_379 = arith.addi %mul3A_378, %add3A_376 : i32
            %mul3A_380 = arith.constant 80 : i32
            %mul3A_381 = arith.muli %add3A_379, %mul3A_380 : i32
            %dma_start3A_382 = arith.constant 0 : i32
            %dma_start3A_383 = tpu.memref_slice %arg8[%sub3A_19, %mul3A_381, %dma_start3A_382] : memref<16x20000x128xf32, #tpu.memory_space<hbm>> -> memref<1x80x128xf32, #tpu.memory_space<hbm>>
            %dma_start3A_384 = tpu.memref_squeeze %dma_start3A_383 : memref<1x80x128xf32, #tpu.memory_space<hbm>> -> memref<80x128xf32, #tpu.memory_space<hbm>>
            %dma_start3A_385 = arith.constant 0 : i32
            %dma_start3A_386 = tpu.memref_slice %arg8[%sub3A_19, %mul3A_381, %dma_start3A_385] : memref<16x20000x128xf32, #tpu.memory_space<hbm>> -> memref<1x80x128xf32, #tpu.memory_space<hbm>>
            %dma_start3A_387 = tpu.memref_squeeze %dma_start3A_386 : memref<1x80x128xf32, #tpu.memory_space<hbm>> -> memref<80x128xf32, #tpu.memory_space<hbm>>
            tpu.enqueue_dma source(%dma_start3A_387 : memref<80x128xf32, #tpu.memory_space<hbm>>) target(%arg18 : memref<80x128xf32, #tpu.memory_space<vmem>>) target_semaphore(%arg22 : memref<!tpu.dma_semaphore, #tpu.memory_space<semaphore_mem>>)
          } else {
          }
          %mul3A_314 = arith.constant 2 : i32
          %mul3A_315 = arith.muli %mul3A_314, %scan3A_243 : i32
          %add3A_316 = arith.constant 1 : i32
          %add3A_317 = arith.addi %mul3A_315, %add3A_316 : i32
          %dma_wait3A_318 = arith.constant 0 : i32
          %dma_wait3A_319 = tpu.memref_slice %arg13[%add3A_317, %dma_wait3A_318] : memref<10x80xi32, #tpu.memory_space<vmem>> -> memref<1x80xi32, #tpu.memory_space<vmem>>
          %dma_wait3A_320 = tpu.memref_squeeze %dma_wait3A_319 : memref<1x80xi32, #tpu.memory_space<vmem>> -> memref<80xi32, #tpu.memory_space<vmem>>
          %dma_wait3A_321 = arith.constant 0 : i32
          %dma_wait3A_322 = arith.constant 0 : i32
          %dma_wait3A_323 = tpu.memref_slice %arg2[%dma_wait3A_321, %dma_wait3A_322] : memref<10000x128xf32, #tpu.memory_space<hbm>> -> memref<10000x128xf32, #tpu.memory_space<hbm>>
          tpu.wait_indirect_dma semaphore(%arg21 : memref<!tpu.dma_semaphore, #tpu.memory_space<semaphore_mem>>) src(%dma_wait3A_323 : memref<10000x128xf32, #tpu.memory_space<hbm>>) dst(%arg19 : memref<80x128xf32, #tpu.memory_space<vmem>>)
          %dma_start3A_324 = arith.constant 0 : i32
          %dma_start3A_325 = tpu.memref_slice %arg14[%add3A_317, %dma_start3A_324] : memref<10x80xi32, #tpu.memory_space<vmem>> -> memref<1x80xi32, #tpu.memory_space<vmem>>
          %dma_start3A_326 = tpu.memref_squeeze %dma_start3A_325 : memref<1x80xi32, #tpu.memory_space<vmem>> -> memref<80xi32, #tpu.memory_space<vmem>>
          %dma_start3A_327 = arith.constant 0 : i32
          %dma_start3A_328 = arith.constant 0 : i32
          %dma_start3A_329 = tpu.memref_slice %arg12[%dma_start3A_327, %dma_start3A_328] : memref<10112x128xf32, #tpu.memory_space<vmem_shared>> -> memref<10112x128xf32, #tpu.memory_space<vmem_shared>>
          tpu.enqueue_indirect_dma source(%arg19 : memref<80x128xf32, #tpu.memory_space<vmem>>) target(%dma_start3A_329 : memref<10112x128xf32, #tpu.memory_space<vmem_shared>>) offsets(%dma_start3A_326 : memref<80xi32, #tpu.memory_space<vmem>>) semaphore(%arg23 : memref<!tpu.dma_semaphore, #tpu.memory_space<semaphore_mem>>) {add = true}
          %mul3A_330 = arith.constant 10 : i32
          %mul3A_331 = arith.muli %add3A_226, %mul3A_330 : i32
          %add3A_332 = arith.addi %mul3A_331, %add3A_317 : i32
          %mul3A_333 = arith.constant 80 : i32
          %mul3A_334 = arith.muli %add3A_332, %mul3A_333 : i32
          %dma_wait3A_335 = arith.constant 0 : i32
          %dma_wait3A_336 = tpu.memref_slice %arg8[%sub3A_19, %mul3A_334, %dma_wait3A_335] : memref<16x20000x128xf32, #tpu.memory_space<hbm>> -> memref<1x80x128xf32, #tpu.memory_space<hbm>>
          %dma_wait3A_337 = tpu.memref_squeeze %dma_wait3A_336 : memref<1x80x128xf32, #tpu.memory_space<hbm>> -> memref<80x128xf32, #tpu.memory_space<hbm>>
          %dma_wait3A_338 = arith.constant 0 : i32
          %dma_wait3A_339 = tpu.memref_slice %arg8[%sub3A_19, %mul3A_334, %dma_wait3A_338] : memref<16x20000x128xf32, #tpu.memory_space<hbm>> -> memref<1x80x128xf32, #tpu.memory_space<hbm>>
          %dma_wait3A_340 = tpu.memref_squeeze %dma_wait3A_339 : memref<1x80x128xf32, #tpu.memory_space<hbm>> -> memref<80x128xf32, #tpu.memory_space<hbm>>
          tpu.wait_dma2 semaphore(%arg22 : memref<!tpu.dma_semaphore, #tpu.memory_space<semaphore_mem>>) src(%dma_wait3A_340 : memref<80x128xf32, #tpu.memory_space<hbm>>) dst(%arg20 : memref<80x128xf32, #tpu.memory_space<vmem>>)
          %dma_start3A_341 = arith.constant 0 : i32
          %dma_start3A_342 = tpu.memref_slice %arg14[%add3A_317, %dma_start3A_341] : memref<10x80xi32, #tpu.memory_space<vmem>> -> memref<1x80xi32, #tpu.memory_space<vmem>>
          %dma_start3A_343 = tpu.memref_squeeze %dma_start3A_342 : memref<1x80xi32, #tpu.memory_space<vmem>> -> memref<80xi32, #tpu.memory_space<vmem>>
          %dma_start3A_344 = arith.constant 0 : i32
          %dma_start3A_345 = arith.constant 0 : i32
          %dma_start3A_346 = tpu.memref_slice %arg12[%dma_start3A_344, %dma_start3A_345] : memref<10112x128xf32, #tpu.memory_space<vmem_shared>> -> memref<10112x128xf32, #tpu.memory_space<vmem_shared>>
          tpu.enqueue_indirect_dma source(%arg20 : memref<80x128xf32, #tpu.memory_space<vmem>>) target(%dma_start3A_346 : memref<10112x128xf32, #tpu.memory_space<vmem_shared>>) offsets(%dma_start3A_343 : memref<80xi32, #tpu.memory_space<vmem>>) semaphore(%arg23 : memref<!tpu.dma_semaphore, #tpu.memory_space<semaphore_mem>>) {add = true}
        }
        %scan3A_232 = arith.constant 5 : i32
        %lt3A_233 = arith.constant 11 : i32
        %lt3A_234 = arith.cmpi slt, %scan3A_142, %lt3A_233 : i32
        %convert_element_type3A_235 = arith.extui %lt3A_234 : i1 to i32
        %cond3A_236 = arith.constant 0 : i32
        %cond3A_237 = arith.cmpi ne, %convert_element_type3A_235, %cond3A_236 : i32
        scf.if %cond3A_237 {
          %add3A_243 = arith.constant 1 : i32
          %add3A_244 = arith.addi %add3A_226, %add3A_243 : i32
          %dma_wait3A_245 = arith.constant 0 : i32
          %dma_wait3A_246 = arith.constant 0 : i32
          %dma_wait3A_247 = tpu.memref_slice %arg6[%sub3A_19, %add3A_244, %dma_wait3A_245, %dma_wait3A_246] : memref<16x25x10x80xi32, #tpu.memory_space<hbm>> -> memref<1x1x10x80xi32, #tpu.memory_space<hbm>>
          %dma_wait3A_248 = tpu.memref_squeeze %dma_wait3A_247 : memref<1x1x10x80xi32, #tpu.memory_space<hbm>> -> memref<10x80xi32, #tpu.memory_space<hbm>>
          %dma_wait3A_249 = arith.constant 0 : i32
          %dma_wait3A_250 = arith.constant 0 : i32
          %dma_wait3A_251 = tpu.memref_slice %arg6[%sub3A_19, %add3A_244, %dma_wait3A_249, %dma_wait3A_250] : memref<16x25x10x80xi32, #tpu.memory_space<hbm>> -> memref<1x1x10x80xi32, #tpu.memory_space<hbm>>
          %dma_wait3A_252 = tpu.memref_squeeze %dma_wait3A_251 : memref<1x1x10x80xi32, #tpu.memory_space<hbm>> -> memref<10x80xi32, #tpu.memory_space<hbm>>
          tpu.wait_dma2 semaphore(%arg24 : memref<!tpu.dma_semaphore, #tpu.memory_space<semaphore_mem>>) src(%dma_wait3A_252 : memref<10x80xi32, #tpu.memory_space<hbm>>) dst(%arg15 : memref<10x80xi32, #tpu.memory_space<vmem>>)
          %dma_wait3A_253 = arith.constant 0 : i32
          %dma_wait3A_254 = arith.constant 0 : i32
          %dma_wait3A_255 = tpu.memref_slice %arg7[%sub3A_19, %add3A_244, %dma_wait3A_253, %dma_wait3A_254] : memref<16x25x10x80xi32, #tpu.memory_space<hbm>> -> memref<1x1x10x80xi32, #tpu.memory_space<hbm>>
          %dma_wait3A_256 = tpu.memref_squeeze %dma_wait3A_255 : memref<1x1x10x80xi32, #tpu.memory_space<hbm>> -> memref<10x80xi32, #tpu.memory_space<hbm>>
          %dma_wait3A_257 = arith.constant 0 : i32
          %dma_wait3A_258 = arith.constant 0 : i32
          %dma_wait3A_259 = tpu.memref_slice %arg7[%sub3A_19, %add3A_244, %dma_wait3A_257, %dma_wait3A_258] : memref<16x25x10x80xi32, #tpu.memory_space<hbm>> -> memref<1x1x10x80xi32, #tpu.memory_space<hbm>>
          %dma_wait3A_260 = tpu.memref_squeeze %dma_wait3A_259 : memref<1x1x10x80xi32, #tpu.memory_space<hbm>> -> memref<10x80xi32, #tpu.memory_space<hbm>>
          tpu.wait_dma2 semaphore(%arg24 : memref<!tpu.dma_semaphore, #tpu.memory_space<semaphore_mem>>) src(%dma_wait3A_260 : memref<10x80xi32, #tpu.memory_space<hbm>>) dst(%arg16 : memref<10x80xi32, #tpu.memory_space<vmem>>)
          %add3A_261 = arith.constant 1 : i32
          %add3A_262 = arith.addi %add3A_226, %add3A_261 : i32
          %dma_wait3A_263 = arith.constant 8 : i32
          %dma_wait3A_264 = arith.constant 0 : i32
          %dma_wait3A_265 = tpu.memref_slice %arg14[%dma_wait3A_263, %dma_wait3A_264] : memref<10x80xi32, #tpu.memory_space<vmem>> -> memref<1x80xi32, #tpu.memory_space<vmem>>
          %dma_wait3A_266 = tpu.memref_squeeze %dma_wait3A_265 : memref<1x80xi32, #tpu.memory_space<vmem>> -> memref<80xi32, #tpu.memory_space<vmem>>
          %dma_wait3A_267 = arith.constant 0 : i32
          %dma_wait3A_268 = arith.constant 0 : i32
          %dma_wait3A_269 = tpu.memref_slice %arg12[%dma_wait3A_267, %dma_wait3A_268] : memref<10112x128xf32, #tpu.memory_space<vmem_shared>> -> memref<10112x128xf32, #tpu.memory_space<vmem_shared>>
          tpu.wait_indirect_dma semaphore(%arg23 : memref<!tpu.dma_semaphore, #tpu.memory_space<semaphore_mem>>) src(%arg17 : memref<80x128xf32, #tpu.memory_space<vmem>>) dst(%dma_wait3A_269 : memref<10112x128xf32, #tpu.memory_space<vmem_shared>>)
          %dma_start3A_270 = arith.constant 0 : i32
          %dma_start3A_271 = arith.constant 0 : i32
          %dma_start3A_272 = tpu.memref_slice %arg15[%dma_start3A_270, %dma_start3A_271] : memref<10x80xi32, #tpu.memory_space<vmem>> -> memref<1x80xi32, #tpu.memory_space<vmem>>
          %dma_start3A_273 = tpu.memref_squeeze %dma_start3A_272 : memref<1x80xi32, #tpu.memory_space<vmem>> -> memref<80xi32, #tpu.memory_space<vmem>>
          %dma_start3A_274 = arith.constant 0 : i32
          %dma_start3A_275 = arith.constant 0 : i32
          %dma_start3A_276 = tpu.memref_slice %arg2[%dma_start3A_274, %dma_start3A_275] : memref<10000x128xf32, #tpu.memory_space<hbm>> -> memref<10000x128xf32, #tpu.memory_space<hbm>>
          tpu.enqueue_indirect_dma source(%dma_start3A_276 : memref<10000x128xf32, #tpu.memory_space<hbm>>) target(%arg17 : memref<80x128xf32, #tpu.memory_space<vmem>>) offsets(%dma_start3A_273 : memref<80xi32, #tpu.memory_space<vmem>>) semaphore(%arg21 : memref<!tpu.dma_semaphore, #tpu.memory_space<semaphore_mem>>)
          %dma_wait3A_277 = arith.constant 8 : i32
          %dma_wait3A_278 = arith.constant 0 : i32
          %dma_wait3A_279 = tpu.memref_slice %arg14[%dma_wait3A_277, %dma_wait3A_278] : memref<10x80xi32, #tpu.memory_space<vmem>> -> memref<1x80xi32, #tpu.memory_space<vmem>>
          %dma_wait3A_280 = tpu.memref_squeeze %dma_wait3A_279 : memref<1x80xi32, #tpu.memory_space<vmem>> -> memref<80xi32, #tpu.memory_space<vmem>>
          %dma_wait3A_281 = arith.constant 0 : i32
          %dma_wait3A_282 = arith.constant 0 : i32
          %dma_wait3A_283 = tpu.memref_slice %arg12[%dma_wait3A_281, %dma_wait3A_282] : memref<10112x128xf32, #tpu.memory_space<vmem_shared>> -> memref<10112x128xf32, #tpu.memory_space<vmem_shared>>
          tpu.wait_indirect_dma semaphore(%arg23 : memref<!tpu.dma_semaphore, #tpu.memory_space<semaphore_mem>>) src(%arg18 : memref<80x128xf32, #tpu.memory_space<vmem>>) dst(%dma_wait3A_283 : memref<10112x128xf32, #tpu.memory_space<vmem_shared>>)
          %mul3A_284 = arith.constant 10 : i32
          %mul3A_285 = arith.muli %add3A_262, %mul3A_284 : i32
          %add3A_286 = arith.constant 0 : i32
          %add3A_287 = arith.addi %mul3A_285, %add3A_286 : i32
          %mul3A_288 = arith.constant 80 : i32
          %mul3A_289 = arith.muli %add3A_287, %mul3A_288 : i32
          %dma_start3A_290 = arith.constant 0 : i32
          %dma_start3A_291 = tpu.memref_slice %arg8[%sub3A_19, %mul3A_289, %dma_start3A_290] : memref<16x20000x128xf32, #tpu.memory_space<hbm>> -> memref<1x80x128xf32, #tpu.memory_space<hbm>>
          %dma_start3A_292 = tpu.memref_squeeze %dma_start3A_291 : memref<1x80x128xf32, #tpu.memory_space<hbm>> -> memref<80x128xf32, #tpu.memory_space<hbm>>
          %dma_start3A_293 = arith.constant 0 : i32
          %dma_start3A_294 = tpu.memref_slice %arg8[%sub3A_19, %mul3A_289, %dma_start3A_293] : memref<16x20000x128xf32, #tpu.memory_space<hbm>> -> memref<1x80x128xf32, #tpu.memory_space<hbm>>
          %dma_start3A_295 = tpu.memref_squeeze %dma_start3A_294 : memref<1x80x128xf32, #tpu.memory_space<hbm>> -> memref<80x128xf32, #tpu.memory_space<hbm>>
          tpu.enqueue_dma source(%dma_start3A_295 : memref<80x128xf32, #tpu.memory_space<hbm>>) target(%arg18 : memref<80x128xf32, #tpu.memory_space<vmem>>) target_semaphore(%arg22 : memref<!tpu.dma_semaphore, #tpu.memory_space<semaphore_mem>>)
          %dma_wait3A_296 = arith.constant 9 : i32
          %dma_wait3A_297 = arith.constant 0 : i32
          %dma_wait3A_298 = tpu.memref_slice %arg14[%dma_wait3A_296, %dma_wait3A_297] : memref<10x80xi32, #tpu.memory_space<vmem>> -> memref<1x80xi32, #tpu.memory_space<vmem>>
          %dma_wait3A_299 = tpu.memref_squeeze %dma_wait3A_298 : memref<1x80xi32, #tpu.memory_space<vmem>> -> memref<80xi32, #tpu.memory_space<vmem>>
          %dma_wait3A_300 = arith.constant 0 : i32
          %dma_wait3A_301 = arith.constant 0 : i32
          %dma_wait3A_302 = tpu.memref_slice %arg12[%dma_wait3A_300, %dma_wait3A_301] : memref<10112x128xf32, #tpu.memory_space<vmem_shared>> -> memref<10112x128xf32, #tpu.memory_space<vmem_shared>>
          tpu.wait_indirect_dma semaphore(%arg23 : memref<!tpu.dma_semaphore, #tpu.memory_space<semaphore_mem>>) src(%arg19 : memref<80x128xf32, #tpu.memory_space<vmem>>) dst(%dma_wait3A_302 : memref<10112x128xf32, #tpu.memory_space<vmem_shared>>)
          %dma_wait3A_303 = arith.constant 9 : i32
          %dma_wait3A_304 = arith.constant 0 : i32
          %dma_wait3A_305 = tpu.memref_slice %arg14[%dma_wait3A_303, %dma_wait3A_304] : memref<10x80xi32, #tpu.memory_space<vmem>> -> memref<1x80xi32, #tpu.memory_space<vmem>>
          %dma_wait3A_306 = tpu.memref_squeeze %dma_wait3A_305 : memref<1x80xi32, #tpu.memory_space<vmem>> -> memref<80xi32, #tpu.memory_space<vmem>>
          %dma_wait3A_307 = arith.constant 0 : i32
          %dma_wait3A_308 = arith.constant 0 : i32
          %dma_wait3A_309 = tpu.memref_slice %arg12[%dma_wait3A_307, %dma_wait3A_308] : memref<10112x128xf32, #tpu.memory_space<vmem_shared>> -> memref<10112x128xf32, #tpu.memory_space<vmem_shared>>
          tpu.wait_indirect_dma semaphore(%arg23 : memref<!tpu.dma_semaphore, #tpu.memory_space<semaphore_mem>>) src(%arg20 : memref<80x128xf32, #tpu.memory_space<vmem>>) dst(%dma_wait3A_309 : memref<10112x128xf32, #tpu.memory_space<vmem_shared>>)
          %add3A_310 = arith.constant 2 : i32
          %add3A_311 = arith.addi %add3A_226, %add3A_310 : i32
          %dma_start3A_312 = arith.constant 0 : i32
          %dma_start3A_313 = arith.constant 0 : i32
          %dma_start3A_314 = tpu.memref_slice %arg6[%sub3A_19, %add3A_311, %dma_start3A_312, %dma_start3A_313] : memref<16x25x10x80xi32, #tpu.memory_space<hbm>> -> memref<1x1x10x80xi32, #tpu.memory_space<hbm>>
          %dma_start3A_315 = tpu.memref_squeeze %dma_start3A_314 : memref<1x1x10x80xi32, #tpu.memory_space<hbm>> -> memref<10x80xi32, #tpu.memory_space<hbm>>
          %dma_start3A_316 = arith.constant 0 : i32
          %dma_start3A_317 = arith.constant 0 : i32
          %dma_start3A_318 = tpu.memref_slice %arg6[%sub3A_19, %add3A_311, %dma_start3A_316, %dma_start3A_317] : memref<16x25x10x80xi32, #tpu.memory_space<hbm>> -> memref<1x1x10x80xi32, #tpu.memory_space<hbm>>
          %dma_start3A_319 = tpu.memref_squeeze %dma_start3A_318 : memref<1x1x10x80xi32, #tpu.memory_space<hbm>> -> memref<10x80xi32, #tpu.memory_space<hbm>>
          tpu.enqueue_dma source(%dma_start3A_319 : memref<10x80xi32, #tpu.memory_space<hbm>>) target(%arg13 : memref<10x80xi32, #tpu.memory_space<vmem>>) target_semaphore(%arg24 : memref<!tpu.dma_semaphore, #tpu.memory_space<semaphore_mem>>)
          %dma_start3A_320 = arith.constant 0 : i32
          %dma_start3A_321 = arith.constant 0 : i32
          %dma_start3A_322 = tpu.memref_slice %arg7[%sub3A_19, %add3A_311, %dma_start3A_320, %dma_start3A_321] : memref<16x25x10x80xi32, #tpu.memory_space<hbm>> -> memref<1x1x10x80xi32, #tpu.memory_space<hbm>>
          %dma_start3A_323 = tpu.memref_squeeze %dma_start3A_322 : memref<1x1x10x80xi32, #tpu.memory_space<hbm>> -> memref<10x80xi32, #tpu.memory_space<hbm>>
          %dma_start3A_324 = arith.constant 0 : i32
          %dma_start3A_325 = arith.constant 0 : i32
          %dma_start3A_326 = tpu.memref_slice %arg7[%sub3A_19, %add3A_311, %dma_start3A_324, %dma_start3A_325] : memref<16x25x10x80xi32, #tpu.memory_space<hbm>> -> memref<1x1x10x80xi32, #tpu.memory_space<hbm>>
          %dma_start3A_327 = tpu.memref_squeeze %dma_start3A_326 : memref<1x1x10x80xi32, #tpu.memory_space<hbm>> -> memref<10x80xi32, #tpu.memory_space<hbm>>
          tpu.enqueue_dma source(%dma_start3A_327 : memref<10x80xi32, #tpu.memory_space<hbm>>) target(%arg14 : memref<10x80xi32, #tpu.memory_space<vmem>>) target_semaphore(%arg24 : memref<!tpu.dma_semaphore, #tpu.memory_space<semaphore_mem>>)
        } else {
        }
        %eq3A_238 = arith.constant 11 : i32
        %eq3A_239 = arith.cmpi eq, %scan3A_142, %eq3A_238 : i32
        %convert_element_type3A_240 = arith.extui %eq3A_239 : i1 to i32
        %cond3A_241 = arith.constant 0 : i32
        %cond3A_242 = arith.cmpi ne, %convert_element_type3A_240, %cond3A_241 : i32
        scf.if %cond3A_242 {
          %dma_wait3A_243 = arith.constant 8 : i32
          %dma_wait3A_244 = arith.constant 0 : i32
          %dma_wait3A_245 = tpu.memref_slice %arg14[%dma_wait3A_243, %dma_wait3A_244] : memref<10x80xi32, #tpu.memory_space<vmem>> -> memref<1x80xi32, #tpu.memory_space<vmem>>
          %dma_wait3A_246 = tpu.memref_squeeze %dma_wait3A_245 : memref<1x80xi32, #tpu.memory_space<vmem>> -> memref<80xi32, #tpu.memory_space<vmem>>
          %dma_wait3A_247 = arith.constant 0 : i32
          %dma_wait3A_248 = arith.constant 0 : i32
          %dma_wait3A_249 = tpu.memref_slice %arg12[%dma_wait3A_247, %dma_wait3A_248] : memref<10112x128xf32, #tpu.memory_space<vmem_shared>> -> memref<10112x128xf32, #tpu.memory_space<vmem_shared>>
          tpu.wait_indirect_dma semaphore(%arg23 : memref<!tpu.dma_semaphore, #tpu.memory_space<semaphore_mem>>) src(%arg17 : memref<80x128xf32, #tpu.memory_space<vmem>>) dst(%dma_wait3A_249 : memref<10112x128xf32, #tpu.memory_space<vmem_shared>>)
          %dma_wait3A_250 = arith.constant 8 : i32
          %dma_wait3A_251 = arith.constant 0 : i32
          %dma_wait3A_252 = tpu.memref_slice %arg14[%dma_wait3A_250, %dma_wait3A_251] : memref<10x80xi32, #tpu.memory_space<vmem>> -> memref<1x80xi32, #tpu.memory_space<vmem>>
          %dma_wait3A_253 = tpu.memref_squeeze %dma_wait3A_252 : memref<1x80xi32, #tpu.memory_space<vmem>> -> memref<80xi32, #tpu.memory_space<vmem>>
          %dma_wait3A_254 = arith.constant 0 : i32
          %dma_wait3A_255 = arith.constant 0 : i32
          %dma_wait3A_256 = tpu.memref_slice %arg12[%dma_wait3A_254, %dma_wait3A_255] : memref<10112x128xf32, #tpu.memory_space<vmem_shared>> -> memref<10112x128xf32, #tpu.memory_space<vmem_shared>>
          tpu.wait_indirect_dma semaphore(%arg23 : memref<!tpu.dma_semaphore, #tpu.memory_space<semaphore_mem>>) src(%arg18 : memref<80x128xf32, #tpu.memory_space<vmem>>) dst(%dma_wait3A_256 : memref<10112x128xf32, #tpu.memory_space<vmem_shared>>)
          %dma_wait3A_257 = arith.constant 9 : i32
          %dma_wait3A_258 = arith.constant 0 : i32
          %dma_wait3A_259 = tpu.memref_slice %arg14[%dma_wait3A_257, %dma_wait3A_258] : memref<10x80xi32, #tpu.memory_space<vmem>> -> memref<1x80xi32, #tpu.memory_space<vmem>>
          %dma_wait3A_260 = tpu.memref_squeeze %dma_wait3A_259 : memref<1x80xi32, #tpu.memory_space<vmem>> -> memref<80xi32, #tpu.memory_space<vmem>>
          %dma_wait3A_261 = arith.constant 0 : i32
          %dma_wait3A_262 = arith.constant 0 : i32
          %dma_wait3A_263 = tpu.memref_slice %arg12[%dma_wait3A_261, %dma_wait3A_262] : memref<10112x128xf32, #tpu.memory_space<vmem_shared>> -> memref<10112x128xf32, #tpu.memory_space<vmem_shared>>
          tpu.wait_indirect_dma semaphore(%arg23 : memref<!tpu.dma_semaphore, #tpu.memory_space<semaphore_mem>>) src(%arg19 : memref<80x128xf32, #tpu.memory_space<vmem>>) dst(%dma_wait3A_263 : memref<10112x128xf32, #tpu.memory_space<vmem_shared>>)
          %dma_wait3A_264 = arith.constant 9 : i32
          %dma_wait3A_265 = arith.constant 0 : i32
          %dma_wait3A_266 = tpu.memref_slice %arg14[%dma_wait3A_264, %dma_wait3A_265] : memref<10x80xi32, #tpu.memory_space<vmem>> -> memref<1x80xi32, #tpu.memory_space<vmem>>
          %dma_wait3A_267 = tpu.memref_squeeze %dma_wait3A_266 : memref<1x80xi32, #tpu.memory_space<vmem>> -> memref<80xi32, #tpu.memory_space<vmem>>
          %dma_wait3A_268 = arith.constant 0 : i32
          %dma_wait3A_269 = arith.constant 0 : i32
          %dma_wait3A_270 = tpu.memref_slice %arg12[%dma_wait3A_268, %dma_wait3A_269] : memref<10112x128xf32, #tpu.memory_space<vmem_shared>> -> memref<10112x128xf32, #tpu.memory_space<vmem_shared>>
          tpu.wait_indirect_dma semaphore(%arg23 : memref<!tpu.dma_semaphore, #tpu.memory_space<semaphore_mem>>) src(%arg20 : memref<80x128xf32, #tpu.memory_space<vmem>>) dst(%dma_wait3A_270 : memref<10112x128xf32, #tpu.memory_space<vmem_shared>>)
        } else {
        }
      }
      %scan3A_141 = arith.constant 12 : i32
    } else {
    }
    %barrier3A_9 = arith.constant 0 : index
    tpu.barrier barrier_id(%barrier3A_9)
    %eq3A = arith.constant 0 : i32
    %eq3A_10 = arith.cmpi eq, %arg0, %eq3A : i32
    %convert_element_type3A_11 = arith.extui %eq3A_10 : i1 to i32
    %cond3A_12 = arith.constant 0 : i32
    %cond3A_13 = arith.cmpi ne, %convert_element_type3A_11, %cond3A_12 : i32
    scf.if %cond3A_13 {
      %mul3A_19 = arith.constant 632 : i32
      %mul3A_20 = arith.muli %arg1, %mul3A_19 : i32
      %mul3A_21 = arith.constant 632 : i32
      %mul3A_22 = arith.muli %arg1, %mul3A_21 : i32
      "tpu.region"() ({
        %run_scoped3A = tpu.sem_alloc : memref<!tpu.dma_semaphore, #tpu.memory_space<semaphore_mem>>
        %dma_start3A = arith.constant 0 : i32
        %dma_start3A_23 = tpu.memref_slice %arg10[%mul3A_22, %dma_start3A] : memref<10112x128xf32, #tpu.memory_space<hbm>> -> memref<632x128xf32, #tpu.memory_space<hbm>>
        %dma_start3A_24 = arith.constant 0 : i32
        %dma_start3A_25 = tpu.memref_slice %arg12[%mul3A_20, %dma_start3A_24] : memref<10112x128xf32, #tpu.memory_space<vmem_shared>> -> memref<632x128xf32, #tpu.memory_space<vmem_shared>>
        tpu.enqueue_dma source(%dma_start3A_25 : memref<632x128xf32, #tpu.memory_space<vmem_shared>>) target(%dma_start3A_23 : memref<632x128xf32, #tpu.memory_space<hbm>>) target_semaphore(%run_scoped3A : memref<!tpu.dma_semaphore, #tpu.memory_space<semaphore_mem>>)
        %dma_wait3A = arith.constant 0 : i32
        %dma_wait3A_26 = tpu.memref_slice %arg10[%mul3A_22, %dma_wait3A] : memref<10112x128xf32, #tpu.memory_space<hbm>> -> memref<632x128xf32, #tpu.memory_space<hbm>>
        %dma_wait3A_27 = arith.constant 0 : i32
        %dma_wait3A_28 = tpu.memref_slice %arg12[%mul3A_20, %dma_wait3A_27] : memref<10112x128xf32, #tpu.memory_space<vmem_shared>> -> memref<632x128xf32, #tpu.memory_space<vmem_shared>>
        tpu.wait_dma2 semaphore(%run_scoped3A : memref<!tpu.dma_semaphore, #tpu.memory_space<semaphore_mem>>) src(%dma_wait3A_28 : memref<632x128xf32, #tpu.memory_space<vmem_shared>>) dst(%dma_wait3A_26 : memref<632x128xf32, #tpu.memory_space<hbm>>)
        tpu.yield
      }) : () -> ()
    } else {
    }
    %eq3A_14 = arith.constant 1 : i32
    %eq3A_15 = arith.cmpi eq, %arg0, %eq3A_14 : i32
    %convert_element_type3A_16 = arith.extui %eq3A_15 : i1 to i32
    %cond3A_17 = arith.constant 0 : i32
    %cond3A_18 = arith.cmpi ne, %convert_element_type3A_16, %cond3A_17 : i32
    scf.if %cond3A_18 {
      %mul3A_19 = arith.constant 632 : i32
      %mul3A_20 = arith.muli %arg1, %mul3A_19 : i32
      %mul3A_21 = arith.constant 632 : i32
      %mul3A_22 = arith.muli %arg1, %mul3A_21 : i32
      "tpu.region"() ({
        %run_scoped3A = tpu.sem_alloc : memref<!tpu.dma_semaphore, #tpu.memory_space<semaphore_mem>>
        %dma_start3A = arith.constant 0 : i32
        %dma_start3A_23 = tpu.memref_slice %arg11[%mul3A_22, %dma_start3A] : memref<10112x128xf32, #tpu.memory_space<hbm>> -> memref<632x128xf32, #tpu.memory_space<hbm>>
        %dma_start3A_24 = arith.constant 0 : i32
        %dma_start3A_25 = tpu.memref_slice %arg12[%mul3A_20, %dma_start3A_24] : memref<10112x128xf32, #tpu.memory_space<vmem_shared>> -> memref<632x128xf32, #tpu.memory_space<vmem_shared>>
        tpu.enqueue_dma source(%dma_start3A_25 : memref<632x128xf32, #tpu.memory_space<vmem_shared>>) target(%dma_start3A_23 : memref<632x128xf32, #tpu.memory_space<hbm>>) target_semaphore(%run_scoped3A : memref<!tpu.dma_semaphore, #tpu.memory_space<semaphore_mem>>)
        %dma_wait3A = arith.constant 0 : i32
        %dma_wait3A_26 = tpu.memref_slice %arg11[%mul3A_22, %dma_wait3A] : memref<10112x128xf32, #tpu.memory_space<hbm>> -> memref<632x128xf32, #tpu.memory_space<hbm>>
        %dma_wait3A_27 = arith.constant 0 : i32
        %dma_wait3A_28 = tpu.memref_slice %arg12[%mul3A_20, %dma_wait3A_27] : memref<10112x128xf32, #tpu.memory_space<vmem_shared>> -> memref<632x128xf32, #tpu.memory_space<vmem_shared>>
        tpu.wait_dma2 semaphore(%run_scoped3A : memref<!tpu.dma_semaphore, #tpu.memory_space<semaphore_mem>>) src(%dma_wait3A_28 : memref<632x128xf32, #tpu.memory_space<vmem_shared>>) dst(%dma_wait3A_26 : memref<632x128xf32, #tpu.memory_space<hbm>>)
        tpu.yield
      }) : () -> ()
    } else {
    }
    return
  }
}

module attributes {stable_mosaic.version = 14 : i64} {
  func.func @_combine_body(%arg0: i32, %arg1: memref<10000x128xf32, #tpu.memory_space<vmem>>, %arg2: memref<10000x128xf32, #tpu.memory_space<vmem>>, %arg3: memref<10000x128xf32, #tpu.memory_space<vmem>>, %arg4: memref<10000x128xf32, #tpu.memory_space<vmem>>) attributes {dimension_semantics = [#tpu.dimension_semantics<arbitrary>], iteration_bounds = array<i64: 1>, scalar_prefetch = 0 : i64, scratch_operands = 0 : i64, tpu.core_type = #tpu.core_type<tc>, window_params = [{pipeline_mode = #tpu.pipeline_mode<synchronous>, transform_indices = @transform_0, window_bounds = array<i64: 10000, 128>}, {transform_indices = @transform_1, window_bounds = array<i64: 10000, 128>}, {transform_indices = @transform_2, window_bounds = array<i64: 10000, 128>}, {pipeline_mode = #tpu.pipeline_mode<synchronous>, transform_indices = @transform_3, window_bounds = array<i64: 10000, 128>}]} {
    %get3A = arith.constant 0 : index
    %get3A_0 = arith.constant 0 : index
    %get3A_1 = vector.load %arg1[%get3A, %get3A_0] : memref<10000x128xf32, #tpu.memory_space<vmem>>, vector<10000x128xf32>
    %get3A_2 = arith.constant 0 : index
    %get3A_3 = arith.constant 0 : index
    %get3A_4 = vector.load %arg2[%get3A_2, %get3A_3] : memref<10000x128xf32, #tpu.memory_space<vmem>>, vector<10000x128xf32>
    %add3A = arith.addf %get3A_1, %get3A_4 : vector<10000x128xf32>
    %get3A_5 = arith.constant 0 : index
    %get3A_6 = arith.constant 0 : index
    %get3A_7 = vector.load %arg3[%get3A_5, %get3A_6] : memref<10000x128xf32, #tpu.memory_space<vmem>>, vector<10000x128xf32>
    %add3A_8 = arith.addf %add3A, %get3A_7 : vector<10000x128xf32>
    %swap3A = arith.constant 0 : index
    %swap3A_9 = arith.constant 0 : index
    %swap3A_10 = vector.load %arg4[%swap3A, %swap3A_9] : memref<10000x128xf32, #tpu.memory_space<vmem>>, vector<10000x128xf32>
    tpu.vector_store %arg4[%swap3A, %swap3A_9], %add3A_8 {strides = array<i32>} : memref<10000x128xf32, #tpu.memory_space<vmem>>, vector<10000x128xf32>,
    return
  }
  func.func @transform_0(%arg0: i32) -> (i32, i32) {
    %c0_i32 = arith.constant 0 : i32
    %c0_i32_0 = arith.constant 0 : i32
    %c0_i32_1 = arith.constant 0 : i32
    return %c0_i32, %c0_i32_0 : i32, i32
  }
  func.func @transform_1(%arg0: i32) -> (i32, i32) {
    %c0_i32 = arith.constant 0 : i32
    %c0_i32_0 = arith.constant 0 : i32
    %c0_i32_1 = arith.constant 0 : i32
    return %c0_i32, %c0_i32_0 : i32, i32
  }
  func.func @transform_2(%arg0: i32) -> (i32, i32) {
    %c0_i32 = arith.constant 0 : i32
    %c0_i32_0 = arith.constant 0 : i32
    %c0_i32_1 = arith.constant 0 : i32
    return %c0_i32, %c0_i32_0 : i32, i32
  }
  func.func @transform_3(%arg0: i32) -> (i32, i32) {
    %c0_i32 = arith.constant 0 : i32
    %c0_i32_0 = arith.constant 0 : i32
    %c0_i32_1 = arith.constant 0 : i32
    return %c0_i32, %c0_i32_0 : i32, i32
  }
}

</mosaic_0001>

<sc_bundles>
// kernel: kernel.4.cloned.1.call-start
scs
__scs_entry_jumppad:
0x0: {  	(pc) =	sbr.rel $0x88, $3  }
0x1: {  	(tag) =	ssettag $0x0;
	lr =	simm.s32 $0x1  }
0x2: {  	[smem:$0x3F9C] =	sst lr;
	_ =	strace $0xD0000000  }
0x3: {  	_ = 	snop  }
0x4: {  	_ = 	snop  }
0x5: {  	_ = 	snop  }
0x6: {  	_ = 	snop  }
0x7: {  	_ = 	snop  }
__scs_overlays_trampoline_lowered:
0x8: {  	[smem:$0x3FAB] =	sst s0  }
0x9: {  	[smem:$0x3FAC] =	sst s1  }
0xa: {  	[smem:$0x3FAD] =	sst s2  }
0xb: {  	[smem:$0x3FAE] =	sst s3  }
0xc: {  	[smem:$0x3FAF] =	sst s4  }
0xd: {  	[smem:$0x3FB0] =	sst s5  }
0xe: {  	[smem:$0x3FB1] =	sst s6  }
0xf: {  	[smem:$0x3FB2] =	sst s7  }
0x10: {  	[smem:$0x3FB3] =	sst s8  }
0x11: {  	[smem:$0x3FB4] =	sst s9;
	s0 =	simm.s32 @!p0 $0x0  }
0x12: {  	s1 =	sld [smem:$0x3F9A];
	s0 =	simm.s32 @p0 $0x1  }
0x13: {  	[smem:$0x3FB5] =	sst s0;
	s0 =	simm.s32 @!p1 $0x0  }
0x14: {  	s2 =	sld [smem:$0x3F99];
	s0 =	simm.s32 @p1 $0x1  }
0x15: {  	[smem:$0x3FB6] =	sst s0;
	s0 =	simm.s32 @!p2 $0x0  }
0x16: {  	s3 =	sld [smem:$0x3FDB];
	s0 =	simm.s32 @p2 $0x1  }
0x17: {  	s4 =	simm.s32 $0x1BF5;
	[smem:$0x3FB8] =	sst s0  }
0x18: {  	s0 =	sld [smem:$0x3F9B];
	_ =	swait.ge [sflag:s4], $0x0  }
0x19: {  	s7 =	sld [smem:$0x3F9C]  }
0x1a: {  	s8 =	sadd.s32 $0xFFFFE003, lr  }
0x1b: {  	s9 =	sadd.s32 $0xFFFFFEF7, lr;
	s5 =	simm.s32 $0xFFFFFFFF;
	p2 =	slt.u32 s8, $0xFFFFF086  }
0x1c: {  	p1 =	slt.u32 s9, $0xF7A;
	s5 =	simm.s32 @!p2 $0x0  }
0x1d: {  	s5 =	simm.s32 @p1 $0x1;
	p0 =	seq.s32 s7, s2  }
0x1e: {  	s7 =	smul.u32 @!p0 $0xF7A, s2;
	p2 =	seq.s32 @!p0 s5, $0x0  }
0x1f: {  	s9 =	smul.u32 $0xF7A, s1;
	s8 =	simm.s32 @!p0 $0x1BF5;
	p2 =	por !p2, p0  }
0x20: {  	[sflag:s8] =	ssyncset.s32 @!p0 $0xFFFFF086;
	s6 =	sadd.s32 @!p0 s3, s7;
	s7 =	simm.s32 @!p0 $0x108  }
0x21: {  	s3 =	sadd.s32 s3, s9;
	s6 =	sadd.s32 @!p0 $0x88, s6;
	s7 =	simm.s32 @p2 $0x1082  }
0x22: {  	[simem:s7], [sflag:s8] =	dma.local @!p0 [hbm:s6], $0xF7A  }
0x23: {  	s9 =	sor.u32 $0xD0000000, s2;
	s6 =	simm.s32 $0x108;
	_ =	swait.ge @!p0 [sflag:s8], $0x0  }
0x24: {  	s3 =	sadd.s32 $0x88, s3;
	s6 =	simm.s32 @!p1 $0x1082;
	[sflag:s4] =	ssyncset.s32 $0xFFFFF086  }
0x25: {  	[simem:s6], [sflag:s4] =	dma.local [hbm:s3], $0xF7A  }
0x26: {  	[smem:$0x3F9C] =	sst s1;
	(tag) =	ssettag s2;
	_ =	strace s9  }
0x27: {  	s1 =	sld [smem:$0x3FAC]  }
0x28: {  	s2 =	sld [smem:$0x3FAD]  }
0x29: {  	s4 =	sld [smem:$0x3FAF]  }
0x2a: {  	p0 =	seq.s32 s5, $0x0;
	s5 =	sld [smem:$0x3FB0]  }
0x2b: {  	s6 =	sld [smem:$0x3FB1]  }
0x2c: {  	s7 =	sld [smem:$0x3FB2]  }
0x2d: {  	s3 =	simm.s32 $0x108;
	s8 =	sld [smem:$0x3FB3]  }
0x2e: {  	s3 =	simm.s32 @!p0 $0x1082;
	s9 =	sld [smem:$0x3FB4]  }
0x2f: {  	lr =	sadd.s32 s0, s3;
	s0 =	sld [smem:$0x3FAB]  }
0x30: {  	s3 =	sld [smem:$0x3FAE]  }
0x31: {  	[smem:$0x3FB7] =	sst s10  }
0x32: {  	s10 =	sld [smem:$0x3FB5];
	_ =	sdelay $0x3  }
0x33: {  	p0 =	seq.s32 s10, $0x1;
	s10 =	sld [smem:$0x3FB7];
	_ =	sdelay $0x3  }
0x34: {  	[smem:$0x3FB7] =	sst s10  }
0x35: {  	s10 =	sld [smem:$0x3FB6];
	_ =	sdelay $0x3  }
0x36: {  	p1 =	seq.s32 s10, $0x1;
	s10 =	sld [smem:$0x3FB7];
	_ =	sdelay $0x3  }
0x37: {  	[smem:$0x3FB7] =	sst s10  }
0x38: {  	s10 =	sld [smem:$0x3FB8]  }
0x39: {  	_ = 	snop;
	(pc) =	sbr.ind lr, $3  }
0x3a: {  	_ = 	snop  }
0x3b: {  	_ = 	snop  }
0x3c: {  	p2 =	seq.s32 s10, $0x1;
	s10 =	sld [smem:$0x3FB7]  }
0x3d: {  	_ =	shalt  }
0x3e: {  	_ =	shalt  }
0x3f: {  	_ =	shalt  }
0x40: {  	_ =	shalt  }
0x41: {  	_ =	shalt  }
0x42: {  	_ =	shalt  }
0x43: {  	_ =	shalt  }
0x44: {  	_ =	shalt  }
0x45: {  	_ =	shalt  }
0x46: {  	_ =	shalt  }
0x47: {  	_ =	shalt  }
0x48: {  	_ =	shalt  }
0x49: {  	_ =	shalt  }
0x4a: {  	_ =	shalt  }
0x4b: {  	_ =	shalt  }
0x4c: {  	_ =	shalt  }
0x4d: {  	_ =	shalt  }
0x4e: {  	_ =	shalt  }
0x4f: {  	_ =	shalt  }
0x50: {  	_ =	shalt  }
0x51: {  	_ =	shalt  }
0x52: {  	_ =	shalt  }
0x53: {  	_ =	shalt  }
0x54: {  	_ =	shalt  }
0x55: {  	_ =	shalt  }
0x56: {  	_ =	shalt  }
0x57: {  	_ =	shalt  }
0x58: {  	_ =	shalt  }
0x59: {  	_ =	shalt  }
0x5a: {  	_ =	shalt  }
0x5b: {  	_ =	shalt  }
0x5c: {  	_ =	shalt  }
0x5d: {  	_ =	shalt  }
0x5e: {  	_ =	shalt  }
0x5f: {  	_ =	shalt  }
0x60: {  	_ =	shalt  }
0x61: {  	_ =	shalt  }
0x62: {  	_ =	shalt  }
0x63: {  	_ =	shalt  }
0x64: {  	_ =	shalt  }
0x65: {  	_ =	shalt  }
0x66: {  	_ =	shalt  }
0x67: {  	_ =	shalt  }
0x68: {  	_ =	shalt  }
0x69: {  	_ =	shalt  }
0x6a: {  	_ =	shalt  }
0x6b: {  	_ =	shalt  }
0x6c: {  	_ =	shalt  }
0x6d: {  	_ =	shalt  }
0x6e: {  	_ =	shalt  }
0x6f: {  	_ =	shalt  }
0x70: {  	_ =	shalt  }
0x71: {  	_ =	shalt  }
0x72: {  	_ =	shalt  }
0x73: {  	_ =	shalt  }
0x74: {  	_ =	shalt  }
0x75: {  	_ =	shalt  }
0x76: {  	_ =	shalt  }
0x77: {  	_ =	shalt  }
0x78: {  	_ =	shalt  }
0x79: {  	_ =	shalt  }
0x7a: {  	_ =	shalt  }
0x7b: {  	_ =	shalt  }
0x7c: {  	_ =	shalt  }
0x7d: {  	_ =	shalt  }
0x7e: {  	_ =	shalt  }
0x7f: {  	_ =	shalt  }
0x80: {  	_ =	shalt  }
0x81: {  	_ =	shalt  }
0x82: {  	_ =	shalt  }
0x83: {  	_ =	shalt  }
0x84: {  	_ =	shalt  }
0x85: {  	_ =	shalt  }
0x86: {  	_ =	shalt  }
0x87: {  	_ =	shalt  }
.Lfunc_end0:
.L_simem_size_0:
called_computation_lowered:
.L_overlay_start_0:
0x88: {  	s2 =	sld [smem:$0x3FD9]  }
0x89: {  	s3 =	sld [smem:$0x3FFE];
	_ =	sdelay $0x1  }
0x8a: {  	s1 =	srdreg.scid  }
0x8b: {  	s0 =	sand.u32 $0x1, s1  }
0x8c: {  	s17 =	sshll.u32 s0, $0xA;
	s2 =	sadd.s32 s3, s2  }
0x8d: {  	s2 =	sadd.s32 s2, s17  }
0x8e: {  	[smem:$0x3FC3] =	sst s2  }
0x8f: {  	_ = 	snop  }
0x90: {  	s2 =	sld [smem:$0x3FC9]  }
0x91: {  	s18 =	sld [smem:$0x3FC7]  }
0x92: {  	s4 =	sld [smem:$0x3FC5]  }
0x93: {  	s5 =	sld [smem:$0x3FD0];
	(tm) =	ssettm $0x1  }
0x94: {  	s6 =	sld [smem:$0x3FFB];
	_ =	sdelay $0x3  }
0x95: {  	_ =	strace s6  }
0x96: {  	s6 =	sld [smem:$0x3FFC];
	_ =	sdelay $0x3  }
0x97: {  	_ =	strace s6  }
0x98: {  	s6 =	sld [smem:$0x3FFD];
	_ =	sdelay $0x3  }
0x99: {  	_ =	strace s6  }
0x9a: {  	_ =	strace $0x8FFFFFFF  }
0x9b: {  	s19 =	sld [smem:$0x3FDB];
	_ =	sdelay $0x1  }
0x9c: {  	s7 =	simm.s32 $_scs_section_size  }
0x9d: {  	s8 =	simm.s32 $_size__tile_overlayer_lowered;
	s9 =	simm.s32 $_tile_overlayer_lowered  }
0x9e: {  	s22 =	simm.s32 $0x1BFF;
	s21 =	sshll.u32 s9, $0x1;
	s6 =	sadd.s32 s7, s19  }
0x9f: {  	s10 =	simm.s32 $0x0;
	s20 =	sshll.u32 s8, $0x1;
	s8 =	sadd.s32 s21, s6  }
0xa0: {  	[timem:s10], [sflag:s22] =	dma.local [hbm:s8], s20  }
0xa1: {  	_ =	swait.ge [sflag:s22], s20  }
0xa2: {  	s7 =	ssub.s32 $0x0, s20;
	[sflag:s22] =	ssyncset.done $0x0  }
0xa3: {  	[sflag:s22] =	ssyncadd.s32 s7;
	_ =	sdelay $0x1  }
0xa4: {  	s23 =	simm.s32 $0x1B8B  }
0xa5: {  	_ =	swait.ge [sflag:s23], $0x1  }
0xa6: {  	[sflag:s23] =	ssyncset.done $0x0  }
0xa7: {  	s25 =	simm.s32 $0x1B8E;
	s24 =	sld [smem:$0x3FFE];
	[sflag:s23] =	ssyncadd.s32 $0xFFFFFFFF  }
0xa8: {  	s26 =	simm.s32 $execute0_lowered;
	[smem:$0x3FD2] =	sst s25  }
0xa9: {  	s8 =	sshll.u32 s26, $0x1;
	_ =	strace $0x80000046;
	[dreg:$0x1] =	wrdreg $0xFFFFFFFF  }
0xaa: {  	s28 =	simm.s32 $_size_execute0_lowered;
	s6 =	sadd.s32 s6, s8;
	[dreg:$0x0] =	wrdreg $0x0  }
0xab: {  	s8 =	sshll.u32 s28, $0x1;
	[dreg:$0x2] =	wrdreg s6  }
0xac: {  	[dreg:$0x3] =	wrdreg s8  }
0xad: {  	[dreg:$0x4] =	wrdreg $0xC0  }
0xae: {  	_ =	task [dreg:s10], $0x5FFFF  }
0xaf: {  	[dreg:$0x1] =	wrdreg $0xFFFFFFFF  }
0xb0: {  	[dreg:$0x0] =	wrdreg $0x60  }
0xb1: {  	[dreg:$0x2] =	wrdreg s2  }
0xb2: {  	[dreg:$0x3] =	wrdreg s5  }
0xb3: {  	[dreg:$0x4] =	wrdreg s24  }
0xb4: {  	[dreg:$0x5] =	wrdreg s18  }
0xb5: {  	[dreg:$0x6] =	wrdreg s4  }
0xb6: {  	[dreg:$0x7] =	wrdreg $0x0  }
0xb7: {  	[dreg:$0x8] =	wrdreg $0x9  }
0xb8: {  	_ =	task.clear_ibuf [dreg:s10], $0x9FFFF;
	_ =	strace $0x90000046  }
0xb9: {  	s29 =	simm.s32 $0x9;
	_ =	strace $0x80000048  }
0xba: {  	_ =	swait.ge [sflag:s29], $0x1  }
0xbb: {  	[sflag:s29] =	ssyncadd.s32 $0xFFFFFFFF  }
0xbc: {  	_ =	strace $0x90000048  }
0xbd: {  	_ =	sfence  }
0xbe: {  	s30 =	sld [smem:$0x0];
	_ =	sdelay $0x2  }
0xbf: {  	s31 =	sshll.u32 s1, $0xD;
	s1 =	sshrl.u32 s1, $0x2  }
0xc0: {  	s3 =	sand.u32 $0x4000, s31;
	s1 =	sadd.s32 s1, s30  }
0xc1: {  	s0 =	sor.u32 s3, s0;
	s1 =	sshll.u32 s1, $0x11  }
0xc2: {  	s0 =	sor.u32 s1, s0  }
0xc3: {  	s0 =	sadd.s32 $0x8F2B, s0  }
0xc4: {  	[sflag:s0] =	ssyncadd.remote.s32 $0x1  }
0xc5: {  	_ =	sfence.sel $0xFFFF  }
0xc6: {  	[dreg:$0x0] =	wrdreg $0xFFFFFFFF;
	(pc) =	sbr.abs _section_cstart, $3  }
0xc7: {  	[dreg:$0x1] =	wrdreg $0xFFFFFFFF  }
0xc8: {  	_ =	task.clear_ibuf [dreg:s10], $0x2FFFF;
	_ =	strace $0x9FFFFFFF  }
0xc9: {  	(tm) =	ssettm $0x7FFFFFFF  }
tec
execute0_lowered:
.L_overlay_start_1:
0x0: {  	(tag) =	ssettag $0x1  }
0x1: {  	s1 =	rddreg [dreg:$0x0]  }
0x2: {  	s14 =	rddreg [dreg:$0x1]  }
0x3: {  	s15 =	rddreg [dreg:$0x2]  }
0x4: {  	s16 =	rddreg [dreg:$0x3]  }
0x5: {  	s5 =	rddreg [dreg:$0x4]  }
0x6: {  	s6 =	rddreg [dreg:$0x5]  }
0x7: {  	s8 =	simm.s32 $0x0;
	s0 =	srdreg.scid;
	s17 =	stileid.u32  }
0x8: {  	s10 =	simm.s32 $0x75000;
	s30 =	simm.s32 $0x14400;
	s31 =	simm.s32 $0x50  }
0x9: {  	s29 =	simm.s32 $0x14600;
	s28 =	simm.s32 $0x14800;
	[smem:$0x7FF] =	sst s8  }
0xa: {  	s0 =	sand.u32 $0x1, s0;
	s2 =	sshll.u32 s17, $0x1;
	s4 =	smul.u32 $0x4F000, s17  }
0xb: {  	s18 =	sadd.s32 $0x32000, s15;
	s20 =	sadd.s32 $0x19000, s15;
	s23 =	smul.u32 $0x2780, s17  }
0xc: {  	s19 =	sshll.u32 s17, $0x6;
	s24 =	smul.u32 $0x4E2000, s17;
	_ =	strace $0x80000047  }
0xd: {  	s3 =	ssub.s32 $0x2, s0;
	s2 =	sor.u32 s0, s2;
	s13 =	smul.u32 $0x271000, s0  }
0xe: {  	s25 =	sor.u32 $0x1C05, s19;
	p0 =	seq.s32 s0, $0x1;
	s0 =	smul.u32 $0xC800, s0  }
0xf: {  	[dreg:$0x7] =	wrdreg s18;
	s7 =	sshrl.u32 s3, $0x1;
	s9 =	smul.u32 $0xC800, s2  }
0x10: {  	s4 =	sshrl.u32 s4, $0x2;
	s2 =	smul.u32 $0x271000, s2;
	s10 =	simm.s32 @!p0 $0x4D800  }
0x11: {  	[dreg:$0x9] =	wrdreg s25;
	s3 =	ssub.s32 s3, s7;
	s4 =	sadd.s32 s4, s6  }
0x12: {  	s10 =	sadd.s32 s10, s15;
	[dreg:$0x8] =	wrdreg s4;
	s21 =	sadd.s32 $0xFFF38000, s9  }
0x13: {  	s7 =	sadd.s32 s10, s23;
	s10 =	sadd.s32 $0xFD8F0000, s2;
	s2 =	sshrl.u32 s2, $0x3  }
0x14: {  	s3 =	smax.u32 s3, $0x1;
	s22 =	sshrl.u32 s21, $0x3;
	[dreg:$0xd] =	wrdreg s7  }
0x15: {  	s21 =	sshrl.u32 s9, $0x3;
	s9 =	sadd.s32 s16, s2;
	[dreg:$0x1a] =	wrdreg s3  }
0x16: {  	p0 =	sgt.u32 s17, $0x7;
	s11 =	sadd.s32 s18, s22;
	[dreg:$0x15] =	wrdreg s9  }
0x17: {  	s7 =	sshrl.u32 s10, $0x3;
	s19 =	sadd.s32 s20, s22;
	[dreg:$0xa] =	wrdreg s11  }
0x18: {  	s12 =	sadd.s32 $0x100, s22;
	s10 =	sadd.s32 s15, s21;
	[dreg:$0xb] =	wrdreg s19  }
0x19: {  	s4 =	sadd.s32 $0x200, s22;
	s26 =	sadd.s32 s18, s12;
	[dreg:$0x17] =	wrdreg s10  }
0x1a: {  	s23 =	sadd.s32 $0x100, s21;
	s12 =	sadd.s32 s20, s12;
	[dreg:$0xc] =	wrdreg s26  }
0x1b: {  	s11 =	sadd.s32 s13, s24;
	s22 =	sadd.s32 s18, s4;
	[dreg:$0xf] =	wrdreg s12  }
0x1c: {  	s19 =	smul.u32 $0x19000, s17;
	s4 =	sadd.s32 s20, s4;
	[dreg:$0x11] =	wrdreg s22  }
0x1d: {  	s24 =	sadd.s32 s14, s23;
	s13 =	sadd.s32 $0x200, s21;
	[dreg:$0x12] =	wrdreg s4  }
0x1e: {  	s17 =	sadd.s32 $0xF00, s9;
	s12 =	sadd.s32 s5, s7;
	[dreg:$0x13] =	wrdreg s24  }
0x1f: {  	s26 =	sadd.s32 s15, s23;
	s4 =	sadd.s32 s14, s21;
	[smem:$0x7F6] =	sst s17  }
0x20: {  	s18 =	sadd.s32 $0x34800, s11;
	s7 =	sadd.s32 s14, s13;
	[dreg:$0xe] =	wrdreg s11  }
0x21: {  	s2 =	sadd.s32 s15, s13;
	s21 =	sadd.s32 $0x37000, s11;
	[dreg:$0x14] =	wrdreg s26  }
0x22: {  	s22 =	sadd.s32 $0x39800, s11;
	s23 =	sadd.s32 $0x3C000, s11;
	[dreg:$0x16] =	wrdreg s4  }
0x23: {  	s10 =	sadd.s32 $0x41000, s11;
	s13 =	sadd.s32 $0x43800, s11;
	[dreg:$0x18] =	wrdreg s7  }
0x24: {  	s0 =	sadd.s32 s0, s19;
	[dreg:$0x19] =	wrdreg s2;
	s19 =	sshrl.u32 s18, $0x3  }
0x25: {  	s24 =	sshrl.u32 s22, $0x3;
	s26 =	sshrl.u32 s23, $0x3;
	s7 =	sadd.s32 $0x3E800, s11  }
0x26: {  	s14 =	sshrl.u32 s10, $0x3;
	s18 =	sshrl.u32 s13, $0x3;
	s23 =	sadd.s32 $0x4B000, s11  }
0x27: {  	s13 =	sadd.s32 $0x2A800, s11;
	[dreg:$0x10] =	wrdreg s12;
	s2 =	sadd.s32 s19, s16  }
0x28: {  	s4 =	sadd.s32 s26, s16;
	s19 =	sadd.s32 s18, s16;
	[dreg:$0x1b] =	wrdreg s2  }
0x29: {  	s26 =	sshrl.u32 s23, $0x3;
	s18 =	sshrl.u32 s13, $0x3;
	[dreg:$0x1e] =	wrdreg s4  }
0x2a: {  	s23 =	sadd.s32 $0x23000, s11;
	[smem:$0x7D8] =	sst s19;
	s4 =	sadd.s32 s26, s16  }
0x2b: {  	s2 =	sshrl.u32 s21, $0x3;
	s19 =	sadd.s32 s18, s16;
	[smem:$0x7DB] =	sst s4  }
0x2c: {  	s26 =	sshrl.u32 s23, $0x3;
	s23 =	sadd.s32 $0x3200, s9;
	[smem:$0x7DE] =	sst s19  }
0x2d: {  	s22 =	sadd.s32 $0x48800, s11;
	s2 =	sadd.s32 s2, s16;
	[smem:$0x7EA] =	sst s23  }
0x2e: {  	s10 =	sadd.s32 $0x2D000, s11;
	s3 =	sadd.s32 s26, s16;
	[dreg:$0x1c] =	wrdreg s2  }
0x2f: {  	s21 =	sadd.s32 $0x46000, s11;
	s19 =	sadd.s32 $0xFFF39800, s0;
	[smem:$0x7E1] =	sst s3  }
0x30: {  	s18 =	sadd.s32 $0x2000, s0;
	s26 =	sadd.s32 $0xA00, s12;
	[smem:$0x7E6] =	sst s19  }
0x31: {  	s4 =	sadd.s32 $0x20800, s11;
	s23 =	sadd.s32 $0x2800, s9;
	[smem:$0x7EC] =	sst s26  }
0x32: {  	s0 =	sadd.s32 $0x1800, s0;
	s2 =	sadd.s32 s24, s16;
	[smem:$0x7FB] =	sst s23  }
0x33: {  	s24 =	sshrl.u32 s22, $0x3;
	s0 =	sshrl.u32 s0, $0x3;
	[dreg:$0x1d] =	wrdreg s2  }
0x34: {  	s22 =	sadd.s32 $0x25800, s11;
	s3 =	sadd.s32 $0xA00, s9;
	[smem:$0x7E7] =	sst s0  }
0x35: {  	s19 =	sadd.s32 $0x1900, s9;
	s2 =	sshrl.u32 s7, $0x3;
	[smem:$0x7EE] =	sst s3  }
0x36: {  	s26 =	sadd.s32 $0x32000, s11;
	[smem:$0x7F8] =	sst s19;
	s2 =	sadd.s32 s2, s16  }
0x37: {  	s23 =	simm.s32 $0x15400;
	[dreg:$0x1f] =	wrdreg s2;
	s2 =	sadd.s32 s14, s16  }
0x38: {  	s7 =	sadd.s32 $0x2F800, s11;
	[smem:$0x7D7] =	sst s2;
	s2 =	sshrl.u32 s21, $0x3  }
0x39: {  	[smem:$0x7FD] =	sst s26;
	s14 =	sshrl.u32 s10, $0x3;
	s2 =	sadd.s32 s2, s16  }
0x3a: {  	s10 =	sadd.s32 $0x1B800, s11;
	[smem:$0x7D9] =	sst s2;
	s2 =	sadd.s32 s24, s16  }
0x3b: {  	s24 =	sshrl.u32 s22, $0x3;
	s22 =	sadd.s32 $0x3200, s12;
	[smem:$0x7DA] =	sst s2  }
0x3c: {  	s2 =	sshrl.u32 s7, $0x3;
	[smem:$0x7E9] =	sst s22;
	s22 =	sadd.s32 $0x2300, s9  }
0x3d: {  	s7 =	sadd.s32 $0x1E000, s11;
	s2 =	sadd.s32 s2, s16;
	[smem:$0x7FA] =	sst s22  }
0x3e: {  	s13 =	sshrl.u32 s7, $0x3;
	s7 =	sadd.s32 $0x1400, s12;
	[smem:$0x7DC] =	sst s2  }
0x3f: {  	s21 =	sadd.s32 $0x28000, s11;
	s2 =	sadd.s32 s14, s16;
	[smem:$0x7F0] =	sst s7  }
0x40: {  	s14 =	sshrl.u32 s10, $0x3;
	s10 =	sadd.s32 $0x1900, s12;
	[smem:$0x7DD] =	sst s2  }
0x41: {  	s2 =	sshrl.u32 s21, $0x3;
	s21 =	sadd.s32 $0x4B000, s15;
	[smem:$0x7F1] =	sst s10  }
0x42: {  	s0 =	simm.s32 $0x15C00;
	s15 =	sadd.s32 $0x2800, s12;
	[smem:$0x7E8] =	sst s21  }
0x43: {  	s3 =	simm.s32 $0x1AC00;
	s2 =	sadd.s32 s2, s16;
	[smem:$0x7F4] =	sst s15  }
0x44: {  	s26 =	simm.s32 $0x14580;
	s21 =	sadd.s32 $0x1E00, s9;
	[smem:$0x7DF] =	sst s2  }
0x45: {  	s19 =	simm.s32 $0x14880;
	s2 =	sadd.s32 s24, s16;
	[smem:$0x7F9] =	sst s21  }
0x46: {  	s11 =	simm.s32 $0x5;
	s24 =	sadd.s32 $0x500, s12;
	[smem:$0x7E0] =	sst s2  }
0x47: {  	s2 =	sshrl.u32 s4, $0x3;
	[smem:$0x7EB] =	sst s24;
	s4 =	sadd.s32 $0xF00, s12  }
0x48: {  	s22 =	simm.s32 $0x14780;
	s24 =	sadd.s32 $0x2D00, s9;
	[smem:$0x7EF] =	sst s4  }
0x49: {  	s7 =	simm.s32 $0x18400;
	s2 =	sadd.s32 s2, s16;
	[smem:$0x7FC] =	sst s24  }
0x4a: {  	s10 =	simm.s32 $0x0;
	[smem:$0x7E2] =	sst s2;
	s2 =	sadd.s32 s13, s16  }
0x4b: {  	s15 =	simm.s32 $0x2;
	s16 =	sadd.s32 s14, s16;
	[smem:$0x7E3] =	sst s2  }
0x4c: {  	s21 =	simm.s32 $0x13C00;
	s13 =	sadd.s32 $0x1E00, s12;
	[smem:$0x7E4] =	sst s16  }
0x4d: {  	s24 =	simm.s32 $0x14680;
	s14 =	sadd.s32 $0x2300, s12;
	[smem:$0x7F2] =	sst s13  }
.Ltmp0:
0x4e: {  	s2 =	sshrl.u32 s18, $0x3;
	[smem:$0x7F3] =	sst s14;
	(pc) =	sbr.rel .LBB2_1-.Ltmp0, $4  }
0x4f: {  	s4 =	simm.s32 $0x4;
	s16 =	sadd.s32 $0x2D00, s12;
	[smem:$0x7E5] =	sst s2  }
0x50: {  	s18 =	sadd.s32 $0x1400, s9;
	s13 =	simm.s32 $0x1D400;
	[smem:$0x7F5] =	sst s16  }
0x51: {  	s14 =	simm.s32 $0x1;
	s2 =	sadd.s32 $0x500, s9;
	[smem:$0x7F7] =	sst s18  }
0x52: {  	s18 =	simm.s32 $0x3;
	[smem:$0x7ED] =	sst s2;
	s2 =	simm.s32 $0x14700  }
.LBB2_8:
0x53: {  	_ =	swait.ge [sflag:s18], $0x2800  }
0x54: {  	[sflag:s18] =	ssyncset.done $0x0  }
0x55: {  	[sflag:s18] =	ssyncadd.s32 $0xFFFFD800  }
0x56: {  	_ =	swait.ge [sflag:s18], $0x2800  }
0x57: {  	[sflag:s18] =	ssyncset.done $0x0  }
0x58: {  	[sflag:s18] =	ssyncadd.s32 $0xFFFFD800  }
0x59: {  	_ =	swait.ge [sflag:s18], $0x2800  }
0x5a: {  	[sflag:s18] =	ssyncset.done $0x0  }
0x5b: {  	[sflag:s18] =	ssyncadd.s32 $0xFFFFD800  }
0x5c: {  	_ =	swait.ge [sflag:s18], $0x2800  }
0x5d: {  	[sflag:s18] =	ssyncset.done $0x0  }
0x5e: {  	[sflag:s18] =	ssyncadd.s32 $0xFFFFD800  }
0x5f: {  	[bflag:$0x0] =	sbarrier.arrive $0xFFFF  }
0x60: {  	s10 =	sld [smem:$0x7D6]  }
0x61: {  	s25 =	rddreg [dreg:$0x9]  }
0x62: {  	s11 =	simm.s32 $0x5;
	s9 =	rddreg [dreg:$0xd]  }
0x63: {  	[hbm:s9], [sflag:s25] =	dma.local [spmem:s10], $0x2780  }
0x64: {  	_ =	swait.ge [sflag:s11], $0x2780  }
0x65: {  	s16 =	sld [smem:$0x7D5];
	_ =	sdelay $0x2  }
0x66: {  	s17 =	rddreg [dreg:$0x1a];
	s10 =	sadd.s32 $0x1, s16  }
0x67: {  	p1 =	sne.s32 s10, s17  }
.Ltmp1:
0x68: {  	_ = 	snop;
	(pc) =	sbr.rel @!p1 .LBB2_9-.Ltmp1, $3  }
0x69: {  	_ =	sdelay $0x1  }
0x6a: {  	[sflag:s11] =	ssyncset.done $0x0  }
0x6b: {  	[sflag:s11] =	ssyncadd.s32 $0xFFFFD880  }
.LBB2_1:
0x6c: {  	s9 =	rddreg [dreg:$0x8]  }
0x6d: {  	s17 =	sld [smem:$0x7E8]  }
0x6e: {  	[smem:$0x7D5] =	sst s10;
	s16 =	sshrl.u32 s9, $0x3  }
0x6f: {  	[smem:$0x7D6] =	sst s16  }
0x70: {  	[spmem:s16], [sflag:s25] =	dma.local [hbm:s17], $0x2780  }
.Ltmp2:
0x71: {  	_ =	swait.ge [sflag:s11], $0x2780;
	(pc) =	sbr.rel @p0 .LBB2_5-.Ltmp2, $3  }
0x72: {  	[sflag:s11] =	ssyncset.done $0x0  }
0x73: {  	[sflag:s11] =	ssyncadd.s32 $0xFFFFD880  }
0x74: {  	[bflag:$0x0] =	sbarrier.arrive $0xFFFF;
	_ =	sdelay $0x1  }
0x75: {  	s9 =	simm.s32 $0x0;
	s10 =	rddreg [dreg:$0x16]  }
0x76: {  	[tilespmem:s21], [sflag:$0x5] =	stream.linear.gather [hbm4b:s10+s9], $0x500, $0x38;
	[tilespmem:$0x1FC00] =	vst v63  }
0x77: {  	_ =	swait.ge [sflag:s11], $0x500  }
0x78: {  	[sflag:s11] =	ssyncset.done $0x0  }
0x79: {  	s17 =	rddreg [dreg:$0x17];
	[sflag:s11] =	ssyncadd.s32 $0xFFFFFB00  }
0x7a: {  	[tilespmem:s30], [sflag:$0x5] =	stream.linear.gather [hbm4b:s17+s9], $0x500, $0x38;
	[tilespmem:$0x1FC00] =	vst v63  }
0x7b: {  	_ =	swait.ge [sflag:s11], $0x500  }
0x7c: {  	s25 =	smov.u32 s20;
	[sflag:s11] =	ssyncset.done $0x0  }
0x7d: {  	s20 =	rddreg [dreg:$0x13];
	[sflag:s11] =	ssyncadd.s32 $0xFFFFFB00;
	s11 =	simm.s32 $0x14C00  }
0x7e: {  	[tilespmem:s11], [sflag:$0x4] =	stream.linear.gather [hbm4b:s20+s9], $0x500, $0x38;
	[tilespmem:$0x1FC00] =	vst v63  }
0x7f: {  	s12 =	rddreg [dreg:$0x14]  }
0x80: {  	[tilespmem:s23], [sflag:$0x4] =	stream.linear.gather [hbm4b:s12+s9], $0x500, $0x38;
	[tilespmem:$0x1FC00] =	vst v63  }
0x81: {  	_ = 	snop  }
0x82: {  	[tilespmem:s0], [sflag:$0x1] =	stream.indirect.gather [hbm4b:s1+s31], $0x80, s21, s31, $0xb8;
	[tilespmem:$0x1FC00] =	vst v63  }
0x83: {  	s16 =	rddreg [dreg:$0x15]  }
0x84: {  	[tilespmem:s7], [sflag:$0x2] =	stream.linear.gather [hbm4b:s16+s9], $0x2800, $0x38;
	[tilespmem:$0x1FC00] =	vst v63  }
0x85: {  	s17 =	simm.s32 $0x13C80;
	s20 =	sld [smem:$0x7ED]  }
0x86: {  	[tilespmem:s3], [sflag:$0x1] =	stream.indirect.gather [hbm4b:s1+s31], $0x80, s17, s31, $0xb8;
	[tilespmem:$0x1FC00] =	vst v63  }
0x87: {  	_ = 	snop  }
0x88: {  	[tilespmem:s13], [sflag:$0x2] =	stream.linear.gather [hbm4b:s20+s9], $0x2800, $0x38;
	[tilespmem:$0x1FC00] =	vst v63  }
0x89: {  	_ =	swait.ge [sflag:s14], $0x2800  }
0x8a: {  	[sflag:s14] =	ssyncset.done $0x0  }
0x8b: {  	[sflag:s14] =	ssyncadd.s32 $0xFFFFD800  }
0x8c: {  	[spmem:s6] =	stream.indirect.scatter.add.f32 [tilespmem:s0], [sflag:$0x3], $0x80, s30, s31, $0xb8;
	[tilespmem:$0x1FC00] =	vst v63  }
0x8d: {  	_ =	swait.ge [sflag:s15], $0x2800  }
0x8e: {  	[sflag:s15] =	ssyncset.done $0x0  }
0x8f: {  	[sflag:s15] =	ssyncadd.s32 $0xFFFFD800  }
0x90: {  	[spmem:s6] =	stream.indirect.scatter.add.f32 [tilespmem:s7], [sflag:$0x3], $0x80, s30, s31, $0xb8;
	[tilespmem:$0x1FC00] =	vst v63  }
0x91: {  	_ =	swait.ge [sflag:s18], $0x2800  }
0x92: {  	[sflag:s18] =	ssyncset.done $0x0  }
0x93: {  	s23 =	simm.s32 $0x13D00;
	[sflag:s18] =	ssyncadd.s32 $0xFFFFD800  }
0x94: {  	[tilespmem:s0], [sflag:$0x1] =	stream.indirect.gather [hbm4b:s1+s31], $0x80, s23, s31, $0xb8;
	[tilespmem:$0x1FC00] =	vst v63  }
0x95: {  	_ =	swait.ge [sflag:s18], $0x2800  }
0x96: {  	s12 =	sld [smem:$0x7EE]  }
0x97: {  	[sflag:s18] =	ssyncset.done $0x0  }
0x98: {  	[sflag:s18] =	ssyncadd.s32 $0xFFFFD800  }
0x99: {  	[tilespmem:s7], [sflag:$0x2] =	stream.linear.gather [hbm4b:s12+s9], $0x2800, $0x38;
	[tilespmem:$0x1FC00] =	vst v63  }
0x9a: {  	_ =	swait.ge [sflag:s14], $0x2800  }
0x9b: {  	[sflag:s14] =	ssyncset.done $0x0  }
0x9c: {  	s16 =	simm.s32 $0x14480;
	[sflag:s14] =	ssyncadd.s32 $0xFFFFD800  }
0x9d: {  	[spmem:s6] =	stream.indirect.scatter.add.f32 [tilespmem:s3], [sflag:$0x3], $0x80, s16, s31, $0xb8;
	[tilespmem:$0x1FC00] =	vst v63  }
0x9e: {  	_ =	swait.ge [sflag:s15], $0x2800  }
0x9f: {  	[sflag:s15] =	ssyncset.done $0x0  }
0xa0: {  	[sflag:s15] =	ssyncadd.s32 $0xFFFFD800  }
0xa1: {  	[spmem:s6] =	stream.indirect.scatter.add.f32 [tilespmem:s13], [sflag:$0x3], $0x80, s16, s31, $0xb8;
	[tilespmem:$0x1FC00] =	vst v63  }
0xa2: {  	_ =	swait.ge [sflag:s18], $0x2800  }
0xa3: {  	[sflag:s18] =	ssyncset.done $0x0  }
0xa4: {  	s17 =	simm.s32 $0x13D80;
	[sflag:s18] =	ssyncadd.s32 $0xFFFFD800  }
0xa5: {  	[tilespmem:s3], [sflag:$0x1] =	stream.indirect.gather [hbm4b:s1+s31], $0x80, s17, s31, $0xb8;
	[tilespmem:$0x1FC00] =	vst v63  }
0xa6: {  	_ =	swait.ge [sflag:s18], $0x2800  }
0xa7: {  	s20 =	sld [smem:$0x7F6]  }
0xa8: {  	[sflag:s18] =	ssyncset.done $0x0  }
0xa9: {  	[sflag:s18] =	ssyncadd.s32 $0xFFFFD800  }
0xaa: {  	[tilespmem:s13], [sflag:$0x2] =	stream.linear.gather [hbm4b:s20+s9], $0x2800, $0x38;
	[tilespmem:$0x1FC00] =	vst v63  }
0xab: {  	_ =	swait.ge [sflag:s14], $0x2800  }
0xac: {  	[sflag:s14] =	ssyncset.done $0x0  }
0xad: {  	s23 =	simm.s32 $0x14500;
	[sflag:s14] =	ssyncadd.s32 $0xFFFFD800  }
0xae: {  	[spmem:s6] =	stream.indirect.scatter.add.f32 [tilespmem:s0], [sflag:$0x3], $0x80, s23, s31, $0xb8;
	[tilespmem:$0x1FC00] =	vst v63  }
0xaf: {  	_ =	swait.ge [sflag:s15], $0x2800  }
0xb0: {  	[sflag:s15] =	ssyncset.done $0x0  }
0xb1: {  	[sflag:s15] =	ssyncadd.s32 $0xFFFFD800  }
0xb2: {  	[spmem:s6] =	stream.indirect.scatter.add.f32 [tilespmem:s7], [sflag:$0x3], $0x80, s23, s31, $0xb8;
	[tilespmem:$0x1FC00] =	vst v63  }
0xb3: {  	_ =	swait.ge [sflag:s18], $0x2800  }
0xb4: {  	[sflag:s18] =	ssyncset.done $0x0  }
0xb5: {  	s12 =	simm.s32 $0x13E00;
	[sflag:s18] =	ssyncadd.s32 $0xFFFFD800  }
0xb6: {  	[tilespmem:s0], [sflag:$0x1] =	stream.indirect.gather [hbm4b:s1+s31], $0x80, s12, s31, $0xb8;
	[tilespmem:$0x1FC00] =	vst v63  }
0xb7: {  	_ =	swait.ge [sflag:s18], $0x2800  }
0xb8: {  	s16 =	sld [smem:$0x7F7]  }
0xb9: {  	[sflag:s18] =	ssyncset.done $0x0  }
0xba: {  	[sflag:s18] =	ssyncadd.s32 $0xFFFFD800  }
0xbb: {  	[tilespmem:s7], [sflag:$0x2] =	stream.linear.gather [hbm4b:s16+s9], $0x2800, $0x38;
	[tilespmem:$0x1FC00] =	vst v63  }
0xbc: {  	_ =	swait.ge [sflag:s14], $0x2800  }
0xbd: {  	[sflag:s14] =	ssyncset.done $0x0  }
0xbe: {  	[sflag:s14] =	ssyncadd.s32 $0xFFFFD800  }
0xbf: {  	[spmem:s6] =	stream.indirect.scatter.add.f32 [tilespmem:s3], [sflag:$0x3], $0x80, s26, s31, $0xb8;
	[tilespmem:$0x1FC00] =	vst v63  }
0xc0: {  	_ =	swait.ge [sflag:s15], $0x2800  }
0xc1: {  	[sflag:s15] =	ssyncset.done $0x0  }
0xc2: {  	[sflag:s15] =	ssyncadd.s32 $0xFFFFD800  }
0xc3: {  	[spmem:s6] =	stream.indirect.scatter.add.f32 [tilespmem:s13], [sflag:$0x3], $0x80, s26, s31, $0xb8;
	[tilespmem:$0x1FC00] =	vst v63  }
0xc4: {  	_ =	swait.ge [sflag:s18], $0x2800  }
0xc5: {  	[sflag:s18] =	ssyncset.done $0x0  }
0xc6: {  	s17 =	simm.s32 $0x13E80;
	[sflag:s18] =	ssyncadd.s32 $0xFFFFD800  }
0xc7: {  	[tilespmem:s3], [sflag:$0x1] =	stream.indirect.gather [hbm4b:s1+s31], $0x80, s17, s31, $0xb8;
	[tilespmem:$0x1FC00] =	vst v63  }
0xc8: {  	_ =	swait.ge [sflag:s18], $0x2800  }
0xc9: {  	s20 =	sld [smem:$0x7F8]  }
0xca: {  	[sflag:s18] =	ssyncset.done $0x0  }
0xcb: {  	[sflag:s18] =	ssyncadd.s32 $0xFFFFD800  }
0xcc: {  	[tilespmem:s13], [sflag:$0x2] =	stream.linear.gather [hbm4b:s20+s9], $0x2800, $0x38;
	[tilespmem:$0x1FC00] =	vst v63  }
0xcd: {  	_ =	swait.ge [sflag:s14], $0x2800  }
0xce: {  	[sflag:s14] =	ssyncset.done $0x0  }
0xcf: {  	[sflag:s14] =	ssyncadd.s32 $0xFFFFD800  }
0xd0: {  	[spmem:s6] =	stream.indirect.scatter.add.f32 [tilespmem:s0], [sflag:$0x3], $0x80, s29, s31, $0xb8;
	[tilespmem:$0x1FC00] =	vst v63  }
0xd1: {  	_ =	swait.ge [sflag:s15], $0x2800  }
0xd2: {  	[sflag:s15] =	ssyncset.done $0x0  }
0xd3: {  	[sflag:s15] =	ssyncadd.s32 $0xFFFFD800  }
0xd4: {  	[spmem:s6] =	stream.indirect.scatter.add.f32 [tilespmem:s7], [sflag:$0x3], $0x80, s29, s31, $0xb8;
	[tilespmem:$0x1FC00] =	vst v63  }
0xd5: {  	_ =	swait.ge [sflag:s18], $0x2800  }
0xd6: {  	[sflag:s18] =	ssyncset.done $0x0  }
0xd7: {  	s23 =	simm.s32 $0x13F00;
	[sflag:s18] =	ssyncadd.s32 $0xFFFFD800  }
0xd8: {  	[tilespmem:s0], [sflag:$0x1] =	stream.indirect.gather [hbm4b:s1+s31], $0x80, s23, s31, $0xb8;
	[tilespmem:$0x1FC00] =	vst v63  }
0xd9: {  	_ =	swait.ge [sflag:s18], $0x2800  }
0xda: {  	s12 =	sld [smem:$0x7F9]  }
0xdb: {  	[sflag:s18] =	ssyncset.done $0x0  }
0xdc: {  	[sflag:s18] =	ssyncadd.s32 $0xFFFFD800  }
0xdd: {  	[tilespmem:s7], [sflag:$0x2] =	stream.linear.gather [hbm4b:s12+s9], $0x2800, $0x38;
	[tilespmem:$0x1FC00] =	vst v63  }
0xde: {  	_ =	swait.ge [sflag:s14], $0x2800  }
0xdf: {  	[sflag:s14] =	ssyncset.done $0x0  }
0xe0: {  	[sflag:s14] =	ssyncadd.s32 $0xFFFFD800  }
0xe1: {  	[spmem:s6] =	stream.indirect.scatter.add.f32 [tilespmem:s3], [sflag:$0x3], $0x80, s24, s31, $0xb8;
	[tilespmem:$0x1FC00] =	vst v63  }
0xe2: {  	_ =	swait.ge [sflag:s15], $0x2800  }
0xe3: {  	[sflag:s15] =	ssyncset.done $0x0  }
0xe4: {  	[sflag:s15] =	ssyncadd.s32 $0xFFFFD800  }
0xe5: {  	[spmem:s6] =	stream.indirect.scatter.add.f32 [tilespmem:s13], [sflag:$0x3], $0x80, s24, s31, $0xb8;
	[tilespmem:$0x1FC00] =	vst v63  }
0xe6: {  	_ =	swait.ge [sflag:s18], $0x2800  }
0xe7: {  	[sflag:s18] =	ssyncset.done $0x0  }
0xe8: {  	s16 =	simm.s32 $0x13F80;
	[sflag:s18] =	ssyncadd.s32 $0xFFFFD800  }
0xe9: {  	[tilespmem:s3], [sflag:$0x1] =	stream.indirect.gather [hbm4b:s1+s31], $0x80, s16, s31, $0xb8;
	[tilespmem:$0x1FC00] =	vst v63  }
0xea: {  	_ =	swait.ge [sflag:s18], $0x2800  }
0xeb: {  	s17 =	sld [smem:$0x7FA]  }
0xec: {  	[sflag:s18] =	ssyncset.done $0x0  }
0xed: {  	[sflag:s18] =	ssyncadd.s32 $0xFFFFD800  }
0xee: {  	[tilespmem:s13], [sflag:$0x2] =	stream.linear.gather [hbm4b:s17+s9], $0x2800, $0x38;
	[tilespmem:$0x1FC00] =	vst v63  }
0xef: {  	_ =	swait.ge [sflag:s14], $0x2800  }
0xf0: {  	[sflag:s14] =	ssyncset.done $0x0  }
0xf1: {  	[sflag:s14] =	ssyncadd.s32 $0xFFFFD800  }
0xf2: {  	[spmem:s6] =	stream.indirect.scatter.add.f32 [tilespmem:s0], [sflag:$0x3], $0x80, s2, s31, $0xb8;
	[tilespmem:$0x1FC00] =	vst v63  }
0xf3: {  	_ =	swait.ge [sflag:s15], $0x2800  }
0xf4: {  	[sflag:s15] =	ssyncset.done $0x0  }
0xf5: {  	[sflag:s15] =	ssyncadd.s32 $0xFFFFD800  }
0xf6: {  	[spmem:s6] =	stream.indirect.scatter.add.f32 [tilespmem:s7], [sflag:$0x3], $0x80, s2, s31, $0xb8;
	[tilespmem:$0x1FC00] =	vst v63  }
0xf7: {  	_ =	swait.ge [sflag:s18], $0x2800  }
0xf8: {  	[sflag:s18] =	ssyncset.done $0x0  }
0xf9: {  	s20 =	simm.s32 $0x14000;
	[sflag:s18] =	ssyncadd.s32 $0xFFFFD800  }
0xfa: {  	[tilespmem:s0], [sflag:$0x1] =	stream.indirect.gather [hbm4b:s1+s31], $0x80, s20, s31, $0xb8;
	[tilespmem:$0x1FC00] =	vst v63  }
0xfb: {  	_ =	swait.ge [sflag:s18], $0x2800  }
0xfc: {  	s23 =	sld [smem:$0x7FB]  }
0xfd: {  	[sflag:s18] =	ssyncset.done $0x0  }
0xfe: {  	[sflag:s18] =	ssyncadd.s32 $0xFFFFD800  }
0xff: {  	[tilespmem:s7], [sflag:$0x2] =	stream.linear.gather [hbm4b:s23+s9], $0x2800, $0x38;
	[tilespmem:$0x1FC00] =	vst v63  }
0x100: {  	_ =	swait.ge [sflag:s14], $0x2800  }
0x101: {  	[sflag:s14] =	ssyncset.done $0x0  }
0x102: {  	[sflag:s14] =	ssyncadd.s32 $0xFFFFD800  }
0x103: {  	[spmem:s6] =	stream.indirect.scatter.add.f32 [tilespmem:s3], [sflag:$0x3], $0x80, s22, s31, $0xb8;
	[tilespmem:$0x1FC00] =	vst v63  }
0x104: {  	_ =	swait.ge [sflag:s15], $0x2800  }
0x105: {  	[sflag:s15] =	ssyncset.done $0x0  }
0x106: {  	[sflag:s15] =	ssyncadd.s32 $0xFFFFD800  }
0x107: {  	[spmem:s6] =	stream.indirect.scatter.add.f32 [tilespmem:s13], [sflag:$0x3], $0x80, s22, s31, $0xb8;
	[tilespmem:$0x1FC00] =	vst v63  }
0x108: {  	_ =	swait.ge [sflag:s18], $0x2800  }
0x109: {  	[sflag:s18] =	ssyncset.done $0x0  }
0x10a: {  	s12 =	simm.s32 $0x14080;
	[sflag:s18] =	ssyncadd.s32 $0xFFFFD800  }
0x10b: {  	[tilespmem:s3], [sflag:$0x1] =	stream.indirect.gather [hbm4b:s1+s31], $0x80, s12, s31, $0xb8;
	[tilespmem:$0x1FC00] =	vst v63  }
0x10c: {  	_ =	swait.ge [sflag:s18], $0x2800  }
0x10d: {  	s16 =	sld [smem:$0x7FC]  }
0x10e: {  	[sflag:s18] =	ssyncset.done $0x0  }
0x10f: {  	[sflag:s18] =	ssyncadd.s32 $0xFFFFD800  }
0x110: {  	[tilespmem:s13], [sflag:$0x2] =	stream.linear.gather [hbm4b:s16+s9], $0x2800, $0x38;
	[tilespmem:$0x1FC00] =	vst v63  }
0x111: {  	_ =	swait.ge [sflag:s14], $0x2800  }
0x112: {  	[sflag:s14] =	ssyncset.done $0x0  }
0x113: {  	[sflag:s14] =	ssyncadd.s32 $0xFFFFD800  }
0x114: {  	[spmem:s6] =	stream.indirect.scatter.add.f32 [tilespmem:s0], [sflag:$0x3], $0x80, s28, s31, $0xb8;
	[tilespmem:$0x1FC00] =	vst v63  }
0x115: {  	_ =	swait.ge [sflag:s15], $0x2800  }
0x116: {  	[sflag:s15] =	ssyncset.done $0x0  }
0x117: {  	[sflag:s15] =	ssyncadd.s32 $0xFFFFD800  }
0x118: {  	[spmem:s6] =	stream.indirect.scatter.add.f32 [tilespmem:s7], [sflag:$0x3], $0x80, s28, s31, $0xb8;
	[tilespmem:$0x1FC00] =	vst v63  }
0x119: {  	_ =	swait.ge [sflag:s14], $0x2800  }
0x11a: {  	[sflag:s14] =	ssyncset.done $0x0  }
0x11b: {  	[sflag:s14] =	ssyncadd.s32 $0xFFFFD800  }
0x11c: {  	[spmem:s6] =	stream.indirect.scatter.add.f32 [tilespmem:s3], [sflag:$0x3], $0x80, s19, s31, $0xb8;
	[tilespmem:$0x1FC00] =	vst v63  }
0x11d: {  	_ =	swait.ge [sflag:s15], $0x2800  }
0x11e: {  	[sflag:s15] =	ssyncset.done $0x0  }
0x11f: {  	[sflag:s15] =	ssyncadd.s32 $0xFFFFD800  }
0x120: {  	[spmem:s6] =	stream.indirect.scatter.add.f32 [tilespmem:s13], [sflag:$0x3], $0x80, s19, s31, $0xb8;
	[tilespmem:$0x1FC00] =	vst v63  }
0x121: {  	_ =	swait.ge [sflag:s4], $0x500  }
0x122: {  	[sflag:s4] =	ssyncset.done $0x0  }
0x123: {  	[sflag:s4] =	ssyncadd.s32 $0xFFFFFB00  }
0x124: {  	_ =	swait.ge [sflag:s4], $0x500  }
0x125: {  	[sflag:s4] =	ssyncset.done $0x0  }
0x126: {  	[sflag:s4] =	ssyncadd.s32 $0xFFFFFB00  }
0x127: {  	_ =	swait.ge [sflag:s18], $0x2800  }
0x128: {  	[sflag:s18] =	ssyncset.done $0x0  }
0x129: {  	[sflag:s18] =	ssyncadd.s32 $0xFFFFD800  }
0x12a: {  	[tilespmem:s0], [sflag:$0x1] =	stream.indirect.gather [hbm4b:s1+s31], $0x80, s11, s31, $0xb8;
	[tilespmem:$0x1FC00] =	vst v63  }
0x12b: {  	_ =	swait.ge [sflag:s18], $0x2800  }
0x12c: {  	s17 =	sld [smem:$0x7EA]  }
0x12d: {  	[sflag:s18] =	ssyncset.done $0x0  }
0x12e: {  	[sflag:s18] =	ssyncadd.s32 $0xFFFFD800  }
0x12f: {  	[tilespmem:s7], [sflag:$0x2] =	stream.linear.gather [hbm4b:s17+s9], $0x2800, $0x38;
	[tilespmem:$0x1FC00] =	vst v63  }
0x130: {  	_ =	swait.ge [sflag:s18], $0x2800  }
0x131: {  	[sflag:s18] =	ssyncset.done $0x0  }
0x132: {  	[sflag:s18] =	ssyncadd.s32 $0xFFFFD800  }
0x133: {  	_ =	swait.ge [sflag:s18], $0x2800  }
0x134: {  	s20 =	rddreg [dreg:$0x18]  }
0x135: {  	[sflag:s18] =	ssyncset.done $0x0;
	s23 =	rddreg [dreg:$0x19]  }
0x136: {  	s11 =	sld [smem:$0x7FD];
	[sflag:s18] =	ssyncadd.s32 $0xFFFFD800  }
0x137: {  	[tilespmem:s21], [sflag:$0x4] =	stream.linear.gather [hbm4b:s20+s9], $0x500, $0x38;
	[tilespmem:$0x1FC00] =	vst v63  }
0x138: {  	s10 =	rddreg [dreg:$0x1]  }
0x139: {  	s12 =	rddreg [dreg:$0x2]  }
0x13a: {  	[tilespmem:s30], [sflag:$0x4] =	stream.linear.gather [hbm4b:s23+s9], $0x500, $0x38;
	[tilespmem:$0x1FC00] =	vst v63  }
.LBB2_3:
0x13b: {  	s23 =	sld [smem:$0x7E4]  }
0x13c: {  	s16 =	simm.s32 $0x14C80  }
0x13d: {  	[tilespmem:s3], [sflag:$0x1] =	stream.indirect.gather [hbm4b:s1+s31], $0x80, s16, s31, $0xb8;
	[tilespmem:$0x1FC00] =	vst v63  }
0x13e: {  	s16 =	sadd.s32 s9, s23  }
0x13f: {  	[tilespmem:s13], [sflag:$0x2] =	stream.linear.gather [hbm4b:s16+s8], $0x2800, $0x38;
	[tilespmem:$0x1FC00] =	vst v63  }
0x140: {  	_ =	swait.ge [sflag:s14], $0x2800  }
0x141: {  	[sflag:s14] =	ssyncset.done $0x0  }
0x142: {  	s17 =	simm.s32 $0x15400;
	[sflag:s14] =	ssyncadd.s32 $0xFFFFD800  }
0x143: {  	[spmem:s6] =	stream.indirect.scatter.add.f32 [tilespmem:s0], [sflag:$0x3], $0x80, s17, s31, $0xb8;
	[tilespmem:$0x1FC00] =	vst v63  }
0x144: {  	_ =	swait.ge [sflag:s15], $0x2800  }
0x145: {  	[sflag:s15] =	ssyncset.done $0x0  }
0x146: {  	[sflag:s15] =	ssyncadd.s32 $0xFFFFD800  }
0x147: {  	[spmem:s6] =	stream.indirect.scatter.add.f32 [tilespmem:s7], [sflag:$0x3], $0x80, s17, s31, $0xb8;
	[tilespmem:$0x1FC00] =	vst v63  }
0x148: {  	_ =	swait.ge [sflag:s18], $0x2800  }
0x149: {  	[sflag:s18] =	ssyncset.done $0x0  }
0x14a: {  	s20 =	simm.s32 $0x14D00;
	[sflag:s18] =	ssyncadd.s32 $0xFFFFD800  }
0x14b: {  	[tilespmem:s0], [sflag:$0x1] =	stream.indirect.gather [hbm4b:s1+s31], $0x80, s20, s31, $0xb8;
	[tilespmem:$0x1FC00] =	vst v63  }
0x14c: {  	_ =	swait.ge [sflag:s18], $0x2800  }
0x14d: {  	s17 =	sld [smem:$0x7E3];
	_ =	sdelay $0x1  }
0x14e: {  	[sflag:s18] =	ssyncset.done $0x0  }
0x14f: {  	[sflag:s18] =	ssyncadd.s32 $0xFFFFD800;
	s16 =	sadd.s32 s9, s17  }
0x150: {  	[tilespmem:s7], [sflag:$0x2] =	stream.linear.gather [hbm4b:s16+s8], $0x2800, $0x38;
	[tilespmem:$0x1FC00] =	vst v63  }
0x151: {  	_ =	swait.ge [sflag:s14], $0x2800  }
0x152: {  	[sflag:s14] =	ssyncset.done $0x0  }
0x153: {  	s20 =	simm.s32 $0x15480;
	[sflag:s14] =	ssyncadd.s32 $0xFFFFD800  }
0x154: {  	[spmem:s6] =	stream.indirect.scatter.add.f32 [tilespmem:s3], [sflag:$0x3], $0x80, s20, s31, $0xb8;
	[tilespmem:$0x1FC00] =	vst v63  }
0x155: {  	_ =	swait.ge [sflag:s15], $0x2800  }
0x156: {  	[sflag:s15] =	ssyncset.done $0x0  }
0x157: {  	[sflag:s15] =	ssyncadd.s32 $0xFFFFD800  }
0x158: {  	[spmem:s6] =	stream.indirect.scatter.add.f32 [tilespmem:s13], [sflag:$0x3], $0x80, s20, s31, $0xb8;
	[tilespmem:$0x1FC00] =	vst v63  }
0x159: {  	_ =	swait.ge [sflag:s18], $0x2800  }
0x15a: {  	[sflag:s18] =	ssyncset.done $0x0  }
0x15b: {  	s17 =	simm.s32 $0x14D80;
	[sflag:s18] =	ssyncadd.s32 $0xFFFFD800  }
0x15c: {  	[tilespmem:s3], [sflag:$0x1] =	stream.indirect.gather [hbm4b:s1+s31], $0x80, s17, s31, $0xb8;
	[tilespmem:$0x1FC00] =	vst v63  }
0x15d: {  	_ =	swait.ge [sflag:s18], $0x2800  }
0x15e: {  	s20 =	sld [smem:$0x7E2];
	_ =	sdelay $0x1  }
0x15f: {  	[sflag:s18] =	ssyncset.done $0x0  }
0x160: {  	[sflag:s18] =	ssyncadd.s32 $0xFFFFD800;
	s16 =	sadd.s32 s9, s20  }
0x161: {  	[tilespmem:s13], [sflag:$0x2] =	stream.linear.gather [hbm4b:s16+s8], $0x2800, $0x38;
	[tilespmem:$0x1FC00] =	vst v63  }
0x162: {  	_ =	swait.ge [sflag:s14], $0x2800  }
0x163: {  	[sflag:s14] =	ssyncset.done $0x0  }
0x164: {  	s17 =	simm.s32 $0x15500;
	[sflag:s14] =	ssyncadd.s32 $0xFFFFD800  }
0x165: {  	[spmem:s6] =	stream.indirect.scatter.add.f32 [tilespmem:s0], [sflag:$0x3], $0x80, s17, s31, $0xb8;
	[tilespmem:$0x1FC00] =	vst v63  }
0x166: {  	_ =	swait.ge [sflag:s15], $0x2800  }
0x167: {  	[sflag:s15] =	ssyncset.done $0x0  }
0x168: {  	[sflag:s15] =	ssyncadd.s32 $0xFFFFD800  }
0x169: {  	[spmem:s6] =	stream.indirect.scatter.add.f32 [tilespmem:s7], [sflag:$0x3], $0x80, s17, s31, $0xb8;
	[tilespmem:$0x1FC00] =	vst v63  }
0x16a: {  	_ =	swait.ge [sflag:s18], $0x2800  }
0x16b: {  	[sflag:s18] =	ssyncset.done $0x0  }
0x16c: {  	s20 =	simm.s32 $0x14E00;
	[sflag:s18] =	ssyncadd.s32 $0xFFFFD800  }
0x16d: {  	[tilespmem:s0], [sflag:$0x1] =	stream.indirect.gather [hbm4b:s1+s31], $0x80, s20, s31, $0xb8;
	[tilespmem:$0x1FC00] =	vst v63  }
0x16e: {  	_ =	swait.ge [sflag:s18], $0x2800  }
0x16f: {  	s17 =	sld [smem:$0x7E1];
	_ =	sdelay $0x1  }
0x170: {  	[sflag:s18] =	ssyncset.done $0x0  }
0x171: {  	[sflag:s18] =	ssyncadd.s32 $0xFFFFD800;
	s16 =	sadd.s32 s9, s17  }
0x172: {  	[tilespmem:s7], [sflag:$0x2] =	stream.linear.gather [hbm4b:s16+s8], $0x2800, $0x38;
	[tilespmem:$0x1FC00] =	vst v63  }
0x173: {  	_ =	swait.ge [sflag:s14], $0x2800  }
0x174: {  	[sflag:s14] =	ssyncset.done $0x0  }
0x175: {  	s20 =	simm.s32 $0x15580;
	[sflag:s14] =	ssyncadd.s32 $0xFFFFD800  }
0x176: {  	[spmem:s6] =	stream.indirect.scatter.add.f32 [tilespmem:s3], [sflag:$0x3], $0x80, s20, s31, $0xb8;
	[tilespmem:$0x1FC00] =	vst v63  }
0x177: {  	_ =	swait.ge [sflag:s15], $0x2800  }
0x178: {  	[sflag:s15] =	ssyncset.done $0x0  }
0x179: {  	[sflag:s15] =	ssyncadd.s32 $0xFFFFD800  }
0x17a: {  	[spmem:s6] =	stream.indirect.scatter.add.f32 [tilespmem:s13], [sflag:$0x3], $0x80, s20, s31, $0xb8;
	[tilespmem:$0x1FC00] =	vst v63  }
0x17b: {  	_ =	swait.ge [sflag:s18], $0x2800  }
0x17c: {  	[sflag:s18] =	ssyncset.done $0x0  }
0x17d: {  	s17 =	simm.s32 $0x14E80;
	[sflag:s18] =	ssyncadd.s32 $0xFFFFD800  }
0x17e: {  	[tilespmem:s3], [sflag:$0x1] =	stream.indirect.gather [hbm4b:s1+s31], $0x80, s17, s31, $0xb8;
	[tilespmem:$0x1FC00] =	vst v63  }
0x17f: {  	_ =	swait.ge [sflag:s18], $0x2800  }
0x180: {  	s20 =	sld [smem:$0x7E0];
	_ =	sdelay $0x1  }
0x181: {  	[sflag:s18] =	ssyncset.done $0x0  }
0x182: {  	[sflag:s18] =	ssyncadd.s32 $0xFFFFD800;
	s16 =	sadd.s32 s9, s20  }
0x183: {  	[tilespmem:s13], [sflag:$0x2] =	stream.linear.gather [hbm4b:s16+s8], $0x2800, $0x38;
	[tilespmem:$0x1FC00] =	vst v63  }
0x184: {  	_ =	swait.ge [sflag:s14], $0x2800  }
0x185: {  	[sflag:s14] =	ssyncset.done $0x0  }
0x186: {  	s17 =	simm.s32 $0x15600;
	[sflag:s14] =	ssyncadd.s32 $0xFFFFD800  }
0x187: {  	[spmem:s6] =	stream.indirect.scatter.add.f32 [tilespmem:s0], [sflag:$0x3], $0x80, s17, s31, $0xb8;
	[tilespmem:$0x1FC00] =	vst v63  }
0x188: {  	_ =	swait.ge [sflag:s15], $0x2800  }
0x189: {  	[sflag:s15] =	ssyncset.done $0x0  }
0x18a: {  	[sflag:s15] =	ssyncadd.s32 $0xFFFFD800  }
0x18b: {  	[spmem:s6] =	stream.indirect.scatter.add.f32 [tilespmem:s7], [sflag:$0x3], $0x80, s17, s31, $0xb8;
	[tilespmem:$0x1FC00] =	vst v63  }
0x18c: {  	_ =	swait.ge [sflag:s18], $0x2800  }
0x18d: {  	[sflag:s18] =	ssyncset.done $0x0  }
0x18e: {  	s20 =	simm.s32 $0x14F00;
	[sflag:s18] =	ssyncadd.s32 $0xFFFFD800  }
0x18f: {  	[tilespmem:s0], [sflag:$0x1] =	stream.indirect.gather [hbm4b:s1+s31], $0x80, s20, s31, $0xb8;
	[tilespmem:$0x1FC00] =	vst v63  }
0x190: {  	_ =	swait.ge [sflag:s18], $0x2800  }
0x191: {  	s17 =	sld [smem:$0x7DF];
	_ =	sdelay $0x1  }
0x192: {  	[sflag:s18] =	ssyncset.done $0x0  }
0x193: {  	[sflag:s18] =	ssyncadd.s32 $0xFFFFD800;
	s16 =	sadd.s32 s9, s17  }
0x194: {  	[tilespmem:s7], [sflag:$0x2] =	stream.linear.gather [hbm4b:s16+s8], $0x2800, $0x38;
	[tilespmem:$0x1FC00] =	vst v63  }
0x195: {  	_ =	swait.ge [sflag:s14], $0x2800  }
0x196: {  	[sflag:s14] =	ssyncset.done $0x0  }
0x197: {  	s20 =	simm.s32 $0x15680;
	[sflag:s14] =	ssyncadd.s32 $0xFFFFD800  }
0x198: {  	[spmem:s6] =	stream.indirect.scatter.add.f32 [tilespmem:s3], [sflag:$0x3], $0x80, s20, s31, $0xb8;
	[tilespmem:$0x1FC00] =	vst v63  }
0x199: {  	_ =	swait.ge [sflag:s15], $0x2800  }
0x19a: {  	[sflag:s15] =	ssyncset.done $0x0  }
0x19b: {  	[sflag:s15] =	ssyncadd.s32 $0xFFFFD800  }
0x19c: {  	[spmem:s6] =	stream.indirect.scatter.add.f32 [tilespmem:s13], [sflag:$0x3], $0x80, s20, s31, $0xb8;
	[tilespmem:$0x1FC00] =	vst v63  }
0x19d: {  	_ =	swait.ge [sflag:s18], $0x2800  }
0x19e: {  	[sflag:s18] =	ssyncset.done $0x0  }
0x19f: {  	s17 =	simm.s32 $0x14F80;
	[sflag:s18] =	ssyncadd.s32 $0xFFFFD800  }
0x1a0: {  	[tilespmem:s3], [sflag:$0x1] =	stream.indirect.gather [hbm4b:s1+s31], $0x80, s17, s31, $0xb8;
	[tilespmem:$0x1FC00] =	vst v63  }
0x1a1: {  	_ =	swait.ge [sflag:s18], $0x2800  }
0x1a2: {  	s20 =	sld [smem:$0x7DE];
	_ =	sdelay $0x1  }
0x1a3: {  	[sflag:s18] =	ssyncset.done $0x0  }
0x1a4: {  	[sflag:s18] =	ssyncadd.s32 $0xFFFFD800;
	s16 =	sadd.s32 s9, s20  }
0x1a5: {  	[tilespmem:s13], [sflag:$0x2] =	stream.linear.gather [hbm4b:s16+s8], $0x2800, $0x38;
	[tilespmem:$0x1FC00] =	vst v63  }
0x1a6: {  	_ =	swait.ge [sflag:s14], $0x2800  }
0x1a7: {  	[sflag:s14] =	ssyncset.done $0x0  }
0x1a8: {  	s17 =	simm.s32 $0x15700;
	[sflag:s14] =	ssyncadd.s32 $0xFFFFD800  }
0x1a9: {  	[spmem:s6] =	stream.indirect.scatter.add.f32 [tilespmem:s0], [sflag:$0x3], $0x80, s17, s31, $0xb8;
	[tilespmem:$0x1FC00] =	vst v63  }
0x1aa: {  	_ =	swait.ge [sflag:s15], $0x2800  }
0x1ab: {  	[sflag:s15] =	ssyncset.done $0x0  }
0x1ac: {  	[sflag:s15] =	ssyncadd.s32 $0xFFFFD800  }
0x1ad: {  	[spmem:s6] =	stream.indirect.scatter.add.f32 [tilespmem:s7], [sflag:$0x3], $0x80, s17, s31, $0xb8;
	[tilespmem:$0x1FC00] =	vst v63  }
0x1ae: {  	_ =	swait.ge [sflag:s18], $0x2800  }
0x1af: {  	[sflag:s18] =	ssyncset.done $0x0  }
0x1b0: {  	s20 =	simm.s32 $0x15000;
	[sflag:s18] =	ssyncadd.s32 $0xFFFFD800  }
0x1b1: {  	[tilespmem:s0], [sflag:$0x1] =	stream.indirect.gather [hbm4b:s1+s31], $0x80, s20, s31, $0xb8;
	[tilespmem:$0x1FC00] =	vst v63  }
0x1b2: {  	_ =	swait.ge [sflag:s18], $0x2800  }
0x1b3: {  	s17 =	sld [smem:$0x7DD];
	_ =	sdelay $0x1  }
0x1b4: {  	[sflag:s18] =	ssyncset.done $0x0  }
0x1b5: {  	[sflag:s18] =	ssyncadd.s32 $0xFFFFD800;
	s16 =	sadd.s32 s9, s17  }
0x1b6: {  	[tilespmem:s7], [sflag:$0x2] =	stream.linear.gather [hbm4b:s16+s8], $0x2800, $0x38;
	[tilespmem:$0x1FC00] =	vst v63  }
0x1b7: {  	_ =	swait.ge [sflag:s14], $0x2800  }
0x1b8: {  	[sflag:s14] =	ssyncset.done $0x0  }
0x1b9: {  	s20 =	simm.s32 $0x15780;
	[sflag:s14] =	ssyncadd.s32 $0xFFFFD800  }
0x1ba: {  	[spmem:s6] =	stream.indirect.scatter.add.f32 [tilespmem:s3], [sflag:$0x3], $0x80, s20, s31, $0xb8;
	[tilespmem:$0x1FC00] =	vst v63  }
0x1bb: {  	_ =	swait.ge [sflag:s15], $0x2800  }
0x1bc: {  	[sflag:s15] =	ssyncset.done $0x0  }
0x1bd: {  	[sflag:s15] =	ssyncadd.s32 $0xFFFFD800  }
0x1be: {  	[spmem:s6] =	stream.indirect.scatter.add.f32 [tilespmem:s13], [sflag:$0x3], $0x80, s20, s31, $0xb8;
	[tilespmem:$0x1FC00] =	vst v63  }
0x1bf: {  	_ =	swait.ge [sflag:s18], $0x2800  }
0x1c0: {  	[sflag:s18] =	ssyncset.done $0x0  }
0x1c1: {  	s17 =	simm.s32 $0x15080;
	[sflag:s18] =	ssyncadd.s32 $0xFFFFD800  }
0x1c2: {  	[tilespmem:s3], [sflag:$0x1] =	stream.indirect.gather [hbm4b:s1+s31], $0x80, s17, s31, $0xb8;
	[tilespmem:$0x1FC00] =	vst v63  }
0x1c3: {  	_ =	swait.ge [sflag:s18], $0x2800  }
0x1c4: {  	s20 =	sld [smem:$0x7DC];
	_ =	sdelay $0x1  }
0x1c5: {  	[sflag:s18] =	ssyncset.done $0x0  }
0x1c6: {  	[sflag:s18] =	ssyncadd.s32 $0xFFFFD800;
	s16 =	sadd.s32 s9, s20  }
0x1c7: {  	[tilespmem:s13], [sflag:$0x2] =	stream.linear.gather [hbm4b:s16+s8], $0x2800, $0x38;
	[tilespmem:$0x1FC00] =	vst v63  }
0x1c8: {  	_ =	swait.ge [sflag:s14], $0x2800  }
0x1c9: {  	[sflag:s14] =	ssyncset.done $0x0  }
0x1ca: {  	s17 =	simm.s32 $0x15800;
	[sflag:s14] =	ssyncadd.s32 $0xFFFFD800  }
0x1cb: {  	[spmem:s6] =	stream.indirect.scatter.add.f32 [tilespmem:s0], [sflag:$0x3], $0x80, s17, s31, $0xb8;
	[tilespmem:$0x1FC00] =	vst v63  }
0x1cc: {  	_ =	swait.ge [sflag:s15], $0x2800  }
0x1cd: {  	[sflag:s15] =	ssyncset.done $0x0  }
0x1ce: {  	[sflag:s15] =	ssyncadd.s32 $0xFFFFD800  }
0x1cf: {  	[spmem:s6] =	stream.indirect.scatter.add.f32 [tilespmem:s7], [sflag:$0x3], $0x80, s17, s31, $0xb8;
	[tilespmem:$0x1FC00] =	vst v63  }
0x1d0: {  	_ =	swait.ge [sflag:s14], $0x2800  }
0x1d1: {  	[sflag:s14] =	ssyncset.done $0x0  }
0x1d2: {  	s20 =	simm.s32 $0x15880;
	[sflag:s14] =	ssyncadd.s32 $0xFFFFD800  }
0x1d3: {  	[spmem:s6] =	stream.indirect.scatter.add.f32 [tilespmem:s3], [sflag:$0x3], $0x80, s20, s31, $0xb8;
	[tilespmem:$0x1FC00] =	vst v63  }
0x1d4: {  	_ =	swait.ge [sflag:s15], $0x2800  }
0x1d5: {  	[sflag:s15] =	ssyncset.done $0x0  }
0x1d6: {  	[sflag:s15] =	ssyncadd.s32 $0xFFFFD800  }
0x1d7: {  	[spmem:s6] =	stream.indirect.scatter.add.f32 [tilespmem:s13], [sflag:$0x3], $0x80, s20, s31, $0xb8;
	[tilespmem:$0x1FC00] =	vst v63  }
0x1d8: {  	_ =	swait.ge [sflag:s4], $0x500  }
0x1d9: {  	[sflag:s4] =	ssyncset.done $0x0  }
0x1da: {  	[sflag:s4] =	ssyncadd.s32 $0xFFFFFB00  }
0x1db: {  	_ =	swait.ge [sflag:s4], $0x500  }
0x1dc: {  	[sflag:s4] =	ssyncset.done $0x0  }
0x1dd: {  	[sflag:s4] =	ssyncadd.s32 $0xFFFFFB00  }
0x1de: {  	_ =	swait.ge [sflag:s18], $0x2800  }
0x1df: {  	[sflag:s18] =	ssyncset.done $0x0  }
0x1e0: {  	[sflag:s18] =	ssyncadd.s32 $0xFFFFD800  }
0x1e1: {  	[tilespmem:s0], [sflag:$0x1] =	stream.indirect.gather [hbm4b:s1+s31], $0x80, s21, s31, $0xb8;
	[tilespmem:$0x1FC00] =	vst v63  }
0x1e2: {  	_ =	swait.ge [sflag:s18], $0x2800  }
0x1e3: {  	[sflag:s18] =	ssyncset.done $0x0  }
0x1e4: {  	[sflag:s18] =	ssyncadd.s32 $0xFFFFD800  }
0x1e5: {  	s21 =	sshrl.u32 s11, $0x3;
	s17 =	rddreg [dreg:$0x3]  }
0x1e6: {  	s16 =	sadd.s32 s17, s21  }
0x1e7: {  	[tilespmem:s7], [sflag:$0x2] =	stream.linear.gather [hbm4b:s16+s8], $0x2800, $0x38;
	[tilespmem:$0x1FC00] =	vst v63  }
0x1e8: {  	_ =	swait.ge [sflag:s18], $0x2800  }
0x1e9: {  	[sflag:s18] =	ssyncset.done $0x0  }
0x1ea: {  	[sflag:s18] =	ssyncadd.s32 $0xFFFFD800  }
0x1eb: {  	_ =	swait.ge [sflag:s18], $0x2800  }
0x1ec: {  	s21 =	sld [smem:$0x7E7]  }
0x1ed: {  	p1 =	seq.s32 s9, $0x44C00  }
0x1ee: {  	s20 =	simm.s32 @!p1 $0x0;
	[sflag:s18] =	ssyncset.done $0x0  }
0x1ef: {  	s17 =	simm.s32 @!p1 $0x14C00;
	[sflag:s18] =	ssyncadd.s32 $0xFFFFD800;
	s16 =	sadd.s32 @!p1 s10, s21  }
0x1f0: {  	[tilespmem:s17], [sflag:$0x4] =	stream.linear.gather @!p1 [hbm4b:s16+s20], $0x500, $0x38;
	[tilespmem:$0x1FC00] =	vst v63  }
0x1f1: {  	s16 =	sadd.s32 @!p1 s12, s21;
	s17 =	simm.s32 @!p1 $0x15400  }
0x1f2: {  	[tilespmem:s17], [sflag:$0x4] =	stream.linear.gather @!p1 [hbm4b:s16+s20], $0x500, $0x38;
	[tilespmem:$0x1FC00] =	vst v63  }
0x1f3: {  	s17 =	simm.s32 $0x13C80;
	s20 =	rddreg [dreg:$0x1b]  }
0x1f4: {  	[tilespmem:s3], [sflag:$0x1] =	stream.indirect.gather [hbm4b:s1+s31], $0x80, s17, s31, $0xb8;
	[tilespmem:$0x1FC00] =	vst v63  }
0x1f5: {  	s16 =	sadd.s32 s9, s20  }
0x1f6: {  	[tilespmem:s13], [sflag:$0x2] =	stream.linear.gather [hbm4b:s16+s8], $0x2800, $0x38;
	[tilespmem:$0x1FC00] =	vst v63  }
0x1f7: {  	_ =	swait.ge [sflag:s14], $0x2800  }
0x1f8: {  	[sflag:s14] =	ssyncset.done $0x0  }
0x1f9: {  	[sflag:s14] =	ssyncadd.s32 $0xFFFFD800  }
0x1fa: {  	[spmem:s6] =	stream.indirect.scatter.add.f32 [tilespmem:s0], [sflag:$0x3], $0x80, s30, s31, $0xb8;
	[tilespmem:$0x1FC00] =	vst v63  }
0x1fb: {  	_ =	swait.ge [sflag:s15], $0x2800  }
0x1fc: {  	[sflag:s15] =	ssyncset.done $0x0  }
0x1fd: {  	[sflag:s15] =	ssyncadd.s32 $0xFFFFD800  }
0x1fe: {  	[spmem:s6] =	stream.indirect.scatter.add.f32 [tilespmem:s7], [sflag:$0x3], $0x80, s30, s31, $0xb8;
	[tilespmem:$0x1FC00] =	vst v63  }
0x1ff: {  	_ =	swait.ge [sflag:s18], $0x2800  }
0x200: {  	[sflag:s18] =	ssyncset.done $0x0  }
0x201: {  	s17 =	simm.s32 $0x13D00;
	[sflag:s18] =	ssyncadd.s32 $0xFFFFD800  }
0x202: {  	[tilespmem:s0], [sflag:$0x1] =	stream.indirect.gather [hbm4b:s1+s31], $0x80, s17, s31, $0xb8;
	[tilespmem:$0x1FC00] =	vst v63  }
0x203: {  	_ =	swait.ge [sflag:s18], $0x2800  }
0x204: {  	[sflag:s18] =	ssyncset.done $0x0;
	s20 =	rddreg [dreg:$0x1c]  }
0x205: {  	[sflag:s18] =	ssyncadd.s32 $0xFFFFD800;
	s16 =	sadd.s32 s9, s20  }
0x206: {  	[tilespmem:s7], [sflag:$0x2] =	stream.linear.gather [hbm4b:s16+s8], $0x2800, $0x38;
	[tilespmem:$0x1FC00] =	vst v63  }
0x207: {  	_ =	swait.ge [sflag:s14], $0x2800  }
0x208: {  	[sflag:s14] =	ssyncset.done $0x0  }
0x209: {  	s17 =	simm.s32 $0x14480;
	[sflag:s14] =	ssyncadd.s32 $0xFFFFD800  }
0x20a: {  	[spmem:s6] =	stream.indirect.scatter.add.f32 [tilespmem:s3], [sflag:$0x3], $0x80, s17, s31, $0xb8;
	[tilespmem:$0x1FC00] =	vst v63  }
0x20b: {  	_ =	swait.ge [sflag:s15], $0x2800  }
0x20c: {  	[sflag:s15] =	ssyncset.done $0x0  }
0x20d: {  	[sflag:s15] =	ssyncadd.s32 $0xFFFFD800  }
0x20e: {  	[spmem:s6] =	stream.indirect.scatter.add.f32 [tilespmem:s13], [sflag:$0x3], $0x80, s17, s31, $0xb8;
	[tilespmem:$0x1FC00] =	vst v63  }
0x20f: {  	_ =	swait.ge [sflag:s18], $0x2800  }
0x210: {  	[sflag:s18] =	ssyncset.done $0x0  }
0x211: {  	s20 =	simm.s32 $0x13D80;
	[sflag:s18] =	ssyncadd.s32 $0xFFFFD800  }
0x212: {  	[tilespmem:s3], [sflag:$0x1] =	stream.indirect.gather [hbm4b:s1+s31], $0x80, s20, s31, $0xb8;
	[tilespmem:$0x1FC00] =	vst v63  }
0x213: {  	_ =	swait.ge [sflag:s18], $0x2800  }
0x214: {  	[sflag:s18] =	ssyncset.done $0x0;
	s17 =	rddreg [dreg:$0x1d]  }
0x215: {  	[sflag:s18] =	ssyncadd.s32 $0xFFFFD800;
	s16 =	sadd.s32 s9, s17  }
0x216: {  	[tilespmem:s13], [sflag:$0x2] =	stream.linear.gather [hbm4b:s16+s8], $0x2800, $0x38;
	[tilespmem:$0x1FC00] =	vst v63  }
0x217: {  	_ =	swait.ge [sflag:s14], $0x2800  }
0x218: {  	[sflag:s14] =	ssyncset.done $0x0  }
0x219: {  	s20 =	simm.s32 $0x14500;
	[sflag:s14] =	ssyncadd.s32 $0xFFFFD800  }
0x21a: {  	[spmem:s6] =	stream.indirect.scatter.add.f32 [tilespmem:s0], [sflag:$0x3], $0x80, s20, s31, $0xb8;
	[tilespmem:$0x1FC00] =	vst v63  }
0x21b: {  	_ =	swait.ge [sflag:s15], $0x2800  }
0x21c: {  	[sflag:s15] =	ssyncset.done $0x0  }
0x21d: {  	[sflag:s15] =	ssyncadd.s32 $0xFFFFD800  }
0x21e: {  	[spmem:s6] =	stream.indirect.scatter.add.f32 [tilespmem:s7], [sflag:$0x3], $0x80, s20, s31, $0xb8;
	[tilespmem:$0x1FC00] =	vst v63  }
0x21f: {  	_ =	swait.ge [sflag:s18], $0x2800  }
0x220: {  	[sflag:s18] =	ssyncset.done $0x0  }
0x221: {  	s17 =	simm.s32 $0x13E00;
	[sflag:s18] =	ssyncadd.s32 $0xFFFFD800  }
0x222: {  	[tilespmem:s0], [sflag:$0x1] =	stream.indirect.gather [hbm4b:s1+s31], $0x80, s17, s31, $0xb8;
	[tilespmem:$0x1FC00] =	vst v63  }
0x223: {  	_ =	swait.ge [sflag:s18], $0x2800  }
0x224: {  	[sflag:s18] =	ssyncset.done $0x0;
	s20 =	rddreg [dreg:$0x1e]  }
0x225: {  	[sflag:s18] =	ssyncadd.s32 $0xFFFFD800;
	s16 =	sadd.s32 s9, s20  }
0x226: {  	[tilespmem:s7], [sflag:$0x2] =	stream.linear.gather [hbm4b:s16+s8], $0x2800, $0x38;
	[tilespmem:$0x1FC00] =	vst v63  }
0x227: {  	_ =	swait.ge [sflag:s14], $0x2800  }
0x228: {  	[sflag:s14] =	ssyncset.done $0x0  }
0x229: {  	[sflag:s14] =	ssyncadd.s32 $0xFFFFD800  }
0x22a: {  	[spmem:s6] =	stream.indirect.scatter.add.f32 [tilespmem:s3], [sflag:$0x3], $0x80, s26, s31, $0xb8;
	[tilespmem:$0x1FC00] =	vst v63  }
0x22b: {  	_ =	swait.ge [sflag:s15], $0x2800  }
0x22c: {  	[sflag:s15] =	ssyncset.done $0x0  }
0x22d: {  	[sflag:s15] =	ssyncadd.s32 $0xFFFFD800  }
0x22e: {  	[spmem:s6] =	stream.indirect.scatter.add.f32 [tilespmem:s13], [sflag:$0x3], $0x80, s26, s31, $0xb8;
	[tilespmem:$0x1FC00] =	vst v63  }
0x22f: {  	_ =	swait.ge [sflag:s18], $0x2800  }
0x230: {  	[sflag:s18] =	ssyncset.done $0x0  }
0x231: {  	s17 =	simm.s32 $0x13E80;
	[sflag:s18] =	ssyncadd.s32 $0xFFFFD800  }
0x232: {  	[tilespmem:s3], [sflag:$0x1] =	stream.indirect.gather [hbm4b:s1+s31], $0x80, s17, s31, $0xb8;
	[tilespmem:$0x1FC00] =	vst v63  }
0x233: {  	_ =	swait.ge [sflag:s18], $0x2800  }
0x234: {  	[sflag:s18] =	ssyncset.done $0x0;
	s20 =	rddreg [dreg:$0x1f]  }
0x235: {  	[sflag:s18] =	ssyncadd.s32 $0xFFFFD800;
	s16 =	sadd.s32 s9, s20  }
0x236: {  	[tilespmem:s13], [sflag:$0x2] =	stream.linear.gather [hbm4b:s16+s8], $0x2800, $0x38;
	[tilespmem:$0x1FC00] =	vst v63  }
0x237: {  	_ =	swait.ge [sflag:s14], $0x2800  }
0x238: {  	[sflag:s14] =	ssyncset.done $0x0  }
0x239: {  	[sflag:s14] =	ssyncadd.s32 $0xFFFFD800  }
0x23a: {  	[spmem:s6] =	stream.indirect.scatter.add.f32 [tilespmem:s0], [sflag:$0x3], $0x80, s29, s31, $0xb8;
	[tilespmem:$0x1FC00] =	vst v63  }
0x23b: {  	_ =	swait.ge [sflag:s15], $0x2800  }
0x23c: {  	[sflag:s15] =	ssyncset.done $0x0  }
0x23d: {  	[sflag:s15] =	ssyncadd.s32 $0xFFFFD800  }
0x23e: {  	[spmem:s6] =	stream.indirect.scatter.add.f32 [tilespmem:s7], [sflag:$0x3], $0x80, s29, s31, $0xb8;
	[tilespmem:$0x1FC00] =	vst v63  }
0x23f: {  	_ =	swait.ge [sflag:s18], $0x2800  }
0x240: {  	[sflag:s18] =	ssyncset.done $0x0  }
0x241: {  	s17 =	simm.s32 $0x13F00;
	[sflag:s18] =	ssyncadd.s32 $0xFFFFD800  }
0x242: {  	[tilespmem:s0], [sflag:$0x1] =	stream.indirect.gather [hbm4b:s1+s31], $0x80, s17, s31, $0xb8;
	[tilespmem:$0x1FC00] =	vst v63  }
0x243: {  	_ =	swait.ge [sflag:s18], $0x2800  }
0x244: {  	s20 =	sld [smem:$0x7D7];
	_ =	sdelay $0x1  }
0x245: {  	[sflag:s18] =	ssyncset.done $0x0  }
0x246: {  	[sflag:s18] =	ssyncadd.s32 $0xFFFFD800;
	s16 =	sadd.s32 s9, s20  }
0x247: {  	[tilespmem:s7], [sflag:$0x2] =	stream.linear.gather [hbm4b:s16+s8], $0x2800, $0x38;
	[tilespmem:$0x1FC00] =	vst v63  }
0x248: {  	_ =	swait.ge [sflag:s14], $0x2800  }
0x249: {  	[sflag:s14] =	ssyncset.done $0x0  }
0x24a: {  	[sflag:s14] =	ssyncadd.s32 $0xFFFFD800  }
0x24b: {  	[spmem:s6] =	stream.indirect.scatter.add.f32 [tilespmem:s3], [sflag:$0x3], $0x80, s24, s31, $0xb8;
	[tilespmem:$0x1FC00] =	vst v63  }
0x24c: {  	_ =	swait.ge [sflag:s15], $0x2800  }
0x24d: {  	[sflag:s15] =	ssyncset.done $0x0  }
0x24e: {  	[sflag:s15] =	ssyncadd.s32 $0xFFFFD800  }
0x24f: {  	[spmem:s6] =	stream.indirect.scatter.add.f32 [tilespmem:s13], [sflag:$0x3], $0x80, s24, s31, $0xb8;
	[tilespmem:$0x1FC00] =	vst v63  }
0x250: {  	_ =	swait.ge [sflag:s18], $0x2800  }
0x251: {  	[sflag:s18] =	ssyncset.done $0x0  }
0x252: {  	s17 =	simm.s32 $0x13F80;
	[sflag:s18] =	ssyncadd.s32 $0xFFFFD800  }
0x253: {  	[tilespmem:s3], [sflag:$0x1] =	stream.indirect.gather [hbm4b:s1+s31], $0x80, s17, s31, $0xb8;
	[tilespmem:$0x1FC00] =	vst v63  }
0x254: {  	_ =	swait.ge [sflag:s18], $0x2800  }
0x255: {  	s20 =	sld [smem:$0x7D8];
	_ =	sdelay $0x1  }
0x256: {  	[sflag:s18] =	ssyncset.done $0x0  }
0x257: {  	[sflag:s18] =	ssyncadd.s32 $0xFFFFD800;
	s16 =	sadd.s32 s9, s20  }
0x258: {  	[tilespmem:s13], [sflag:$0x2] =	stream.linear.gather [hbm4b:s16+s8], $0x2800, $0x38;
	[tilespmem:$0x1FC00] =	vst v63  }
0x259: {  	_ =	swait.ge [sflag:s14], $0x2800  }
0x25a: {  	[sflag:s14] =	ssyncset.done $0x0  }
0x25b: {  	[sflag:s14] =	ssyncadd.s32 $0xFFFFD800  }
0x25c: {  	[spmem:s6] =	stream.indirect.scatter.add.f32 [tilespmem:s0], [sflag:$0x3], $0x80, s2, s31, $0xb8;
	[tilespmem:$0x1FC00] =	vst v63  }
0x25d: {  	_ =	swait.ge [sflag:s15], $0x2800  }
0x25e: {  	[sflag:s15] =	ssyncset.done $0x0  }
0x25f: {  	[sflag:s15] =	ssyncadd.s32 $0xFFFFD800  }
0x260: {  	[spmem:s6] =	stream.indirect.scatter.add.f32 [tilespmem:s7], [sflag:$0x3], $0x80, s2, s31, $0xb8;
	[tilespmem:$0x1FC00] =	vst v63  }
0x261: {  	_ =	swait.ge [sflag:s18], $0x2800  }
0x262: {  	[sflag:s18] =	ssyncset.done $0x0  }
0x263: {  	s17 =	simm.s32 $0x14000;
	[sflag:s18] =	ssyncadd.s32 $0xFFFFD800  }
0x264: {  	[tilespmem:s0], [sflag:$0x1] =	stream.indirect.gather [hbm4b:s1+s31], $0x80, s17, s31, $0xb8;
	[tilespmem:$0x1FC00] =	vst v63  }
0x265: {  	_ =	swait.ge [sflag:s18], $0x2800  }
0x266: {  	s20 =	sld [smem:$0x7D9];
	_ =	sdelay $0x1  }
0x267: {  	[sflag:s18] =	ssyncset.done $0x0  }
0x268: {  	[sflag:s18] =	ssyncadd.s32 $0xFFFFD800;
	s16 =	sadd.s32 s9, s20  }
0x269: {  	[tilespmem:s7], [sflag:$0x2] =	stream.linear.gather [hbm4b:s16+s8], $0x2800, $0x38;
	[tilespmem:$0x1FC00] =	vst v63  }
0x26a: {  	_ =	swait.ge [sflag:s14], $0x2800  }
0x26b: {  	[sflag:s14] =	ssyncset.done $0x0  }
0x26c: {  	[sflag:s14] =	ssyncadd.s32 $0xFFFFD800  }
0x26d: {  	[spmem:s6] =	stream.indirect.scatter.add.f32 [tilespmem:s3], [sflag:$0x3], $0x80, s22, s31, $0xb8;
	[tilespmem:$0x1FC00] =	vst v63  }
0x26e: {  	_ =	swait.ge [sflag:s15], $0x2800  }
0x26f: {  	[sflag:s15] =	ssyncset.done $0x0  }
0x270: {  	[sflag:s15] =	ssyncadd.s32 $0xFFFFD800  }
0x271: {  	[spmem:s6] =	stream.indirect.scatter.add.f32 [tilespmem:s13], [sflag:$0x3], $0x80, s22, s31, $0xb8;
	[tilespmem:$0x1FC00] =	vst v63  }
0x272: {  	_ =	swait.ge [sflag:s18], $0x2800  }
0x273: {  	[sflag:s18] =	ssyncset.done $0x0  }
0x274: {  	s17 =	simm.s32 $0x14080;
	[sflag:s18] =	ssyncadd.s32 $0xFFFFD800  }
0x275: {  	[tilespmem:s3], [sflag:$0x1] =	stream.indirect.gather [hbm4b:s1+s31], $0x80, s17, s31, $0xb8;
	[tilespmem:$0x1FC00] =	vst v63  }
0x276: {  	_ =	swait.ge [sflag:s18], $0x2800  }
0x277: {  	s20 =	sld [smem:$0x7DA];
	_ =	sdelay $0x1  }
0x278: {  	[sflag:s18] =	ssyncset.done $0x0  }
0x279: {  	[sflag:s18] =	ssyncadd.s32 $0xFFFFD800;
	s16 =	sadd.s32 s9, s20  }
0x27a: {  	[tilespmem:s13], [sflag:$0x2] =	stream.linear.gather [hbm4b:s16+s8], $0x2800, $0x38;
	[tilespmem:$0x1FC00] =	vst v63  }
0x27b: {  	_ =	swait.ge [sflag:s14], $0x2800  }
0x27c: {  	[sflag:s14] =	ssyncset.done $0x0  }
0x27d: {  	[sflag:s14] =	ssyncadd.s32 $0xFFFFD800  }
0x27e: {  	[spmem:s6] =	stream.indirect.scatter.add.f32 [tilespmem:s0], [sflag:$0x3], $0x80, s28, s31, $0xb8;
	[tilespmem:$0x1FC00] =	vst v63  }
0x27f: {  	_ =	swait.ge [sflag:s15], $0x2800  }
0x280: {  	[sflag:s15] =	ssyncset.done $0x0  }
0x281: {  	[sflag:s15] =	ssyncadd.s32 $0xFFFFD800  }
0x282: {  	[spmem:s6] =	stream.indirect.scatter.add.f32 [tilespmem:s7], [sflag:$0x3], $0x80, s28, s31, $0xb8;
	[tilespmem:$0x1FC00] =	vst v63  }
0x283: {  	_ =	swait.ge [sflag:s14], $0x2800  }
0x284: {  	[sflag:s14] =	ssyncset.done $0x0  }
0x285: {  	[sflag:s14] =	ssyncadd.s32 $0xFFFFD800  }
0x286: {  	[spmem:s6] =	stream.indirect.scatter.add.f32 [tilespmem:s3], [sflag:$0x3], $0x80, s19, s31, $0xb8;
	[tilespmem:$0x1FC00] =	vst v63  }
.Ltmp3:
0x287: {  	_ = 	snop;
	(pc) =	sbr.rel @p1 .LBB2_8-.Ltmp3, $4  }
0x288: {  	_ =	swait.ge [sflag:s15], $0x2800  }
0x289: {  	s23 =	simm.s32 $0x15400;
	[sflag:s15] =	ssyncset.done $0x0  }
0x28a: {  	s21 =	simm.s32 $0x13C00;
	s20 =	smov.u32 s25;
	[sflag:s15] =	ssyncadd.s32 $0xFFFFD800  }
0x28b: {  	[spmem:s6] =	stream.indirect.scatter.add.f32 [tilespmem:s13], [sflag:$0x3], $0x80, s19, s31, $0xb8;
	[tilespmem:$0x1FC00] =	vst v63  }
0x28c: {  	_ =	swait.ge [sflag:s4], $0x500  }
0x28d: {  	[sflag:s4] =	ssyncset.done $0x0  }
0x28e: {  	[sflag:s4] =	ssyncadd.s32 $0xFFFFFB00  }
0x28f: {  	_ =	swait.ge [sflag:s4], $0x500  }
0x290: {  	[sflag:s4] =	ssyncset.done $0x0  }
0x291: {  	[sflag:s4] =	ssyncadd.s32 $0xFFFFFB00  }
0x292: {  	_ =	swait.ge [sflag:s18], $0x2800  }
0x293: {  	[sflag:s18] =	ssyncset.done $0x0  }
0x294: {  	s16 =	simm.s32 $0x14C00;
	[sflag:s18] =	ssyncadd.s32 $0xFFFFD800  }
0x295: {  	[tilespmem:s0], [sflag:$0x1] =	stream.indirect.gather [hbm4b:s1+s31], $0x80, s16, s31, $0xb8;
	[tilespmem:$0x1FC00] =	vst v63  }
0x296: {  	_ =	swait.ge [sflag:s18], $0x2800  }
0x297: {  	s17 =	sld [smem:$0x7DB];
	_ =	sdelay $0x1  }
0x298: {  	[sflag:s18] =	ssyncset.done $0x0  }
0x299: {  	[sflag:s18] =	ssyncadd.s32 $0xFFFFD800;
	s16 =	sadd.s32 s9, s17  }
0x29a: {  	[tilespmem:s7], [sflag:$0x2] =	stream.linear.gather [hbm4b:s16+s8], $0x2800, $0x38;
	[tilespmem:$0x1FC00] =	vst v63  }
0x29b: {  	_ =	swait.ge [sflag:s18], $0x2800  }
0x29c: {  	[sflag:s18] =	ssyncset.done $0x0  }
0x29d: {  	[sflag:s18] =	ssyncadd.s32 $0xFFFFD800  }
0x29e: {  	_ =	swait.ge [sflag:s18], $0x2800  }
0x29f: {  	s17 =	sld [smem:$0x7E5];
	_ =	sdelay $0x1  }
.Ltmp4:
0x2a0: {  	s11 =	sadd.s32 $0x32000, s11;
	[sflag:s18] =	ssyncset.done $0x0;
	(pc) =	sbr.rel .LBB2_3-.Ltmp4, $4  }
0x2a1: {  	s9 =	sadd.s32 $0x6400, s9;
	[sflag:s18] =	ssyncadd.s32 $0xFFFFD800;
	s20 =	sadd.s32 s10, s17  }
0x2a2: {  	[tilespmem:s21], [sflag:$0x4] =	stream.linear.gather [hbm4b:s20+s8], $0x500, $0x38;
	[tilespmem:$0x1FC00] =	vst v63  }
0x2a3: {  	s23 =	sadd.s32 s12, s17;
	s12 =	sadd.s32 $0x200, s12;
	s10 =	sadd.s32 $0x200, s10  }
0x2a4: {  	[tilespmem:s30], [sflag:$0x4] =	stream.linear.gather [hbm4b:s23+s8], $0x500, $0x38;
	[tilespmem:$0x1FC00] =	vst v63  }
.LBB2_5:
0x2a5: {  	s9 =	simm.s32 $0x0;
	s10 =	rddreg [dreg:$0xa]  }
0x2a6: {  	[tilespmem:s21], [sflag:$0x5] =	stream.linear.gather [hbm4b:s10+s9], $0x500, $0x38;
	[tilespmem:$0x1FC00] =	vst v63  }
0x2a7: {  	_ =	swait.ge [sflag:s11], $0x500  }
0x2a8: {  	[sflag:s11] =	ssyncset.done $0x0  }
0x2a9: {  	s17 =	rddreg [dreg:$0xb];
	[sflag:s11] =	ssyncadd.s32 $0xFFFFFB00  }
0x2aa: {  	[tilespmem:s30], [sflag:$0x5] =	stream.linear.gather [hbm4b:s17+s9], $0x500, $0x38;
	[tilespmem:$0x1FC00] =	vst v63  }
0x2ab: {  	_ =	swait.ge [sflag:s11], $0x500  }
0x2ac: {  	[sflag:s11] =	ssyncset.done $0x0  }
0x2ad: {  	s25 =	rddreg [dreg:$0xc];
	[sflag:s11] =	ssyncadd.s32 $0xFFFFFB00;
	s11 =	simm.s32 $0x14C00  }
0x2ae: {  	[tilespmem:s11], [sflag:$0x4] =	stream.linear.gather [hbm4b:s25+s9], $0x500, $0x38;
	[tilespmem:$0x1FC00] =	vst v63  }
0x2af: {  	s12 =	rddreg [dreg:$0xf]  }
0x2b0: {  	[tilespmem:s23], [sflag:$0x4] =	stream.linear.gather [hbm4b:s12+s9], $0x500, $0x38;
	[tilespmem:$0x1FC00] =	vst v63  }
0x2b1: {  	_ = 	snop  }
0x2b2: {  	[tilespmem:s0], [sflag:$0x1] =	stream.indirect.gather [hbm4b:s1+s31], $0x80, s21, s31, $0xb8;
	[tilespmem:$0x1FC00] =	vst v63  }
0x2b3: {  	s16 =	rddreg [dreg:$0x10]  }
0x2b4: {  	[tilespmem:s7], [sflag:$0x2] =	stream.linear.gather [hbm4b:s16+s9], $0x2800, $0x38;
	[tilespmem:$0x1FC00] =	vst v63  }
0x2b5: {  	s17 =	simm.s32 $0x13C80;
	s23 =	sld [smem:$0x7EB]  }
0x2b6: {  	[tilespmem:s3], [sflag:$0x1] =	stream.indirect.gather [hbm4b:s1+s31], $0x80, s17, s31, $0xb8;
	[tilespmem:$0x1FC00] =	vst v63  }
0x2b7: {  	_ = 	snop  }
0x2b8: {  	[tilespmem:s13], [sflag:$0x2] =	stream.linear.gather [hbm4b:s23+s9], $0x2800, $0x38;
	[tilespmem:$0x1FC00] =	vst v63  }
0x2b9: {  	_ =	swait.ge [sflag:s14], $0x2800  }
0x2ba: {  	[sflag:s14] =	ssyncset.done $0x0  }
0x2bb: {  	[sflag:s14] =	ssyncadd.s32 $0xFFFFD800  }
0x2bc: {  	[spmem:s6] =	stream.indirect.scatter.add.f32 [tilespmem:s0], [sflag:$0x3], $0x80, s30, s31, $0xb8;
	[tilespmem:$0x1FC00] =	vst v63  }
0x2bd: {  	_ =	swait.ge [sflag:s15], $0x2800  }
0x2be: {  	[sflag:s15] =	ssyncset.done $0x0  }
0x2bf: {  	[sflag:s15] =	ssyncadd.s32 $0xFFFFD800  }
0x2c0: {  	[spmem:s6] =	stream.indirect.scatter.add.f32 [tilespmem:s7], [sflag:$0x3], $0x80, s30, s31, $0xb8;
	[tilespmem:$0x1FC00] =	vst v63  }
0x2c1: {  	_ =	swait.ge [sflag:s18], $0x2800  }
0x2c2: {  	[sflag:s18] =	ssyncset.done $0x0  }
0x2c3: {  	s25 =	simm.s32 $0x13D00;
	[sflag:s18] =	ssyncadd.s32 $0xFFFFD800  }
0x2c4: {  	[tilespmem:s0], [sflag:$0x1] =	stream.indirect.gather [hbm4b:s1+s31], $0x80, s25, s31, $0xb8;
	[tilespmem:$0x1FC00] =	vst v63  }
0x2c5: {  	_ =	swait.ge [sflag:s18], $0x2800  }
0x2c6: {  	s12 =	sld [smem:$0x7EC]  }
0x2c7: {  	[sflag:s18] =	ssyncset.done $0x0  }
0x2c8: {  	[sflag:s18] =	ssyncadd.s32 $0xFFFFD800  }
0x2c9: {  	[tilespmem:s7], [sflag:$0x2] =	stream.linear.gather [hbm4b:s12+s9], $0x2800, $0x38;
	[tilespmem:$0x1FC00] =	vst v63  }
0x2ca: {  	_ =	swait.ge [sflag:s14], $0x2800  }
0x2cb: {  	[sflag:s14] =	ssyncset.done $0x0  }
0x2cc: {  	s16 =	simm.s32 $0x14480;
	[sflag:s14] =	ssyncadd.s32 $0xFFFFD800  }
0x2cd: {  	[spmem:s6] =	stream.indirect.scatter.add.f32 [tilespmem:s3], [sflag:$0x3], $0x80, s16, s31, $0xb8;
	[tilespmem:$0x1FC00] =	vst v63  }
0x2ce: {  	_ =	swait.ge [sflag:s15], $0x2800  }
0x2cf: {  	[sflag:s15] =	ssyncset.done $0x0  }
0x2d0: {  	[sflag:s15] =	ssyncadd.s32 $0xFFFFD800  }
0x2d1: {  	[spmem:s6] =	stream.indirect.scatter.add.f32 [tilespmem:s13], [sflag:$0x3], $0x80, s16, s31, $0xb8;
	[tilespmem:$0x1FC00] =	vst v63  }
0x2d2: {  	_ =	swait.ge [sflag:s18], $0x2800  }
0x2d3: {  	[sflag:s18] =	ssyncset.done $0x0  }
0x2d4: {  	s17 =	simm.s32 $0x13D80;
	[sflag:s18] =	ssyncadd.s32 $0xFFFFD800  }
0x2d5: {  	[tilespmem:s3], [sflag:$0x1] =	stream.indirect.gather [hbm4b:s1+s31], $0x80, s17, s31, $0xb8;
	[tilespmem:$0x1FC00] =	vst v63  }
0x2d6: {  	_ =	swait.ge [sflag:s18], $0x2800  }
0x2d7: {  	s23 =	sld [smem:$0x7EF]  }
0x2d8: {  	[sflag:s18] =	ssyncset.done $0x0  }
0x2d9: {  	[sflag:s18] =	ssyncadd.s32 $0xFFFFD800  }
0x2da: {  	[tilespmem:s13], [sflag:$0x2] =	stream.linear.gather [hbm4b:s23+s9], $0x2800, $0x38;
	[tilespmem:$0x1FC00] =	vst v63  }
0x2db: {  	_ =	swait.ge [sflag:s14], $0x2800  }
0x2dc: {  	[sflag:s14] =	ssyncset.done $0x0  }
0x2dd: {  	s25 =	simm.s32 $0x14500;
	[sflag:s14] =	ssyncadd.s32 $0xFFFFD800  }
0x2de: {  	[spmem:s6] =	stream.indirect.scatter.add.f32 [tilespmem:s0], [sflag:$0x3], $0x80, s25, s31, $0xb8;
	[tilespmem:$0x1FC00] =	vst v63  }
0x2df: {  	_ =	swait.ge [sflag:s15], $0x2800  }
0x2e0: {  	[sflag:s15] =	ssyncset.done $0x0  }
0x2e1: {  	[sflag:s15] =	ssyncadd.s32 $0xFFFFD800  }
0x2e2: {  	[spmem:s6] =	stream.indirect.scatter.add.f32 [tilespmem:s7], [sflag:$0x3], $0x80, s25, s31, $0xb8;
	[tilespmem:$0x1FC00] =	vst v63  }
0x2e3: {  	_ =	swait.ge [sflag:s18], $0x2800  }
0x2e4: {  	[sflag:s18] =	ssyncset.done $0x0  }
0x2e5: {  	s12 =	simm.s32 $0x13E00;
	[sflag:s18] =	ssyncadd.s32 $0xFFFFD800  }
0x2e6: {  	[tilespmem:s0], [sflag:$0x1] =	stream.indirect.gather [hbm4b:s1+s31], $0x80, s12, s31, $0xb8;
	[tilespmem:$0x1FC00] =	vst v63  }
0x2e7: {  	_ =	swait.ge [sflag:s18], $0x2800  }
0x2e8: {  	s16 =	sld [smem:$0x7F0]  }
0x2e9: {  	[sflag:s18] =	ssyncset.done $0x0  }
0x2ea: {  	[sflag:s18] =	ssyncadd.s32 $0xFFFFD800  }
0x2eb: {  	[tilespmem:s7], [sflag:$0x2] =	stream.linear.gather [hbm4b:s16+s9], $0x2800, $0x38;
	[tilespmem:$0x1FC00] =	vst v63  }
0x2ec: {  	_ =	swait.ge [sflag:s14], $0x2800  }
0x2ed: {  	[sflag:s14] =	ssyncset.done $0x0  }
0x2ee: {  	[sflag:s14] =	ssyncadd.s32 $0xFFFFD800  }
0x2ef: {  	[spmem:s6] =	stream.indirect.scatter.add.f32 [tilespmem:s3], [sflag:$0x3], $0x80, s26, s31, $0xb8;
	[tilespmem:$0x1FC00] =	vst v63  }
0x2f0: {  	_ =	swait.ge [sflag:s15], $0x2800  }
0x2f1: {  	[sflag:s15] =	ssyncset.done $0x0  }
0x2f2: {  	[sflag:s15] =	ssyncadd.s32 $0xFFFFD800  }
0x2f3: {  	[spmem:s6] =	stream.indirect.scatter.add.f32 [tilespmem:s13], [sflag:$0x3], $0x80, s26, s31, $0xb8;
	[tilespmem:$0x1FC00] =	vst v63  }
0x2f4: {  	_ =	swait.ge [sflag:s18], $0x2800  }
0x2f5: {  	[sflag:s18] =	ssyncset.done $0x0  }
0x2f6: {  	s17 =	simm.s32 $0x13E80;
	[sflag:s18] =	ssyncadd.s32 $0xFFFFD800  }
0x2f7: {  	[tilespmem:s3], [sflag:$0x1] =	stream.indirect.gather [hbm4b:s1+s31], $0x80, s17, s31, $0xb8;
	[tilespmem:$0x1FC00] =	vst v63  }
0x2f8: {  	_ =	swait.ge [sflag:s18], $0x2800  }
0x2f9: {  	s23 =	sld [smem:$0x7F1]  }
0x2fa: {  	[sflag:s18] =	ssyncset.done $0x0  }
0x2fb: {  	[sflag:s18] =	ssyncadd.s32 $0xFFFFD800  }
0x2fc: {  	[tilespmem:s13], [sflag:$0x2] =	stream.linear.gather [hbm4b:s23+s9], $0x2800, $0x38;
	[tilespmem:$0x1FC00] =	vst v63  }
0x2fd: {  	_ =	swait.ge [sflag:s14], $0x2800  }
0x2fe: {  	[sflag:s14] =	ssyncset.done $0x0  }
0x2ff: {  	[sflag:s14] =	ssyncadd.s32 $0xFFFFD800  }
0x300: {  	[spmem:s6] =	stream.indirect.scatter.add.f32 [tilespmem:s0], [sflag:$0x3], $0x80, s29, s31, $0xb8;
	[tilespmem:$0x1FC00] =	vst v63  }
0x301: {  	_ =	swait.ge [sflag:s15], $0x2800  }
0x302: {  	[sflag:s15] =	ssyncset.done $0x0  }
0x303: {  	[sflag:s15] =	ssyncadd.s32 $0xFFFFD800  }
0x304: {  	[spmem:s6] =	stream.indirect.scatter.add.f32 [tilespmem:s7], [sflag:$0x3], $0x80, s29, s31, $0xb8;
	[tilespmem:$0x1FC00] =	vst v63  }
0x305: {  	_ =	swait.ge [sflag:s18], $0x2800  }
0x306: {  	[sflag:s18] =	ssyncset.done $0x0  }
0x307: {  	s25 =	simm.s32 $0x13F00;
	[sflag:s18] =	ssyncadd.s32 $0xFFFFD800  }
0x308: {  	[tilespmem:s0], [sflag:$0x1] =	stream.indirect.gather [hbm4b:s1+s31], $0x80, s25, s31, $0xb8;
	[tilespmem:$0x1FC00] =	vst v63  }
0x309: {  	_ =	swait.ge [sflag:s18], $0x2800  }
0x30a: {  	s12 =	sld [smem:$0x7F2]  }
0x30b: {  	[sflag:s18] =	ssyncset.done $0x0  }
0x30c: {  	[sflag:s18] =	ssyncadd.s32 $0xFFFFD800  }
0x30d: {  	[tilespmem:s7], [sflag:$0x2] =	stream.linear.gather [hbm4b:s12+s9], $0x2800, $0x38;
	[tilespmem:$0x1FC00] =	vst v63  }
0x30e: {  	_ =	swait.ge [sflag:s14], $0x2800  }
0x30f: {  	[sflag:s14] =	ssyncset.done $0x0  }
0x310: {  	[sflag:s14] =	ssyncadd.s32 $0xFFFFD800  }
0x311: {  	[spmem:s6] =	stream.indirect.scatter.add.f32 [tilespmem:s3], [sflag:$0x3], $0x80, s24, s31, $0xb8;
	[tilespmem:$0x1FC00] =	vst v63  }
0x312: {  	_ =	swait.ge [sflag:s15], $0x2800  }
0x313: {  	[sflag:s15] =	ssyncset.done $0x0  }
0x314: {  	[sflag:s15] =	ssyncadd.s32 $0xFFFFD800  }
0x315: {  	[spmem:s6] =	stream.indirect.scatter.add.f32 [tilespmem:s13], [sflag:$0x3], $0x80, s24, s31, $0xb8;
	[tilespmem:$0x1FC00] =	vst v63  }
0x316: {  	_ =	swait.ge [sflag:s18], $0x2800  }
0x317: {  	[sflag:s18] =	ssyncset.done $0x0  }
0x318: {  	s16 =	simm.s32 $0x13F80;
	[sflag:s18] =	ssyncadd.s32 $0xFFFFD800  }
0x319: {  	[tilespmem:s3], [sflag:$0x1] =	stream.indirect.gather [hbm4b:s1+s31], $0x80, s16, s31, $0xb8;
	[tilespmem:$0x1FC00] =	vst v63  }
0x31a: {  	_ =	swait.ge [sflag:s18], $0x2800  }
0x31b: {  	s17 =	sld [smem:$0x7F3]  }
0x31c: {  	[sflag:s18] =	ssyncset.done $0x0  }
0x31d: {  	[sflag:s18] =	ssyncadd.s32 $0xFFFFD800  }
0x31e: {  	[tilespmem:s13], [sflag:$0x2] =	stream.linear.gather [hbm4b:s17+s9], $0x2800, $0x38;
	[tilespmem:$0x1FC00] =	vst v63  }
0x31f: {  	_ =	swait.ge [sflag:s14], $0x2800  }
0x320: {  	[sflag:s14] =	ssyncset.done $0x0  }
0x321: {  	[sflag:s14] =	ssyncadd.s32 $0xFFFFD800  }
0x322: {  	[spmem:s6] =	stream.indirect.scatter.add.f32 [tilespmem:s0], [sflag:$0x3], $0x80, s2, s31, $0xb8;
	[tilespmem:$0x1FC00] =	vst v63  }
0x323: {  	_ =	swait.ge [sflag:s15], $0x2800  }
0x324: {  	[sflag:s15] =	ssyncset.done $0x0  }
0x325: {  	[sflag:s15] =	ssyncadd.s32 $0xFFFFD800  }
0x326: {  	[spmem:s6] =	stream.indirect.scatter.add.f32 [tilespmem:s7], [sflag:$0x3], $0x80, s2, s31, $0xb8;
	[tilespmem:$0x1FC00] =	vst v63  }
0x327: {  	_ =	swait.ge [sflag:s18], $0x2800  }
0x328: {  	[sflag:s18] =	ssyncset.done $0x0  }
0x329: {  	s23 =	simm.s32 $0x14000;
	[sflag:s18] =	ssyncadd.s32 $0xFFFFD800  }
0x32a: {  	[tilespmem:s0], [sflag:$0x1] =	stream.indirect.gather [hbm4b:s1+s31], $0x80, s23, s31, $0xb8;
	[tilespmem:$0x1FC00] =	vst v63  }
0x32b: {  	_ =	swait.ge [sflag:s18], $0x2800  }
0x32c: {  	s25 =	sld [smem:$0x7F4]  }
0x32d: {  	[sflag:s18] =	ssyncset.done $0x0  }
0x32e: {  	[sflag:s18] =	ssyncadd.s32 $0xFFFFD800  }
0x32f: {  	[tilespmem:s7], [sflag:$0x2] =	stream.linear.gather [hbm4b:s25+s9], $0x2800, $0x38;
	[tilespmem:$0x1FC00] =	vst v63  }
0x330: {  	_ =	swait.ge [sflag:s14], $0x2800  }
0x331: {  	[sflag:s14] =	ssyncset.done $0x0  }
0x332: {  	[sflag:s14] =	ssyncadd.s32 $0xFFFFD800  }
0x333: {  	[spmem:s6] =	stream.indirect.scatter.add.f32 [tilespmem:s3], [sflag:$0x3], $0x80, s22, s31, $0xb8;
	[tilespmem:$0x1FC00] =	vst v63  }
0x334: {  	_ =	swait.ge [sflag:s15], $0x2800  }
0x335: {  	[sflag:s15] =	ssyncset.done $0x0  }
0x336: {  	[sflag:s15] =	ssyncadd.s32 $0xFFFFD800  }
0x337: {  	[spmem:s6] =	stream.indirect.scatter.add.f32 [tilespmem:s13], [sflag:$0x3], $0x80, s22, s31, $0xb8;
	[tilespmem:$0x1FC00] =	vst v63  }
0x338: {  	_ =	swait.ge [sflag:s18], $0x2800  }
0x339: {  	[sflag:s18] =	ssyncset.done $0x0  }
0x33a: {  	s12 =	simm.s32 $0x14080;
	[sflag:s18] =	ssyncadd.s32 $0xFFFFD800  }
0x33b: {  	[tilespmem:s3], [sflag:$0x1] =	stream.indirect.gather [hbm4b:s1+s31], $0x80, s12, s31, $0xb8;
	[tilespmem:$0x1FC00] =	vst v63  }
0x33c: {  	_ =	swait.ge [sflag:s18], $0x2800  }
0x33d: {  	s16 =	sld [smem:$0x7F5]  }
0x33e: {  	[sflag:s18] =	ssyncset.done $0x0  }
0x33f: {  	[sflag:s18] =	ssyncadd.s32 $0xFFFFD800  }
0x340: {  	[tilespmem:s13], [sflag:$0x2] =	stream.linear.gather [hbm4b:s16+s9], $0x2800, $0x38;
	[tilespmem:$0x1FC00] =	vst v63  }
0x341: {  	_ =	swait.ge [sflag:s14], $0x2800  }
0x342: {  	[sflag:s14] =	ssyncset.done $0x0  }
0x343: {  	[sflag:s14] =	ssyncadd.s32 $0xFFFFD800  }
0x344: {  	[spmem:s6] =	stream.indirect.scatter.add.f32 [tilespmem:s0], [sflag:$0x3], $0x80, s28, s31, $0xb8;
	[tilespmem:$0x1FC00] =	vst v63  }
0x345: {  	_ =	swait.ge [sflag:s15], $0x2800  }
0x346: {  	[sflag:s15] =	ssyncset.done $0x0  }
0x347: {  	[sflag:s15] =	ssyncadd.s32 $0xFFFFD800  }
0x348: {  	[spmem:s6] =	stream.indirect.scatter.add.f32 [tilespmem:s7], [sflag:$0x3], $0x80, s28, s31, $0xb8;
	[tilespmem:$0x1FC00] =	vst v63  }
0x349: {  	_ =	swait.ge [sflag:s14], $0x2800  }
0x34a: {  	[sflag:s14] =	ssyncset.done $0x0  }
0x34b: {  	[sflag:s14] =	ssyncadd.s32 $0xFFFFD800  }
0x34c: {  	[spmem:s6] =	stream.indirect.scatter.add.f32 [tilespmem:s3], [sflag:$0x3], $0x80, s19, s31, $0xb8;
	[tilespmem:$0x1FC00] =	vst v63  }
0x34d: {  	_ =	swait.ge [sflag:s15], $0x2800  }
0x34e: {  	[sflag:s15] =	ssyncset.done $0x0  }
0x34f: {  	[sflag:s15] =	ssyncadd.s32 $0xFFFFD800  }
0x350: {  	[spmem:s6] =	stream.indirect.scatter.add.f32 [tilespmem:s13], [sflag:$0x3], $0x80, s19, s31, $0xb8;
	[tilespmem:$0x1FC00] =	vst v63  }
0x351: {  	_ =	swait.ge [sflag:s4], $0x500  }
0x352: {  	[sflag:s4] =	ssyncset.done $0x0  }
0x353: {  	[sflag:s4] =	ssyncadd.s32 $0xFFFFFB00  }
0x354: {  	_ =	swait.ge [sflag:s4], $0x500  }
0x355: {  	[sflag:s4] =	ssyncset.done $0x0  }
0x356: {  	[sflag:s4] =	ssyncadd.s32 $0xFFFFFB00  }
0x357: {  	_ =	swait.ge [sflag:s18], $0x2800  }
0x358: {  	[sflag:s18] =	ssyncset.done $0x0  }
0x359: {  	[sflag:s18] =	ssyncadd.s32 $0xFFFFD800  }
0x35a: {  	[tilespmem:s0], [sflag:$0x1] =	stream.indirect.gather [hbm4b:s1+s31], $0x80, s11, s31, $0xb8;
	[tilespmem:$0x1FC00] =	vst v63  }
0x35b: {  	_ =	swait.ge [sflag:s18], $0x2800  }
0x35c: {  	s17 =	sld [smem:$0x7E9]  }
0x35d: {  	[sflag:s18] =	ssyncset.done $0x0  }
0x35e: {  	[sflag:s18] =	ssyncadd.s32 $0xFFFFD800  }
0x35f: {  	[tilespmem:s7], [sflag:$0x2] =	stream.linear.gather [hbm4b:s17+s9], $0x2800, $0x38;
	[tilespmem:$0x1FC00] =	vst v63  }
0x360: {  	_ =	swait.ge [sflag:s18], $0x2800  }
0x361: {  	[sflag:s18] =	ssyncset.done $0x0  }
0x362: {  	[sflag:s18] =	ssyncadd.s32 $0xFFFFD800  }
0x363: {  	_ =	swait.ge [sflag:s18], $0x2800  }
0x364: {  	[sflag:s18] =	ssyncset.done $0x0;
	s23 =	rddreg [dreg:$0x11]  }
0x365: {  	s25 =	rddreg [dreg:$0x12];
	[sflag:s18] =	ssyncadd.s32 $0xFFFFD800  }
0x366: {  	[tilespmem:s21], [sflag:$0x4] =	stream.linear.gather [hbm4b:s23+s9], $0x500, $0x38;
	[tilespmem:$0x1FC00] =	vst v63  }
0x367: {  	s12 =	sld [smem:$0x7E6]  }
0x368: {  	[tilespmem:s30], [sflag:$0x4] =	stream.linear.gather [hbm4b:s25+s9], $0x500, $0x38;
	[tilespmem:$0x1FC00] =	vst v63  }
0x369: {  	s16 =	rddreg [dreg:$0x7];
	s25 =	smov.u32 s20  }
.LBB2_6:
0x36a: {  	s10 =	simm.s32 $0x14C80;
	s17 =	rddreg [dreg:$0xe]  }
0x36b: {  	[tilespmem:s3], [sflag:$0x1] =	stream.indirect.gather [hbm4b:s1+s31], $0x80, s10, s31, $0xb8;
	[tilespmem:$0x1FC00] =	vst v63  }
0x36c: {  	s10 =	sadd.s32 s9, s17  }
0x36d: {  	s11 =	sadd.s32 $0xFD90B800, s10  }
0x36e: {  	s11 =	sshrl.u32 s11, $0x3  }
0x36f: {  	s11 =	sadd.s32 s5, s11  }
0x370: {  	[tilespmem:s13], [sflag:$0x2] =	stream.linear.gather [hbm4b:s11+s8], $0x2800, $0x38;
	[tilespmem:$0x1FC00] =	vst v63  }
0x371: {  	_ =	swait.ge [sflag:s14], $0x2800  }
0x372: {  	[sflag:s14] =	ssyncset.done $0x0  }
0x373: {  	s20 =	simm.s32 $0x15400;
	[sflag:s14] =	ssyncadd.s32 $0xFFFFD800  }
0x374: {  	[spmem:s6] =	stream.indirect.scatter.add.f32 [tilespmem:s0], [sflag:$0x3], $0x80, s20, s31, $0xb8;
	[tilespmem:$0x1FC00] =	vst v63  }
0x375: {  	_ =	swait.ge [sflag:s15], $0x2800  }
0x376: {  	[sflag:s15] =	ssyncset.done $0x0  }
0x377: {  	[sflag:s15] =	ssyncadd.s32 $0xFFFFD800  }
0x378: {  	[spmem:s6] =	stream.indirect.scatter.add.f32 [tilespmem:s7], [sflag:$0x3], $0x80, s20, s31, $0xb8;
	[tilespmem:$0x1FC00] =	vst v63  }
0x379: {  	_ =	swait.ge [sflag:s18], $0x2800  }
0x37a: {  	[sflag:s18] =	ssyncset.done $0x0  }
0x37b: {  	s17 =	simm.s32 $0x14D00;
	[sflag:s18] =	ssyncadd.s32 $0xFFFFD800  }
0x37c: {  	[tilespmem:s0], [sflag:$0x1] =	stream.indirect.gather [hbm4b:s1+s31], $0x80, s17, s31, $0xb8;
	[tilespmem:$0x1FC00] =	vst v63  }
0x37d: {  	s20 =	sadd.s32 $0xFD90E000, s10;
	_ =	swait.ge [sflag:s18], $0x2800  }
0x37e: {  	s11 =	sshrl.u32 s20, $0x3;
	[sflag:s18] =	ssyncset.done $0x0  }
0x37f: {  	s11 =	sadd.s32 s5, s11;
	[sflag:s18] =	ssyncadd.s32 $0xFFFFD800  }
0x380: {  	[tilespmem:s7], [sflag:$0x2] =	stream.linear.gather [hbm4b:s11+s8], $0x2800, $0x38;
	[tilespmem:$0x1FC00] =	vst v63  }
0x381: {  	_ =	swait.ge [sflag:s14], $0x2800  }
0x382: {  	[sflag:s14] =	ssyncset.done $0x0  }
0x383: {  	s17 =	simm.s32 $0x15480;
	[sflag:s14] =	ssyncadd.s32 $0xFFFFD800  }
0x384: {  	[spmem:s6] =	stream.indirect.scatter.add.f32 [tilespmem:s3], [sflag:$0x3], $0x80, s17, s31, $0xb8;
	[tilespmem:$0x1FC00] =	vst v63  }
0x385: {  	_ =	swait.ge [sflag:s15], $0x2800  }
0x386: {  	[sflag:s15] =	ssyncset.done $0x0  }
0x387: {  	[sflag:s15] =	ssyncadd.s32 $0xFFFFD800  }
0x388: {  	[spmem:s6] =	stream.indirect.scatter.add.f32 [tilespmem:s13], [sflag:$0x3], $0x80, s17, s31, $0xb8;
	[tilespmem:$0x1FC00] =	vst v63  }
0x389: {  	_ =	swait.ge [sflag:s18], $0x2800  }
0x38a: {  	[sflag:s18] =	ssyncset.done $0x0  }
0x38b: {  	s20 =	simm.s32 $0x14D80;
	[sflag:s18] =	ssyncadd.s32 $0xFFFFD800  }
0x38c: {  	[tilespmem:s3], [sflag:$0x1] =	stream.indirect.gather [hbm4b:s1+s31], $0x80, s20, s31, $0xb8;
	[tilespmem:$0x1FC00] =	vst v63  }
0x38d: {  	s17 =	sadd.s32 $0xFD910800, s10;
	_ =	swait.ge [sflag:s18], $0x2800  }
0x38e: {  	s11 =	sshrl.u32 s17, $0x3;
	[sflag:s18] =	ssyncset.done $0x0  }
0x38f: {  	s11 =	sadd.s32 s5, s11;
	[sflag:s18] =	ssyncadd.s32 $0xFFFFD800  }
0x390: {  	[tilespmem:s13], [sflag:$0x2] =	stream.linear.gather [hbm4b:s11+s8], $0x2800, $0x38;
	[tilespmem:$0x1FC00] =	vst v63  }
0x391: {  	_ =	swait.ge [sflag:s14], $0x2800  }
0x392: {  	[sflag:s14] =	ssyncset.done $0x0  }
0x393: {  	s20 =	simm.s32 $0x15500;
	[sflag:s14] =	ssyncadd.s32 $0xFFFFD800  }
0x394: {  	[spmem:s6] =	stream.indirect.scatter.add.f32 [tilespmem:s0], [sflag:$0x3], $0x80, s20, s31, $0xb8;
	[tilespmem:$0x1FC00] =	vst v63  }
0x395: {  	_ =	swait.ge [sflag:s15], $0x2800  }
0x396: {  	[sflag:s15] =	ssyncset.done $0x0  }
0x397: {  	[sflag:s15] =	ssyncadd.s32 $0xFFFFD800  }
0x398: {  	[spmem:s6] =	stream.indirect.scatter.add.f32 [tilespmem:s7], [sflag:$0x3], $0x80, s20, s31, $0xb8;
	[tilespmem:$0x1FC00] =	vst v63  }
0x399: {  	_ =	swait.ge [sflag:s18], $0x2800  }
0x39a: {  	[sflag:s18] =	ssyncset.done $0x0  }
0x39b: {  	s17 =	simm.s32 $0x14E00;
	[sflag:s18] =	ssyncadd.s32 $0xFFFFD800  }
0x39c: {  	[tilespmem:s0], [sflag:$0x1] =	stream.indirect.gather [hbm4b:s1+s31], $0x80, s17, s31, $0xb8;
	[tilespmem:$0x1FC00] =	vst v63  }
0x39d: {  	s20 =	sadd.s32 $0xFD913000, s10;
	_ =	swait.ge [sflag:s18], $0x2800  }
0x39e: {  	s11 =	sshrl.u32 s20, $0x3;
	[sflag:s18] =	ssyncset.done $0x0  }
0x39f: {  	s11 =	sadd.s32 s5, s11;
	[sflag:s18] =	ssyncadd.s32 $0xFFFFD800  }
0x3a0: {  	[tilespmem:s7], [sflag:$0x2] =	stream.linear.gather [hbm4b:s11+s8], $0x2800, $0x38;
	[tilespmem:$0x1FC00] =	vst v63  }
0x3a1: {  	_ =	swait.ge [sflag:s14], $0x2800  }
0x3a2: {  	[sflag:s14] =	ssyncset.done $0x0  }
0x3a3: {  	s17 =	simm.s32 $0x15580;
	[sflag:s14] =	ssyncadd.s32 $0xFFFFD800  }
0x3a4: {  	[spmem:s6] =	stream.indirect.scatter.add.f32 [tilespmem:s3], [sflag:$0x3], $0x80, s17, s31, $0xb8;
	[tilespmem:$0x1FC00] =	vst v63  }
0x3a5: {  	_ =	swait.ge [sflag:s15], $0x2800  }
0x3a6: {  	[sflag:s15] =	ssyncset.done $0x0  }
0x3a7: {  	[sflag:s15] =	ssyncadd.s32 $0xFFFFD800  }
0x3a8: {  	[spmem:s6] =	stream.indirect.scatter.add.f32 [tilespmem:s13], [sflag:$0x3], $0x80, s17, s31, $0xb8;
	[tilespmem:$0x1FC00] =	vst v63  }
0x3a9: {  	_ =	swait.ge [sflag:s18], $0x2800  }
0x3aa: {  	[sflag:s18] =	ssyncset.done $0x0  }
0x3ab: {  	s20 =	simm.s32 $0x14E80;
	[sflag:s18] =	ssyncadd.s32 $0xFFFFD800  }
0x3ac: {  	[tilespmem:s3], [sflag:$0x1] =	stream.indirect.gather [hbm4b:s1+s31], $0x80, s20, s31, $0xb8;
	[tilespmem:$0x1FC00] =	vst v63  }
0x3ad: {  	s17 =	sadd.s32 $0xFD915800, s10;
	_ =	swait.ge [sflag:s18], $0x2800  }
0x3ae: {  	s11 =	sshrl.u32 s17, $0x3;
	[sflag:s18] =	ssyncset.done $0x0  }
0x3af: {  	s11 =	sadd.s32 s5, s11;
	[sflag:s18] =	ssyncadd.s32 $0xFFFFD800  }
0x3b0: {  	[tilespmem:s13], [sflag:$0x2] =	stream.linear.gather [hbm4b:s11+s8], $0x2800, $0x38;
	[tilespmem:$0x1FC00] =	vst v63  }
0x3b1: {  	_ =	swait.ge [sflag:s14], $0x2800  }
0x3b2: {  	[sflag:s14] =	ssyncset.done $0x0  }
0x3b3: {  	s20 =	simm.s32 $0x15600;
	[sflag:s14] =	ssyncadd.s32 $0xFFFFD800  }
0x3b4: {  	[spmem:s6] =	stream.indirect.scatter.add.f32 [tilespmem:s0], [sflag:$0x3], $0x80, s20, s31, $0xb8;
	[tilespmem:$0x1FC00] =	vst v63  }
0x3b5: {  	_ =	swait.ge [sflag:s15], $0x2800  }
0x3b6: {  	[sflag:s15] =	ssyncset.done $0x0  }
0x3b7: {  	[sflag:s15] =	ssyncadd.s32 $0xFFFFD800  }
0x3b8: {  	[spmem:s6] =	stream.indirect.scatter.add.f32 [tilespmem:s7], [sflag:$0x3], $0x80, s20, s31, $0xb8;
	[tilespmem:$0x1FC00] =	vst v63  }
0x3b9: {  	_ =	swait.ge [sflag:s18], $0x2800  }
0x3ba: {  	[sflag:s18] =	ssyncset.done $0x0  }
0x3bb: {  	s17 =	simm.s32 $0x14F00;
	[sflag:s18] =	ssyncadd.s32 $0xFFFFD800  }
0x3bc: {  	[tilespmem:s0], [sflag:$0x1] =	stream.indirect.gather [hbm4b:s1+s31], $0x80, s17, s31, $0xb8;
	[tilespmem:$0x1FC00] =	vst v63  }
0x3bd: {  	s20 =	sadd.s32 $0xFD918000, s10;
	_ =	swait.ge [sflag:s18], $0x2800  }
0x3be: {  	s11 =	sshrl.u32 s20, $0x3;
	[sflag:s18] =	ssyncset.done $0x0  }
0x3bf: {  	s11 =	sadd.s32 s5, s11;
	[sflag:s18] =	ssyncadd.s32 $0xFFFFD800  }
0x3c0: {  	[tilespmem:s7], [sflag:$0x2] =	stream.linear.gather [hbm4b:s11+s8], $0x2800, $0x38;
	[tilespmem:$0x1FC00] =	vst v63  }
0x3c1: {  	_ =	swait.ge [sflag:s14], $0x2800  }
0x3c2: {  	[sflag:s14] =	ssyncset.done $0x0  }
0x3c3: {  	s17 =	simm.s32 $0x15680;
	[sflag:s14] =	ssyncadd.s32 $0xFFFFD800  }
0x3c4: {  	[spmem:s6] =	stream.indirect.scatter.add.f32 [tilespmem:s3], [sflag:$0x3], $0x80, s17, s31, $0xb8;
	[tilespmem:$0x1FC00] =	vst v63  }
0x3c5: {  	_ =	swait.ge [sflag:s15], $0x2800  }
0x3c6: {  	[sflag:s15] =	ssyncset.done $0x0  }
0x3c7: {  	[sflag:s15] =	ssyncadd.s32 $0xFFFFD800  }
0x3c8: {  	[spmem:s6] =	stream.indirect.scatter.add.f32 [tilespmem:s13], [sflag:$0x3], $0x80, s17, s31, $0xb8;
	[tilespmem:$0x1FC00] =	vst v63  }
0x3c9: {  	_ =	swait.ge [sflag:s18], $0x2800  }
0x3ca: {  	[sflag:s18] =	ssyncset.done $0x0  }
0x3cb: {  	s20 =	simm.s32 $0x14F80;
	[sflag:s18] =	ssyncadd.s32 $0xFFFFD800  }
0x3cc: {  	[tilespmem:s3], [sflag:$0x1] =	stream.indirect.gather [hbm4b:s1+s31], $0x80, s20, s31, $0xb8;
	[tilespmem:$0x1FC00] =	vst v63  }
0x3cd: {  	s17 =	sadd.s32 $0xFD91A800, s10;
	_ =	swait.ge [sflag:s18], $0x2800  }
0x3ce: {  	s11 =	sshrl.u32 s17, $0x3;
	[sflag:s18] =	ssyncset.done $0x0  }
0x3cf: {  	s11 =	sadd.s32 s5, s11;
	[sflag:s18] =	ssyncadd.s32 $0xFFFFD800  }
0x3d0: {  	[tilespmem:s13], [sflag:$0x2] =	stream.linear.gather [hbm4b:s11+s8], $0x2800, $0x38;
	[tilespmem:$0x1FC00] =	vst v63  }
0x3d1: {  	_ =	swait.ge [sflag:s14], $0x2800  }
0x3d2: {  	[sflag:s14] =	ssyncset.done $0x0  }
0x3d3: {  	s20 =	simm.s32 $0x15700;
	[sflag:s14] =	ssyncadd.s32 $0xFFFFD800  }
0x3d4: {  	[spmem:s6] =	stream.indirect.scatter.add.f32 [tilespmem:s0], [sflag:$0x3], $0x80, s20, s31, $0xb8;
	[tilespmem:$0x1FC00] =	vst v63  }
0x3d5: {  	_ =	swait.ge [sflag:s15], $0x2800  }
0x3d6: {  	[sflag:s15] =	ssyncset.done $0x0  }
0x3d7: {  	[sflag:s15] =	ssyncadd.s32 $0xFFFFD800  }
0x3d8: {  	[spmem:s6] =	stream.indirect.scatter.add.f32 [tilespmem:s7], [sflag:$0x3], $0x80, s20, s31, $0xb8;
	[tilespmem:$0x1FC00] =	vst v63  }
0x3d9: {  	_ =	swait.ge [sflag:s18], $0x2800  }
0x3da: {  	[sflag:s18] =	ssyncset.done $0x0  }
0x3db: {  	s17 =	simm.s32 $0x15000;
	[sflag:s18] =	ssyncadd.s32 $0xFFFFD800  }
0x3dc: {  	[tilespmem:s0], [sflag:$0x1] =	stream.indirect.gather [hbm4b:s1+s31], $0x80, s17, s31, $0xb8;
	[tilespmem:$0x1FC00] =	vst v63  }
0x3dd: {  	s20 =	sadd.s32 $0xFD91D000, s10;
	_ =	swait.ge [sflag:s18], $0x2800  }
0x3de: {  	s11 =	sshrl.u32 s20, $0x3;
	[sflag:s18] =	ssyncset.done $0x0  }
0x3df: {  	s11 =	sadd.s32 s5, s11;
	[sflag:s18] =	ssyncadd.s32 $0xFFFFD800  }
0x3e0: {  	[tilespmem:s7], [sflag:$0x2] =	stream.linear.gather [hbm4b:s11+s8], $0x2800, $0x38;
	[tilespmem:$0x1FC00] =	vst v63  }
0x3e1: {  	_ =	swait.ge [sflag:s14], $0x2800  }
0x3e2: {  	[sflag:s14] =	ssyncset.done $0x0  }
0x3e3: {  	s17 =	simm.s32 $0x15780;
	[sflag:s14] =	ssyncadd.s32 $0xFFFFD800  }
0x3e4: {  	[spmem:s6] =	stream.indirect.scatter.add.f32 [tilespmem:s3], [sflag:$0x3], $0x80, s17, s31, $0xb8;
	[tilespmem:$0x1FC00] =	vst v63  }
0x3e5: {  	_ =	swait.ge [sflag:s15], $0x2800  }
0x3e6: {  	[sflag:s15] =	ssyncset.done $0x0  }
0x3e7: {  	[sflag:s15] =	ssyncadd.s32 $0xFFFFD800  }
0x3e8: {  	[spmem:s6] =	stream.indirect.scatter.add.f32 [tilespmem:s13], [sflag:$0x3], $0x80, s17, s31, $0xb8;
	[tilespmem:$0x1FC00] =	vst v63  }
0x3e9: {  	_ =	swait.ge [sflag:s18], $0x2800  }
0x3ea: {  	[sflag:s18] =	ssyncset.done $0x0  }
0x3eb: {  	s20 =	simm.s32 $0x15080;
	[sflag:s18] =	ssyncadd.s32 $0xFFFFD800  }
0x3ec: {  	[tilespmem:s3], [sflag:$0x1] =	stream.indirect.gather [hbm4b:s1+s31], $0x80, s20, s31, $0xb8;
	[tilespmem:$0x1FC00] =	vst v63  }
0x3ed: {  	s17 =	sadd.s32 $0xFD91F800, s10;
	_ =	swait.ge [sflag:s18], $0x2800  }
0x3ee: {  	s11 =	sshrl.u32 s17, $0x3;
	[sflag:s18] =	ssyncset.done $0x0  }
0x3ef: {  	s11 =	sadd.s32 s5, s11;
	[sflag:s18] =	ssyncadd.s32 $0xFFFFD800  }
0x3f0: {  	[tilespmem:s13], [sflag:$0x2] =	stream.linear.gather [hbm4b:s11+s8], $0x2800, $0x38;
	[tilespmem:$0x1FC00] =	vst v63  }
0x3f1: {  	_ =	swait.ge [sflag:s14], $0x2800  }
0x3f2: {  	[sflag:s14] =	ssyncset.done $0x0  }
0x3f3: {  	s20 =	simm.s32 $0x15800;
	[sflag:s14] =	ssyncadd.s32 $0xFFFFD800  }
0x3f4: {  	[spmem:s6] =	stream.indirect.scatter.add.f32 [tilespmem:s0], [sflag:$0x3], $0x80, s20, s31, $0xb8;
	[tilespmem:$0x1FC00] =	vst v63  }
0x3f5: {  	_ =	swait.ge [sflag:s15], $0x2800  }
0x3f6: {  	[sflag:s15] =	ssyncset.done $0x0  }
0x3f7: {  	[sflag:s15] =	ssyncadd.s32 $0xFFFFD800  }
0x3f8: {  	[spmem:s6] =	stream.indirect.scatter.add.f32 [tilespmem:s7], [sflag:$0x3], $0x80, s20, s31, $0xb8;
	[tilespmem:$0x1FC00] =	vst v63  }
0x3f9: {  	_ =	swait.ge [sflag:s14], $0x2800  }
0x3fa: {  	[sflag:s14] =	ssyncset.done $0x0  }
0x3fb: {  	s17 =	simm.s32 $0x15880;
	[sflag:s14] =	ssyncadd.s32 $0xFFFFD800  }
0x3fc: {  	[spmem:s6] =	stream.indirect.scatter.add.f32 [tilespmem:s3], [sflag:$0x3], $0x80, s17, s31, $0xb8;
	[tilespmem:$0x1FC00] =	vst v63  }
0x3fd: {  	_ =	swait.ge [sflag:s15], $0x2800  }
0x3fe: {  	[sflag:s15] =	ssyncset.done $0x0  }
0x3ff: {  	[sflag:s15] =	ssyncadd.s32 $0xFFFFD800  }
0x400: {  	[spmem:s6] =	stream.indirect.scatter.add.f32 [tilespmem:s13], [sflag:$0x3], $0x80, s17, s31, $0xb8;
	[tilespmem:$0x1FC00] =	vst v63  }
0x401: {  	_ =	swait.ge [sflag:s4], $0x500  }
0x402: {  	[sflag:s4] =	ssyncset.done $0x0  }
0x403: {  	[sflag:s4] =	ssyncadd.s32 $0xFFFFFB00  }
0x404: {  	_ =	swait.ge [sflag:s4], $0x500  }
0x405: {  	[sflag:s4] =	ssyncset.done $0x0  }
0x406: {  	[sflag:s4] =	ssyncadd.s32 $0xFFFFFB00  }
0x407: {  	_ =	swait.ge [sflag:s18], $0x2800  }
0x408: {  	[sflag:s18] =	ssyncset.done $0x0  }
0x409: {  	[sflag:s18] =	ssyncadd.s32 $0xFFFFD800  }
0x40a: {  	[tilespmem:s0], [sflag:$0x1] =	stream.indirect.gather [hbm4b:s1+s31], $0x80, s21, s31, $0xb8;
	[tilespmem:$0x1FC00] =	vst v63  }
0x40b: {  	s20 =	sadd.s32 $0xFD922000, s10;
	_ =	swait.ge [sflag:s18], $0x2800  }
0x40c: {  	s11 =	sshrl.u32 s20, $0x3;
	[sflag:s18] =	ssyncset.done $0x0  }
0x40d: {  	s11 =	sadd.s32 s5, s11;
	[sflag:s18] =	ssyncadd.s32 $0xFFFFD800  }
0x40e: {  	[tilespmem:s7], [sflag:$0x2] =	stream.linear.gather [hbm4b:s11+s8], $0x2800, $0x38;
	[tilespmem:$0x1FC00] =	vst v63  }
0x40f: {  	_ =	swait.ge [sflag:s18], $0x2800  }
0x410: {  	[sflag:s18] =	ssyncset.done $0x0  }
0x411: {  	[sflag:s18] =	ssyncadd.s32 $0xFFFFD800  }
0x412: {  	p1 =	seq.s32 s9, $0x226000;
	_ =	swait.ge [sflag:s18], $0x2800  }
0x413: {  	s20 =	simm.s32 @!p1 $0x14C00;
	s11 =	sshrl.u32 @!p1 s12, $0x3;
	[sflag:s18] =	ssyncset.done $0x0  }
0x414: {  	s17 =	simm.s32 @!p1 $0x0;
	s16 =	sadd.s32 @!p1 s16, s11;
	[sflag:s18] =	ssyncadd.s32 $0xFFFFD800  }
0x415: {  	[tilespmem:s20], [sflag:$0x4] =	stream.linear.gather @!p1 [hbm4b:s16+s17], $0x500, $0x38;
	[tilespmem:$0x1FC00] =	vst v63  }
0x416: {  	s11 =	sadd.s32 @!p1 s25, s11;
	s16 =	simm.s32 @!p1 $0x15400;
	s20 =	sadd.s32 $0xFD924800, s10  }
0x417: {  	[tilespmem:s16], [sflag:$0x4] =	stream.linear.gather @!p1 [hbm4b:s11+s17], $0x500, $0x38;
	[tilespmem:$0x1FC00] =	vst v63  }
0x418: {  	s17 =	simm.s32 $0x13C80;
	s11 =	sshrl.u32 s20, $0x3  }
0x419: {  	[tilespmem:s3], [sflag:$0x1] =	stream.indirect.gather [hbm4b:s1+s31], $0x80, s17, s31, $0xb8;
	[tilespmem:$0x1FC00] =	vst v63  }
0x41a: {  	s11 =	sadd.s32 s5, s11  }
0x41b: {  	[tilespmem:s13], [sflag:$0x2] =	stream.linear.gather [hbm4b:s11+s8], $0x2800, $0x38;
	[tilespmem:$0x1FC00] =	vst v63  }
0x41c: {  	_ =	swait.ge [sflag:s14], $0x2800  }
0x41d: {  	[sflag:s14] =	ssyncset.done $0x0  }
0x41e: {  	[sflag:s14] =	ssyncadd.s32 $0xFFFFD800  }
0x41f: {  	[spmem:s6] =	stream.indirect.scatter.add.f32 [tilespmem:s0], [sflag:$0x3], $0x80, s30, s31, $0xb8;
	[tilespmem:$0x1FC00] =	vst v63  }
0x420: {  	_ =	swait.ge [sflag:s15], $0x2800  }
0x421: {  	[sflag:s15] =	ssyncset.done $0x0  }
0x422: {  	[sflag:s15] =	ssyncadd.s32 $0xFFFFD800  }
0x423: {  	[spmem:s6] =	stream.indirect.scatter.add.f32 [tilespmem:s7], [sflag:$0x3], $0x80, s30, s31, $0xb8;
	[tilespmem:$0x1FC00] =	vst v63  }
0x424: {  	_ =	swait.ge [sflag:s18], $0x2800  }
0x425: {  	[sflag:s18] =	ssyncset.done $0x0  }
0x426: {  	s16 =	simm.s32 $0x13D00;
	[sflag:s18] =	ssyncadd.s32 $0xFFFFD800  }
0x427: {  	[tilespmem:s0], [sflag:$0x1] =	stream.indirect.gather [hbm4b:s1+s31], $0x80, s16, s31, $0xb8;
	[tilespmem:$0x1FC00] =	vst v63  }
0x428: {  	s17 =	sadd.s32 $0xFD927000, s10;
	_ =	swait.ge [sflag:s18], $0x2800  }
0x429: {  	s11 =	sshrl.u32 s17, $0x3;
	[sflag:s18] =	ssyncset.done $0x0  }
0x42a: {  	s11 =	sadd.s32 s5, s11;
	[sflag:s18] =	ssyncadd.s32 $0xFFFFD800  }
0x42b: {  	[tilespmem:s7], [sflag:$0x2] =	stream.linear.gather [hbm4b:s11+s8], $0x2800, $0x38;
	[tilespmem:$0x1FC00] =	vst v63  }
0x42c: {  	_ =	swait.ge [sflag:s14], $0x2800  }
0x42d: {  	[sflag:s14] =	ssyncset.done $0x0  }
0x42e: {  	s20 =	simm.s32 $0x14480;
	[sflag:s14] =	ssyncadd.s32 $0xFFFFD800  }
0x42f: {  	[spmem:s6] =	stream.indirect.scatter.add.f32 [tilespmem:s3], [sflag:$0x3], $0x80, s20, s31, $0xb8;
	[tilespmem:$0x1FC00] =	vst v63  }
0x430: {  	_ =	swait.ge [sflag:s15], $0x2800  }
0x431: {  	[sflag:s15] =	ssyncset.done $0x0  }
0x432: {  	[sflag:s15] =	ssyncadd.s32 $0xFFFFD800  }
0x433: {  	[spmem:s6] =	stream.indirect.scatter.add.f32 [tilespmem:s13], [sflag:$0x3], $0x80, s20, s31, $0xb8;
	[tilespmem:$0x1FC00] =	vst v63  }
0x434: {  	_ =	swait.ge [sflag:s18], $0x2800  }
0x435: {  	[sflag:s18] =	ssyncset.done $0x0  }
0x436: {  	s16 =	simm.s32 $0x13D80;
	[sflag:s18] =	ssyncadd.s32 $0xFFFFD800  }
0x437: {  	[tilespmem:s3], [sflag:$0x1] =	stream.indirect.gather [hbm4b:s1+s31], $0x80, s16, s31, $0xb8;
	[tilespmem:$0x1FC00] =	vst v63  }
0x438: {  	s17 =	sadd.s32 $0xFD929800, s10;
	_ =	swait.ge [sflag:s18], $0x2800  }
0x439: {  	s11 =	sshrl.u32 s17, $0x3;
	[sflag:s18] =	ssyncset.done $0x0  }
0x43a: {  	s11 =	sadd.s32 s5, s11;
	[sflag:s18] =	ssyncadd.s32 $0xFFFFD800  }
0x43b: {  	[tilespmem:s13], [sflag:$0x2] =	stream.linear.gather [hbm4b:s11+s8], $0x2800, $0x38;
	[tilespmem:$0x1FC00] =	vst v63  }
0x43c: {  	_ =	swait.ge [sflag:s14], $0x2800  }
0x43d: {  	[sflag:s14] =	ssyncset.done $0x0  }
0x43e: {  	s20 =	simm.s32 $0x14500;
	[sflag:s14] =	ssyncadd.s32 $0xFFFFD800  }
0x43f: {  	[spmem:s6] =	stream.indirect.scatter.add.f32 [tilespmem:s0], [sflag:$0x3], $0x80, s20, s31, $0xb8;
	[tilespmem:$0x1FC00] =	vst v63  }
0x440: {  	_ =	swait.ge [sflag:s15], $0x2800  }
0x441: {  	[sflag:s15] =	ssyncset.done $0x0  }
0x442: {  	[sflag:s15] =	ssyncadd.s32 $0xFFFFD800  }
0x443: {  	[spmem:s6] =	stream.indirect.scatter.add.f32 [tilespmem:s7], [sflag:$0x3], $0x80, s20, s31, $0xb8;
	[tilespmem:$0x1FC00] =	vst v63  }
0x444: {  	_ =	swait.ge [sflag:s18], $0x2800  }
0x445: {  	[sflag:s18] =	ssyncset.done $0x0  }
0x446: {  	s16 =	simm.s32 $0x13E00;
	[sflag:s18] =	ssyncadd.s32 $0xFFFFD800  }
0x447: {  	[tilespmem:s0], [sflag:$0x1] =	stream.indirect.gather [hbm4b:s1+s31], $0x80, s16, s31, $0xb8;
	[tilespmem:$0x1FC00] =	vst v63  }
0x448: {  	s17 =	sadd.s32 $0xFD92C000, s10;
	_ =	swait.ge [sflag:s18], $0x2800  }
0x449: {  	s11 =	sshrl.u32 s17, $0x3;
	[sflag:s18] =	ssyncset.done $0x0  }
0x44a: {  	s11 =	sadd.s32 s5, s11;
	[sflag:s18] =	ssyncadd.s32 $0xFFFFD800  }
0x44b: {  	[tilespmem:s7], [sflag:$0x2] =	stream.linear.gather [hbm4b:s11+s8], $0x2800, $0x38;
	[tilespmem:$0x1FC00] =	vst v63  }
0x44c: {  	_ =	swait.ge [sflag:s14], $0x2800  }
0x44d: {  	[sflag:s14] =	ssyncset.done $0x0  }
0x44e: {  	[sflag:s14] =	ssyncadd.s32 $0xFFFFD800  }
0x44f: {  	[spmem:s6] =	stream.indirect.scatter.add.f32 [tilespmem:s3], [sflag:$0x3], $0x80, s26, s31, $0xb8;
	[tilespmem:$0x1FC00] =	vst v63  }
0x450: {  	_ =	swait.ge [sflag:s15], $0x2800  }
0x451: {  	[sflag:s15] =	ssyncset.done $0x0  }
0x452: {  	[sflag:s15] =	ssyncadd.s32 $0xFFFFD800  }
0x453: {  	[spmem:s6] =	stream.indirect.scatter.add.f32 [tilespmem:s13], [sflag:$0x3], $0x80, s26, s31, $0xb8;
	[tilespmem:$0x1FC00] =	vst v63  }
0x454: {  	_ =	swait.ge [sflag:s18], $0x2800  }
0x455: {  	[sflag:s18] =	ssyncset.done $0x0  }
0x456: {  	s20 =	simm.s32 $0x13E80;
	[sflag:s18] =	ssyncadd.s32 $0xFFFFD800  }
0x457: {  	[tilespmem:s3], [sflag:$0x1] =	stream.indirect.gather [hbm4b:s1+s31], $0x80, s20, s31, $0xb8;
	[tilespmem:$0x1FC00] =	vst v63  }
0x458: {  	s16 =	sadd.s32 $0xFD92E800, s10;
	_ =	swait.ge [sflag:s18], $0x2800  }
0x459: {  	s11 =	sshrl.u32 s16, $0x3;
	[sflag:s18] =	ssyncset.done $0x0  }
0x45a: {  	s11 =	sadd.s32 s5, s11;
	[sflag:s18] =	ssyncadd.s32 $0xFFFFD800  }
0x45b: {  	[tilespmem:s13], [sflag:$0x2] =	stream.linear.gather [hbm4b:s11+s8], $0x2800, $0x38;
	[tilespmem:$0x1FC00] =	vst v63  }
0x45c: {  	_ =	swait.ge [sflag:s14], $0x2800  }
0x45d: {  	[sflag:s14] =	ssyncset.done $0x0  }
0x45e: {  	[sflag:s14] =	ssyncadd.s32 $0xFFFFD800  }
0x45f: {  	[spmem:s6] =	stream.indirect.scatter.add.f32 [tilespmem:s0], [sflag:$0x3], $0x80, s29, s31, $0xb8;
	[tilespmem:$0x1FC00] =	vst v63  }
0x460: {  	_ =	swait.ge [sflag:s15], $0x2800  }
0x461: {  	[sflag:s15] =	ssyncset.done $0x0  }
0x462: {  	[sflag:s15] =	ssyncadd.s32 $0xFFFFD800  }
0x463: {  	[spmem:s6] =	stream.indirect.scatter.add.f32 [tilespmem:s7], [sflag:$0x3], $0x80, s29, s31, $0xb8;
	[tilespmem:$0x1FC00] =	vst v63  }
0x464: {  	_ =	swait.ge [sflag:s18], $0x2800  }
0x465: {  	[sflag:s18] =	ssyncset.done $0x0  }
0x466: {  	s17 =	simm.s32 $0x13F00;
	[sflag:s18] =	ssyncadd.s32 $0xFFFFD800  }
0x467: {  	[tilespmem:s0], [sflag:$0x1] =	stream.indirect.gather [hbm4b:s1+s31], $0x80, s17, s31, $0xb8;
	[tilespmem:$0x1FC00] =	vst v63  }
0x468: {  	s20 =	sadd.s32 $0xFD931000, s10;
	_ =	swait.ge [sflag:s18], $0x2800  }
0x469: {  	s11 =	sshrl.u32 s20, $0x3;
	[sflag:s18] =	ssyncset.done $0x0  }
0x46a: {  	s11 =	sadd.s32 s5, s11;
	[sflag:s18] =	ssyncadd.s32 $0xFFFFD800  }
0x46b: {  	[tilespmem:s7], [sflag:$0x2] =	stream.linear.gather [hbm4b:s11+s8], $0x2800, $0x38;
	[tilespmem:$0x1FC00] =	vst v63  }
0x46c: {  	_ =	swait.ge [sflag:s14], $0x2800  }
0x46d: {  	[sflag:s14] =	ssyncset.done $0x0  }
0x46e: {  	[sflag:s14] =	ssyncadd.s32 $0xFFFFD800  }
0x46f: {  	[spmem:s6] =	stream.indirect.scatter.add.f32 [tilespmem:s3], [sflag:$0x3], $0x80, s24, s31, $0xb8;
	[tilespmem:$0x1FC00] =	vst v63  }
0x470: {  	_ =	swait.ge [sflag:s15], $0x2800  }
0x471: {  	[sflag:s15] =	ssyncset.done $0x0  }
0x472: {  	[sflag:s15] =	ssyncadd.s32 $0xFFFFD800  }
0x473: {  	[spmem:s6] =	stream.indirect.scatter.add.f32 [tilespmem:s13], [sflag:$0x3], $0x80, s24, s31, $0xb8;
	[tilespmem:$0x1FC00] =	vst v63  }
0x474: {  	_ =	swait.ge [sflag:s18], $0x2800  }
0x475: {  	[sflag:s18] =	ssyncset.done $0x0  }
0x476: {  	s16 =	simm.s32 $0x13F80;
	[sflag:s18] =	ssyncadd.s32 $0xFFFFD800  }
0x477: {  	[tilespmem:s3], [sflag:$0x1] =	stream.indirect.gather [hbm4b:s1+s31], $0x80, s16, s31, $0xb8;
	[tilespmem:$0x1FC00] =	vst v63  }
0x478: {  	s17 =	sadd.s32 $0xFD933800, s10;
	_ =	swait.ge [sflag:s18], $0x2800  }
0x479: {  	s11 =	sshrl.u32 s17, $0x3;
	[sflag:s18] =	ssyncset.done $0x0  }
0x47a: {  	s11 =	sadd.s32 s5, s11;
	[sflag:s18] =	ssyncadd.s32 $0xFFFFD800  }
0x47b: {  	[tilespmem:s13], [sflag:$0x2] =	stream.linear.gather [hbm4b:s11+s8], $0x2800, $0x38;
	[tilespmem:$0x1FC00] =	vst v63  }
0x47c: {  	_ =	swait.ge [sflag:s14], $0x2800  }
0x47d: {  	[sflag:s14] =	ssyncset.done $0x0  }
0x47e: {  	[sflag:s14] =	ssyncadd.s32 $0xFFFFD800  }
0x47f: {  	[spmem:s6] =	stream.indirect.scatter.add.f32 [tilespmem:s0], [sflag:$0x3], $0x80, s2, s31, $0xb8;
	[tilespmem:$0x1FC00] =	vst v63  }
0x480: {  	_ =	swait.ge [sflag:s15], $0x2800  }
0x481: {  	[sflag:s15] =	ssyncset.done $0x0  }
0x482: {  	[sflag:s15] =	ssyncadd.s32 $0xFFFFD800  }
0x483: {  	[spmem:s6] =	stream.indirect.scatter.add.f32 [tilespmem:s7], [sflag:$0x3], $0x80, s2, s31, $0xb8;
	[tilespmem:$0x1FC00] =	vst v63  }
0x484: {  	_ =	swait.ge [sflag:s18], $0x2800  }
0x485: {  	[sflag:s18] =	ssyncset.done $0x0  }
0x486: {  	s20 =	simm.s32 $0x14000;
	[sflag:s18] =	ssyncadd.s32 $0xFFFFD800  }
0x487: {  	[tilespmem:s0], [sflag:$0x1] =	stream.indirect.gather [hbm4b:s1+s31], $0x80, s20, s31, $0xb8;
	[tilespmem:$0x1FC00] =	vst v63  }
0x488: {  	s16 =	sadd.s32 $0xFD936000, s10;
	_ =	swait.ge [sflag:s18], $0x2800  }
0x489: {  	s11 =	sshrl.u32 s16, $0x3;
	[sflag:s18] =	ssyncset.done $0x0  }
0x48a: {  	s11 =	sadd.s32 s5, s11;
	[sflag:s18] =	ssyncadd.s32 $0xFFFFD800  }
0x48b: {  	[tilespmem:s7], [sflag:$0x2] =	stream.linear.gather [hbm4b:s11+s8], $0x2800, $0x38;
	[tilespmem:$0x1FC00] =	vst v63  }
0x48c: {  	_ =	swait.ge [sflag:s14], $0x2800  }
0x48d: {  	[sflag:s14] =	ssyncset.done $0x0  }
0x48e: {  	[sflag:s14] =	ssyncadd.s32 $0xFFFFD800  }
0x48f: {  	[spmem:s6] =	stream.indirect.scatter.add.f32 [tilespmem:s3], [sflag:$0x3], $0x80, s22, s31, $0xb8;
	[tilespmem:$0x1FC00] =	vst v63  }
0x490: {  	_ =	swait.ge [sflag:s15], $0x2800  }
0x491: {  	[sflag:s15] =	ssyncset.done $0x0  }
0x492: {  	[sflag:s15] =	ssyncadd.s32 $0xFFFFD800  }
0x493: {  	[spmem:s6] =	stream.indirect.scatter.add.f32 [tilespmem:s13], [sflag:$0x3], $0x80, s22, s31, $0xb8;
	[tilespmem:$0x1FC00] =	vst v63  }
0x494: {  	_ =	swait.ge [sflag:s18], $0x2800  }
0x495: {  	[sflag:s18] =	ssyncset.done $0x0  }
0x496: {  	s17 =	simm.s32 $0x14080;
	[sflag:s18] =	ssyncadd.s32 $0xFFFFD800  }
0x497: {  	[tilespmem:s3], [sflag:$0x1] =	stream.indirect.gather [hbm4b:s1+s31], $0x80, s17, s31, $0xb8;
	[tilespmem:$0x1FC00] =	vst v63  }
0x498: {  	s20 =	sadd.s32 $0xFD938800, s10;
	_ =	swait.ge [sflag:s18], $0x2800  }
0x499: {  	s11 =	sshrl.u32 s20, $0x3;
	[sflag:s18] =	ssyncset.done $0x0  }
0x49a: {  	s11 =	sadd.s32 s5, s11;
	[sflag:s18] =	ssyncadd.s32 $0xFFFFD800  }
0x49b: {  	[tilespmem:s13], [sflag:$0x2] =	stream.linear.gather [hbm4b:s11+s8], $0x2800, $0x38;
	[tilespmem:$0x1FC00] =	vst v63  }
0x49c: {  	_ =	swait.ge [sflag:s14], $0x2800  }
0x49d: {  	[sflag:s14] =	ssyncset.done $0x0  }
0x49e: {  	[sflag:s14] =	ssyncadd.s32 $0xFFFFD800  }
0x49f: {  	[spmem:s6] =	stream.indirect.scatter.add.f32 [tilespmem:s0], [sflag:$0x3], $0x80, s28, s31, $0xb8;
	[tilespmem:$0x1FC00] =	vst v63  }
0x4a0: {  	_ =	swait.ge [sflag:s15], $0x2800  }
0x4a1: {  	[sflag:s15] =	ssyncset.done $0x0  }
0x4a2: {  	[sflag:s15] =	ssyncadd.s32 $0xFFFFD800  }
0x4a3: {  	[spmem:s6] =	stream.indirect.scatter.add.f32 [tilespmem:s7], [sflag:$0x3], $0x80, s28, s31, $0xb8;
	[tilespmem:$0x1FC00] =	vst v63  }
0x4a4: {  	_ =	swait.ge [sflag:s14], $0x2800  }
0x4a5: {  	[sflag:s14] =	ssyncset.done $0x0  }
0x4a6: {  	[sflag:s14] =	ssyncadd.s32 $0xFFFFD800  }
0x4a7: {  	[spmem:s6] =	stream.indirect.scatter.add.f32 [tilespmem:s3], [sflag:$0x3], $0x80, s19, s31, $0xb8;
	[tilespmem:$0x1FC00] =	vst v63  }
.Ltmp5:
0x4a8: {  	_ = 	snop;
	(pc) =	sbr.rel @p1 .LBB2_8-.Ltmp5, $4  }
0x4a9: {  	_ =	swait.ge [sflag:s15], $0x2800  }
0x4aa: {  	[sflag:s15] =	ssyncset.done $0x0  }
0x4ab: {  	s23 =	simm.s32 $0x15400;
	s20 =	smov.u32 s25;
	[sflag:s15] =	ssyncadd.s32 $0xFFFFD800  }
0x4ac: {  	[spmem:s6] =	stream.indirect.scatter.add.f32 [tilespmem:s13], [sflag:$0x3], $0x80, s19, s31, $0xb8;
	[tilespmem:$0x1FC00] =	vst v63  }
0x4ad: {  	_ =	swait.ge [sflag:s4], $0x500  }
0x4ae: {  	[sflag:s4] =	ssyncset.done $0x0  }
0x4af: {  	[sflag:s4] =	ssyncadd.s32 $0xFFFFFB00  }
0x4b0: {  	_ =	swait.ge [sflag:s4], $0x500  }
0x4b1: {  	[sflag:s4] =	ssyncset.done $0x0  }
0x4b2: {  	[sflag:s4] =	ssyncadd.s32 $0xFFFFFB00  }
0x4b3: {  	_ =	swait.ge [sflag:s18], $0x2800  }
0x4b4: {  	[sflag:s18] =	ssyncset.done $0x0  }
0x4b5: {  	s11 =	simm.s32 $0x14C00;
	[sflag:s18] =	ssyncadd.s32 $0xFFFFD800  }
0x4b6: {  	[tilespmem:s0], [sflag:$0x1] =	stream.indirect.gather [hbm4b:s1+s31], $0x80, s11, s31, $0xb8;
	[tilespmem:$0x1FC00] =	vst v63  }
0x4b7: {  	s10 =	sadd.s32 $0xFD93B000, s10;
	_ =	swait.ge [sflag:s18], $0x2800  }
0x4b8: {  	s10 =	sshrl.u32 s10, $0x3;
	[sflag:s18] =	ssyncset.done $0x0  }
0x4b9: {  	s10 =	sadd.s32 s5, s10;
	[sflag:s18] =	ssyncadd.s32 $0xFFFFD800  }
0x4ba: {  	[tilespmem:s7], [sflag:$0x2] =	stream.linear.gather [hbm4b:s10+s8], $0x2800, $0x38;
	[tilespmem:$0x1FC00] =	vst v63  }
0x4bb: {  	_ =	swait.ge [sflag:s18], $0x2800  }
0x4bc: {  	[sflag:s18] =	ssyncset.done $0x0  }
0x4bd: {  	s23 =	sadd.s32 $0x800, s12;
	[sflag:s18] =	ssyncadd.s32 $0xFFFFD800  }
0x4be: {  	s10 =	sshrl.u32 s23, $0x3;
	_ =	swait.ge [sflag:s18], $0x2800  }
.Ltmp6:
0x4bf: {  	[sflag:s18] =	ssyncset.done $0x0;
	s16 =	rddreg [dreg:$0x7];
	(pc) =	sbr.rel .LBB2_6-.Ltmp6, $4  }
0x4c0: {  	s9 =	sadd.s32 $0x32000, s9;
	[sflag:s18] =	ssyncadd.s32 $0xFFFFD800;
	s25 =	sadd.s32 s16, s10  }
0x4c1: {  	[tilespmem:s21], [sflag:$0x4] =	stream.linear.gather [hbm4b:s25+s8], $0x500, $0x38;
	[tilespmem:$0x1FC00] =	vst v63  }
0x4c2: {  	s12 =	sadd.s32 $0x1000, s12;
	s10 =	sadd.s32 s20, s10;
	s25 =	smov.u32 s20  }
0x4c3: {  	[tilespmem:s30], [sflag:$0x4] =	stream.linear.gather [hbm4b:s10+s8], $0x500, $0x38;
	[tilespmem:$0x1FC00] =	vst v63  }
.LBB2_9:
0x4c4: {  	_ =	sfence.sel $0x180000  }
0x4c5: {  	[bflag:$0x0] =	sbarrier.arrive $0xFFFF  }
0x4c6: {  	_ =	strace $0x90000047  }
0x4c7: {  	s0 =	stileid.u32;
	[bflag:$0x2] =	sbarrier.arrive $0xFFFF  }
0x4c8: {  	p0 =	sne.s32 s0, $0x0;
	s0 =	rddreg [dreg:$0x6]  }
0x4c9: {  	s0 =	sadd.s32 @!p0 $0x100000, s0  }
0x4ca: {  	[sflag:s0] =	ssyncadd.tile.s32 @!p0 $0x1;
	_ =	shalt  }
.Lfunc_end2:
_tile_overlayer_lowered:
.L_overlay_start_2:
0x4cb: {  	(tag) =	ssettag $0x2  }
0x4cc: {  	s0 =	rddreg [dreg:$0x0];
	s2 =	stileid.u32  }
0x4cd: {  	s1 =	rddreg [dreg:$0x1];
	p0 =	sne.s32 s2, $0x0  }
0x4ce: {  	s3 =	rddreg [dreg:$0x2];
	[bflag:$0x3] =	sbarrier.arrive $0xFFFF;
	s2 =	simm.s32 @!p0 $0x1C05  }
0x4cf: {  	[timem:s3], [sflag:s2] =	dma.local @!p0 [hbm:s0], s1  }
0x4d0: {  	s0 =	simm.s32 @!p0 $0x5  }
0x4d1: {  	_ =	swait.ge @!p0 [sflag:s0], s1  }
0x4d2: {  	s1 =	ssub.s32 @!p0 $0x0, s1;
	[sflag:s0] =	ssyncset.done @!p0 $0x0  }
0x4d3: {  	[sflag:s0] =	ssyncadd.s32 @!p0 s1  }
0x4d4: {  	[bflag:$0x3] =	sbarrier.arrive $0xFFFF  }
0x4d5: {  	_ =	shalt  }

</sc_bundles>
